<compile_context>
chip_gen: v7x
topology: tpu7x:2x2x1
jax: 0.10.2.dev20260603
libtpu: 0.0.44.dev20260713+nightly
codegen_flags: <defaults>
</compile_context>

<pallas_src>
import jax
import jax.numpy as jnp
from jax import lax
from jax.experimental import pallas as pl
from jax.experimental.pallas import tpu as pltpu
from jax.experimental.pallas import tpu_sc as plsc

B = 16384
L = 50
D = 32
V = 1000000
NL = 16
NACC = 4

_info = plsc.get_sparse_core_info()
NC = _info.num_cores
NS = _info.num_subcores
NW = NC * NS
B_PER_W = B // NW
CH = 32
N_CHUNKS = B_PER_W // CH

SB = 512
N_FULL_SB = V // SB
TAIL = V - N_FULL_SB * SB
SB_PER_W = (N_FULL_SB + NW - 1) // NW


def _transpose_body(tableT_hbm, flat_hbm,
                    in0, in1, out0, out1, tin, tout, mini0, mini1, mini2, mini3,
                    isem0, isem1, osem0, osem1):
    wid = lax.axis_index("s") * NC + lax.axis_index("c")
    iota17 = lax.iota(jnp.int32, NL) * (NL + 1)
    inb = (in0, in1)
    outb = (out0, out1)
    mini = (mini0, mini1, mini2, mini3)
    isem = (isem0, isem1)
    osem = (osem0, osem1)

    def sb_of(k):
        return wid + k * NW

    def fire_in(k, b):
        @pl.when(sb_of(k) < N_FULL_SB)
        def _():
            pltpu.async_copy(
                tableT_hbm.at[:, pl.ds(sb_of(k) * SB, SB)], inb[b], isem[b])

    def transpose_into(inbuf, outbuf, n_rows):
        iota = lax.iota(jnp.int32, NL)
        diags = [jnp.bitwise_and(iota + s, NL - 1) for s in range(NL)]

        def c_body(cc, carry):
            c0 = cc * NL
            for dr in range(2):
                row_vec = iota + dr * NL
                for s in range(NL):
                    col = diags[s] + c0
                    x = plsc.load_gather(inbuf, [row_vec, col])
                    oidx = col * D + row_vec
                    plsc.store_scatter(outbuf, [oidx], x)
            return carry

        lax.fori_loop(0, n_rows // NL, c_body, 0)

    fire_in(0, 0)

    def loop_body(k2, carry):
        for bb in range(2):
            k = k2 * 2 + bb
            fire_in(k + 1, 1 - bb)

            @pl.when(sb_of(k) < N_FULL_SB)
            def _():
                pltpu.make_async_copy(
                    tableT_hbm.at[:, pl.ds(sb_of(k) * SB, SB)],
                    inb[bb], isem[bb]).wait()

                @pl.when(k >= 2)
                def _():
                    pltpu.make_async_copy(
                        outb[bb],
                        flat_hbm.at[pl.ds(sb_of(k) * SB * D, SB * D)],
                        osem[bb]).wait()

                transpose_into(inb[bb], outb[bb], SB)
                pltpu.async_copy(
                    outb[bb],
                    flat_hbm.at[pl.ds(sb_of(k) * SB * D, SB * D)], osem[bb])
        return carry

    lax.fori_loop(0, SB_PER_W // 2, loop_body, 0)

    for bb in range(2):
        pltpu.make_async_copy(
            outb[bb], flat_hbm.at[pl.ds(0, SB * D)], osem[bb]).wait()

    @pl.when(wid == NW - 1)
    def _():
        pltpu.sync_copy(tableT_hbm.at[:, pl.ds(N_FULL_SB * SB, TAIL)], tin)
        transpose_into(tin, tout, TAIL)
        pltpu.sync_copy(tout, flat_hbm.at[pl.ds(N_FULL_SB * SB * D, TAIL * D)])


def _gather_body(labels_hbm, table_hbm, out_hbm,
                 idx0, idx1, rows0, rows1, outv0, outv1,
                 gsem0, gsem1, osem0, osem1):
    wid = lax.axis_index("s") * NC + lax.axis_index("c")
    base_row = wid * B_PER_W
    scale = jnp.float32(1.0 / L)
    idx_v = (idx0, idx1)
    rows_v = (rows0, rows1)
    out_v = (outv0, outv1)
    gsem = (gsem0, gsem1)
    osem = (osem0, osem1)

    def stage_and_fire(c, b):
        row0 = base_row + c * CH
        pltpu.sync_copy(labels_hbm.at[pl.ds(row0 * L, CH * L)], idx_v[b])
        pltpu.async_copy(table_hbm.at[idx_v[b]], rows_v[b], gsem[b])

    def compute_chunk(c, b):
        row0 = base_row + c * CH
        pltpu.make_async_copy(table_hbm.at[idx_v[b]], rows_v[b], gsem[b]).wait()

        def row_body(r, carry):
            g0 = r * L
            acc = [jnp.zeros((NL,), jnp.float32) for _ in range(2 * NACC)]
            for j in range(L):
                k = j % NACC
                acc[k] = acc[k] + rows_v[b][g0 + j, pl.ds(0, NL)]
                acc[NACC + k] = acc[NACC + k] + rows_v[b][g0 + j, pl.ds(NL, NL)]
            lo = (acc[0] + acc[1]) + (acc[2] + acc[3])
            hi = (acc[4] + acc[5]) + (acc[6] + acc[7])
            out_v[b][r, pl.ds(0, NL)] = lo * scale
            out_v[b][r, pl.ds(NL, NL)] = hi * scale
            return carry

        lax.fori_loop(0, CH, row_body, 0)
        pltpu.async_copy(out_v[b], out_hbm.at[pl.ds(row0, CH)], osem[b])

    stage_and_fire(0, 0)

    def loop_body(c2, carry):
        for bb in range(2):
            c = c2 * 2 + bb

            @pl.when(c + 1 < N_CHUNKS)
            def _():
                stage_and_fire(c + 1, 1 - bb)

            @pl.when(c >= 2)
            def _():
                pltpu.make_async_copy(
                    out_v[bb], out_hbm.at[pl.ds(base_row + c * CH, CH)],
                    osem[bb]).wait()

            compute_chunk(c, bb)
        return carry

    lax.fori_loop(0, N_CHUNKS // 2, loop_body, 0)

    for bb in range(2):
        pltpu.make_async_copy(
            out_v[bb], out_hbm.at[pl.ds(base_row, CH)], osem[bb]).wait()


def kernel(label_lists, table):
    mesh = plsc.VectorSubcoreMesh(core_axis_name="c", subcore_axis_name="s")

    transpose_k = pl.kernel(
        _transpose_body,
        mesh=mesh,
        out_type=jax.ShapeDtypeStruct((V * D,), jnp.float32),
        scratch_types=[
            pltpu.VMEM((D, SB), jnp.float32),
            pltpu.VMEM((D, SB), jnp.float32),
            pltpu.VMEM((SB * D,), jnp.float32),
            pltpu.VMEM((SB * D,), jnp.float32),
            pltpu.VMEM((D, TAIL), jnp.float32),
            pltpu.VMEM((TAIL * D,), jnp.float32),
            pltpu.VMEM((NL * (NL + 1),), jnp.float32),
            pltpu.VMEM((NL * (NL + 1),), jnp.float32),
            pltpu.VMEM((NL * (NL + 1),), jnp.float32),
            pltpu.VMEM((NL * (NL + 1),), jnp.float32),
            pltpu.SemaphoreType.DMA,
            pltpu.SemaphoreType.DMA,
            pltpu.SemaphoreType.DMA,
            pltpu.SemaphoreType.DMA,
        ],
        compiler_params=pltpu.CompilerParams(
            use_tc_tiling_on_sc=True, needs_layout_passes=False),
    )
    flat_table = transpose_k(table.T)
    table_rm = flat_table.reshape(V, D)

    labels_flat = label_lists.reshape(-1).astype(jnp.int32)
    gather_k = pl.kernel(
        _gather_body,
        mesh=mesh,
        out_type=jax.ShapeDtypeStruct((B, D), jnp.float32),
        scratch_types=[
            pltpu.VMEM((CH * L,), jnp.int32),
            pltpu.VMEM((CH * L,), jnp.int32),
            pltpu.VMEM((CH * L, D), jnp.float32),
            pltpu.VMEM((CH * L, D), jnp.float32),
            pltpu.VMEM((CH, D), jnp.float32),
            pltpu.VMEM((CH, D), jnp.float32),
            pltpu.SemaphoreType.DMA,
            pltpu.SemaphoreType.DMA,
            pltpu.SemaphoreType.DMA,
            pltpu.SemaphoreType.DMA,
        ],
        compiler_params=pltpu.CompilerParams(use_tc_tiling_on_sc=False),
    )
    return gather_k(labels_flat, table_rm)

# --- scband reference (transcript-rebuilt; emitter-appended) ---
"""Pipeline reference for scband-multi-label-embedding-6794638262887 (READ-ONLY COPY).

The authoritative reference and input builder live on the scoring server;
editing this copy changes nothing except your own understanding.
"""

import jax, jax.numpy as jnp
import numpy as np

NUM_LABELS = 1000000
EMBED_DIM = 32
BATCH = 16384
HIST = 50

def setup_inputs(seed: int = 0) -> dict:
    key = jax.random.key(seed)
    k1, k2 = jax.random.split(key)
    label_lists = jax.random.randint(k1, (BATCH, HIST), 0, NUM_LABELS, dtype=jnp.int64 if jax.config.jax_enable_x64 else jnp.int32)
    table = jax.random.normal(k2, (NUM_LABELS, EMBED_DIM), dtype=jnp.float32)
    return {"label_lists": label_lists, "table": table}

def reference(label_lists, table):
    # For each row (a fixed-length multi-label set): gather embeddings and mean-pool.
    # Faithful to: torch.stack([embedding(labels).mean(dim=0) for labels in label_lists])
    emb = jnp.take(table, label_lists, axis=0)   # [B, L, D]
    out = emb.mean(axis=1)                        # [B, D]
    return out

if __name__ == "__main__":
    import jax
    _d = setup_inputs()
    print(jax.jit(kernel)(*tuple(_d.values())))

</pallas_src>

<mosaic_0001>
#map = affine_map<(d0, d1) -> (0, 0)>
#map1 = affine_map<(d0, d1) -> (0)>
module attributes {stable_mosaic.version = 14 : i64} {
  func.func @_transpose_body(%arg0: i32, %arg1: i32, %arg2: memref<32x1000000xf32, #tpu.memory_space<hbm>>, %arg3: memref<32000000xf32, #tpu.memory_space<hbm>>, %arg4: memref<32x512xf32, #tpu.memory_space<vmem>>, %arg5: memref<32x512xf32, #tpu.memory_space<vmem>>, %arg6: memref<16384xf32, #tpu.memory_space<vmem>>, %arg7: memref<16384xf32, #tpu.memory_space<vmem>>, %arg8: memref<32x64xf32, #tpu.memory_space<vmem>>, %arg9: memref<2048xf32, #tpu.memory_space<vmem>>, %arg10: memref<272xf32, #tpu.memory_space<vmem>>, %arg11: memref<272xf32, #tpu.memory_space<vmem>>, %arg12: memref<272xf32, #tpu.memory_space<vmem>>, %arg13: memref<272xf32, #tpu.memory_space<vmem>>, %arg14: memref<!tpu.dma_semaphore, #tpu.memory_space<semaphore_mem>>, %arg15: memref<!tpu.dma_semaphore, #tpu.memory_space<semaphore_mem>>, %arg16: memref<!tpu.dma_semaphore, #tpu.memory_space<semaphore_mem>>, %arg17: memref<!tpu.dma_semaphore, #tpu.memory_space<semaphore_mem>>) attributes {dimension_semantics = [#tpu.dimension_semantics<core_parallel>, #tpu.dimension_semantics<subcore_parallel>], iteration_bounds = array<i64: 2, 16>, scalar_prefetch = 0 : i64, scratch_operands = 14 : i64, tpu.core_type = #tpu.core_type<sc_vector_subcore>, window_params = [{transform_indices = #map}, {transform_indices = #map1}]} {
    %mul3A = arith.constant 2 : i32
    %mul3A_0 = arith.muli %arg1, %mul3A : i32
    %add3A = arith.addi %mul3A_0, %arg0 : i32
    %iota3A = tpu.iota {dimensions = array<i32: 0>} : vector<16xi32>
    %mul3A_1 = arith.constant 17 : i32
    %mul3A_2 = vector.broadcast %mul3A_1 : i32 to vector<16xi32>
    %mul3A_3 = arith.muli %iota3A, %mul3A_2 : vector<16xi32>
    %add3A_4 = arith.constant 0 : i32
    %add3A_5 = arith.addi %add3A, %add3A_4 : i32
    %lt3A = arith.constant 1953 : i32
    %lt3A_6 = arith.cmpi slt, %add3A_5, %lt3A : i32
    %convert_element_type3A = arith.extui %lt3A_6 : i1 to i32
    %cond3A = arith.constant 0 : i32
    %cond3A_7 = arith.cmpi ne, %convert_element_type3A, %cond3A : i32
    scf.if %cond3A_7 {
      %add3A_24 = arith.constant 0 : i32
      %add3A_25 = arith.addi %add3A, %add3A_24 : i32
      %mul3A_26 = arith.constant 512 : i32
      %mul3A_27 = arith.muli %add3A_25, %mul3A_26 : i32
      %dma_start3A = arith.constant 0 : i32
      %dma_start3A_28 = tpu.memref_slice %arg2[%dma_start3A, %mul3A_27] : memref<32x1000000xf32, #tpu.memory_space<hbm>> -> memref<32x512xf32, #tpu.memory_space<hbm>>
      %dma_start3A_29 = arith.constant 0 : i32
      %dma_start3A_30 = tpu.memref_slice %arg2[%dma_start3A_29, %mul3A_27] : memref<32x1000000xf32, #tpu.memory_space<hbm>> -> memref<32x512xf32, #tpu.memory_space<hbm>>
      tpu.enqueue_dma source(%dma_start3A_30 : memref<32x512xf32, #tpu.memory_space<hbm>>) target(%arg4 : memref<32x512xf32, #tpu.memory_space<vmem>>) target_semaphore(%arg14 : memref<!tpu.dma_semaphore, #tpu.memory_space<semaphore_mem>>)
    } else {
    }
    %scan3A = arith.constant 0 : i32
    %scan3A_8 = arith.constant 0 : i32
    %scan3A_9 = arith.constant 31 : i32
    %scan3A_10 = arith.addi %scan3A_8, %scan3A_9 : i32
    %scan3A_11 = arith.constant 1 : i32
    scf.for %scan3A_24 = %scan3A_8 to %scan3A_10 step %scan3A_11  : i32 {
      %mul3A_25 = arith.constant 2 : i32
      %mul3A_26 = arith.muli %scan3A_24, %mul3A_25 : i32
      %add3A_27 = arith.constant 0 : i32
      %add3A_28 = arith.addi %mul3A_26, %add3A_27 : i32
      %add3A_29 = arith.constant 1 : i32
      %add3A_30 = arith.addi %add3A_28, %add3A_29 : i32
      %mul3A_31 = arith.constant 32 : i32
      %mul3A_32 = arith.muli %add3A_30, %mul3A_31 : i32
      %add3A_33 = arith.addi %add3A, %mul3A_32 : i32
      %lt3A_34 = arith.constant 1953 : i32
      %lt3A_35 = arith.cmpi slt, %add3A_33, %lt3A_34 : i32
      %convert_element_type3A_36 = arith.extui %lt3A_35 : i1 to i32
      %cond3A_37 = arith.constant 0 : i32
      %cond3A_38 = arith.cmpi ne, %convert_element_type3A_36, %cond3A_37 : i32
      scf.if %cond3A_38 {
        %mul3A_69 = arith.constant 32 : i32
        %mul3A_70 = arith.muli %add3A_30, %mul3A_69 : i32
        %add3A_71 = arith.addi %add3A, %mul3A_70 : i32
        %mul3A_72 = arith.constant 512 : i32
        %mul3A_73 = arith.muli %add3A_71, %mul3A_72 : i32
        %dma_start3A = arith.constant 0 : i32
        %dma_start3A_74 = tpu.memref_slice %arg2[%dma_start3A, %mul3A_73] : memref<32x1000000xf32, #tpu.memory_space<hbm>> -> memref<32x512xf32, #tpu.memory_space<hbm>>
        %dma_start3A_75 = arith.constant 0 : i32
        %dma_start3A_76 = tpu.memref_slice %arg2[%dma_start3A_75, %mul3A_73] : memref<32x1000000xf32, #tpu.memory_space<hbm>> -> memref<32x512xf32, #tpu.memory_space<hbm>>
        tpu.enqueue_dma source(%dma_start3A_76 : memref<32x512xf32, #tpu.memory_space<hbm>>) target(%arg5 : memref<32x512xf32, #tpu.memory_space<vmem>>) target_semaphore(%arg15 : memref<!tpu.dma_semaphore, #tpu.memory_space<semaphore_mem>>)
      } else {
      }
      %mul3A_39 = arith.constant 32 : i32
      %mul3A_40 = arith.muli %add3A_28, %mul3A_39 : i32
      %add3A_41 = arith.addi %add3A, %mul3A_40 : i32
      %lt3A_42 = arith.constant 1953 : i32
      %lt3A_43 = arith.cmpi slt, %add3A_41, %lt3A_42 : i32
      %convert_element_type3A_44 = arith.extui %lt3A_43 : i1 to i32
      %cond3A_45 = arith.constant 0 : i32
      %cond3A_46 = arith.cmpi ne, %convert_element_type3A_44, %cond3A_45 : i32
      scf.if %cond3A_46 {
        %mul3A_69 = arith.constant 32 : i32
        %mul3A_70 = arith.muli %add3A_28, %mul3A_69 : i32
        %add3A_71 = arith.addi %add3A, %mul3A_70 : i32
        %mul3A_72 = arith.constant 512 : i32
        %mul3A_73 = arith.muli %add3A_71, %mul3A_72 : i32
        %dma_wait3A_74 = arith.constant 0 : i32
        %dma_wait3A_75 = tpu.memref_slice %arg2[%dma_wait3A_74, %mul3A_73] : memref<32x1000000xf32, #tpu.memory_space<hbm>> -> memref<32x512xf32, #tpu.memory_space<hbm>>
        %dma_wait3A_76 = arith.constant 0 : i32
        %dma_wait3A_77 = tpu.memref_slice %arg2[%dma_wait3A_76, %mul3A_73] : memref<32x1000000xf32, #tpu.memory_space<hbm>> -> memref<32x512xf32, #tpu.memory_space<hbm>>
        tpu.wait_dma2 semaphore(%arg14 : memref<!tpu.dma_semaphore, #tpu.memory_space<semaphore_mem>>) src(%dma_wait3A_77 : memref<32x512xf32, #tpu.memory_space<hbm>>) dst(%arg4 : memref<32x512xf32, #tpu.memory_space<vmem>>)
        %ge3A = arith.constant 2 : i32
        %ge3A_78 = arith.cmpi sge, %add3A_28, %ge3A : i32
        %convert_element_type3A_79 = arith.extui %ge3A_78 : i1 to i32
        %cond3A_80 = arith.constant 0 : i32
        %cond3A_81 = arith.cmpi ne, %convert_element_type3A_79, %cond3A_80 : i32
        scf.if %cond3A_81 {
          %mul3A_192 = arith.constant 32 : i32
          %mul3A_193 = arith.muli %add3A_28, %mul3A_192 : i32
          %add3A_194 = arith.addi %add3A, %mul3A_193 : i32
          %mul3A_195 = arith.constant 512 : i32
          %mul3A_196 = arith.muli %add3A_194, %mul3A_195 : i32
          %mul3A_197 = arith.constant 32 : i32
          %mul3A_198 = arith.muli %mul3A_196, %mul3A_197 : i32
          %dma_wait3A_199 = tpu.memref_slice %arg3[%mul3A_198] : memref<32000000xf32, #tpu.memory_space<hbm>> -> memref<16384xf32, #tpu.memory_space<hbm>>
          %dma_wait3A_200 = tpu.memref_slice %arg3[%mul3A_198] : memref<32000000xf32, #tpu.memory_space<hbm>> -> memref<16384xf32, #tpu.memory_space<hbm>>
          tpu.wait_dma2 semaphore(%arg16 : memref<!tpu.dma_semaphore, #tpu.memory_space<semaphore_mem>>) src(%arg6 : memref<16384xf32, #tpu.memory_space<vmem>>) dst(%dma_wait3A_200 : memref<16384xf32, #tpu.memory_space<hbm>>)
        } else {
        }
        %iota3A_82 = tpu.iota {dimensions = array<i32: 0>} : vector<16xi32>
        %add3A_83 = arith.constant 0 : i32
        %add3A_84 = vector.broadcast %add3A_83 : i32 to vector<16xi32>
        %add3A_85 = arith.addi %iota3A_82, %add3A_84 : vector<16xi32>
        %and3A = arith.constant 15 : i32
        %and3A_86 = vector.broadcast %and3A : i32 to vector<16xi32>
        %and3A_87 = arith.andi %add3A_85, %and3A_86 : vector<16xi32>
        %add3A_88 = arith.constant 1 : i32
        %add3A_89 = vector.broadcast %add3A_88 : i32 to vector<16xi32>
        %add3A_90 = arith.addi %iota3A_82, %add3A_89 : vector<16xi32>
        %and3A_91 = arith.constant 15 : i32
        %and3A_92 = vector.broadcast %and3A_91 : i32 to vector<16xi32>
        %and3A_93 = arith.andi %add3A_90, %and3A_92 : vector<16xi32>
        %add3A_94 = arith.constant 2 : i32
        %add3A_95 = vector.broadcast %add3A_94 : i32 to vector<16xi32>
        %add3A_96 = arith.addi %iota3A_82, %add3A_95 : vector<16xi32>
        %and3A_97 = arith.constant 15 : i32
        %and3A_98 = vector.broadcast %and3A_97 : i32 to vector<16xi32>
        %and3A_99 = arith.andi %add3A_96, %and3A_98 : vector<16xi32>
        %add3A_100 = arith.constant 3 : i32
        %add3A_101 = vector.broadcast %add3A_100 : i32 to vector<16xi32>
        %add3A_102 = arith.addi %iota3A_82, %add3A_101 : vector<16xi32>
        %and3A_103 = arith.constant 15 : i32
        %and3A_104 = vector.broadcast %and3A_103 : i32 to vector<16xi32>
        %and3A_105 = arith.andi %add3A_102, %and3A_104 : vector<16xi32>
        %add3A_106 = arith.constant 4 : i32
        %add3A_107 = vector.broadcast %add3A_106 : i32 to vector<16xi32>
        %add3A_108 = arith.addi %iota3A_82, %add3A_107 : vector<16xi32>
        %and3A_109 = arith.constant 15 : i32
        %and3A_110 = vector.broadcast %and3A_109 : i32 to vector<16xi32>
        %and3A_111 = arith.andi %add3A_108, %and3A_110 : vector<16xi32>
        %add3A_112 = arith.constant 5 : i32
        %add3A_113 = vector.broadcast %add3A_112 : i32 to vector<16xi32>
        %add3A_114 = arith.addi %iota3A_82, %add3A_113 : vector<16xi32>
        %and3A_115 = arith.constant 15 : i32
        %and3A_116 = vector.broadcast %and3A_115 : i32 to vector<16xi32>
        %and3A_117 = arith.andi %add3A_114, %and3A_116 : vector<16xi32>
        %add3A_118 = arith.constant 6 : i32
        %add3A_119 = vector.broadcast %add3A_118 : i32 to vector<16xi32>
        %add3A_120 = arith.addi %iota3A_82, %add3A_119 : vector<16xi32>
        %and3A_121 = arith.constant 15 : i32
        %and3A_122 = vector.broadcast %and3A_121 : i32 to vector<16xi32>
        %and3A_123 = arith.andi %add3A_120, %and3A_122 : vector<16xi32>
        %add3A_124 = arith.constant 7 : i32
        %add3A_125 = vector.broadcast %add3A_124 : i32 to vector<16xi32>
        %add3A_126 = arith.addi %iota3A_82, %add3A_125 : vector<16xi32>
        %and3A_127 = arith.constant 15 : i32
        %and3A_128 = vector.broadcast %and3A_127 : i32 to vector<16xi32>
        %and3A_129 = arith.andi %add3A_126, %and3A_128 : vector<16xi32>
        %add3A_130 = arith.constant 8 : i32
        %add3A_131 = vector.broadcast %add3A_130 : i32 to vector<16xi32>
        %add3A_132 = arith.addi %iota3A_82, %add3A_131 : vector<16xi32>
        %and3A_133 = arith.constant 15 : i32
        %and3A_134 = vector.broadcast %and3A_133 : i32 to vector<16xi32>
        %and3A_135 = arith.andi %add3A_132, %and3A_134 : vector<16xi32>
        %add3A_136 = arith.constant 9 : i32
        %add3A_137 = vector.broadcast %add3A_136 : i32 to vector<16xi32>
        %add3A_138 = arith.addi %iota3A_82, %add3A_137 : vector<16xi32>
        %and3A_139 = arith.constant 15 : i32
        %and3A_140 = vector.broadcast %and3A_139 : i32 to vector<16xi32>
        %and3A_141 = arith.andi %add3A_138, %and3A_140 : vector<16xi32>
        %add3A_142 = arith.constant 10 : i32
        %add3A_143 = vector.broadcast %add3A_142 : i32 to vector<16xi32>
        %add3A_144 = arith.addi %iota3A_82, %add3A_143 : vector<16xi32>
        %and3A_145 = arith.constant 15 : i32
        %and3A_146 = vector.broadcast %and3A_145 : i32 to vector<16xi32>
        %and3A_147 = arith.andi %add3A_144, %and3A_146 : vector<16xi32>
        %add3A_148 = arith.constant 11 : i32
        %add3A_149 = vector.broadcast %add3A_148 : i32 to vector<16xi32>
        %add3A_150 = arith.addi %iota3A_82, %add3A_149 : vector<16xi32>
        %and3A_151 = arith.constant 15 : i32
        %and3A_152 = vector.broadcast %and3A_151 : i32 to vector<16xi32>
        %and3A_153 = arith.andi %add3A_150, %and3A_152 : vector<16xi32>
        %add3A_154 = arith.constant 12 : i32
        %add3A_155 = vector.broadcast %add3A_154 : i32 to vector<16xi32>
        %add3A_156 = arith.addi %iota3A_82, %add3A_155 : vector<16xi32>
        %and3A_157 = arith.constant 15 : i32
        %and3A_158 = vector.broadcast %and3A_157 : i32 to vector<16xi32>
        %and3A_159 = arith.andi %add3A_156, %and3A_158 : vector<16xi32>
        %add3A_160 = arith.constant 13 : i32
        %add3A_161 = vector.broadcast %add3A_160 : i32 to vector<16xi32>
        %add3A_162 = arith.addi %iota3A_82, %add3A_161 : vector<16xi32>
        %and3A_163 = arith.constant 15 : i32
        %and3A_164 = vector.broadcast %and3A_163 : i32 to vector<16xi32>
        %and3A_165 = arith.andi %add3A_162, %and3A_164 : vector<16xi32>
        %add3A_166 = arith.constant 14 : i32
        %add3A_167 = vector.broadcast %add3A_166 : i32 to vector<16xi32>
        %add3A_168 = arith.addi %iota3A_82, %add3A_167 : vector<16xi32>
        %and3A_169 = arith.constant 15 : i32
        %and3A_170 = vector.broadcast %and3A_169 : i32 to vector<16xi32>
        %and3A_171 = arith.andi %add3A_168, %and3A_170 : vector<16xi32>
        %add3A_172 = arith.constant 15 : i32
        %add3A_173 = vector.broadcast %add3A_172 : i32 to vector<16xi32>
        %add3A_174 = arith.addi %iota3A_82, %add3A_173 : vector<16xi32>
        %and3A_175 = arith.constant 15 : i32
        %and3A_176 = vector.broadcast %and3A_175 : i32 to vector<16xi32>
        %and3A_177 = arith.andi %add3A_174, %and3A_176 : vector<16xi32>
        %scan3A_178 = arith.constant 0 : i32
        %scan3A_179 = arith.constant 0 : i32
        %scan3A_180 = arith.constant 32 : i32
        %scan3A_181 = arith.addi %scan3A_179, %scan3A_180 : i32
        %scan3A_182 = arith.constant 1 : i32
        scf.for %scan3A_192 = %scan3A_179 to %scan3A_181 step %scan3A_182  : i32 {
          %mul3A_193 = arith.constant 16 : i32
          %mul3A_194 = arith.muli %scan3A_192, %mul3A_193 : i32
          %add3A_195 = arith.constant 0 : i32
          %add3A_196 = vector.broadcast %add3A_195 : i32 to vector<16xi32>
          %add3A_197 = arith.addi %iota3A_82, %add3A_196 : vector<16xi32>
          %add3A_198 = vector.broadcast %mul3A_194 : i32 to vector<16xi32>
          %add3A_199 = arith.addi %and3A_87, %add3A_198 : vector<16xi32>
          %gather3A = tpu.vector_load_idx %arg4[%add3A_197, %add3A_199] : memref<32x512xf32, #tpu.memory_space<vmem>>[vector<16xi32>, vector<16xi32>], vector<16xf32>,
          %mul3A_200 = arith.constant 32 : i32
          %mul3A_201 = vector.broadcast %mul3A_200 : i32 to vector<16xi32>
          %mul3A_202 = arith.muli %add3A_199, %mul3A_201 : vector<16xi32>
          %add3A_203 = arith.addi %mul3A_202, %add3A_197 : vector<16xi32>
          tpu.vector_store_idx %arg6[%add3A_203], %gather3A : memref<16384xf32, #tpu.memory_space<vmem>>[vector<16xi32>], vector<16xf32>,
          %add3A_204 = vector.broadcast %mul3A_194 : i32 to vector<16xi32>
          %add3A_205 = arith.addi %and3A_93, %add3A_204 : vector<16xi32>
          %gather3A_206 = tpu.vector_load_idx %arg4[%add3A_197, %add3A_205] : memref<32x512xf32, #tpu.memory_space<vmem>>[vector<16xi32>, vector<16xi32>], vector<16xf32>,
          %mul3A_207 = arith.constant 32 : i32
          %mul3A_208 = vector.broadcast %mul3A_207 : i32 to vector<16xi32>
          %mul3A_209 = arith.muli %add3A_205, %mul3A_208 : vector<16xi32>
          %add3A_210 = arith.addi %mul3A_209, %add3A_197 : vector<16xi32>
          tpu.vector_store_idx %arg6[%add3A_210], %gather3A_206 : memref<16384xf32, #tpu.memory_space<vmem>>[vector<16xi32>], vector<16xf32>,
          %add3A_211 = vector.broadcast %mul3A_194 : i32 to vector<16xi32>
          %add3A_212 = arith.addi %and3A_99, %add3A_211 : vector<16xi32>
          %gather3A_213 = tpu.vector_load_idx %arg4[%add3A_197, %add3A_212] : memref<32x512xf32, #tpu.memory_space<vmem>>[vector<16xi32>, vector<16xi32>], vector<16xf32>,
          %mul3A_214 = arith.constant 32 : i32
          %mul3A_215 = vector.broadcast %mul3A_214 : i32 to vector<16xi32>
          %mul3A_216 = arith.muli %add3A_212, %mul3A_215 : vector<16xi32>
          %add3A_217 = arith.addi %mul3A_216, %add3A_197 : vector<16xi32>
          tpu.vector_store_idx %arg6[%add3A_217], %gather3A_213 : memref<16384xf32, #tpu.memory_space<vmem>>[vector<16xi32>], vector<16xf32>,
          %add3A_218 = vector.broadcast %mul3A_194 : i32 to vector<16xi32>
          %add3A_219 = arith.addi %and3A_105, %add3A_218 : vector<16xi32>
          %gather3A_220 = tpu.vector_load_idx %arg4[%add3A_197, %add3A_219] : memref<32x512xf32, #tpu.memory_space<vmem>>[vector<16xi32>, vector<16xi32>], vector<16xf32>,
          %mul3A_221 = arith.constant 32 : i32
          %mul3A_222 = vector.broadcast %mul3A_221 : i32 to vector<16xi32>
          %mul3A_223 = arith.muli %add3A_219, %mul3A_222 : vector<16xi32>
          %add3A_224 = arith.addi %mul3A_223, %add3A_197 : vector<16xi32>
          tpu.vector_store_idx %arg6[%add3A_224], %gather3A_220 : memref<16384xf32, #tpu.memory_space<vmem>>[vector<16xi32>], vector<16xf32>,
          %add3A_225 = vector.broadcast %mul3A_194 : i32 to vector<16xi32>
          %add3A_226 = arith.addi %and3A_111, %add3A_225 : vector<16xi32>
          %gather3A_227 = tpu.vector_load_idx %arg4[%add3A_197, %add3A_226] : memref<32x512xf32, #tpu.memory_space<vmem>>[vector<16xi32>, vector<16xi32>], vector<16xf32>,
          %mul3A_228 = arith.constant 32 : i32
          %mul3A_229 = vector.broadcast %mul3A_228 : i32 to vector<16xi32>
          %mul3A_230 = arith.muli %add3A_226, %mul3A_229 : vector<16xi32>
          %add3A_231 = arith.addi %mul3A_230, %add3A_197 : vector<16xi32>
          tpu.vector_store_idx %arg6[%add3A_231], %gather3A_227 : memref<16384xf32, #tpu.memory_space<vmem>>[vector<16xi32>], vector<16xf32>,
          %add3A_232 = vector.broadcast %mul3A_194 : i32 to vector<16xi32>
          %add3A_233 = arith.addi %and3A_117, %add3A_232 : vector<16xi32>
          %gather3A_234 = tpu.vector_load_idx %arg4[%add3A_197, %add3A_233] : memref<32x512xf32, #tpu.memory_space<vmem>>[vector<16xi32>, vector<16xi32>], vector<16xf32>,
          %mul3A_235 = arith.constant 32 : i32
          %mul3A_236 = vector.broadcast %mul3A_235 : i32 to vector<16xi32>
          %mul3A_237 = arith.muli %add3A_233, %mul3A_236 : vector<16xi32>
          %add3A_238 = arith.addi %mul3A_237, %add3A_197 : vector<16xi32>
          tpu.vector_store_idx %arg6[%add3A_238], %gather3A_234 : memref<16384xf32, #tpu.memory_space<vmem>>[vector<16xi32>], vector<16xf32>,
          %add3A_239 = vector.broadcast %mul3A_194 : i32 to vector<16xi32>
          %add3A_240 = arith.addi %and3A_123, %add3A_239 : vector<16xi32>
          %gather3A_241 = tpu.vector_load_idx %arg4[%add3A_197, %add3A_240] : memref<32x512xf32, #tpu.memory_space<vmem>>[vector<16xi32>, vector<16xi32>], vector<16xf32>,
          %mul3A_242 = arith.constant 32 : i32
          %mul3A_243 = vector.broadcast %mul3A_242 : i32 to vector<16xi32>
          %mul3A_244 = arith.muli %add3A_240, %mul3A_243 : vector<16xi32>
          %add3A_245 = arith.addi %mul3A_244, %add3A_197 : vector<16xi32>
          tpu.vector_store_idx %arg6[%add3A_245], %gather3A_241 : memref<16384xf32, #tpu.memory_space<vmem>>[vector<16xi32>], vector<16xf32>,
          %add3A_246 = vector.broadcast %mul3A_194 : i32 to vector<16xi32>
          %add3A_247 = arith.addi %and3A_129, %add3A_246 : vector<16xi32>
          %gather3A_248 = tpu.vector_load_idx %arg4[%add3A_197, %add3A_247] : memref<32x512xf32, #tpu.memory_space<vmem>>[vector<16xi32>, vector<16xi32>], vector<16xf32>,
          %mul3A_249 = arith.constant 32 : i32
          %mul3A_250 = vector.broadcast %mul3A_249 : i32 to vector<16xi32>
          %mul3A_251 = arith.muli %add3A_247, %mul3A_250 : vector<16xi32>
          %add3A_252 = arith.addi %mul3A_251, %add3A_197 : vector<16xi32>
          tpu.vector_store_idx %arg6[%add3A_252], %gather3A_248 : memref<16384xf32, #tpu.memory_space<vmem>>[vector<16xi32>], vector<16xf32>,
          %add3A_253 = vector.broadcast %mul3A_194 : i32 to vector<16xi32>
          %add3A_254 = arith.addi %and3A_135, %add3A_253 : vector<16xi32>
          %gather3A_255 = tpu.vector_load_idx %arg4[%add3A_197, %add3A_254] : memref<32x512xf32, #tpu.memory_space<vmem>>[vector<16xi32>, vector<16xi32>], vector<16xf32>,
          %mul3A_256 = arith.constant 32 : i32
          %mul3A_257 = vector.broadcast %mul3A_256 : i32 to vector<16xi32>
          %mul3A_258 = arith.muli %add3A_254, %mul3A_257 : vector<16xi32>
          %add3A_259 = arith.addi %mul3A_258, %add3A_197 : vector<16xi32>
          tpu.vector_store_idx %arg6[%add3A_259], %gather3A_255 : memref<16384xf32, #tpu.memory_space<vmem>>[vector<16xi32>], vector<16xf32>,
          %add3A_260 = vector.broadcast %mul3A_194 : i32 to vector<16xi32>
          %add3A_261 = arith.addi %and3A_141, %add3A_260 : vector<16xi32>
          %gather3A_262 = tpu.vector_load_idx %arg4[%add3A_197, %add3A_261] : memref<32x512xf32, #tpu.memory_space<vmem>>[vector<16xi32>, vector<16xi32>], vector<16xf32>,
          %mul3A_263 = arith.constant 32 : i32
          %mul3A_264 = vector.broadcast %mul3A_263 : i32 to vector<16xi32>
          %mul3A_265 = arith.muli %add3A_261, %mul3A_264 : vector<16xi32>
          %add3A_266 = arith.addi %mul3A_265, %add3A_197 : vector<16xi32>
          tpu.vector_store_idx %arg6[%add3A_266], %gather3A_262 : memref<16384xf32, #tpu.memory_space<vmem>>[vector<16xi32>], vector<16xf32>,
          %add3A_267 = vector.broadcast %mul3A_194 : i32 to vector<16xi32>
          %add3A_268 = arith.addi %and3A_147, %add3A_267 : vector<16xi32>
          %gather3A_269 = tpu.vector_load_idx %arg4[%add3A_197, %add3A_268] : memref<32x512xf32, #tpu.memory_space<vmem>>[vector<16xi32>, vector<16xi32>], vector<16xf32>,
          %mul3A_270 = arith.constant 32 : i32
          %mul3A_271 = vector.broadcast %mul3A_270 : i32 to vector<16xi32>
          %mul3A_272 = arith.muli %add3A_268, %mul3A_271 : vector<16xi32>
          %add3A_273 = arith.addi %mul3A_272, %add3A_197 : vector<16xi32>
          tpu.vector_store_idx %arg6[%add3A_273], %gather3A_269 : memref<16384xf32, #tpu.memory_space<vmem>>[vector<16xi32>], vector<16xf32>,
          %add3A_274 = vector.broadcast %mul3A_194 : i32 to vector<16xi32>
          %add3A_275 = arith.addi %and3A_153, %add3A_274 : vector<16xi32>
          %gather3A_276 = tpu.vector_load_idx %arg4[%add3A_197, %add3A_275] : memref<32x512xf32, #tpu.memory_space<vmem>>[vector<16xi32>, vector<16xi32>], vector<16xf32>,
          %mul3A_277 = arith.constant 32 : i32
          %mul3A_278 = vector.broadcast %mul3A_277 : i32 to vector<16xi32>
          %mul3A_279 = arith.muli %add3A_275, %mul3A_278 : vector<16xi32>
          %add3A_280 = arith.addi %mul3A_279, %add3A_197 : vector<16xi32>
          tpu.vector_store_idx %arg6[%add3A_280], %gather3A_276 : memref<16384xf32, #tpu.memory_space<vmem>>[vector<16xi32>], vector<16xf32>,
          %add3A_281 = vector.broadcast %mul3A_194 : i32 to vector<16xi32>
          %add3A_282 = arith.addi %and3A_159, %add3A_281 : vector<16xi32>
          %gather3A_283 = tpu.vector_load_idx %arg4[%add3A_197, %add3A_282] : memref<32x512xf32, #tpu.memory_space<vmem>>[vector<16xi32>, vector<16xi32>], vector<16xf32>,
          %mul3A_284 = arith.constant 32 : i32
          %mul3A_285 = vector.broadcast %mul3A_284 : i32 to vector<16xi32>
          %mul3A_286 = arith.muli %add3A_282, %mul3A_285 : vector<16xi32>
          %add3A_287 = arith.addi %mul3A_286, %add3A_197 : vector<16xi32>
          tpu.vector_store_idx %arg6[%add3A_287], %gather3A_283 : memref<16384xf32, #tpu.memory_space<vmem>>[vector<16xi32>], vector<16xf32>,
          %add3A_288 = vector.broadcast %mul3A_194 : i32 to vector<16xi32>
          %add3A_289 = arith.addi %and3A_165, %add3A_288 : vector<16xi32>
          %gather3A_290 = tpu.vector_load_idx %arg4[%add3A_197, %add3A_289] : memref<32x512xf32, #tpu.memory_space<vmem>>[vector<16xi32>, vector<16xi32>], vector<16xf32>,
          %mul3A_291 = arith.constant 32 : i32
          %mul3A_292 = vector.broadcast %mul3A_291 : i32 to vector<16xi32>
          %mul3A_293 = arith.muli %add3A_289, %mul3A_292 : vector<16xi32>
          %add3A_294 = arith.addi %mul3A_293, %add3A_197 : vector<16xi32>
          tpu.vector_store_idx %arg6[%add3A_294], %gather3A_290 : memref<16384xf32, #tpu.memory_space<vmem>>[vector<16xi32>], vector<16xf32>,
          %add3A_295 = vector.broadcast %mul3A_194 : i32 to vector<16xi32>
          %add3A_296 = arith.addi %and3A_171, %add3A_295 : vector<16xi32>
          %gather3A_297 = tpu.vector_load_idx %arg4[%add3A_197, %add3A_296] : memref<32x512xf32, #tpu.memory_space<vmem>>[vector<16xi32>, vector<16xi32>], vector<16xf32>,
          %mul3A_298 = arith.constant 32 : i32
          %mul3A_299 = vector.broadcast %mul3A_298 : i32 to vector<16xi32>
          %mul3A_300 = arith.muli %add3A_296, %mul3A_299 : vector<16xi32>
          %add3A_301 = arith.addi %mul3A_300, %add3A_197 : vector<16xi32>
          tpu.vector_store_idx %arg6[%add3A_301], %gather3A_297 : memref<16384xf32, #tpu.memory_space<vmem>>[vector<16xi32>], vector<16xf32>,
          %add3A_302 = vector.broadcast %mul3A_194 : i32 to vector<16xi32>
          %add3A_303 = arith.addi %and3A_177, %add3A_302 : vector<16xi32>
          %gather3A_304 = tpu.vector_load_idx %arg4[%add3A_197, %add3A_303] : memref<32x512xf32, #tpu.memory_space<vmem>>[vector<16xi32>, vector<16xi32>], vector<16xf32>,
          %mul3A_305 = arith.constant 32 : i32
          %mul3A_306 = vector.broadcast %mul3A_305 : i32 to vector<16xi32>
          %mul3A_307 = arith.muli %add3A_303, %mul3A_306 : vector<16xi32>
          %add3A_308 = arith.addi %mul3A_307, %add3A_197 : vector<16xi32>
          tpu.vector_store_idx %arg6[%add3A_308], %gather3A_304 : memref<16384xf32, #tpu.memory_space<vmem>>[vector<16xi32>], vector<16xf32>,
          %add3A_309 = arith.constant 16 : i32
          %add3A_310 = vector.broadcast %add3A_309 : i32 to vector<16xi32>
          %add3A_311 = arith.addi %iota3A_82, %add3A_310 : vector<16xi32>
          %add3A_312 = vector.broadcast %mul3A_194 : i32 to vector<16xi32>
          %add3A_313 = arith.addi %and3A_87, %add3A_312 : vector<16xi32>
          %gather3A_314 = tpu.vector_load_idx %arg4[%add3A_311, %add3A_313] : memref<32x512xf32, #tpu.memory_space<vmem>>[vector<16xi32>, vector<16xi32>], vector<16xf32>,
          %mul3A_315 = arith.constant 32 : i32
          %mul3A_316 = vector.broadcast %mul3A_315 : i32 to vector<16xi32>
          %mul3A_317 = arith.muli %add3A_313, %mul3A_316 : vector<16xi32>
          %add3A_318 = arith.addi %mul3A_317, %add3A_311 : vector<16xi32>
          tpu.vector_store_idx %arg6[%add3A_318], %gather3A_314 : memref<16384xf32, #tpu.memory_space<vmem>>[vector<16xi32>], vector<16xf32>,
          %add3A_319 = vector.broadcast %mul3A_194 : i32 to vector<16xi32>
          %add3A_320 = arith.addi %and3A_93, %add3A_319 : vector<16xi32>
          %gather3A_321 = tpu.vector_load_idx %arg4[%add3A_311, %add3A_320] : memref<32x512xf32, #tpu.memory_space<vmem>>[vector<16xi32>, vector<16xi32>], vector<16xf32>,
          %mul3A_322 = arith.constant 32 : i32
          %mul3A_323 = vector.broadcast %mul3A_322 : i32 to vector<16xi32>
          %mul3A_324 = arith.muli %add3A_320, %mul3A_323 : vector<16xi32>
          %add3A_325 = arith.addi %mul3A_324, %add3A_311 : vector<16xi32>
          tpu.vector_store_idx %arg6[%add3A_325], %gather3A_321 : memref<16384xf32, #tpu.memory_space<vmem>>[vector<16xi32>], vector<16xf32>,
          %add3A_326 = vector.broadcast %mul3A_194 : i32 to vector<16xi32>
          %add3A_327 = arith.addi %and3A_99, %add3A_326 : vector<16xi32>
          %gather3A_328 = tpu.vector_load_idx %arg4[%add3A_311, %add3A_327] : memref<32x512xf32, #tpu.memory_space<vmem>>[vector<16xi32>, vector<16xi32>], vector<16xf32>,
          %mul3A_329 = arith.constant 32 : i32
          %mul3A_330 = vector.broadcast %mul3A_329 : i32 to vector<16xi32>
          %mul3A_331 = arith.muli %add3A_327, %mul3A_330 : vector<16xi32>
          %add3A_332 = arith.addi %mul3A_331, %add3A_311 : vector<16xi32>
          tpu.vector_store_idx %arg6[%add3A_332], %gather3A_328 : memref<16384xf32, #tpu.memory_space<vmem>>[vector<16xi32>], vector<16xf32>,
          %add3A_333 = vector.broadcast %mul3A_194 : i32 to vector<16xi32>
          %add3A_334 = arith.addi %and3A_105, %add3A_333 : vector<16xi32>
          %gather3A_335 = tpu.vector_load_idx %arg4[%add3A_311, %add3A_334] : memref<32x512xf32, #tpu.memory_space<vmem>>[vector<16xi32>, vector<16xi32>], vector<16xf32>,
          %mul3A_336 = arith.constant 32 : i32
          %mul3A_337 = vector.broadcast %mul3A_336 : i32 to vector<16xi32>
          %mul3A_338 = arith.muli %add3A_334, %mul3A_337 : vector<16xi32>
          %add3A_339 = arith.addi %mul3A_338, %add3A_311 : vector<16xi32>
          tpu.vector_store_idx %arg6[%add3A_339], %gather3A_335 : memref<16384xf32, #tpu.memory_space<vmem>>[vector<16xi32>], vector<16xf32>,
          %add3A_340 = vector.broadcast %mul3A_194 : i32 to vector<16xi32>
          %add3A_341 = arith.addi %and3A_111, %add3A_340 : vector<16xi32>
          %gather3A_342 = tpu.vector_load_idx %arg4[%add3A_311, %add3A_341] : memref<32x512xf32, #tpu.memory_space<vmem>>[vector<16xi32>, vector<16xi32>], vector<16xf32>,
          %mul3A_343 = arith.constant 32 : i32
          %mul3A_344 = vector.broadcast %mul3A_343 : i32 to vector<16xi32>
          %mul3A_345 = arith.muli %add3A_341, %mul3A_344 : vector<16xi32>
          %add3A_346 = arith.addi %mul3A_345, %add3A_311 : vector<16xi32>
          tpu.vector_store_idx %arg6[%add3A_346], %gather3A_342 : memref<16384xf32, #tpu.memory_space<vmem>>[vector<16xi32>], vector<16xf32>,
          %add3A_347 = vector.broadcast %mul3A_194 : i32 to vector<16xi32>
          %add3A_348 = arith.addi %and3A_117, %add3A_347 : vector<16xi32>
          %gather3A_349 = tpu.vector_load_idx %arg4[%add3A_311, %add3A_348] : memref<32x512xf32, #tpu.memory_space<vmem>>[vector<16xi32>, vector<16xi32>], vector<16xf32>,
          %mul3A_350 = arith.constant 32 : i32
          %mul3A_351 = vector.broadcast %mul3A_350 : i32 to vector<16xi32>
          %mul3A_352 = arith.muli %add3A_348, %mul3A_351 : vector<16xi32>
          %add3A_353 = arith.addi %mul3A_352, %add3A_311 : vector<16xi32>
          tpu.vector_store_idx %arg6[%add3A_353], %gather3A_349 : memref<16384xf32, #tpu.memory_space<vmem>>[vector<16xi32>], vector<16xf32>,
          %add3A_354 = vector.broadcast %mul3A_194 : i32 to vector<16xi32>
          %add3A_355 = arith.addi %and3A_123, %add3A_354 : vector<16xi32>
          %gather3A_356 = tpu.vector_load_idx %arg4[%add3A_311, %add3A_355] : memref<32x512xf32, #tpu.memory_space<vmem>>[vector<16xi32>, vector<16xi32>], vector<16xf32>,
          %mul3A_357 = arith.constant 32 : i32
          %mul3A_358 = vector.broadcast %mul3A_357 : i32 to vector<16xi32>
          %mul3A_359 = arith.muli %add3A_355, %mul3A_358 : vector<16xi32>
          %add3A_360 = arith.addi %mul3A_359, %add3A_311 : vector<16xi32>
          tpu.vector_store_idx %arg6[%add3A_360], %gather3A_356 : memref<16384xf32, #tpu.memory_space<vmem>>[vector<16xi32>], vector<16xf32>,
          %add3A_361 = vector.broadcast %mul3A_194 : i32 to vector<16xi32>
          %add3A_362 = arith.addi %and3A_129, %add3A_361 : vector<16xi32>
          %gather3A_363 = tpu.vector_load_idx %arg4[%add3A_311, %add3A_362] : memref<32x512xf32, #tpu.memory_space<vmem>>[vector<16xi32>, vector<16xi32>], vector<16xf32>,
          %mul3A_364 = arith.constant 32 : i32
          %mul3A_365 = vector.broadcast %mul3A_364 : i32 to vector<16xi32>
          %mul3A_366 = arith.muli %add3A_362, %mul3A_365 : vector<16xi32>
          %add3A_367 = arith.addi %mul3A_366, %add3A_311 : vector<16xi32>
          tpu.vector_store_idx %arg6[%add3A_367], %gather3A_363 : memref<16384xf32, #tpu.memory_space<vmem>>[vector<16xi32>], vector<16xf32>,
          %add3A_368 = vector.broadcast %mul3A_194 : i32 to vector<16xi32>
          %add3A_369 = arith.addi %and3A_135, %add3A_368 : vector<16xi32>
          %gather3A_370 = tpu.vector_load_idx %arg4[%add3A_311, %add3A_369] : memref<32x512xf32, #tpu.memory_space<vmem>>[vector<16xi32>, vector<16xi32>], vector<16xf32>,
          %mul3A_371 = arith.constant 32 : i32
          %mul3A_372 = vector.broadcast %mul3A_371 : i32 to vector<16xi32>
          %mul3A_373 = arith.muli %add3A_369, %mul3A_372 : vector<16xi32>
          %add3A_374 = arith.addi %mul3A_373, %add3A_311 : vector<16xi32>
          tpu.vector_store_idx %arg6[%add3A_374], %gather3A_370 : memref<16384xf32, #tpu.memory_space<vmem>>[vector<16xi32>], vector<16xf32>,
          %add3A_375 = vector.broadcast %mul3A_194 : i32 to vector<16xi32>
          %add3A_376 = arith.addi %and3A_141, %add3A_375 : vector<16xi32>
          %gather3A_377 = tpu.vector_load_idx %arg4[%add3A_311, %add3A_376] : memref<32x512xf32, #tpu.memory_space<vmem>>[vector<16xi32>, vector<16xi32>], vector<16xf32>,
          %mul3A_378 = arith.constant 32 : i32
          %mul3A_379 = vector.broadcast %mul3A_378 : i32 to vector<16xi32>
          %mul3A_380 = arith.muli %add3A_376, %mul3A_379 : vector<16xi32>
          %add3A_381 = arith.addi %mul3A_380, %add3A_311 : vector<16xi32>
          tpu.vector_store_idx %arg6[%add3A_381], %gather3A_377 : memref<16384xf32, #tpu.memory_space<vmem>>[vector<16xi32>], vector<16xf32>,
          %add3A_382 = vector.broadcast %mul3A_194 : i32 to vector<16xi32>
          %add3A_383 = arith.addi %and3A_147, %add3A_382 : vector<16xi32>
          %gather3A_384 = tpu.vector_load_idx %arg4[%add3A_311, %add3A_383] : memref<32x512xf32, #tpu.memory_space<vmem>>[vector<16xi32>, vector<16xi32>], vector<16xf32>,
          %mul3A_385 = arith.constant 32 : i32
          %mul3A_386 = vector.broadcast %mul3A_385 : i32 to vector<16xi32>
          %mul3A_387 = arith.muli %add3A_383, %mul3A_386 : vector<16xi32>
          %add3A_388 = arith.addi %mul3A_387, %add3A_311 : vector<16xi32>
          tpu.vector_store_idx %arg6[%add3A_388], %gather3A_384 : memref<16384xf32, #tpu.memory_space<vmem>>[vector<16xi32>], vector<16xf32>,
          %add3A_389 = vector.broadcast %mul3A_194 : i32 to vector<16xi32>
          %add3A_390 = arith.addi %and3A_153, %add3A_389 : vector<16xi32>
          %gather3A_391 = tpu.vector_load_idx %arg4[%add3A_311, %add3A_390] : memref<32x512xf32, #tpu.memory_space<vmem>>[vector<16xi32>, vector<16xi32>], vector<16xf32>,
          %mul3A_392 = arith.constant 32 : i32
          %mul3A_393 = vector.broadcast %mul3A_392 : i32 to vector<16xi32>
          %mul3A_394 = arith.muli %add3A_390, %mul3A_393 : vector<16xi32>
          %add3A_395 = arith.addi %mul3A_394, %add3A_311 : vector<16xi32>
          tpu.vector_store_idx %arg6[%add3A_395], %gather3A_391 : memref<16384xf32, #tpu.memory_space<vmem>>[vector<16xi32>], vector<16xf32>,
          %add3A_396 = vector.broadcast %mul3A_194 : i32 to vector<16xi32>
          %add3A_397 = arith.addi %and3A_159, %add3A_396 : vector<16xi32>
          %gather3A_398 = tpu.vector_load_idx %arg4[%add3A_311, %add3A_397] : memref<32x512xf32, #tpu.memory_space<vmem>>[vector<16xi32>, vector<16xi32>], vector<16xf32>,
          %mul3A_399 = arith.constant 32 : i32
          %mul3A_400 = vector.broadcast %mul3A_399 : i32 to vector<16xi32>
          %mul3A_401 = arith.muli %add3A_397, %mul3A_400 : vector<16xi32>
          %add3A_402 = arith.addi %mul3A_401, %add3A_311 : vector<16xi32>
          tpu.vector_store_idx %arg6[%add3A_402], %gather3A_398 : memref<16384xf32, #tpu.memory_space<vmem>>[vector<16xi32>], vector<16xf32>,
          %add3A_403 = vector.broadcast %mul3A_194 : i32 to vector<16xi32>
          %add3A_404 = arith.addi %and3A_165, %add3A_403 : vector<16xi32>
          %gather3A_405 = tpu.vector_load_idx %arg4[%add3A_311, %add3A_404] : memref<32x512xf32, #tpu.memory_space<vmem>>[vector<16xi32>, vector<16xi32>], vector<16xf32>,
          %mul3A_406 = arith.constant 32 : i32
          %mul3A_407 = vector.broadcast %mul3A_406 : i32 to vector<16xi32>
          %mul3A_408 = arith.muli %add3A_404, %mul3A_407 : vector<16xi32>
          %add3A_409 = arith.addi %mul3A_408, %add3A_311 : vector<16xi32>
          tpu.vector_store_idx %arg6[%add3A_409], %gather3A_405 : memref<16384xf32, #tpu.memory_space<vmem>>[vector<16xi32>], vector<16xf32>,
          %add3A_410 = vector.broadcast %mul3A_194 : i32 to vector<16xi32>
          %add3A_411 = arith.addi %and3A_171, %add3A_410 : vector<16xi32>
          %gather3A_412 = tpu.vector_load_idx %arg4[%add3A_311, %add3A_411] : memref<32x512xf32, #tpu.memory_space<vmem>>[vector<16xi32>, vector<16xi32>], vector<16xf32>,
          %mul3A_413 = arith.constant 32 : i32
          %mul3A_414 = vector.broadcast %mul3A_413 : i32 to vector<16xi32>
          %mul3A_415 = arith.muli %add3A_411, %mul3A_414 : vector<16xi32>
          %add3A_416 = arith.addi %mul3A_415, %add3A_311 : vector<16xi32>
          tpu.vector_store_idx %arg6[%add3A_416], %gather3A_412 : memref<16384xf32, #tpu.memory_space<vmem>>[vector<16xi32>], vector<16xf32>,
          %add3A_417 = vector.broadcast %mul3A_194 : i32 to vector<16xi32>
          %add3A_418 = arith.addi %and3A_177, %add3A_417 : vector<16xi32>
          %gather3A_419 = tpu.vector_load_idx %arg4[%add3A_311, %add3A_418] : memref<32x512xf32, #tpu.memory_space<vmem>>[vector<16xi32>, vector<16xi32>], vector<16xf32>,
          %mul3A_420 = arith.constant 32 : i32
          %mul3A_421 = vector.broadcast %mul3A_420 : i32 to vector<16xi32>
          %mul3A_422 = arith.muli %add3A_418, %mul3A_421 : vector<16xi32>
          %add3A_423 = arith.addi %mul3A_422, %add3A_311 : vector<16xi32>
          tpu.vector_store_idx %arg6[%add3A_423], %gather3A_419 : memref<16384xf32, #tpu.memory_space<vmem>>[vector<16xi32>], vector<16xf32>,
        }
        %scan3A_183 = arith.constant 32 : i32
        %mul3A_184 = arith.constant 32 : i32
        %mul3A_185 = arith.muli %add3A_28, %mul3A_184 : i32
        %add3A_186 = arith.addi %add3A, %mul3A_185 : i32
        %mul3A_187 = arith.constant 512 : i32
        %mul3A_188 = arith.muli %add3A_186, %mul3A_187 : i32
        %mul3A_189 = arith.constant 32 : i32
        %mul3A_190 = arith.muli %mul3A_188, %mul3A_189 : i32
        %dma_start3A = tpu.memref_slice %arg3[%mul3A_190] : memref<32000000xf32, #tpu.memory_space<hbm>> -> memref<16384xf32, #tpu.memory_space<hbm>>
        %dma_start3A_191 = tpu.memref_slice %arg3[%mul3A_190] : memref<32000000xf32, #tpu.memory_space<hbm>> -> memref<16384xf32, #tpu.memory_space<hbm>>
        tpu.enqueue_dma source(%arg6 : memref<16384xf32, #tpu.memory_space<vmem>>) target(%dma_start3A_191 : memref<16384xf32, #tpu.memory_space<hbm>>) target_semaphore(%arg16 : memref<!tpu.dma_semaphore, #tpu.memory_space<semaphore_mem>>)
      } else {
      }
      %mul3A_47 = arith.constant 2 : i32
      %mul3A_48 = arith.muli %scan3A_24, %mul3A_47 : i32
      %add3A_49 = arith.constant 1 : i32
      %add3A_50 = arith.addi %mul3A_48, %add3A_49 : i32
      %add3A_51 = arith.constant 1 : i32
      %add3A_52 = arith.addi %add3A_50, %add3A_51 : i32
      %mul3A_53 = arith.constant 32 : i32
      %mul3A_54 = arith.muli %add3A_52, %mul3A_53 : i32
      %add3A_55 = arith.addi %add3A, %mul3A_54 : i32
      %lt3A_56 = arith.constant 1953 : i32
      %lt3A_57 = arith.cmpi slt, %add3A_55, %lt3A_56 : i32
      %convert_element_type3A_58 = arith.extui %lt3A_57 : i1 to i32
      %cond3A_59 = arith.constant 0 : i32
      %cond3A_60 = arith.cmpi ne, %convert_element_type3A_58, %cond3A_59 : i32
      scf.if %cond3A_60 {
        %mul3A_69 = arith.constant 32 : i32
        %mul3A_70 = arith.muli %add3A_52, %mul3A_69 : i32
        %add3A_71 = arith.addi %add3A, %mul3A_70 : i32
        %mul3A_72 = arith.constant 512 : i32
        %mul3A_73 = arith.muli %add3A_71, %mul3A_72 : i32
        %dma_start3A = arith.constant 0 : i32
        %dma_start3A_74 = tpu.memref_slice %arg2[%dma_start3A, %mul3A_73] : memref<32x1000000xf32, #tpu.memory_space<hbm>> -> memref<32x512xf32, #tpu.memory_space<hbm>>
        %dma_start3A_75 = arith.constant 0 : i32
        %dma_start3A_76 = tpu.memref_slice %arg2[%dma_start3A_75, %mul3A_73] : memref<32x1000000xf32, #tpu.memory_space<hbm>> -> memref<32x512xf32, #tpu.memory_space<hbm>>
        tpu.enqueue_dma source(%dma_start3A_76 : memref<32x512xf32, #tpu.memory_space<hbm>>) target(%arg4 : memref<32x512xf32, #tpu.memory_space<vmem>>) target_semaphore(%arg14 : memref<!tpu.dma_semaphore, #tpu.memory_space<semaphore_mem>>)
      } else {
      }
      %mul3A_61 = arith.constant 32 : i32
      %mul3A_62 = arith.muli %add3A_50, %mul3A_61 : i32
      %add3A_63 = arith.addi %add3A, %mul3A_62 : i32
      %lt3A_64 = arith.constant 1953 : i32
      %lt3A_65 = arith.cmpi slt, %add3A_63, %lt3A_64 : i32
      %convert_element_type3A_66 = arith.extui %lt3A_65 : i1 to i32
      %cond3A_67 = arith.constant 0 : i32
      %cond3A_68 = arith.cmpi ne, %convert_element_type3A_66, %cond3A_67 : i32
      scf.if %cond3A_68 {
        %mul3A_69 = arith.constant 32 : i32
        %mul3A_70 = arith.muli %add3A_50, %mul3A_69 : i32
        %add3A_71 = arith.addi %add3A, %mul3A_70 : i32
        %mul3A_72 = arith.constant 512 : i32
        %mul3A_73 = arith.muli %add3A_71, %mul3A_72 : i32
        %dma_wait3A_74 = arith.constant 0 : i32
        %dma_wait3A_75 = tpu.memref_slice %arg2[%dma_wait3A_74, %mul3A_73] : memref<32x1000000xf32, #tpu.memory_space<hbm>> -> memref<32x512xf32, #tpu.memory_space<hbm>>
        %dma_wait3A_76 = arith.constant 0 : i32
        %dma_wait3A_77 = tpu.memref_slice %arg2[%dma_wait3A_76, %mul3A_73] : memref<32x1000000xf32, #tpu.memory_space<hbm>> -> memref<32x512xf32, #tpu.memory_space<hbm>>
        tpu.wait_dma2 semaphore(%arg15 : memref<!tpu.dma_semaphore, #tpu.memory_space<semaphore_mem>>) src(%dma_wait3A_77 : memref<32x512xf32, #tpu.memory_space<hbm>>) dst(%arg5 : memref<32x512xf32, #tpu.memory_space<vmem>>)
        %ge3A = arith.constant 2 : i32
        %ge3A_78 = arith.cmpi sge, %add3A_50, %ge3A : i32
        %convert_element_type3A_79 = arith.extui %ge3A_78 : i1 to i32
        %cond3A_80 = arith.constant 0 : i32
        %cond3A_81 = arith.cmpi ne, %convert_element_type3A_79, %cond3A_80 : i32
        scf.if %cond3A_81 {
          %mul3A_192 = arith.constant 32 : i32
          %mul3A_193 = arith.muli %add3A_50, %mul3A_192 : i32
          %add3A_194 = arith.addi %add3A, %mul3A_193 : i32
          %mul3A_195 = arith.constant 512 : i32
          %mul3A_196 = arith.muli %add3A_194, %mul3A_195 : i32
          %mul3A_197 = arith.constant 32 : i32
          %mul3A_198 = arith.muli %mul3A_196, %mul3A_197 : i32
          %dma_wait3A_199 = tpu.memref_slice %arg3[%mul3A_198] : memref<32000000xf32, #tpu.memory_space<hbm>> -> memref<16384xf32, #tpu.memory_space<hbm>>
          %dma_wait3A_200 = tpu.memref_slice %arg3[%mul3A_198] : memref<32000000xf32, #tpu.memory_space<hbm>> -> memref<16384xf32, #tpu.memory_space<hbm>>
          tpu.wait_dma2 semaphore(%arg17 : memref<!tpu.dma_semaphore, #tpu.memory_space<semaphore_mem>>) src(%arg7 : memref<16384xf32, #tpu.memory_space<vmem>>) dst(%dma_wait3A_200 : memref<16384xf32, #tpu.memory_space<hbm>>)
        } else {
        }
        %iota3A_82 = tpu.iota {dimensions = array<i32: 0>} : vector<16xi32>
        %add3A_83 = arith.constant 0 : i32
        %add3A_84 = vector.broadcast %add3A_83 : i32 to vector<16xi32>
        %add3A_85 = arith.addi %iota3A_82, %add3A_84 : vector<16xi32>
        %and3A = arith.constant 15 : i32
        %and3A_86 = vector.broadcast %and3A : i32 to vector<16xi32>
        %and3A_87 = arith.andi %add3A_85, %and3A_86 : vector<16xi32>
        %add3A_88 = arith.constant 1 : i32
        %add3A_89 = vector.broadcast %add3A_88 : i32 to vector<16xi32>
        %add3A_90 = arith.addi %iota3A_82, %add3A_89 : vector<16xi32>
        %and3A_91 = arith.constant 15 : i32
        %and3A_92 = vector.broadcast %and3A_91 : i32 to vector<16xi32>
        %and3A_93 = arith.andi %add3A_90, %and3A_92 : vector<16xi32>
        %add3A_94 = arith.constant 2 : i32
        %add3A_95 = vector.broadcast %add3A_94 : i32 to vector<16xi32>
        %add3A_96 = arith.addi %iota3A_82, %add3A_95 : vector<16xi32>
        %and3A_97 = arith.constant 15 : i32
        %and3A_98 = vector.broadcast %and3A_97 : i32 to vector<16xi32>
        %and3A_99 = arith.andi %add3A_96, %and3A_98 : vector<16xi32>
        %add3A_100 = arith.constant 3 : i32
        %add3A_101 = vector.broadcast %add3A_100 : i32 to vector<16xi32>
        %add3A_102 = arith.addi %iota3A_82, %add3A_101 : vector<16xi32>
        %and3A_103 = arith.constant 15 : i32
        %and3A_104 = vector.broadcast %and3A_103 : i32 to vector<16xi32>
        %and3A_105 = arith.andi %add3A_102, %and3A_104 : vector<16xi32>
        %add3A_106 = arith.constant 4 : i32
        %add3A_107 = vector.broadcast %add3A_106 : i32 to vector<16xi32>
        %add3A_108 = arith.addi %iota3A_82, %add3A_107 : vector<16xi32>
        %and3A_109 = arith.constant 15 : i32
        %and3A_110 = vector.broadcast %and3A_109 : i32 to vector<16xi32>
        %and3A_111 = arith.andi %add3A_108, %and3A_110 : vector<16xi32>
        %add3A_112 = arith.constant 5 : i32
        %add3A_113 = vector.broadcast %add3A_112 : i32 to vector<16xi32>
        %add3A_114 = arith.addi %iota3A_82, %add3A_113 : vector<16xi32>
        %and3A_115 = arith.constant 15 : i32
        %and3A_116 = vector.broadcast %and3A_115 : i32 to vector<16xi32>
        %and3A_117 = arith.andi %add3A_114, %and3A_116 : vector<16xi32>
        %add3A_118 = arith.constant 6 : i32
        %add3A_119 = vector.broadcast %add3A_118 : i32 to vector<16xi32>
        %add3A_120 = arith.addi %iota3A_82, %add3A_119 : vector<16xi32>
        %and3A_121 = arith.constant 15 : i32
        %and3A_122 = vector.broadcast %and3A_121 : i32 to vector<16xi32>
        %and3A_123 = arith.andi %add3A_120, %and3A_122 : vector<16xi32>
        %add3A_124 = arith.constant 7 : i32
        %add3A_125 = vector.broadcast %add3A_124 : i32 to vector<16xi32>
        %add3A_126 = arith.addi %iota3A_82, %add3A_125 : vector<16xi32>
        %and3A_127 = arith.constant 15 : i32
        %and3A_128 = vector.broadcast %and3A_127 : i32 to vector<16xi32>
        %and3A_129 = arith.andi %add3A_126, %and3A_128 : vector<16xi32>
        %add3A_130 = arith.constant 8 : i32
        %add3A_131 = vector.broadcast %add3A_130 : i32 to vector<16xi32>
        %add3A_132 = arith.addi %iota3A_82, %add3A_131 : vector<16xi32>
        %and3A_133 = arith.constant 15 : i32
        %and3A_134 = vector.broadcast %and3A_133 : i32 to vector<16xi32>
        %and3A_135 = arith.andi %add3A_132, %and3A_134 : vector<16xi32>
        %add3A_136 = arith.constant 9 : i32
        %add3A_137 = vector.broadcast %add3A_136 : i32 to vector<16xi32>
        %add3A_138 = arith.addi %iota3A_82, %add3A_137 : vector<16xi32>
        %and3A_139 = arith.constant 15 : i32
        %and3A_140 = vector.broadcast %and3A_139 : i32 to vector<16xi32>
        %and3A_141 = arith.andi %add3A_138, %and3A_140 : vector<16xi32>
        %add3A_142 = arith.constant 10 : i32
        %add3A_143 = vector.broadcast %add3A_142 : i32 to vector<16xi32>
        %add3A_144 = arith.addi %iota3A_82, %add3A_143 : vector<16xi32>
        %and3A_145 = arith.constant 15 : i32
        %and3A_146 = vector.broadcast %and3A_145 : i32 to vector<16xi32>
        %and3A_147 = arith.andi %add3A_144, %and3A_146 : vector<16xi32>
        %add3A_148 = arith.constant 11 : i32
        %add3A_149 = vector.broadcast %add3A_148 : i32 to vector<16xi32>
        %add3A_150 = arith.addi %iota3A_82, %add3A_149 : vector<16xi32>
        %and3A_151 = arith.constant 15 : i32
        %and3A_152 = vector.broadcast %and3A_151 : i32 to vector<16xi32>
        %and3A_153 = arith.andi %add3A_150, %and3A_152 : vector<16xi32>
        %add3A_154 = arith.constant 12 : i32
        %add3A_155 = vector.broadcast %add3A_154 : i32 to vector<16xi32>
        %add3A_156 = arith.addi %iota3A_82, %add3A_155 : vector<16xi32>
        %and3A_157 = arith.constant 15 : i32
        %and3A_158 = vector.broadcast %and3A_157 : i32 to vector<16xi32>
        %and3A_159 = arith.andi %add3A_156, %and3A_158 : vector<16xi32>
        %add3A_160 = arith.constant 13 : i32
        %add3A_161 = vector.broadcast %add3A_160 : i32 to vector<16xi32>
        %add3A_162 = arith.addi %iota3A_82, %add3A_161 : vector<16xi32>
        %and3A_163 = arith.constant 15 : i32
        %and3A_164 = vector.broadcast %and3A_163 : i32 to vector<16xi32>
        %and3A_165 = arith.andi %add3A_162, %and3A_164 : vector<16xi32>
        %add3A_166 = arith.constant 14 : i32
        %add3A_167 = vector.broadcast %add3A_166 : i32 to vector<16xi32>
        %add3A_168 = arith.addi %iota3A_82, %add3A_167 : vector<16xi32>
        %and3A_169 = arith.constant 15 : i32
        %and3A_170 = vector.broadcast %and3A_169 : i32 to vector<16xi32>
        %and3A_171 = arith.andi %add3A_168, %and3A_170 : vector<16xi32>
        %add3A_172 = arith.constant 15 : i32
        %add3A_173 = vector.broadcast %add3A_172 : i32 to vector<16xi32>
        %add3A_174 = arith.addi %iota3A_82, %add3A_173 : vector<16xi32>
        %and3A_175 = arith.constant 15 : i32
        %and3A_176 = vector.broadcast %and3A_175 : i32 to vector<16xi32>
        %and3A_177 = arith.andi %add3A_174, %and3A_176 : vector<16xi32>
        %scan3A_178 = arith.constant 0 : i32
        %scan3A_179 = arith.constant 0 : i32
        %scan3A_180 = arith.constant 32 : i32
        %scan3A_181 = arith.addi %scan3A_179, %scan3A_180 : i32
        %scan3A_182 = arith.constant 1 : i32
        scf.for %scan3A_192 = %scan3A_179 to %scan3A_181 step %scan3A_182  : i32 {
          %mul3A_193 = arith.constant 16 : i32
          %mul3A_194 = arith.muli %scan3A_192, %mul3A_193 : i32
          %add3A_195 = arith.constant 0 : i32
          %add3A_196 = vector.broadcast %add3A_195 : i32 to vector<16xi32>
          %add3A_197 = arith.addi %iota3A_82, %add3A_196 : vector<16xi32>
          %add3A_198 = vector.broadcast %mul3A_194 : i32 to vector<16xi32>
          %add3A_199 = arith.addi %and3A_87, %add3A_198 : vector<16xi32>
          %gather3A = tpu.vector_load_idx %arg5[%add3A_197, %add3A_199] : memref<32x512xf32, #tpu.memory_space<vmem>>[vector<16xi32>, vector<16xi32>], vector<16xf32>,
          %mul3A_200 = arith.constant 32 : i32
          %mul3A_201 = vector.broadcast %mul3A_200 : i32 to vector<16xi32>
          %mul3A_202 = arith.muli %add3A_199, %mul3A_201 : vector<16xi32>
          %add3A_203 = arith.addi %mul3A_202, %add3A_197 : vector<16xi32>
          tpu.vector_store_idx %arg7[%add3A_203], %gather3A : memref<16384xf32, #tpu.memory_space<vmem>>[vector<16xi32>], vector<16xf32>,
          %add3A_204 = vector.broadcast %mul3A_194 : i32 to vector<16xi32>
          %add3A_205 = arith.addi %and3A_93, %add3A_204 : vector<16xi32>
          %gather3A_206 = tpu.vector_load_idx %arg5[%add3A_197, %add3A_205] : memref<32x512xf32, #tpu.memory_space<vmem>>[vector<16xi32>, vector<16xi32>], vector<16xf32>,
          %mul3A_207 = arith.constant 32 : i32
          %mul3A_208 = vector.broadcast %mul3A_207 : i32 to vector<16xi32>
          %mul3A_209 = arith.muli %add3A_205, %mul3A_208 : vector<16xi32>
          %add3A_210 = arith.addi %mul3A_209, %add3A_197 : vector<16xi32>
          tpu.vector_store_idx %arg7[%add3A_210], %gather3A_206 : memref<16384xf32, #tpu.memory_space<vmem>>[vector<16xi32>], vector<16xf32>,
          %add3A_211 = vector.broadcast %mul3A_194 : i32 to vector<16xi32>
          %add3A_212 = arith.addi %and3A_99, %add3A_211 : vector<16xi32>
          %gather3A_213 = tpu.vector_load_idx %arg5[%add3A_197, %add3A_212] : memref<32x512xf32, #tpu.memory_space<vmem>>[vector<16xi32>, vector<16xi32>], vector<16xf32>,
          %mul3A_214 = arith.constant 32 : i32
          %mul3A_215 = vector.broadcast %mul3A_214 : i32 to vector<16xi32>
          %mul3A_216 = arith.muli %add3A_212, %mul3A_215 : vector<16xi32>
          %add3A_217 = arith.addi %mul3A_216, %add3A_197 : vector<16xi32>
          tpu.vector_store_idx %arg7[%add3A_217], %gather3A_213 : memref<16384xf32, #tpu.memory_space<vmem>>[vector<16xi32>], vector<16xf32>,
          %add3A_218 = vector.broadcast %mul3A_194 : i32 to vector<16xi32>
          %add3A_219 = arith.addi %and3A_105, %add3A_218 : vector<16xi32>
          %gather3A_220 = tpu.vector_load_idx %arg5[%add3A_197, %add3A_219] : memref<32x512xf32, #tpu.memory_space<vmem>>[vector<16xi32>, vector<16xi32>], vector<16xf32>,
          %mul3A_221 = arith.constant 32 : i32
          %mul3A_222 = vector.broadcast %mul3A_221 : i32 to vector<16xi32>
          %mul3A_223 = arith.muli %add3A_219, %mul3A_222 : vector<16xi32>
          %add3A_224 = arith.addi %mul3A_223, %add3A_197 : vector<16xi32>
          tpu.vector_store_idx %arg7[%add3A_224], %gather3A_220 : memref<16384xf32, #tpu.memory_space<vmem>>[vector<16xi32>], vector<16xf32>,
          %add3A_225 = vector.broadcast %mul3A_194 : i32 to vector<16xi32>
          %add3A_226 = arith.addi %and3A_111, %add3A_225 : vector<16xi32>
          %gather3A_227 = tpu.vector_load_idx %arg5[%add3A_197, %add3A_226] : memref<32x512xf32, #tpu.memory_space<vmem>>[vector<16xi32>, vector<16xi32>], vector<16xf32>,
          %mul3A_228 = arith.constant 32 : i32
          %mul3A_229 = vector.broadcast %mul3A_228 : i32 to vector<16xi32>
          %mul3A_230 = arith.muli %add3A_226, %mul3A_229 : vector<16xi32>
          %add3A_231 = arith.addi %mul3A_230, %add3A_197 : vector<16xi32>
          tpu.vector_store_idx %arg7[%add3A_231], %gather3A_227 : memref<16384xf32, #tpu.memory_space<vmem>>[vector<16xi32>], vector<16xf32>,
          %add3A_232 = vector.broadcast %mul3A_194 : i32 to vector<16xi32>
          %add3A_233 = arith.addi %and3A_117, %add3A_232 : vector<16xi32>
          %gather3A_234 = tpu.vector_load_idx %arg5[%add3A_197, %add3A_233] : memref<32x512xf32, #tpu.memory_space<vmem>>[vector<16xi32>, vector<16xi32>], vector<16xf32>,
          %mul3A_235 = arith.constant 32 : i32
          %mul3A_236 = vector.broadcast %mul3A_235 : i32 to vector<16xi32>
          %mul3A_237 = arith.muli %add3A_233, %mul3A_236 : vector<16xi32>
          %add3A_238 = arith.addi %mul3A_237, %add3A_197 : vector<16xi32>
          tpu.vector_store_idx %arg7[%add3A_238], %gather3A_234 : memref<16384xf32, #tpu.memory_space<vmem>>[vector<16xi32>], vector<16xf32>,
          %add3A_239 = vector.broadcast %mul3A_194 : i32 to vector<16xi32>
          %add3A_240 = arith.addi %and3A_123, %add3A_239 : vector<16xi32>
          %gather3A_241 = tpu.vector_load_idx %arg5[%add3A_197, %add3A_240] : memref<32x512xf32, #tpu.memory_space<vmem>>[vector<16xi32>, vector<16xi32>], vector<16xf32>,
          %mul3A_242 = arith.constant 32 : i32
          %mul3A_243 = vector.broadcast %mul3A_242 : i32 to vector<16xi32>
          %mul3A_244 = arith.muli %add3A_240, %mul3A_243 : vector<16xi32>
          %add3A_245 = arith.addi %mul3A_244, %add3A_197 : vector<16xi32>
          tpu.vector_store_idx %arg7[%add3A_245], %gather3A_241 : memref<16384xf32, #tpu.memory_space<vmem>>[vector<16xi32>], vector<16xf32>,
          %add3A_246 = vector.broadcast %mul3A_194 : i32 to vector<16xi32>
          %add3A_247 = arith.addi %and3A_129, %add3A_246 : vector<16xi32>
          %gather3A_248 = tpu.vector_load_idx %arg5[%add3A_197, %add3A_247] : memref<32x512xf32, #tpu.memory_space<vmem>>[vector<16xi32>, vector<16xi32>], vector<16xf32>,
          %mul3A_249 = arith.constant 32 : i32
          %mul3A_250 = vector.broadcast %mul3A_249 : i32 to vector<16xi32>
          %mul3A_251 = arith.muli %add3A_247, %mul3A_250 : vector<16xi32>
          %add3A_252 = arith.addi %mul3A_251, %add3A_197 : vector<16xi32>
          tpu.vector_store_idx %arg7[%add3A_252], %gather3A_248 : memref<16384xf32, #tpu.memory_space<vmem>>[vector<16xi32>], vector<16xf32>,
          %add3A_253 = vector.broadcast %mul3A_194 : i32 to vector<16xi32>
          %add3A_254 = arith.addi %and3A_135, %add3A_253 : vector<16xi32>
          %gather3A_255 = tpu.vector_load_idx %arg5[%add3A_197, %add3A_254] : memref<32x512xf32, #tpu.memory_space<vmem>>[vector<16xi32>, vector<16xi32>], vector<16xf32>,
          %mul3A_256 = arith.constant 32 : i32
          %mul3A_257 = vector.broadcast %mul3A_256 : i32 to vector<16xi32>
          %mul3A_258 = arith.muli %add3A_254, %mul3A_257 : vector<16xi32>
          %add3A_259 = arith.addi %mul3A_258, %add3A_197 : vector<16xi32>
          tpu.vector_store_idx %arg7[%add3A_259], %gather3A_255 : memref<16384xf32, #tpu.memory_space<vmem>>[vector<16xi32>], vector<16xf32>,
          %add3A_260 = vector.broadcast %mul3A_194 : i32 to vector<16xi32>
          %add3A_261 = arith.addi %and3A_141, %add3A_260 : vector<16xi32>
          %gather3A_262 = tpu.vector_load_idx %arg5[%add3A_197, %add3A_261] : memref<32x512xf32, #tpu.memory_space<vmem>>[vector<16xi32>, vector<16xi32>], vector<16xf32>,
          %mul3A_263 = arith.constant 32 : i32
          %mul3A_264 = vector.broadcast %mul3A_263 : i32 to vector<16xi32>
          %mul3A_265 = arith.muli %add3A_261, %mul3A_264 : vector<16xi32>
          %add3A_266 = arith.addi %mul3A_265, %add3A_197 : vector<16xi32>
          tpu.vector_store_idx %arg7[%add3A_266], %gather3A_262 : memref<16384xf32, #tpu.memory_space<vmem>>[vector<16xi32>], vector<16xf32>,
          %add3A_267 = vector.broadcast %mul3A_194 : i32 to vector<16xi32>
          %add3A_268 = arith.addi %and3A_147, %add3A_267 : vector<16xi32>
          %gather3A_269 = tpu.vector_load_idx %arg5[%add3A_197, %add3A_268] : memref<32x512xf32, #tpu.memory_space<vmem>>[vector<16xi32>, vector<16xi32>], vector<16xf32>,
          %mul3A_270 = arith.constant 32 : i32
          %mul3A_271 = vector.broadcast %mul3A_270 : i32 to vector<16xi32>
          %mul3A_272 = arith.muli %add3A_268, %mul3A_271 : vector<16xi32>
          %add3A_273 = arith.addi %mul3A_272, %add3A_197 : vector<16xi32>
          tpu.vector_store_idx %arg7[%add3A_273], %gather3A_269 : memref<16384xf32, #tpu.memory_space<vmem>>[vector<16xi32>], vector<16xf32>,
          %add3A_274 = vector.broadcast %mul3A_194 : i32 to vector<16xi32>
          %add3A_275 = arith.addi %and3A_153, %add3A_274 : vector<16xi32>
          %gather3A_276 = tpu.vector_load_idx %arg5[%add3A_197, %add3A_275] : memref<32x512xf32, #tpu.memory_space<vmem>>[vector<16xi32>, vector<16xi32>], vector<16xf32>,
          %mul3A_277 = arith.constant 32 : i32
          %mul3A_278 = vector.broadcast %mul3A_277 : i32 to vector<16xi32>
          %mul3A_279 = arith.muli %add3A_275, %mul3A_278 : vector<16xi32>
          %add3A_280 = arith.addi %mul3A_279, %add3A_197 : vector<16xi32>
          tpu.vector_store_idx %arg7[%add3A_280], %gather3A_276 : memref<16384xf32, #tpu.memory_space<vmem>>[vector<16xi32>], vector<16xf32>,
          %add3A_281 = vector.broadcast %mul3A_194 : i32 to vector<16xi32>
          %add3A_282 = arith.addi %and3A_159, %add3A_281 : vector<16xi32>
          %gather3A_283 = tpu.vector_load_idx %arg5[%add3A_197, %add3A_282] : memref<32x512xf32, #tpu.memory_space<vmem>>[vector<16xi32>, vector<16xi32>], vector<16xf32>,
          %mul3A_284 = arith.constant 32 : i32
          %mul3A_285 = vector.broadcast %mul3A_284 : i32 to vector<16xi32>
          %mul3A_286 = arith.muli %add3A_282, %mul3A_285 : vector<16xi32>
          %add3A_287 = arith.addi %mul3A_286, %add3A_197 : vector<16xi32>
          tpu.vector_store_idx %arg7[%add3A_287], %gather3A_283 : memref<16384xf32, #tpu.memory_space<vmem>>[vector<16xi32>], vector<16xf32>,
          %add3A_288 = vector.broadcast %mul3A_194 : i32 to vector<16xi32>
          %add3A_289 = arith.addi %and3A_165, %add3A_288 : vector<16xi32>
          %gather3A_290 = tpu.vector_load_idx %arg5[%add3A_197, %add3A_289] : memref<32x512xf32, #tpu.memory_space<vmem>>[vector<16xi32>, vector<16xi32>], vector<16xf32>,
          %mul3A_291 = arith.constant 32 : i32
          %mul3A_292 = vector.broadcast %mul3A_291 : i32 to vector<16xi32>
          %mul3A_293 = arith.muli %add3A_289, %mul3A_292 : vector<16xi32>
          %add3A_294 = arith.addi %mul3A_293, %add3A_197 : vector<16xi32>
          tpu.vector_store_idx %arg7[%add3A_294], %gather3A_290 : memref<16384xf32, #tpu.memory_space<vmem>>[vector<16xi32>], vector<16xf32>,
          %add3A_295 = vector.broadcast %mul3A_194 : i32 to vector<16xi32>
          %add3A_296 = arith.addi %and3A_171, %add3A_295 : vector<16xi32>
          %gather3A_297 = tpu.vector_load_idx %arg5[%add3A_197, %add3A_296] : memref<32x512xf32, #tpu.memory_space<vmem>>[vector<16xi32>, vector<16xi32>], vector<16xf32>,
          %mul3A_298 = arith.constant 32 : i32
          %mul3A_299 = vector.broadcast %mul3A_298 : i32 to vector<16xi32>
          %mul3A_300 = arith.muli %add3A_296, %mul3A_299 : vector<16xi32>
          %add3A_301 = arith.addi %mul3A_300, %add3A_197 : vector<16xi32>
          tpu.vector_store_idx %arg7[%add3A_301], %gather3A_297 : memref<16384xf32, #tpu.memory_space<vmem>>[vector<16xi32>], vector<16xf32>,
          %add3A_302 = vector.broadcast %mul3A_194 : i32 to vector<16xi32>
          %add3A_303 = arith.addi %and3A_177, %add3A_302 : vector<16xi32>
          %gather3A_304 = tpu.vector_load_idx %arg5[%add3A_197, %add3A_303] : memref<32x512xf32, #tpu.memory_space<vmem>>[vector<16xi32>, vector<16xi32>], vector<16xf32>,
          %mul3A_305 = arith.constant 32 : i32
          %mul3A_306 = vector.broadcast %mul3A_305 : i32 to vector<16xi32>
          %mul3A_307 = arith.muli %add3A_303, %mul3A_306 : vector<16xi32>
          %add3A_308 = arith.addi %mul3A_307, %add3A_197 : vector<16xi32>
          tpu.vector_store_idx %arg7[%add3A_308], %gather3A_304 : memref<16384xf32, #tpu.memory_space<vmem>>[vector<16xi32>], vector<16xf32>,
          %add3A_309 = arith.constant 16 : i32
          %add3A_310 = vector.broadcast %add3A_309 : i32 to vector<16xi32>
          %add3A_311 = arith.addi %iota3A_82, %add3A_310 : vector<16xi32>
          %add3A_312 = vector.broadcast %mul3A_194 : i32 to vector<16xi32>
          %add3A_313 = arith.addi %and3A_87, %add3A_312 : vector<16xi32>
          %gather3A_314 = tpu.vector_load_idx %arg5[%add3A_311, %add3A_313] : memref<32x512xf32, #tpu.memory_space<vmem>>[vector<16xi32>, vector<16xi32>], vector<16xf32>,
          %mul3A_315 = arith.constant 32 : i32
          %mul3A_316 = vector.broadcast %mul3A_315 : i32 to vector<16xi32>
          %mul3A_317 = arith.muli %add3A_313, %mul3A_316 : vector<16xi32>
          %add3A_318 = arith.addi %mul3A_317, %add3A_311 : vector<16xi32>
          tpu.vector_store_idx %arg7[%add3A_318], %gather3A_314 : memref<16384xf32, #tpu.memory_space<vmem>>[vector<16xi32>], vector<16xf32>,
          %add3A_319 = vector.broadcast %mul3A_194 : i32 to vector<16xi32>
          %add3A_320 = arith.addi %and3A_93, %add3A_319 : vector<16xi32>
          %gather3A_321 = tpu.vector_load_idx %arg5[%add3A_311, %add3A_320] : memref<32x512xf32, #tpu.memory_space<vmem>>[vector<16xi32>, vector<16xi32>], vector<16xf32>,
          %mul3A_322 = arith.constant 32 : i32
          %mul3A_323 = vector.broadcast %mul3A_322 : i32 to vector<16xi32>
          %mul3A_324 = arith.muli %add3A_320, %mul3A_323 : vector<16xi32>
          %add3A_325 = arith.addi %mul3A_324, %add3A_311 : vector<16xi32>
          tpu.vector_store_idx %arg7[%add3A_325], %gather3A_321 : memref<16384xf32, #tpu.memory_space<vmem>>[vector<16xi32>], vector<16xf32>,
          %add3A_326 = vector.broadcast %mul3A_194 : i32 to vector<16xi32>
          %add3A_327 = arith.addi %and3A_99, %add3A_326 : vector<16xi32>
          %gather3A_328 = tpu.vector_load_idx %arg5[%add3A_311, %add3A_327] : memref<32x512xf32, #tpu.memory_space<vmem>>[vector<16xi32>, vector<16xi32>], vector<16xf32>,
          %mul3A_329 = arith.constant 32 : i32
          %mul3A_330 = vector.broadcast %mul3A_329 : i32 to vector<16xi32>
          %mul3A_331 = arith.muli %add3A_327, %mul3A_330 : vector<16xi32>
          %add3A_332 = arith.addi %mul3A_331, %add3A_311 : vector<16xi32>
          tpu.vector_store_idx %arg7[%add3A_332], %gather3A_328 : memref<16384xf32, #tpu.memory_space<vmem>>[vector<16xi32>], vector<16xf32>,
          %add3A_333 = vector.broadcast %mul3A_194 : i32 to vector<16xi32>
          %add3A_334 = arith.addi %and3A_105, %add3A_333 : vector<16xi32>
          %gather3A_335 = tpu.vector_load_idx %arg5[%add3A_311, %add3A_334] : memref<32x512xf32, #tpu.memory_space<vmem>>[vector<16xi32>, vector<16xi32>], vector<16xf32>,
          %mul3A_336 = arith.constant 32 : i32
          %mul3A_337 = vector.broadcast %mul3A_336 : i32 to vector<16xi32>
          %mul3A_338 = arith.muli %add3A_334, %mul3A_337 : vector<16xi32>
          %add3A_339 = arith.addi %mul3A_338, %add3A_311 : vector<16xi32>
          tpu.vector_store_idx %arg7[%add3A_339], %gather3A_335 : memref<16384xf32, #tpu.memory_space<vmem>>[vector<16xi32>], vector<16xf32>,
          %add3A_340 = vector.broadcast %mul3A_194 : i32 to vector<16xi32>
          %add3A_341 = arith.addi %and3A_111, %add3A_340 : vector<16xi32>
          %gather3A_342 = tpu.vector_load_idx %arg5[%add3A_311, %add3A_341] : memref<32x512xf32, #tpu.memory_space<vmem>>[vector<16xi32>, vector<16xi32>], vector<16xf32>,
          %mul3A_343 = arith.constant 32 : i32
          %mul3A_344 = vector.broadcast %mul3A_343 : i32 to vector<16xi32>
          %mul3A_345 = arith.muli %add3A_341, %mul3A_344 : vector<16xi32>
          %add3A_346 = arith.addi %mul3A_345, %add3A_311 : vector<16xi32>
          tpu.vector_store_idx %arg7[%add3A_346], %gather3A_342 : memref<16384xf32, #tpu.memory_space<vmem>>[vector<16xi32>], vector<16xf32>,
          %add3A_347 = vector.broadcast %mul3A_194 : i32 to vector<16xi32>
          %add3A_348 = arith.addi %and3A_117, %add3A_347 : vector<16xi32>
          %gather3A_349 = tpu.vector_load_idx %arg5[%add3A_311, %add3A_348] : memref<32x512xf32, #tpu.memory_space<vmem>>[vector<16xi32>, vector<16xi32>], vector<16xf32>,
          %mul3A_350 = arith.constant 32 : i32
          %mul3A_351 = vector.broadcast %mul3A_350 : i32 to vector<16xi32>
          %mul3A_352 = arith.muli %add3A_348, %mul3A_351 : vector<16xi32>
          %add3A_353 = arith.addi %mul3A_352, %add3A_311 : vector<16xi32>
          tpu.vector_store_idx %arg7[%add3A_353], %gather3A_349 : memref<16384xf32, #tpu.memory_space<vmem>>[vector<16xi32>], vector<16xf32>,
          %add3A_354 = vector.broadcast %mul3A_194 : i32 to vector<16xi32>
          %add3A_355 = arith.addi %and3A_123, %add3A_354 : vector<16xi32>
          %gather3A_356 = tpu.vector_load_idx %arg5[%add3A_311, %add3A_355] : memref<32x512xf32, #tpu.memory_space<vmem>>[vector<16xi32>, vector<16xi32>], vector<16xf32>,
          %mul3A_357 = arith.constant 32 : i32
          %mul3A_358 = vector.broadcast %mul3A_357 : i32 to vector<16xi32>
          %mul3A_359 = arith.muli %add3A_355, %mul3A_358 : vector<16xi32>
          %add3A_360 = arith.addi %mul3A_359, %add3A_311 : vector<16xi32>
          tpu.vector_store_idx %arg7[%add3A_360], %gather3A_356 : memref<16384xf32, #tpu.memory_space<vmem>>[vector<16xi32>], vector<16xf32>,
          %add3A_361 = vector.broadcast %mul3A_194 : i32 to vector<16xi32>
          %add3A_362 = arith.addi %and3A_129, %add3A_361 : vector<16xi32>
          %gather3A_363 = tpu.vector_load_idx %arg5[%add3A_311, %add3A_362] : memref<32x512xf32, #tpu.memory_space<vmem>>[vector<16xi32>, vector<16xi32>], vector<16xf32>,
          %mul3A_364 = arith.constant 32 : i32
          %mul3A_365 = vector.broadcast %mul3A_364 : i32 to vector<16xi32>
          %mul3A_366 = arith.muli %add3A_362, %mul3A_365 : vector<16xi32>
          %add3A_367 = arith.addi %mul3A_366, %add3A_311 : vector<16xi32>
          tpu.vector_store_idx %arg7[%add3A_367], %gather3A_363 : memref<16384xf32, #tpu.memory_space<vmem>>[vector<16xi32>], vector<16xf32>,
          %add3A_368 = vector.broadcast %mul3A_194 : i32 to vector<16xi32>
          %add3A_369 = arith.addi %and3A_135, %add3A_368 : vector<16xi32>
          %gather3A_370 = tpu.vector_load_idx %arg5[%add3A_311, %add3A_369] : memref<32x512xf32, #tpu.memory_space<vmem>>[vector<16xi32>, vector<16xi32>], vector<16xf32>,
          %mul3A_371 = arith.constant 32 : i32
          %mul3A_372 = vector.broadcast %mul3A_371 : i32 to vector<16xi32>
          %mul3A_373 = arith.muli %add3A_369, %mul3A_372 : vector<16xi32>
          %add3A_374 = arith.addi %mul3A_373, %add3A_311 : vector<16xi32>
          tpu.vector_store_idx %arg7[%add3A_374], %gather3A_370 : memref<16384xf32, #tpu.memory_space<vmem>>[vector<16xi32>], vector<16xf32>,
          %add3A_375 = vector.broadcast %mul3A_194 : i32 to vector<16xi32>
          %add3A_376 = arith.addi %and3A_141, %add3A_375 : vector<16xi32>
          %gather3A_377 = tpu.vector_load_idx %arg5[%add3A_311, %add3A_376] : memref<32x512xf32, #tpu.memory_space<vmem>>[vector<16xi32>, vector<16xi32>], vector<16xf32>,
          %mul3A_378 = arith.constant 32 : i32
          %mul3A_379 = vector.broadcast %mul3A_378 : i32 to vector<16xi32>
          %mul3A_380 = arith.muli %add3A_376, %mul3A_379 : vector<16xi32>
          %add3A_381 = arith.addi %mul3A_380, %add3A_311 : vector<16xi32>
          tpu.vector_store_idx %arg7[%add3A_381], %gather3A_377 : memref<16384xf32, #tpu.memory_space<vmem>>[vector<16xi32>], vector<16xf32>,
          %add3A_382 = vector.broadcast %mul3A_194 : i32 to vector<16xi32>
          %add3A_383 = arith.addi %and3A_147, %add3A_382 : vector<16xi32>
          %gather3A_384 = tpu.vector_load_idx %arg5[%add3A_311, %add3A_383] : memref<32x512xf32, #tpu.memory_space<vmem>>[vector<16xi32>, vector<16xi32>], vector<16xf32>,
          %mul3A_385 = arith.constant 32 : i32
          %mul3A_386 = vector.broadcast %mul3A_385 : i32 to vector<16xi32>
          %mul3A_387 = arith.muli %add3A_383, %mul3A_386 : vector<16xi32>
          %add3A_388 = arith.addi %mul3A_387, %add3A_311 : vector<16xi32>
          tpu.vector_store_idx %arg7[%add3A_388], %gather3A_384 : memref<16384xf32, #tpu.memory_space<vmem>>[vector<16xi32>], vector<16xf32>,
          %add3A_389 = vector.broadcast %mul3A_194 : i32 to vector<16xi32>
          %add3A_390 = arith.addi %and3A_153, %add3A_389 : vector<16xi32>
          %gather3A_391 = tpu.vector_load_idx %arg5[%add3A_311, %add3A_390] : memref<32x512xf32, #tpu.memory_space<vmem>>[vector<16xi32>, vector<16xi32>], vector<16xf32>,
          %mul3A_392 = arith.constant 32 : i32
          %mul3A_393 = vector.broadcast %mul3A_392 : i32 to vector<16xi32>
          %mul3A_394 = arith.muli %add3A_390, %mul3A_393 : vector<16xi32>
          %add3A_395 = arith.addi %mul3A_394, %add3A_311 : vector<16xi32>
          tpu.vector_store_idx %arg7[%add3A_395], %gather3A_391 : memref<16384xf32, #tpu.memory_space<vmem>>[vector<16xi32>], vector<16xf32>,
          %add3A_396 = vector.broadcast %mul3A_194 : i32 to vector<16xi32>
          %add3A_397 = arith.addi %and3A_159, %add3A_396 : vector<16xi32>
          %gather3A_398 = tpu.vector_load_idx %arg5[%add3A_311, %add3A_397] : memref<32x512xf32, #tpu.memory_space<vmem>>[vector<16xi32>, vector<16xi32>], vector<16xf32>,
          %mul3A_399 = arith.constant 32 : i32
          %mul3A_400 = vector.broadcast %mul3A_399 : i32 to vector<16xi32>
          %mul3A_401 = arith.muli %add3A_397, %mul3A_400 : vector<16xi32>
          %add3A_402 = arith.addi %mul3A_401, %add3A_311 : vector<16xi32>
          tpu.vector_store_idx %arg7[%add3A_402], %gather3A_398 : memref<16384xf32, #tpu.memory_space<vmem>>[vector<16xi32>], vector<16xf32>,
          %add3A_403 = vector.broadcast %mul3A_194 : i32 to vector<16xi32>
          %add3A_404 = arith.addi %and3A_165, %add3A_403 : vector<16xi32>
          %gather3A_405 = tpu.vector_load_idx %arg5[%add3A_311, %add3A_404] : memref<32x512xf32, #tpu.memory_space<vmem>>[vector<16xi32>, vector<16xi32>], vector<16xf32>,
          %mul3A_406 = arith.constant 32 : i32
          %mul3A_407 = vector.broadcast %mul3A_406 : i32 to vector<16xi32>
          %mul3A_408 = arith.muli %add3A_404, %mul3A_407 : vector<16xi32>
          %add3A_409 = arith.addi %mul3A_408, %add3A_311 : vector<16xi32>
          tpu.vector_store_idx %arg7[%add3A_409], %gather3A_405 : memref<16384xf32, #tpu.memory_space<vmem>>[vector<16xi32>], vector<16xf32>,
          %add3A_410 = vector.broadcast %mul3A_194 : i32 to vector<16xi32>
          %add3A_411 = arith.addi %and3A_171, %add3A_410 : vector<16xi32>
          %gather3A_412 = tpu.vector_load_idx %arg5[%add3A_311, %add3A_411] : memref<32x512xf32, #tpu.memory_space<vmem>>[vector<16xi32>, vector<16xi32>], vector<16xf32>,
          %mul3A_413 = arith.constant 32 : i32
          %mul3A_414 = vector.broadcast %mul3A_413 : i32 to vector<16xi32>
          %mul3A_415 = arith.muli %add3A_411, %mul3A_414 : vector<16xi32>
          %add3A_416 = arith.addi %mul3A_415, %add3A_311 : vector<16xi32>
          tpu.vector_store_idx %arg7[%add3A_416], %gather3A_412 : memref<16384xf32, #tpu.memory_space<vmem>>[vector<16xi32>], vector<16xf32>,
          %add3A_417 = vector.broadcast %mul3A_194 : i32 to vector<16xi32>
          %add3A_418 = arith.addi %and3A_177, %add3A_417 : vector<16xi32>
          %gather3A_419 = tpu.vector_load_idx %arg5[%add3A_311, %add3A_418] : memref<32x512xf32, #tpu.memory_space<vmem>>[vector<16xi32>, vector<16xi32>], vector<16xf32>,
          %mul3A_420 = arith.constant 32 : i32
          %mul3A_421 = vector.broadcast %mul3A_420 : i32 to vector<16xi32>
          %mul3A_422 = arith.muli %add3A_418, %mul3A_421 : vector<16xi32>
          %add3A_423 = arith.addi %mul3A_422, %add3A_311 : vector<16xi32>
          tpu.vector_store_idx %arg7[%add3A_423], %gather3A_419 : memref<16384xf32, #tpu.memory_space<vmem>>[vector<16xi32>], vector<16xf32>,
        }
        %scan3A_183 = arith.constant 32 : i32
        %mul3A_184 = arith.constant 32 : i32
        %mul3A_185 = arith.muli %add3A_50, %mul3A_184 : i32
        %add3A_186 = arith.addi %add3A, %mul3A_185 : i32
        %mul3A_187 = arith.constant 512 : i32
        %mul3A_188 = arith.muli %add3A_186, %mul3A_187 : i32
        %mul3A_189 = arith.constant 32 : i32
        %mul3A_190 = arith.muli %mul3A_188, %mul3A_189 : i32
        %dma_start3A = tpu.memref_slice %arg3[%mul3A_190] : memref<32000000xf32, #tpu.memory_space<hbm>> -> memref<16384xf32, #tpu.memory_space<hbm>>
        %dma_start3A_191 = tpu.memref_slice %arg3[%mul3A_190] : memref<32000000xf32, #tpu.memory_space<hbm>> -> memref<16384xf32, #tpu.memory_space<hbm>>
        tpu.enqueue_dma source(%arg7 : memref<16384xf32, #tpu.memory_space<vmem>>) target(%dma_start3A_191 : memref<16384xf32, #tpu.memory_space<hbm>>) target_semaphore(%arg17 : memref<!tpu.dma_semaphore, #tpu.memory_space<semaphore_mem>>)
      } else {
      }
    }
    %scan3A_12 = arith.constant 31 : i32
    %dma_wait3A = arith.constant 0 : i32
    %dma_wait3A_13 = tpu.memref_slice %arg3[%dma_wait3A] : memref<32000000xf32, #tpu.memory_space<hbm>> -> memref<16384xf32, #tpu.memory_space<hbm>>
    %dma_wait3A_14 = arith.constant 0 : i32
    %dma_wait3A_15 = tpu.memref_slice %arg3[%dma_wait3A_14] : memref<32000000xf32, #tpu.memory_space<hbm>> -> memref<16384xf32, #tpu.memory_space<hbm>>
    tpu.wait_dma2 semaphore(%arg16 : memref<!tpu.dma_semaphore, #tpu.memory_space<semaphore_mem>>) src(%arg6 : memref<16384xf32, #tpu.memory_space<vmem>>) dst(%dma_wait3A_15 : memref<16384xf32, #tpu.memory_space<hbm>>)
    %dma_wait3A_16 = arith.constant 0 : i32
    %dma_wait3A_17 = tpu.memref_slice %arg3[%dma_wait3A_16] : memref<32000000xf32, #tpu.memory_space<hbm>> -> memref<16384xf32, #tpu.memory_space<hbm>>
    %dma_wait3A_18 = arith.constant 0 : i32
    %dma_wait3A_19 = tpu.memref_slice %arg3[%dma_wait3A_18] : memref<32000000xf32, #tpu.memory_space<hbm>> -> memref<16384xf32, #tpu.memory_space<hbm>>
    tpu.wait_dma2 semaphore(%arg17 : memref<!tpu.dma_semaphore, #tpu.memory_space<semaphore_mem>>) src(%arg7 : memref<16384xf32, #tpu.memory_space<vmem>>) dst(%dma_wait3A_19 : memref<16384xf32, #tpu.memory_space<hbm>>)
    %eq3A = arith.constant 31 : i32
    %eq3A_20 = arith.cmpi eq, %add3A, %eq3A : i32
    %convert_element_type3A_21 = arith.extui %eq3A_20 : i1 to i32
    %cond3A_22 = arith.constant 0 : i32
    %cond3A_23 = arith.cmpi ne, %convert_element_type3A_21, %cond3A_22 : i32
    scf.if %cond3A_23 {
      "tpu.region"() ({
        %run_scoped3A = tpu.sem_alloc : memref<!tpu.dma_semaphore, #tpu.memory_space<semaphore_mem>>
        %dma_start3A = arith.constant 0 : i32
        %dma_start3A_126 = arith.constant 999936 : i32
        %dma_start3A_127 = tpu.memref_slice %arg2[%dma_start3A, %dma_start3A_126] : memref<32x1000000xf32, #tpu.memory_space<hbm>> -> memref<32x64xf32, #tpu.memory_space<hbm>>
        %dma_start3A_128 = arith.constant 0 : i32
        %dma_start3A_129 = arith.constant 999936 : i32
        %dma_start3A_130 = tpu.memref_slice %arg2[%dma_start3A_128, %dma_start3A_129] : memref<32x1000000xf32, #tpu.memory_space<hbm>> -> memref<32x64xf32, #tpu.memory_space<hbm>>
        tpu.enqueue_dma source(%dma_start3A_130 : memref<32x64xf32, #tpu.memory_space<hbm>>) target(%arg8 : memref<32x64xf32, #tpu.memory_space<vmem>>) target_semaphore(%run_scoped3A : memref<!tpu.dma_semaphore, #tpu.memory_space<semaphore_mem>>)
        %dma_wait3A_131 = arith.constant 0 : i32
        %dma_wait3A_132 = arith.constant 999936 : i32
        %dma_wait3A_133 = tpu.memref_slice %arg2[%dma_wait3A_131, %dma_wait3A_132] : memref<32x1000000xf32, #tpu.memory_space<hbm>> -> memref<32x64xf32, #tpu.memory_space<hbm>>
        %dma_wait3A_134 = arith.constant 0 : i32
        %dma_wait3A_135 = arith.constant 999936 : i32
        %dma_wait3A_136 = tpu.memref_slice %arg2[%dma_wait3A_134, %dma_wait3A_135] : memref<32x1000000xf32, #tpu.memory_space<hbm>> -> memref<32x64xf32, #tpu.memory_space<hbm>>
        tpu.wait_dma2 semaphore(%run_scoped3A : memref<!tpu.dma_semaphore, #tpu.memory_space<semaphore_mem>>) src(%dma_wait3A_136 : memref<32x64xf32, #tpu.memory_space<hbm>>) dst(%arg8 : memref<32x64xf32, #tpu.memory_space<vmem>>)
        tpu.yield
      }) : () -> ()
      %iota3A_24 = tpu.iota {dimensions = array<i32: 0>} : vector<16xi32>
      %add3A_25 = arith.constant 0 : i32
      %add3A_26 = vector.broadcast %add3A_25 : i32 to vector<16xi32>
      %add3A_27 = arith.addi %iota3A_24, %add3A_26 : vector<16xi32>
      %and3A = arith.constant 15 : i32
      %and3A_28 = vector.broadcast %and3A : i32 to vector<16xi32>
      %and3A_29 = arith.andi %add3A_27, %and3A_28 : vector<16xi32>
      %add3A_30 = arith.constant 1 : i32
      %add3A_31 = vector.broadcast %add3A_30 : i32 to vector<16xi32>
      %add3A_32 = arith.addi %iota3A_24, %add3A_31 : vector<16xi32>
      %and3A_33 = arith.constant 15 : i32
      %and3A_34 = vector.broadcast %and3A_33 : i32 to vector<16xi32>
      %and3A_35 = arith.andi %add3A_32, %and3A_34 : vector<16xi32>
      %add3A_36 = arith.constant 2 : i32
      %add3A_37 = vector.broadcast %add3A_36 : i32 to vector<16xi32>
      %add3A_38 = arith.addi %iota3A_24, %add3A_37 : vector<16xi32>
      %and3A_39 = arith.constant 15 : i32
      %and3A_40 = vector.broadcast %and3A_39 : i32 to vector<16xi32>
      %and3A_41 = arith.andi %add3A_38, %and3A_40 : vector<16xi32>
      %add3A_42 = arith.constant 3 : i32
      %add3A_43 = vector.broadcast %add3A_42 : i32 to vector<16xi32>
      %add3A_44 = arith.addi %iota3A_24, %add3A_43 : vector<16xi32>
      %and3A_45 = arith.constant 15 : i32
      %and3A_46 = vector.broadcast %and3A_45 : i32 to vector<16xi32>
      %and3A_47 = arith.andi %add3A_44, %and3A_46 : vector<16xi32>
      %add3A_48 = arith.constant 4 : i32
      %add3A_49 = vector.broadcast %add3A_48 : i32 to vector<16xi32>
      %add3A_50 = arith.addi %iota3A_24, %add3A_49 : vector<16xi32>
      %and3A_51 = arith.constant 15 : i32
      %and3A_52 = vector.broadcast %and3A_51 : i32 to vector<16xi32>
      %and3A_53 = arith.andi %add3A_50, %and3A_52 : vector<16xi32>
      %add3A_54 = arith.constant 5 : i32
      %add3A_55 = vector.broadcast %add3A_54 : i32 to vector<16xi32>
      %add3A_56 = arith.addi %iota3A_24, %add3A_55 : vector<16xi32>
      %and3A_57 = arith.constant 15 : i32
      %and3A_58 = vector.broadcast %and3A_57 : i32 to vector<16xi32>
      %and3A_59 = arith.andi %add3A_56, %and3A_58 : vector<16xi32>
      %add3A_60 = arith.constant 6 : i32
      %add3A_61 = vector.broadcast %add3A_60 : i32 to vector<16xi32>
      %add3A_62 = arith.addi %iota3A_24, %add3A_61 : vector<16xi32>
      %and3A_63 = arith.constant 15 : i32
      %and3A_64 = vector.broadcast %and3A_63 : i32 to vector<16xi32>
      %and3A_65 = arith.andi %add3A_62, %and3A_64 : vector<16xi32>
      %add3A_66 = arith.constant 7 : i32
      %add3A_67 = vector.broadcast %add3A_66 : i32 to vector<16xi32>
      %add3A_68 = arith.addi %iota3A_24, %add3A_67 : vector<16xi32>
      %and3A_69 = arith.constant 15 : i32
      %and3A_70 = vector.broadcast %and3A_69 : i32 to vector<16xi32>
      %and3A_71 = arith.andi %add3A_68, %and3A_70 : vector<16xi32>
      %add3A_72 = arith.constant 8 : i32
      %add3A_73 = vector.broadcast %add3A_72 : i32 to vector<16xi32>
      %add3A_74 = arith.addi %iota3A_24, %add3A_73 : vector<16xi32>
      %and3A_75 = arith.constant 15 : i32
      %and3A_76 = vector.broadcast %and3A_75 : i32 to vector<16xi32>
      %and3A_77 = arith.andi %add3A_74, %and3A_76 : vector<16xi32>
      %add3A_78 = arith.constant 9 : i32
      %add3A_79 = vector.broadcast %add3A_78 : i32 to vector<16xi32>
      %add3A_80 = arith.addi %iota3A_24, %add3A_79 : vector<16xi32>
      %and3A_81 = arith.constant 15 : i32
      %and3A_82 = vector.broadcast %and3A_81 : i32 to vector<16xi32>
      %and3A_83 = arith.andi %add3A_80, %and3A_82 : vector<16xi32>
      %add3A_84 = arith.constant 10 : i32
      %add3A_85 = vector.broadcast %add3A_84 : i32 to vector<16xi32>
      %add3A_86 = arith.addi %iota3A_24, %add3A_85 : vector<16xi32>
      %and3A_87 = arith.constant 15 : i32
      %and3A_88 = vector.broadcast %and3A_87 : i32 to vector<16xi32>
      %and3A_89 = arith.andi %add3A_86, %and3A_88 : vector<16xi32>
      %add3A_90 = arith.constant 11 : i32
      %add3A_91 = vector.broadcast %add3A_90 : i32 to vector<16xi32>
      %add3A_92 = arith.addi %iota3A_24, %add3A_91 : vector<16xi32>
      %and3A_93 = arith.constant 15 : i32
      %and3A_94 = vector.broadcast %and3A_93 : i32 to vector<16xi32>
      %and3A_95 = arith.andi %add3A_92, %and3A_94 : vector<16xi32>
      %add3A_96 = arith.constant 12 : i32
      %add3A_97 = vector.broadcast %add3A_96 : i32 to vector<16xi32>
      %add3A_98 = arith.addi %iota3A_24, %add3A_97 : vector<16xi32>
      %and3A_99 = arith.constant 15 : i32
      %and3A_100 = vector.broadcast %and3A_99 : i32 to vector<16xi32>
      %and3A_101 = arith.andi %add3A_98, %and3A_100 : vector<16xi32>
      %add3A_102 = arith.constant 13 : i32
      %add3A_103 = vector.broadcast %add3A_102 : i32 to vector<16xi32>
      %add3A_104 = arith.addi %iota3A_24, %add3A_103 : vector<16xi32>
      %and3A_105 = arith.constant 15 : i32
      %and3A_106 = vector.broadcast %and3A_105 : i32 to vector<16xi32>
      %and3A_107 = arith.andi %add3A_104, %and3A_106 : vector<16xi32>
      %add3A_108 = arith.constant 14 : i32
      %add3A_109 = vector.broadcast %add3A_108 : i32 to vector<16xi32>
      %add3A_110 = arith.addi %iota3A_24, %add3A_109 : vector<16xi32>
      %and3A_111 = arith.constant 15 : i32
      %and3A_112 = vector.broadcast %and3A_111 : i32 to vector<16xi32>
      %and3A_113 = arith.andi %add3A_110, %and3A_112 : vector<16xi32>
      %add3A_114 = arith.constant 15 : i32
      %add3A_115 = vector.broadcast %add3A_114 : i32 to vector<16xi32>
      %add3A_116 = arith.addi %iota3A_24, %add3A_115 : vector<16xi32>
      %and3A_117 = arith.constant 15 : i32
      %and3A_118 = vector.broadcast %and3A_117 : i32 to vector<16xi32>
      %and3A_119 = arith.andi %add3A_116, %and3A_118 : vector<16xi32>
      %scan3A_120 = arith.constant 0 : i32
      %scan3A_121 = arith.constant 0 : i32
      %scan3A_122 = arith.constant 4 : i32
      %scan3A_123 = arith.addi %scan3A_121, %scan3A_122 : i32
      %scan3A_124 = arith.constant 1 : i32
      scf.for %scan3A_126 = %scan3A_121 to %scan3A_123 step %scan3A_124  : i32 {
        %mul3A_127 = arith.constant 16 : i32
        %mul3A_128 = arith.muli %scan3A_126, %mul3A_127 : i32
        %add3A_129 = arith.constant 0 : i32
        %add3A_130 = vector.broadcast %add3A_129 : i32 to vector<16xi32>
        %add3A_131 = arith.addi %iota3A_24, %add3A_130 : vector<16xi32>
        %add3A_132 = vector.broadcast %mul3A_128 : i32 to vector<16xi32>
        %add3A_133 = arith.addi %and3A_29, %add3A_132 : vector<16xi32>
        %gather3A = tpu.vector_load_idx %arg8[%add3A_131, %add3A_133] : memref<32x64xf32, #tpu.memory_space<vmem>>[vector<16xi32>, vector<16xi32>], vector<16xf32>,
        %mul3A_134 = arith.constant 32 : i32
        %mul3A_135 = vector.broadcast %mul3A_134 : i32 to vector<16xi32>
        %mul3A_136 = arith.muli %add3A_133, %mul3A_135 : vector<16xi32>
        %add3A_137 = arith.addi %mul3A_136, %add3A_131 : vector<16xi32>
        tpu.vector_store_idx %arg9[%add3A_137], %gather3A : memref<2048xf32, #tpu.memory_space<vmem>>[vector<16xi32>], vector<16xf32>,
        %add3A_138 = vector.broadcast %mul3A_128 : i32 to vector<16xi32>
        %add3A_139 = arith.addi %and3A_35, %add3A_138 : vector<16xi32>
        %gather3A_140 = tpu.vector_load_idx %arg8[%add3A_131, %add3A_139] : memref<32x64xf32, #tpu.memory_space<vmem>>[vector<16xi32>, vector<16xi32>], vector<16xf32>,
        %mul3A_141 = arith.constant 32 : i32
        %mul3A_142 = vector.broadcast %mul3A_141 : i32 to vector<16xi32>
        %mul3A_143 = arith.muli %add3A_139, %mul3A_142 : vector<16xi32>
        %add3A_144 = arith.addi %mul3A_143, %add3A_131 : vector<16xi32>
        tpu.vector_store_idx %arg9[%add3A_144], %gather3A_140 : memref<2048xf32, #tpu.memory_space<vmem>>[vector<16xi32>], vector<16xf32>,
        %add3A_145 = vector.broadcast %mul3A_128 : i32 to vector<16xi32>
        %add3A_146 = arith.addi %and3A_41, %add3A_145 : vector<16xi32>
        %gather3A_147 = tpu.vector_load_idx %arg8[%add3A_131, %add3A_146] : memref<32x64xf32, #tpu.memory_space<vmem>>[vector<16xi32>, vector<16xi32>], vector<16xf32>,
        %mul3A_148 = arith.constant 32 : i32
        %mul3A_149 = vector.broadcast %mul3A_148 : i32 to vector<16xi32>
        %mul3A_150 = arith.muli %add3A_146, %mul3A_149 : vector<16xi32>
        %add3A_151 = arith.addi %mul3A_150, %add3A_131 : vector<16xi32>
        tpu.vector_store_idx %arg9[%add3A_151], %gather3A_147 : memref<2048xf32, #tpu.memory_space<vmem>>[vector<16xi32>], vector<16xf32>,
        %add3A_152 = vector.broadcast %mul3A_128 : i32 to vector<16xi32>
        %add3A_153 = arith.addi %and3A_47, %add3A_152 : vector<16xi32>
        %gather3A_154 = tpu.vector_load_idx %arg8[%add3A_131, %add3A_153] : memref<32x64xf32, #tpu.memory_space<vmem>>[vector<16xi32>, vector<16xi32>], vector<16xf32>,
        %mul3A_155 = arith.constant 32 : i32
        %mul3A_156 = vector.broadcast %mul3A_155 : i32 to vector<16xi32>
        %mul3A_157 = arith.muli %add3A_153, %mul3A_156 : vector<16xi32>
        %add3A_158 = arith.addi %mul3A_157, %add3A_131 : vector<16xi32>
        tpu.vector_store_idx %arg9[%add3A_158], %gather3A_154 : memref<2048xf32, #tpu.memory_space<vmem>>[vector<16xi32>], vector<16xf32>,
        %add3A_159 = vector.broadcast %mul3A_128 : i32 to vector<16xi32>
        %add3A_160 = arith.addi %and3A_53, %add3A_159 : vector<16xi32>
        %gather3A_161 = tpu.vector_load_idx %arg8[%add3A_131, %add3A_160] : memref<32x64xf32, #tpu.memory_space<vmem>>[vector<16xi32>, vector<16xi32>], vector<16xf32>,
        %mul3A_162 = arith.constant 32 : i32
        %mul3A_163 = vector.broadcast %mul3A_162 : i32 to vector<16xi32>
        %mul3A_164 = arith.muli %add3A_160, %mul3A_163 : vector<16xi32>
        %add3A_165 = arith.addi %mul3A_164, %add3A_131 : vector<16xi32>
        tpu.vector_store_idx %arg9[%add3A_165], %gather3A_161 : memref<2048xf32, #tpu.memory_space<vmem>>[vector<16xi32>], vector<16xf32>,
        %add3A_166 = vector.broadcast %mul3A_128 : i32 to vector<16xi32>
        %add3A_167 = arith.addi %and3A_59, %add3A_166 : vector<16xi32>
        %gather3A_168 = tpu.vector_load_idx %arg8[%add3A_131, %add3A_167] : memref<32x64xf32, #tpu.memory_space<vmem>>[vector<16xi32>, vector<16xi32>], vector<16xf32>,
        %mul3A_169 = arith.constant 32 : i32
        %mul3A_170 = vector.broadcast %mul3A_169 : i32 to vector<16xi32>
        %mul3A_171 = arith.muli %add3A_167, %mul3A_170 : vector<16xi32>
        %add3A_172 = arith.addi %mul3A_171, %add3A_131 : vector<16xi32>
        tpu.vector_store_idx %arg9[%add3A_172], %gather3A_168 : memref<2048xf32, #tpu.memory_space<vmem>>[vector<16xi32>], vector<16xf32>,
        %add3A_173 = vector.broadcast %mul3A_128 : i32 to vector<16xi32>
        %add3A_174 = arith.addi %and3A_65, %add3A_173 : vector<16xi32>
        %gather3A_175 = tpu.vector_load_idx %arg8[%add3A_131, %add3A_174] : memref<32x64xf32, #tpu.memory_space<vmem>>[vector<16xi32>, vector<16xi32>], vector<16xf32>,
        %mul3A_176 = arith.constant 32 : i32
        %mul3A_177 = vector.broadcast %mul3A_176 : i32 to vector<16xi32>
        %mul3A_178 = arith.muli %add3A_174, %mul3A_177 : vector<16xi32>
        %add3A_179 = arith.addi %mul3A_178, %add3A_131 : vector<16xi32>
        tpu.vector_store_idx %arg9[%add3A_179], %gather3A_175 : memref<2048xf32, #tpu.memory_space<vmem>>[vector<16xi32>], vector<16xf32>,
        %add3A_180 = vector.broadcast %mul3A_128 : i32 to vector<16xi32>
        %add3A_181 = arith.addi %and3A_71, %add3A_180 : vector<16xi32>
        %gather3A_182 = tpu.vector_load_idx %arg8[%add3A_131, %add3A_181] : memref<32x64xf32, #tpu.memory_space<vmem>>[vector<16xi32>, vector<16xi32>], vector<16xf32>,
        %mul3A_183 = arith.constant 32 : i32
        %mul3A_184 = vector.broadcast %mul3A_183 : i32 to vector<16xi32>
        %mul3A_185 = arith.muli %add3A_181, %mul3A_184 : vector<16xi32>
        %add3A_186 = arith.addi %mul3A_185, %add3A_131 : vector<16xi32>
        tpu.vector_store_idx %arg9[%add3A_186], %gather3A_182 : memref<2048xf32, #tpu.memory_space<vmem>>[vector<16xi32>], vector<16xf32>,
        %add3A_187 = vector.broadcast %mul3A_128 : i32 to vector<16xi32>
        %add3A_188 = arith.addi %and3A_77, %add3A_187 : vector<16xi32>
        %gather3A_189 = tpu.vector_load_idx %arg8[%add3A_131, %add3A_188] : memref<32x64xf32, #tpu.memory_space<vmem>>[vector<16xi32>, vector<16xi32>], vector<16xf32>,
        %mul3A_190 = arith.constant 32 : i32
        %mul3A_191 = vector.broadcast %mul3A_190 : i32 to vector<16xi32>
        %mul3A_192 = arith.muli %add3A_188, %mul3A_191 : vector<16xi32>
        %add3A_193 = arith.addi %mul3A_192, %add3A_131 : vector<16xi32>
        tpu.vector_store_idx %arg9[%add3A_193], %gather3A_189 : memref<2048xf32, #tpu.memory_space<vmem>>[vector<16xi32>], vector<16xf32>,
        %add3A_194 = vector.broadcast %mul3A_128 : i32 to vector<16xi32>
        %add3A_195 = arith.addi %and3A_83, %add3A_194 : vector<16xi32>
        %gather3A_196 = tpu.vector_load_idx %arg8[%add3A_131, %add3A_195] : memref<32x64xf32, #tpu.memory_space<vmem>>[vector<16xi32>, vector<16xi32>], vector<16xf32>,
        %mul3A_197 = arith.constant 32 : i32
        %mul3A_198 = vector.broadcast %mul3A_197 : i32 to vector<16xi32>
        %mul3A_199 = arith.muli %add3A_195, %mul3A_198 : vector<16xi32>
        %add3A_200 = arith.addi %mul3A_199, %add3A_131 : vector<16xi32>
        tpu.vector_store_idx %arg9[%add3A_200], %gather3A_196 : memref<2048xf32, #tpu.memory_space<vmem>>[vector<16xi32>], vector<16xf32>,
        %add3A_201 = vector.broadcast %mul3A_128 : i32 to vector<16xi32>
        %add3A_202 = arith.addi %and3A_89, %add3A_201 : vector<16xi32>
        %gather3A_203 = tpu.vector_load_idx %arg8[%add3A_131, %add3A_202] : memref<32x64xf32, #tpu.memory_space<vmem>>[vector<16xi32>, vector<16xi32>], vector<16xf32>,
        %mul3A_204 = arith.constant 32 : i32
        %mul3A_205 = vector.broadcast %mul3A_204 : i32 to vector<16xi32>
        %mul3A_206 = arith.muli %add3A_202, %mul3A_205 : vector<16xi32>
        %add3A_207 = arith.addi %mul3A_206, %add3A_131 : vector<16xi32>
        tpu.vector_store_idx %arg9[%add3A_207], %gather3A_203 : memref<2048xf32, #tpu.memory_space<vmem>>[vector<16xi32>], vector<16xf32>,
        %add3A_208 = vector.broadcast %mul3A_128 : i32 to vector<16xi32>
        %add3A_209 = arith.addi %and3A_95, %add3A_208 : vector<16xi32>
        %gather3A_210 = tpu.vector_load_idx %arg8[%add3A_131, %add3A_209] : memref<32x64xf32, #tpu.memory_space<vmem>>[vector<16xi32>, vector<16xi32>], vector<16xf32>,
        %mul3A_211 = arith.constant 32 : i32
        %mul3A_212 = vector.broadcast %mul3A_211 : i32 to vector<16xi32>
        %mul3A_213 = arith.muli %add3A_209, %mul3A_212 : vector<16xi32>
        %add3A_214 = arith.addi %mul3A_213, %add3A_131 : vector<16xi32>
        tpu.vector_store_idx %arg9[%add3A_214], %gather3A_210 : memref<2048xf32, #tpu.memory_space<vmem>>[vector<16xi32>], vector<16xf32>,
        %add3A_215 = vector.broadcast %mul3A_128 : i32 to vector<16xi32>
        %add3A_216 = arith.addi %and3A_101, %add3A_215 : vector<16xi32>
        %gather3A_217 = tpu.vector_load_idx %arg8[%add3A_131, %add3A_216] : memref<32x64xf32, #tpu.memory_space<vmem>>[vector<16xi32>, vector<16xi32>], vector<16xf32>,
        %mul3A_218 = arith.constant 32 : i32
        %mul3A_219 = vector.broadcast %mul3A_218 : i32 to vector<16xi32>
        %mul3A_220 = arith.muli %add3A_216, %mul3A_219 : vector<16xi32>
        %add3A_221 = arith.addi %mul3A_220, %add3A_131 : vector<16xi32>
        tpu.vector_store_idx %arg9[%add3A_221], %gather3A_217 : memref<2048xf32, #tpu.memory_space<vmem>>[vector<16xi32>], vector<16xf32>,
        %add3A_222 = vector.broadcast %mul3A_128 : i32 to vector<16xi32>
        %add3A_223 = arith.addi %and3A_107, %add3A_222 : vector<16xi32>
        %gather3A_224 = tpu.vector_load_idx %arg8[%add3A_131, %add3A_223] : memref<32x64xf32, #tpu.memory_space<vmem>>[vector<16xi32>, vector<16xi32>], vector<16xf32>,
        %mul3A_225 = arith.constant 32 : i32
        %mul3A_226 = vector.broadcast %mul3A_225 : i32 to vector<16xi32>
        %mul3A_227 = arith.muli %add3A_223, %mul3A_226 : vector<16xi32>
        %add3A_228 = arith.addi %mul3A_227, %add3A_131 : vector<16xi32>
        tpu.vector_store_idx %arg9[%add3A_228], %gather3A_224 : memref<2048xf32, #tpu.memory_space<vmem>>[vector<16xi32>], vector<16xf32>,
        %add3A_229 = vector.broadcast %mul3A_128 : i32 to vector<16xi32>
        %add3A_230 = arith.addi %and3A_113, %add3A_229 : vector<16xi32>
        %gather3A_231 = tpu.vector_load_idx %arg8[%add3A_131, %add3A_230] : memref<32x64xf32, #tpu.memory_space<vmem>>[vector<16xi32>, vector<16xi32>], vector<16xf32>,
        %mul3A_232 = arith.constant 32 : i32
        %mul3A_233 = vector.broadcast %mul3A_232 : i32 to vector<16xi32>
        %mul3A_234 = arith.muli %add3A_230, %mul3A_233 : vector<16xi32>
        %add3A_235 = arith.addi %mul3A_234, %add3A_131 : vector<16xi32>
        tpu.vector_store_idx %arg9[%add3A_235], %gather3A_231 : memref<2048xf32, #tpu.memory_space<vmem>>[vector<16xi32>], vector<16xf32>,
        %add3A_236 = vector.broadcast %mul3A_128 : i32 to vector<16xi32>
        %add3A_237 = arith.addi %and3A_119, %add3A_236 : vector<16xi32>
        %gather3A_238 = tpu.vector_load_idx %arg8[%add3A_131, %add3A_237] : memref<32x64xf32, #tpu.memory_space<vmem>>[vector<16xi32>, vector<16xi32>], vector<16xf32>,
        %mul3A_239 = arith.constant 32 : i32
        %mul3A_240 = vector.broadcast %mul3A_239 : i32 to vector<16xi32>
        %mul3A_241 = arith.muli %add3A_237, %mul3A_240 : vector<16xi32>
        %add3A_242 = arith.addi %mul3A_241, %add3A_131 : vector<16xi32>
        tpu.vector_store_idx %arg9[%add3A_242], %gather3A_238 : memref<2048xf32, #tpu.memory_space<vmem>>[vector<16xi32>], vector<16xf32>,
        %add3A_243 = arith.constant 16 : i32
        %add3A_244 = vector.broadcast %add3A_243 : i32 to vector<16xi32>
        %add3A_245 = arith.addi %iota3A_24, %add3A_244 : vector<16xi32>
        %add3A_246 = vector.broadcast %mul3A_128 : i32 to vector<16xi32>
        %add3A_247 = arith.addi %and3A_29, %add3A_246 : vector<16xi32>
        %gather3A_248 = tpu.vector_load_idx %arg8[%add3A_245, %add3A_247] : memref<32x64xf32, #tpu.memory_space<vmem>>[vector<16xi32>, vector<16xi32>], vector<16xf32>,
        %mul3A_249 = arith.constant 32 : i32
        %mul3A_250 = vector.broadcast %mul3A_249 : i32 to vector<16xi32>
        %mul3A_251 = arith.muli %add3A_247, %mul3A_250 : vector<16xi32>
        %add3A_252 = arith.addi %mul3A_251, %add3A_245 : vector<16xi32>
        tpu.vector_store_idx %arg9[%add3A_252], %gather3A_248 : memref<2048xf32, #tpu.memory_space<vmem>>[vector<16xi32>], vector<16xf32>,
        %add3A_253 = vector.broadcast %mul3A_128 : i32 to vector<16xi32>
        %add3A_254 = arith.addi %and3A_35, %add3A_253 : vector<16xi32>
        %gather3A_255 = tpu.vector_load_idx %arg8[%add3A_245, %add3A_254] : memref<32x64xf32, #tpu.memory_space<vmem>>[vector<16xi32>, vector<16xi32>], vector<16xf32>,
        %mul3A_256 = arith.constant 32 : i32
        %mul3A_257 = vector.broadcast %mul3A_256 : i32 to vector<16xi32>
        %mul3A_258 = arith.muli %add3A_254, %mul3A_257 : vector<16xi32>
        %add3A_259 = arith.addi %mul3A_258, %add3A_245 : vector<16xi32>
        tpu.vector_store_idx %arg9[%add3A_259], %gather3A_255 : memref<2048xf32, #tpu.memory_space<vmem>>[vector<16xi32>], vector<16xf32>,
        %add3A_260 = vector.broadcast %mul3A_128 : i32 to vector<16xi32>
        %add3A_261 = arith.addi %and3A_41, %add3A_260 : vector<16xi32>
        %gather3A_262 = tpu.vector_load_idx %arg8[%add3A_245, %add3A_261] : memref<32x64xf32, #tpu.memory_space<vmem>>[vector<16xi32>, vector<16xi32>], vector<16xf32>,
        %mul3A_263 = arith.constant 32 : i32
        %mul3A_264 = vector.broadcast %mul3A_263 : i32 to vector<16xi32>
        %mul3A_265 = arith.muli %add3A_261, %mul3A_264 : vector<16xi32>
        %add3A_266 = arith.addi %mul3A_265, %add3A_245 : vector<16xi32>
        tpu.vector_store_idx %arg9[%add3A_266], %gather3A_262 : memref<2048xf32, #tpu.memory_space<vmem>>[vector<16xi32>], vector<16xf32>,
        %add3A_267 = vector.broadcast %mul3A_128 : i32 to vector<16xi32>
        %add3A_268 = arith.addi %and3A_47, %add3A_267 : vector<16xi32>
        %gather3A_269 = tpu.vector_load_idx %arg8[%add3A_245, %add3A_268] : memref<32x64xf32, #tpu.memory_space<vmem>>[vector<16xi32>, vector<16xi32>], vector<16xf32>,
        %mul3A_270 = arith.constant 32 : i32
        %mul3A_271 = vector.broadcast %mul3A_270 : i32 to vector<16xi32>
        %mul3A_272 = arith.muli %add3A_268, %mul3A_271 : vector<16xi32>
        %add3A_273 = arith.addi %mul3A_272, %add3A_245 : vector<16xi32>
        tpu.vector_store_idx %arg9[%add3A_273], %gather3A_269 : memref<2048xf32, #tpu.memory_space<vmem>>[vector<16xi32>], vector<16xf32>,
        %add3A_274 = vector.broadcast %mul3A_128 : i32 to vector<16xi32>
        %add3A_275 = arith.addi %and3A_53, %add3A_274 : vector<16xi32>
        %gather3A_276 = tpu.vector_load_idx %arg8[%add3A_245, %add3A_275] : memref<32x64xf32, #tpu.memory_space<vmem>>[vector<16xi32>, vector<16xi32>], vector<16xf32>,
        %mul3A_277 = arith.constant 32 : i32
        %mul3A_278 = vector.broadcast %mul3A_277 : i32 to vector<16xi32>
        %mul3A_279 = arith.muli %add3A_275, %mul3A_278 : vector<16xi32>
        %add3A_280 = arith.addi %mul3A_279, %add3A_245 : vector<16xi32>
        tpu.vector_store_idx %arg9[%add3A_280], %gather3A_276 : memref<2048xf32, #tpu.memory_space<vmem>>[vector<16xi32>], vector<16xf32>,
        %add3A_281 = vector.broadcast %mul3A_128 : i32 to vector<16xi32>
        %add3A_282 = arith.addi %and3A_59, %add3A_281 : vector<16xi32>
        %gather3A_283 = tpu.vector_load_idx %arg8[%add3A_245, %add3A_282] : memref<32x64xf32, #tpu.memory_space<vmem>>[vector<16xi32>, vector<16xi32>], vector<16xf32>,
        %mul3A_284 = arith.constant 32 : i32
        %mul3A_285 = vector.broadcast %mul3A_284 : i32 to vector<16xi32>
        %mul3A_286 = arith.muli %add3A_282, %mul3A_285 : vector<16xi32>
        %add3A_287 = arith.addi %mul3A_286, %add3A_245 : vector<16xi32>
        tpu.vector_store_idx %arg9[%add3A_287], %gather3A_283 : memref<2048xf32, #tpu.memory_space<vmem>>[vector<16xi32>], vector<16xf32>,
        %add3A_288 = vector.broadcast %mul3A_128 : i32 to vector<16xi32>
        %add3A_289 = arith.addi %and3A_65, %add3A_288 : vector<16xi32>
        %gather3A_290 = tpu.vector_load_idx %arg8[%add3A_245, %add3A_289] : memref<32x64xf32, #tpu.memory_space<vmem>>[vector<16xi32>, vector<16xi32>], vector<16xf32>,
        %mul3A_291 = arith.constant 32 : i32
        %mul3A_292 = vector.broadcast %mul3A_291 : i32 to vector<16xi32>
        %mul3A_293 = arith.muli %add3A_289, %mul3A_292 : vector<16xi32>
        %add3A_294 = arith.addi %mul3A_293, %add3A_245 : vector<16xi32>
        tpu.vector_store_idx %arg9[%add3A_294], %gather3A_290 : memref<2048xf32, #tpu.memory_space<vmem>>[vector<16xi32>], vector<16xf32>,
        %add3A_295 = vector.broadcast %mul3A_128 : i32 to vector<16xi32>
        %add3A_296 = arith.addi %and3A_71, %add3A_295 : vector<16xi32>
        %gather3A_297 = tpu.vector_load_idx %arg8[%add3A_245, %add3A_296] : memref<32x64xf32, #tpu.memory_space<vmem>>[vector<16xi32>, vector<16xi32>], vector<16xf32>,
        %mul3A_298 = arith.constant 32 : i32
        %mul3A_299 = vector.broadcast %mul3A_298 : i32 to vector<16xi32>
        %mul3A_300 = arith.muli %add3A_296, %mul3A_299 : vector<16xi32>
        %add3A_301 = arith.addi %mul3A_300, %add3A_245 : vector<16xi32>
        tpu.vector_store_idx %arg9[%add3A_301], %gather3A_297 : memref<2048xf32, #tpu.memory_space<vmem>>[vector<16xi32>], vector<16xf32>,
        %add3A_302 = vector.broadcast %mul3A_128 : i32 to vector<16xi32>
        %add3A_303 = arith.addi %and3A_77, %add3A_302 : vector<16xi32>
        %gather3A_304 = tpu.vector_load_idx %arg8[%add3A_245, %add3A_303] : memref<32x64xf32, #tpu.memory_space<vmem>>[vector<16xi32>, vector<16xi32>], vector<16xf32>,
        %mul3A_305 = arith.constant 32 : i32
        %mul3A_306 = vector.broadcast %mul3A_305 : i32 to vector<16xi32>
        %mul3A_307 = arith.muli %add3A_303, %mul3A_306 : vector<16xi32>
        %add3A_308 = arith.addi %mul3A_307, %add3A_245 : vector<16xi32>
        tpu.vector_store_idx %arg9[%add3A_308], %gather3A_304 : memref<2048xf32, #tpu.memory_space<vmem>>[vector<16xi32>], vector<16xf32>,
        %add3A_309 = vector.broadcast %mul3A_128 : i32 to vector<16xi32>
        %add3A_310 = arith.addi %and3A_83, %add3A_309 : vector<16xi32>
        %gather3A_311 = tpu.vector_load_idx %arg8[%add3A_245, %add3A_310] : memref<32x64xf32, #tpu.memory_space<vmem>>[vector<16xi32>, vector<16xi32>], vector<16xf32>,
        %mul3A_312 = arith.constant 32 : i32
        %mul3A_313 = vector.broadcast %mul3A_312 : i32 to vector<16xi32>
        %mul3A_314 = arith.muli %add3A_310, %mul3A_313 : vector<16xi32>
        %add3A_315 = arith.addi %mul3A_314, %add3A_245 : vector<16xi32>
        tpu.vector_store_idx %arg9[%add3A_315], %gather3A_311 : memref<2048xf32, #tpu.memory_space<vmem>>[vector<16xi32>], vector<16xf32>,
        %add3A_316 = vector.broadcast %mul3A_128 : i32 to vector<16xi32>
        %add3A_317 = arith.addi %and3A_89, %add3A_316 : vector<16xi32>
        %gather3A_318 = tpu.vector_load_idx %arg8[%add3A_245, %add3A_317] : memref<32x64xf32, #tpu.memory_space<vmem>>[vector<16xi32>, vector<16xi32>], vector<16xf32>,
        %mul3A_319 = arith.constant 32 : i32
        %mul3A_320 = vector.broadcast %mul3A_319 : i32 to vector<16xi32>
        %mul3A_321 = arith.muli %add3A_317, %mul3A_320 : vector<16xi32>
        %add3A_322 = arith.addi %mul3A_321, %add3A_245 : vector<16xi32>
        tpu.vector_store_idx %arg9[%add3A_322], %gather3A_318 : memref<2048xf32, #tpu.memory_space<vmem>>[vector<16xi32>], vector<16xf32>,
        %add3A_323 = vector.broadcast %mul3A_128 : i32 to vector<16xi32>
        %add3A_324 = arith.addi %and3A_95, %add3A_323 : vector<16xi32>
        %gather3A_325 = tpu.vector_load_idx %arg8[%add3A_245, %add3A_324] : memref<32x64xf32, #tpu.memory_space<vmem>>[vector<16xi32>, vector<16xi32>], vector<16xf32>,
        %mul3A_326 = arith.constant 32 : i32
        %mul3A_327 = vector.broadcast %mul3A_326 : i32 to vector<16xi32>
        %mul3A_328 = arith.muli %add3A_324, %mul3A_327 : vector<16xi32>
        %add3A_329 = arith.addi %mul3A_328, %add3A_245 : vector<16xi32>
        tpu.vector_store_idx %arg9[%add3A_329], %gather3A_325 : memref<2048xf32, #tpu.memory_space<vmem>>[vector<16xi32>], vector<16xf32>,
        %add3A_330 = vector.broadcast %mul3A_128 : i32 to vector<16xi32>
        %add3A_331 = arith.addi %and3A_101, %add3A_330 : vector<16xi32>
        %gather3A_332 = tpu.vector_load_idx %arg8[%add3A_245, %add3A_331] : memref<32x64xf32, #tpu.memory_space<vmem>>[vector<16xi32>, vector<16xi32>], vector<16xf32>,
        %mul3A_333 = arith.constant 32 : i32
        %mul3A_334 = vector.broadcast %mul3A_333 : i32 to vector<16xi32>
        %mul3A_335 = arith.muli %add3A_331, %mul3A_334 : vector<16xi32>
        %add3A_336 = arith.addi %mul3A_335, %add3A_245 : vector<16xi32>
        tpu.vector_store_idx %arg9[%add3A_336], %gather3A_332 : memref<2048xf32, #tpu.memory_space<vmem>>[vector<16xi32>], vector<16xf32>,
        %add3A_337 = vector.broadcast %mul3A_128 : i32 to vector<16xi32>
        %add3A_338 = arith.addi %and3A_107, %add3A_337 : vector<16xi32>
        %gather3A_339 = tpu.vector_load_idx %arg8[%add3A_245, %add3A_338] : memref<32x64xf32, #tpu.memory_space<vmem>>[vector<16xi32>, vector<16xi32>], vector<16xf32>,
        %mul3A_340 = arith.constant 32 : i32
        %mul3A_341 = vector.broadcast %mul3A_340 : i32 to vector<16xi32>
        %mul3A_342 = arith.muli %add3A_338, %mul3A_341 : vector<16xi32>
        %add3A_343 = arith.addi %mul3A_342, %add3A_245 : vector<16xi32>
        tpu.vector_store_idx %arg9[%add3A_343], %gather3A_339 : memref<2048xf32, #tpu.memory_space<vmem>>[vector<16xi32>], vector<16xf32>,
        %add3A_344 = vector.broadcast %mul3A_128 : i32 to vector<16xi32>
        %add3A_345 = arith.addi %and3A_113, %add3A_344 : vector<16xi32>
        %gather3A_346 = tpu.vector_load_idx %arg8[%add3A_245, %add3A_345] : memref<32x64xf32, #tpu.memory_space<vmem>>[vector<16xi32>, vector<16xi32>], vector<16xf32>,
        %mul3A_347 = arith.constant 32 : i32
        %mul3A_348 = vector.broadcast %mul3A_347 : i32 to vector<16xi32>
        %mul3A_349 = arith.muli %add3A_345, %mul3A_348 : vector<16xi32>
        %add3A_350 = arith.addi %mul3A_349, %add3A_245 : vector<16xi32>
        tpu.vector_store_idx %arg9[%add3A_350], %gather3A_346 : memref<2048xf32, #tpu.memory_space<vmem>>[vector<16xi32>], vector<16xf32>,
        %add3A_351 = vector.broadcast %mul3A_128 : i32 to vector<16xi32>
        %add3A_352 = arith.addi %and3A_119, %add3A_351 : vector<16xi32>
        %gather3A_353 = tpu.vector_load_idx %arg8[%add3A_245, %add3A_352] : memref<32x64xf32, #tpu.memory_space<vmem>>[vector<16xi32>, vector<16xi32>], vector<16xf32>,
        %mul3A_354 = arith.constant 32 : i32
        %mul3A_355 = vector.broadcast %mul3A_354 : i32 to vector<16xi32>
        %mul3A_356 = arith.muli %add3A_352, %mul3A_355 : vector<16xi32>
        %add3A_357 = arith.addi %mul3A_356, %add3A_245 : vector<16xi32>
        tpu.vector_store_idx %arg9[%add3A_357], %gather3A_353 : memref<2048xf32, #tpu.memory_space<vmem>>[vector<16xi32>], vector<16xf32>,
      }
      %scan3A_125 = arith.constant 4 : i32
      "tpu.region"() ({
        %run_scoped3A = tpu.sem_alloc : memref<!tpu.dma_semaphore, #tpu.memory_space<semaphore_mem>>
        %dma_start3A = arith.constant 31997952 : i32
        %dma_start3A_126 = tpu.memref_slice %arg3[%dma_start3A] : memref<32000000xf32, #tpu.memory_space<hbm>> -> memref<2048xf32, #tpu.memory_space<hbm>>
        %dma_start3A_127 = arith.constant 31997952 : i32
        %dma_start3A_128 = tpu.memref_slice %arg3[%dma_start3A_127] : memref<32000000xf32, #tpu.memory_space<hbm>> -> memref<2048xf32, #tpu.memory_space<hbm>>
        tpu.enqueue_dma source(%arg9 : memref<2048xf32, #tpu.memory_space<vmem>>) target(%dma_start3A_128 : memref<2048xf32, #tpu.memory_space<hbm>>) target_semaphore(%run_scoped3A : memref<!tpu.dma_semaphore, #tpu.memory_space<semaphore_mem>>)
        %dma_wait3A_129 = arith.constant 31997952 : i32
        %dma_wait3A_130 = tpu.memref_slice %arg3[%dma_wait3A_129] : memref<32000000xf32, #tpu.memory_space<hbm>> -> memref<2048xf32, #tpu.memory_space<hbm>>
        %dma_wait3A_131 = arith.constant 31997952 : i32
        %dma_wait3A_132 = tpu.memref_slice %arg3[%dma_wait3A_131] : memref<32000000xf32, #tpu.memory_space<hbm>> -> memref<2048xf32, #tpu.memory_space<hbm>>
        tpu.wait_dma2 semaphore(%run_scoped3A : memref<!tpu.dma_semaphore, #tpu.memory_space<semaphore_mem>>) src(%arg9 : memref<2048xf32, #tpu.memory_space<vmem>>) dst(%dma_wait3A_132 : memref<2048xf32, #tpu.memory_space<hbm>>)
        tpu.yield
      }) : () -> ()
    } else {
    }
    return
  }
}

#map = affine_map<(d0, d1) -> (0)>
#map1 = affine_map<(d0, d1) -> (0, 0)>
module attributes {stable_mosaic.version = 14 : i64} {
  func.func @_gather_body(%arg0: i32, %arg1: i32, %arg2: memref<819200xi32, #tpu.memory_space<hbm>>, %arg3: memref<1000000x32xf32, #tpu.memory_space<hbm>>, %arg4: memref<16384x32xf32, #tpu.memory_space<hbm>>, %arg5: memref<1600xi32, #tpu.memory_space<vmem>>, %arg6: memref<1600xi32, #tpu.memory_space<vmem>>, %arg7: memref<1600x32xf32, #tpu.memory_space<vmem>>, %arg8: memref<1600x32xf32, #tpu.memory_space<vmem>>, %arg9: memref<32x32xf32, #tpu.memory_space<vmem>>, %arg10: memref<32x32xf32, #tpu.memory_space<vmem>>, %arg11: memref<!tpu.dma_semaphore, #tpu.memory_space<semaphore_mem>>, %arg12: memref<!tpu.dma_semaphore, #tpu.memory_space<semaphore_mem>>, %arg13: memref<!tpu.dma_semaphore, #tpu.memory_space<semaphore_mem>>, %arg14: memref<!tpu.dma_semaphore, #tpu.memory_space<semaphore_mem>>) attributes {dimension_semantics = [#tpu.dimension_semantics<core_parallel>, #tpu.dimension_semantics<subcore_parallel>], iteration_bounds = array<i64: 2, 16>, scalar_prefetch = 0 : i64, scratch_operands = 10 : i64, tpu.core_type = #tpu.core_type<sc_vector_subcore>, window_params = [{transform_indices = #map}, {transform_indices = #map1}, {transform_indices = #map1}]} {
    %mul3A = arith.constant 2 : i32
    %mul3A_0 = arith.muli %arg1, %mul3A : i32
    %add3A = arith.addi %mul3A_0, %arg0 : i32
    %mul3A_1 = arith.constant 512 : i32
    %mul3A_2 = arith.muli %add3A, %mul3A_1 : i32
    %add3A_3 = arith.constant 0 : i32
    %add3A_4 = arith.addi %mul3A_2, %add3A_3 : i32
    %mul3A_5 = arith.constant 50 : i32
    %mul3A_6 = arith.muli %add3A_4, %mul3A_5 : i32
    "tpu.region"() ({
      %run_scoped3A = tpu.sem_alloc : memref<!tpu.dma_semaphore, #tpu.memory_space<semaphore_mem>>
      %dma_start3A_22 = tpu.memref_slice %arg2[%mul3A_6] : memref<819200xi32, #tpu.memory_space<hbm>> -> memref<1600xi32, #tpu.memory_space<hbm>>
      %dma_start3A_23 = tpu.memref_slice %arg2[%mul3A_6] : memref<819200xi32, #tpu.memory_space<hbm>> -> memref<1600xi32, #tpu.memory_space<hbm>>
      tpu.enqueue_dma source(%dma_start3A_23 : memref<1600xi32, #tpu.memory_space<hbm>>) target(%arg5 : memref<1600xi32, #tpu.memory_space<vmem>>) target_semaphore(%run_scoped3A : memref<!tpu.dma_semaphore, #tpu.memory_space<semaphore_mem>>)
      %dma_wait3A_24 = tpu.memref_slice %arg2[%mul3A_6] : memref<819200xi32, #tpu.memory_space<hbm>> -> memref<1600xi32, #tpu.memory_space<hbm>>
      %dma_wait3A_25 = tpu.memref_slice %arg2[%mul3A_6] : memref<819200xi32, #tpu.memory_space<hbm>> -> memref<1600xi32, #tpu.memory_space<hbm>>
      tpu.wait_dma2 semaphore(%run_scoped3A : memref<!tpu.dma_semaphore, #tpu.memory_space<semaphore_mem>>) src(%dma_wait3A_25 : memref<1600xi32, #tpu.memory_space<hbm>>) dst(%arg5 : memref<1600xi32, #tpu.memory_space<vmem>>)
      tpu.yield
    }) : () -> ()
    %dma_start3A = arith.constant 0 : i32
    %dma_start3A_7 = arith.constant 0 : i32
    %dma_start3A_8 = tpu.memref_slice %arg3[%dma_start3A, %dma_start3A_7] : memref<1000000x32xf32, #tpu.memory_space<hbm>> -> memref<1000000x32xf32, #tpu.memory_space<hbm>>
    tpu.enqueue_indirect_dma source(%dma_start3A_8 : memref<1000000x32xf32, #tpu.memory_space<hbm>>) target(%arg7 : memref<1600x32xf32, #tpu.memory_space<vmem>>) offsets(%arg5 : memref<1600xi32, #tpu.memory_space<vmem>>) semaphore(%arg11 : memref<!tpu.dma_semaphore, #tpu.memory_space<semaphore_mem>>)
    %scan3A = arith.constant 0 : i32
    %scan3A_9 = arith.constant 2.000000e-02 : f32
    %scan3A_10 = arith.constant 0 : i32
    %scan3A_11 = arith.constant 8 : i32
    %scan3A_12 = arith.addi %scan3A_10, %scan3A_11 : i32
    %scan3A_13 = arith.constant 1 : i32
    scf.for %scan3A_22 = %scan3A_10 to %scan3A_12 step %scan3A_13  : i32 {
      %mul3A_23 = arith.constant 2 : i32
      %mul3A_24 = arith.muli %scan3A_22, %mul3A_23 : i32
      %add3A_25 = arith.constant 0 : i32
      %add3A_26 = arith.addi %mul3A_24, %add3A_25 : i32
      %add3A_27 = arith.constant 1 : i32
      %add3A_28 = arith.addi %add3A_26, %add3A_27 : i32
      %lt3A = arith.constant 16 : i32
      %lt3A_29 = arith.cmpi slt, %add3A_28, %lt3A : i32
      %convert_element_type3A = arith.extui %lt3A_29 : i1 to i32
      %cond3A = arith.constant 0 : i32
      %cond3A_30 = arith.cmpi ne, %convert_element_type3A, %cond3A : i32
      scf.if %cond3A_30 {
        %add3A_83 = arith.constant 1 : i32
        %add3A_84 = arith.addi %add3A_26, %add3A_83 : i32
        %mul3A_85 = arith.constant 32 : i32
        %mul3A_86 = arith.muli %add3A_84, %mul3A_85 : i32
        %add3A_87 = arith.addi %mul3A_2, %mul3A_86 : i32
        %mul3A_88 = arith.constant 50 : i32
        %mul3A_89 = arith.muli %add3A_87, %mul3A_88 : i32
        "tpu.region"() ({
          %run_scoped3A = tpu.sem_alloc : memref<!tpu.dma_semaphore, #tpu.memory_space<semaphore_mem>>
          %dma_start3A_93 = tpu.memref_slice %arg2[%mul3A_89] : memref<819200xi32, #tpu.memory_space<hbm>> -> memref<1600xi32, #tpu.memory_space<hbm>>
          %dma_start3A_94 = tpu.memref_slice %arg2[%mul3A_89] : memref<819200xi32, #tpu.memory_space<hbm>> -> memref<1600xi32, #tpu.memory_space<hbm>>
          tpu.enqueue_dma source(%dma_start3A_94 : memref<1600xi32, #tpu.memory_space<hbm>>) target(%arg6 : memref<1600xi32, #tpu.memory_space<vmem>>) target_semaphore(%run_scoped3A : memref<!tpu.dma_semaphore, #tpu.memory_space<semaphore_mem>>)
          %dma_wait3A_95 = tpu.memref_slice %arg2[%mul3A_89] : memref<819200xi32, #tpu.memory_space<hbm>> -> memref<1600xi32, #tpu.memory_space<hbm>>
          %dma_wait3A_96 = tpu.memref_slice %arg2[%mul3A_89] : memref<819200xi32, #tpu.memory_space<hbm>> -> memref<1600xi32, #tpu.memory_space<hbm>>
          tpu.wait_dma2 semaphore(%run_scoped3A : memref<!tpu.dma_semaphore, #tpu.memory_space<semaphore_mem>>) src(%dma_wait3A_96 : memref<1600xi32, #tpu.memory_space<hbm>>) dst(%arg6 : memref<1600xi32, #tpu.memory_space<vmem>>)
          tpu.yield
        }) : () -> ()
        %dma_start3A_90 = arith.constant 0 : i32
        %dma_start3A_91 = arith.constant 0 : i32
        %dma_start3A_92 = tpu.memref_slice %arg3[%dma_start3A_90, %dma_start3A_91] : memref<1000000x32xf32, #tpu.memory_space<hbm>> -> memref<1000000x32xf32, #tpu.memory_space<hbm>>
        tpu.enqueue_indirect_dma source(%dma_start3A_92 : memref<1000000x32xf32, #tpu.memory_space<hbm>>) target(%arg8 : memref<1600x32xf32, #tpu.memory_space<vmem>>) offsets(%arg6 : memref<1600xi32, #tpu.memory_space<vmem>>) semaphore(%arg12 : memref<!tpu.dma_semaphore, #tpu.memory_space<semaphore_mem>>)
      } else {
      }
      %ge3A = arith.constant 2 : i32
      %ge3A_31 = arith.cmpi sge, %add3A_26, %ge3A : i32
      %convert_element_type3A_32 = arith.extui %ge3A_31 : i1 to i32
      %cond3A_33 = arith.constant 0 : i32
      %cond3A_34 = arith.cmpi ne, %convert_element_type3A_32, %cond3A_33 : i32
      scf.if %cond3A_34 {
        %mul3A_83 = arith.constant 32 : i32
        %mul3A_84 = arith.muli %add3A_26, %mul3A_83 : i32
        %add3A_85 = arith.addi %mul3A_2, %mul3A_84 : i32
        %dma_wait3A_86 = arith.constant 0 : i32
        %dma_wait3A_87 = tpu.memref_slice %arg4[%add3A_85, %dma_wait3A_86] : memref<16384x32xf32, #tpu.memory_space<hbm>> -> memref<32x32xf32, #tpu.memory_space<hbm>>
        %dma_wait3A_88 = arith.constant 0 : i32
        %dma_wait3A_89 = tpu.memref_slice %arg4[%add3A_85, %dma_wait3A_88] : memref<16384x32xf32, #tpu.memory_space<hbm>> -> memref<32x32xf32, #tpu.memory_space<hbm>>
        tpu.wait_dma2 semaphore(%arg13 : memref<!tpu.dma_semaphore, #tpu.memory_space<semaphore_mem>>) src(%arg9 : memref<32x32xf32, #tpu.memory_space<vmem>>) dst(%dma_wait3A_89 : memref<32x32xf32, #tpu.memory_space<hbm>>)
      } else {
      }
      %mul3A_35 = arith.constant 32 : i32
      %mul3A_36 = arith.muli %add3A_26, %mul3A_35 : i32
      %add3A_37 = arith.addi %mul3A_2, %mul3A_36 : i32
      %dma_wait3A_38 = arith.constant 0 : i32
      %dma_wait3A_39 = arith.constant 0 : i32
      %dma_wait3A_40 = tpu.memref_slice %arg3[%dma_wait3A_38, %dma_wait3A_39] : memref<1000000x32xf32, #tpu.memory_space<hbm>> -> memref<1000000x32xf32, #tpu.memory_space<hbm>>
      tpu.wait_indirect_dma semaphore(%arg11 : memref<!tpu.dma_semaphore, #tpu.memory_space<semaphore_mem>>) src(%dma_wait3A_40 : memref<1000000x32xf32, #tpu.memory_space<hbm>>) dst(%arg7 : memref<1600x32xf32, #tpu.memory_space<vmem>>)
      %scan3A_41 = arith.constant 0 : i32
      %scan3A_42 = arith.constant 0 : i32
      %scan3A_43 = arith.constant 32 : i32
      %scan3A_44 = arith.addi %scan3A_42, %scan3A_43 : i32
      %scan3A_45 = arith.constant 1 : i32
      scf.for %scan3A_83 = %scan3A_42 to %scan3A_44 step %scan3A_45  : i32 {
        %mul3A_84 = arith.constant 50 : i32
        %mul3A_85 = arith.muli %scan3A_83, %mul3A_84 : i32
        %broadcast_in_dim3A = arith.constant 0.000000e+00 : f32
        %broadcast_in_dim3A_86 = vector.broadcast %broadcast_in_dim3A : f32 to vector<16xf32>
        %broadcast_in_dim3A_87 = arith.constant 0.000000e+00 : f32
        %broadcast_in_dim3A_88 = vector.broadcast %broadcast_in_dim3A_87 : f32 to vector<16xf32>
        %broadcast_in_dim3A_89 = arith.constant 0.000000e+00 : f32
        %broadcast_in_dim3A_90 = vector.broadcast %broadcast_in_dim3A_89 : f32 to vector<16xf32>
        %broadcast_in_dim3A_91 = arith.constant 0.000000e+00 : f32
        %broadcast_in_dim3A_92 = vector.broadcast %broadcast_in_dim3A_91 : f32 to vector<16xf32>
        %broadcast_in_dim3A_93 = arith.constant 0.000000e+00 : f32
        %broadcast_in_dim3A_94 = vector.broadcast %broadcast_in_dim3A_93 : f32 to vector<16xf32>
        %broadcast_in_dim3A_95 = arith.constant 0.000000e+00 : f32
        %broadcast_in_dim3A_96 = vector.broadcast %broadcast_in_dim3A_95 : f32 to vector<16xf32>
        %broadcast_in_dim3A_97 = arith.constant 0.000000e+00 : f32
        %broadcast_in_dim3A_98 = vector.broadcast %broadcast_in_dim3A_97 : f32 to vector<16xf32>
        %broadcast_in_dim3A_99 = arith.constant 0.000000e+00 : f32
        %broadcast_in_dim3A_100 = vector.broadcast %broadcast_in_dim3A_99 : f32 to vector<16xf32>
        %add3A_101 = arith.constant 0 : i32
        %add3A_102 = arith.addi %mul3A_85, %add3A_101 : i32
        %get3A = arith.index_cast %add3A_102 : i32 to index
        %get3A_103 = arith.constant 0 : index
        %get3A_104 = tpu.vector_load %arg7[%get3A, %get3A_103] {strides = array<i32>} : memref<1600x32xf32, #tpu.memory_space<vmem>>, vector<1x16xf32>,
        %get3A_105 = vector.shape_cast %get3A_104 : vector<1x16xf32> to vector<16xf32>
        %add3A_106 = arith.addf %broadcast_in_dim3A_86, %get3A_105 : vector<16xf32>
        %add3A_107 = arith.constant 0 : i32
        %add3A_108 = arith.addi %mul3A_85, %add3A_107 : i32
        %get3A_109 = arith.index_cast %add3A_108 : i32 to index
        %get3A_110 = arith.constant 16 : index
        %get3A_111 = tpu.vector_load %arg7[%get3A_109, %get3A_110] {strides = array<i32>} : memref<1600x32xf32, #tpu.memory_space<vmem>>, vector<1x16xf32>,
        %get3A_112 = vector.shape_cast %get3A_111 : vector<1x16xf32> to vector<16xf32>
        %add3A_113 = arith.addf %broadcast_in_dim3A_94, %get3A_112 : vector<16xf32>
        %add3A_114 = arith.constant 1 : i32
        %add3A_115 = arith.addi %mul3A_85, %add3A_114 : i32
        %get3A_116 = arith.index_cast %add3A_115 : i32 to index
        %get3A_117 = arith.constant 0 : index
        %get3A_118 = tpu.vector_load %arg7[%get3A_116, %get3A_117] {strides = array<i32>} : memref<1600x32xf32, #tpu.memory_space<vmem>>, vector<1x16xf32>,
        %get3A_119 = vector.shape_cast %get3A_118 : vector<1x16xf32> to vector<16xf32>
        %add3A_120 = arith.addf %broadcast_in_dim3A_88, %get3A_119 : vector<16xf32>
        %add3A_121 = arith.constant 1 : i32
        %add3A_122 = arith.addi %mul3A_85, %add3A_121 : i32
        %get3A_123 = arith.index_cast %add3A_122 : i32 to index
        %get3A_124 = arith.constant 16 : index
        %get3A_125 = tpu.vector_load %arg7[%get3A_123, %get3A_124] {strides = array<i32>} : memref<1600x32xf32, #tpu.memory_space<vmem>>, vector<1x16xf32>,
        %get3A_126 = vector.shape_cast %get3A_125 : vector<1x16xf32> to vector<16xf32>
        %add3A_127 = arith.addf %broadcast_in_dim3A_96, %get3A_126 : vector<16xf32>
        %add3A_128 = arith.constant 2 : i32
        %add3A_129 = arith.addi %mul3A_85, %add3A_128 : i32
        %get3A_130 = arith.index_cast %add3A_129 : i32 to index
        %get3A_131 = arith.constant 0 : index
        %get3A_132 = tpu.vector_load %arg7[%get3A_130, %get3A_131] {strides = array<i32>} : memref<1600x32xf32, #tpu.memory_space<vmem>>, vector<1x16xf32>,
        %get3A_133 = vector.shape_cast %get3A_132 : vector<1x16xf32> to vector<16xf32>
        %add3A_134 = arith.addf %broadcast_in_dim3A_90, %get3A_133 : vector<16xf32>
        %add3A_135 = arith.constant 2 : i32
        %add3A_136 = arith.addi %mul3A_85, %add3A_135 : i32
        %get3A_137 = arith.index_cast %add3A_136 : i32 to index
        %get3A_138 = arith.constant 16 : index
        %get3A_139 = tpu.vector_load %arg7[%get3A_137, %get3A_138] {strides = array<i32>} : memref<1600x32xf32, #tpu.memory_space<vmem>>, vector<1x16xf32>,
        %get3A_140 = vector.shape_cast %get3A_139 : vector<1x16xf32> to vector<16xf32>
        %add3A_141 = arith.addf %broadcast_in_dim3A_98, %get3A_140 : vector<16xf32>
        %add3A_142 = arith.constant 3 : i32
        %add3A_143 = arith.addi %mul3A_85, %add3A_142 : i32
        %get3A_144 = arith.index_cast %add3A_143 : i32 to index
        %get3A_145 = arith.constant 0 : index
        %get3A_146 = tpu.vector_load %arg7[%get3A_144, %get3A_145] {strides = array<i32>} : memref<1600x32xf32, #tpu.memory_space<vmem>>, vector<1x16xf32>,
        %get3A_147 = vector.shape_cast %get3A_146 : vector<1x16xf32> to vector<16xf32>
        %add3A_148 = arith.addf %broadcast_in_dim3A_92, %get3A_147 : vector<16xf32>
        %add3A_149 = arith.constant 3 : i32
        %add3A_150 = arith.addi %mul3A_85, %add3A_149 : i32
        %get3A_151 = arith.index_cast %add3A_150 : i32 to index
        %get3A_152 = arith.constant 16 : index
        %get3A_153 = tpu.vector_load %arg7[%get3A_151, %get3A_152] {strides = array<i32>} : memref<1600x32xf32, #tpu.memory_space<vmem>>, vector<1x16xf32>,
        %get3A_154 = vector.shape_cast %get3A_153 : vector<1x16xf32> to vector<16xf32>
        %add3A_155 = arith.addf %broadcast_in_dim3A_100, %get3A_154 : vector<16xf32>
        %add3A_156 = arith.constant 4 : i32
        %add3A_157 = arith.addi %mul3A_85, %add3A_156 : i32
        %get3A_158 = arith.index_cast %add3A_157 : i32 to index
        %get3A_159 = arith.constant 0 : index
        %get3A_160 = tpu.vector_load %arg7[%get3A_158, %get3A_159] {strides = array<i32>} : memref<1600x32xf32, #tpu.memory_space<vmem>>, vector<1x16xf32>,
        %get3A_161 = vector.shape_cast %get3A_160 : vector<1x16xf32> to vector<16xf32>
        %add3A_162 = arith.addf %add3A_106, %get3A_161 : vector<16xf32>
        %add3A_163 = arith.constant 4 : i32
        %add3A_164 = arith.addi %mul3A_85, %add3A_163 : i32
        %get3A_165 = arith.index_cast %add3A_164 : i32 to index
        %get3A_166 = arith.constant 16 : index
        %get3A_167 = tpu.vector_load %arg7[%get3A_165, %get3A_166] {strides = array<i32>} : memref<1600x32xf32, #tpu.memory_space<vmem>>, vector<1x16xf32>,
        %get3A_168 = vector.shape_cast %get3A_167 : vector<1x16xf32> to vector<16xf32>
        %add3A_169 = arith.addf %add3A_113, %get3A_168 : vector<16xf32>
        %add3A_170 = arith.constant 5 : i32
        %add3A_171 = arith.addi %mul3A_85, %add3A_170 : i32
        %get3A_172 = arith.index_cast %add3A_171 : i32 to index
        %get3A_173 = arith.constant 0 : index
        %get3A_174 = tpu.vector_load %arg7[%get3A_172, %get3A_173] {strides = array<i32>} : memref<1600x32xf32, #tpu.memory_space<vmem>>, vector<1x16xf32>,
        %get3A_175 = vector.shape_cast %get3A_174 : vector<1x16xf32> to vector<16xf32>
        %add3A_176 = arith.addf %add3A_120, %get3A_175 : vector<16xf32>
        %add3A_177 = arith.constant 5 : i32
        %add3A_178 = arith.addi %mul3A_85, %add3A_177 : i32
        %get3A_179 = arith.index_cast %add3A_178 : i32 to index
        %get3A_180 = arith.constant 16 : index
        %get3A_181 = tpu.vector_load %arg7[%get3A_179, %get3A_180] {strides = array<i32>} : memref<1600x32xf32, #tpu.memory_space<vmem>>, vector<1x16xf32>,
        %get3A_182 = vector.shape_cast %get3A_181 : vector<1x16xf32> to vector<16xf32>
        %add3A_183 = arith.addf %add3A_127, %get3A_182 : vector<16xf32>
        %add3A_184 = arith.constant 6 : i32
        %add3A_185 = arith.addi %mul3A_85, %add3A_184 : i32
        %get3A_186 = arith.index_cast %add3A_185 : i32 to index
        %get3A_187 = arith.constant 0 : index
        %get3A_188 = tpu.vector_load %arg7[%get3A_186, %get3A_187] {strides = array<i32>} : memref<1600x32xf32, #tpu.memory_space<vmem>>, vector<1x16xf32>,
        %get3A_189 = vector.shape_cast %get3A_188 : vector<1x16xf32> to vector<16xf32>
        %add3A_190 = arith.addf %add3A_134, %get3A_189 : vector<16xf32>
        %add3A_191 = arith.constant 6 : i32
        %add3A_192 = arith.addi %mul3A_85, %add3A_191 : i32
        %get3A_193 = arith.index_cast %add3A_192 : i32 to index
        %get3A_194 = arith.constant 16 : index
        %get3A_195 = tpu.vector_load %arg7[%get3A_193, %get3A_194] {strides = array<i32>} : memref<1600x32xf32, #tpu.memory_space<vmem>>, vector<1x16xf32>,
        %get3A_196 = vector.shape_cast %get3A_195 : vector<1x16xf32> to vector<16xf32>
        %add3A_197 = arith.addf %add3A_141, %get3A_196 : vector<16xf32>
        %add3A_198 = arith.constant 7 : i32
        %add3A_199 = arith.addi %mul3A_85, %add3A_198 : i32
        %get3A_200 = arith.index_cast %add3A_199 : i32 to index
        %get3A_201 = arith.constant 0 : index
        %get3A_202 = tpu.vector_load %arg7[%get3A_200, %get3A_201] {strides = array<i32>} : memref<1600x32xf32, #tpu.memory_space<vmem>>, vector<1x16xf32>,
        %get3A_203 = vector.shape_cast %get3A_202 : vector<1x16xf32> to vector<16xf32>
        %add3A_204 = arith.addf %add3A_148, %get3A_203 : vector<16xf32>
        %add3A_205 = arith.constant 7 : i32
        %add3A_206 = arith.addi %mul3A_85, %add3A_205 : i32
        %get3A_207 = arith.index_cast %add3A_206 : i32 to index
        %get3A_208 = arith.constant 16 : index
        %get3A_209 = tpu.vector_load %arg7[%get3A_207, %get3A_208] {strides = array<i32>} : memref<1600x32xf32, #tpu.memory_space<vmem>>, vector<1x16xf32>,
        %get3A_210 = vector.shape_cast %get3A_209 : vector<1x16xf32> to vector<16xf32>
        %add3A_211 = arith.addf %add3A_155, %get3A_210 : vector<16xf32>
        %add3A_212 = arith.constant 8 : i32
        %add3A_213 = arith.addi %mul3A_85, %add3A_212 : i32
        %get3A_214 = arith.index_cast %add3A_213 : i32 to index
        %get3A_215 = arith.constant 0 : index
        %get3A_216 = tpu.vector_load %arg7[%get3A_214, %get3A_215] {strides = array<i32>} : memref<1600x32xf32, #tpu.memory_space<vmem>>, vector<1x16xf32>,
        %get3A_217 = vector.shape_cast %get3A_216 : vector<1x16xf32> to vector<16xf32>
        %add3A_218 = arith.addf %add3A_162, %get3A_217 : vector<16xf32>
        %add3A_219 = arith.constant 8 : i32
        %add3A_220 = arith.addi %mul3A_85, %add3A_219 : i32
        %get3A_221 = arith.index_cast %add3A_220 : i32 to index
        %get3A_222 = arith.constant 16 : index
        %get3A_223 = tpu.vector_load %arg7[%get3A_221, %get3A_222] {strides = array<i32>} : memref<1600x32xf32, #tpu.memory_space<vmem>>, vector<1x16xf32>,
        %get3A_224 = vector.shape_cast %get3A_223 : vector<1x16xf32> to vector<16xf32>
        %add3A_225 = arith.addf %add3A_169, %get3A_224 : vector<16xf32>
        %add3A_226 = arith.constant 9 : i32
        %add3A_227 = arith.addi %mul3A_85, %add3A_226 : i32
        %get3A_228 = arith.index_cast %add3A_227 : i32 to index
        %get3A_229 = arith.constant 0 : index
        %get3A_230 = tpu.vector_load %arg7[%get3A_228, %get3A_229] {strides = array<i32>} : memref<1600x32xf32, #tpu.memory_space<vmem>>, vector<1x16xf32>,
        %get3A_231 = vector.shape_cast %get3A_230 : vector<1x16xf32> to vector<16xf32>
        %add3A_232 = arith.addf %add3A_176, %get3A_231 : vector<16xf32>
        %add3A_233 = arith.constant 9 : i32
        %add3A_234 = arith.addi %mul3A_85, %add3A_233 : i32
        %get3A_235 = arith.index_cast %add3A_234 : i32 to index
        %get3A_236 = arith.constant 16 : index
        %get3A_237 = tpu.vector_load %arg7[%get3A_235, %get3A_236] {strides = array<i32>} : memref<1600x32xf32, #tpu.memory_space<vmem>>, vector<1x16xf32>,
        %get3A_238 = vector.shape_cast %get3A_237 : vector<1x16xf32> to vector<16xf32>
        %add3A_239 = arith.addf %add3A_183, %get3A_238 : vector<16xf32>
        %add3A_240 = arith.constant 10 : i32
        %add3A_241 = arith.addi %mul3A_85, %add3A_240 : i32
        %get3A_242 = arith.index_cast %add3A_241 : i32 to index
        %get3A_243 = arith.constant 0 : index
        %get3A_244 = tpu.vector_load %arg7[%get3A_242, %get3A_243] {strides = array<i32>} : memref<1600x32xf32, #tpu.memory_space<vmem>>, vector<1x16xf32>,
        %get3A_245 = vector.shape_cast %get3A_244 : vector<1x16xf32> to vector<16xf32>
        %add3A_246 = arith.addf %add3A_190, %get3A_245 : vector<16xf32>
        %add3A_247 = arith.constant 10 : i32
        %add3A_248 = arith.addi %mul3A_85, %add3A_247 : i32
        %get3A_249 = arith.index_cast %add3A_248 : i32 to index
        %get3A_250 = arith.constant 16 : index
        %get3A_251 = tpu.vector_load %arg7[%get3A_249, %get3A_250] {strides = array<i32>} : memref<1600x32xf32, #tpu.memory_space<vmem>>, vector<1x16xf32>,
        %get3A_252 = vector.shape_cast %get3A_251 : vector<1x16xf32> to vector<16xf32>
        %add3A_253 = arith.addf %add3A_197, %get3A_252 : vector<16xf32>
        %add3A_254 = arith.constant 11 : i32
        %add3A_255 = arith.addi %mul3A_85, %add3A_254 : i32
        %get3A_256 = arith.index_cast %add3A_255 : i32 to index
        %get3A_257 = arith.constant 0 : index
        %get3A_258 = tpu.vector_load %arg7[%get3A_256, %get3A_257] {strides = array<i32>} : memref<1600x32xf32, #tpu.memory_space<vmem>>, vector<1x16xf32>,
        %get3A_259 = vector.shape_cast %get3A_258 : vector<1x16xf32> to vector<16xf32>
        %add3A_260 = arith.addf %add3A_204, %get3A_259 : vector<16xf32>
        %add3A_261 = arith.constant 11 : i32
        %add3A_262 = arith.addi %mul3A_85, %add3A_261 : i32
        %get3A_263 = arith.index_cast %add3A_262 : i32 to index
        %get3A_264 = arith.constant 16 : index
        %get3A_265 = tpu.vector_load %arg7[%get3A_263, %get3A_264] {strides = array<i32>} : memref<1600x32xf32, #tpu.memory_space<vmem>>, vector<1x16xf32>,
        %get3A_266 = vector.shape_cast %get3A_265 : vector<1x16xf32> to vector<16xf32>
        %add3A_267 = arith.addf %add3A_211, %get3A_266 : vector<16xf32>
        %add3A_268 = arith.constant 12 : i32
        %add3A_269 = arith.addi %mul3A_85, %add3A_268 : i32
        %get3A_270 = arith.index_cast %add3A_269 : i32 to index
        %get3A_271 = arith.constant 0 : index
        %get3A_272 = tpu.vector_load %arg7[%get3A_270, %get3A_271] {strides = array<i32>} : memref<1600x32xf32, #tpu.memory_space<vmem>>, vector<1x16xf32>,
        %get3A_273 = vector.shape_cast %get3A_272 : vector<1x16xf32> to vector<16xf32>
        %add3A_274 = arith.addf %add3A_218, %get3A_273 : vector<16xf32>
        %add3A_275 = arith.constant 12 : i32
        %add3A_276 = arith.addi %mul3A_85, %add3A_275 : i32
        %get3A_277 = arith.index_cast %add3A_276 : i32 to index
        %get3A_278 = arith.constant 16 : index
        %get3A_279 = tpu.vector_load %arg7[%get3A_277, %get3A_278] {strides = array<i32>} : memref<1600x32xf32, #tpu.memory_space<vmem>>, vector<1x16xf32>,
        %get3A_280 = vector.shape_cast %get3A_279 : vector<1x16xf32> to vector<16xf32>
        %add3A_281 = arith.addf %add3A_225, %get3A_280 : vector<16xf32>
        %add3A_282 = arith.constant 13 : i32
        %add3A_283 = arith.addi %mul3A_85, %add3A_282 : i32
        %get3A_284 = arith.index_cast %add3A_283 : i32 to index
        %get3A_285 = arith.constant 0 : index
        %get3A_286 = tpu.vector_load %arg7[%get3A_284, %get3A_285] {strides = array<i32>} : memref<1600x32xf32, #tpu.memory_space<vmem>>, vector<1x16xf32>,
        %get3A_287 = vector.shape_cast %get3A_286 : vector<1x16xf32> to vector<16xf32>
        %add3A_288 = arith.addf %add3A_232, %get3A_287 : vector<16xf32>
        %add3A_289 = arith.constant 13 : i32
        %add3A_290 = arith.addi %mul3A_85, %add3A_289 : i32
        %get3A_291 = arith.index_cast %add3A_290 : i32 to index
        %get3A_292 = arith.constant 16 : index
        %get3A_293 = tpu.vector_load %arg7[%get3A_291, %get3A_292] {strides = array<i32>} : memref<1600x32xf32, #tpu.memory_space<vmem>>, vector<1x16xf32>,
        %get3A_294 = vector.shape_cast %get3A_293 : vector<1x16xf32> to vector<16xf32>
        %add3A_295 = arith.addf %add3A_239, %get3A_294 : vector<16xf32>
        %add3A_296 = arith.constant 14 : i32
        %add3A_297 = arith.addi %mul3A_85, %add3A_296 : i32
        %get3A_298 = arith.index_cast %add3A_297 : i32 to index
        %get3A_299 = arith.constant 0 : index
        %get3A_300 = tpu.vector_load %arg7[%get3A_298, %get3A_299] {strides = array<i32>} : memref<1600x32xf32, #tpu.memory_space<vmem>>, vector<1x16xf32>,
        %get3A_301 = vector.shape_cast %get3A_300 : vector<1x16xf32> to vector<16xf32>
        %add3A_302 = arith.addf %add3A_246, %get3A_301 : vector<16xf32>
        %add3A_303 = arith.constant 14 : i32
        %add3A_304 = arith.addi %mul3A_85, %add3A_303 : i32
        %get3A_305 = arith.index_cast %add3A_304 : i32 to index
        %get3A_306 = arith.constant 16 : index
        %get3A_307 = tpu.vector_load %arg7[%get3A_305, %get3A_306] {strides = array<i32>} : memref<1600x32xf32, #tpu.memory_space<vmem>>, vector<1x16xf32>,
        %get3A_308 = vector.shape_cast %get3A_307 : vector<1x16xf32> to vector<16xf32>
        %add3A_309 = arith.addf %add3A_253, %get3A_308 : vector<16xf32>
        %add3A_310 = arith.constant 15 : i32
        %add3A_311 = arith.addi %mul3A_85, %add3A_310 : i32
        %get3A_312 = arith.index_cast %add3A_311 : i32 to index
        %get3A_313 = arith.constant 0 : index
        %get3A_314 = tpu.vector_load %arg7[%get3A_312, %get3A_313] {strides = array<i32>} : memref<1600x32xf32, #tpu.memory_space<vmem>>, vector<1x16xf32>,
        %get3A_315 = vector.shape_cast %get3A_314 : vector<1x16xf32> to vector<16xf32>
        %add3A_316 = arith.addf %add3A_260, %get3A_315 : vector<16xf32>
        %add3A_317 = arith.constant 15 : i32
        %add3A_318 = arith.addi %mul3A_85, %add3A_317 : i32
        %get3A_319 = arith.index_cast %add3A_318 : i32 to index
        %get3A_320 = arith.constant 16 : index
        %get3A_321 = tpu.vector_load %arg7[%get3A_319, %get3A_320] {strides = array<i32>} : memref<1600x32xf32, #tpu.memory_space<vmem>>, vector<1x16xf32>,
        %get3A_322 = vector.shape_cast %get3A_321 : vector<1x16xf32> to vector<16xf32>
        %add3A_323 = arith.addf %add3A_267, %get3A_322 : vector<16xf32>
        %add3A_324 = arith.constant 16 : i32
        %add3A_325 = arith.addi %mul3A_85, %add3A_324 : i32
        %get3A_326 = arith.index_cast %add3A_325 : i32 to index
        %get3A_327 = arith.constant 0 : index
        %get3A_328 = tpu.vector_load %arg7[%get3A_326, %get3A_327] {strides = array<i32>} : memref<1600x32xf32, #tpu.memory_space<vmem>>, vector<1x16xf32>,
        %get3A_329 = vector.shape_cast %get3A_328 : vector<1x16xf32> to vector<16xf32>
        %add3A_330 = arith.addf %add3A_274, %get3A_329 : vector<16xf32>
        %add3A_331 = arith.constant 16 : i32
        %add3A_332 = arith.addi %mul3A_85, %add3A_331 : i32
        %get3A_333 = arith.index_cast %add3A_332 : i32 to index
        %get3A_334 = arith.constant 16 : index
        %get3A_335 = tpu.vector_load %arg7[%get3A_333, %get3A_334] {strides = array<i32>} : memref<1600x32xf32, #tpu.memory_space<vmem>>, vector<1x16xf32>,
        %get3A_336 = vector.shape_cast %get3A_335 : vector<1x16xf32> to vector<16xf32>
        %add3A_337 = arith.addf %add3A_281, %get3A_336 : vector<16xf32>
        %add3A_338 = arith.constant 17 : i32
        %add3A_339 = arith.addi %mul3A_85, %add3A_338 : i32
        %get3A_340 = arith.index_cast %add3A_339 : i32 to index
        %get3A_341 = arith.constant 0 : index
        %get3A_342 = tpu.vector_load %arg7[%get3A_340, %get3A_341] {strides = array<i32>} : memref<1600x32xf32, #tpu.memory_space<vmem>>, vector<1x16xf32>,
        %get3A_343 = vector.shape_cast %get3A_342 : vector<1x16xf32> to vector<16xf32>
        %add3A_344 = arith.addf %add3A_288, %get3A_343 : vector<16xf32>
        %add3A_345 = arith.constant 17 : i32
        %add3A_346 = arith.addi %mul3A_85, %add3A_345 : i32
        %get3A_347 = arith.index_cast %add3A_346 : i32 to index
        %get3A_348 = arith.constant 16 : index
        %get3A_349 = tpu.vector_load %arg7[%get3A_347, %get3A_348] {strides = array<i32>} : memref<1600x32xf32, #tpu.memory_space<vmem>>, vector<1x16xf32>,
        %get3A_350 = vector.shape_cast %get3A_349 : vector<1x16xf32> to vector<16xf32>
        %add3A_351 = arith.addf %add3A_295, %get3A_350 : vector<16xf32>
        %add3A_352 = arith.constant 18 : i32
        %add3A_353 = arith.addi %mul3A_85, %add3A_352 : i32
        %get3A_354 = arith.index_cast %add3A_353 : i32 to index
        %get3A_355 = arith.constant 0 : index
        %get3A_356 = tpu.vector_load %arg7[%get3A_354, %get3A_355] {strides = array<i32>} : memref<1600x32xf32, #tpu.memory_space<vmem>>, vector<1x16xf32>,
        %get3A_357 = vector.shape_cast %get3A_356 : vector<1x16xf32> to vector<16xf32>
        %add3A_358 = arith.addf %add3A_302, %get3A_357 : vector<16xf32>
        %add3A_359 = arith.constant 18 : i32
        %add3A_360 = arith.addi %mul3A_85, %add3A_359 : i32
        %get3A_361 = arith.index_cast %add3A_360 : i32 to index
        %get3A_362 = arith.constant 16 : index
        %get3A_363 = tpu.vector_load %arg7[%get3A_361, %get3A_362] {strides = array<i32>} : memref<1600x32xf32, #tpu.memory_space<vmem>>, vector<1x16xf32>,
        %get3A_364 = vector.shape_cast %get3A_363 : vector<1x16xf32> to vector<16xf32>
        %add3A_365 = arith.addf %add3A_309, %get3A_364 : vector<16xf32>
        %add3A_366 = arith.constant 19 : i32
        %add3A_367 = arith.addi %mul3A_85, %add3A_366 : i32
        %get3A_368 = arith.index_cast %add3A_367 : i32 to index
        %get3A_369 = arith.constant 0 : index
        %get3A_370 = tpu.vector_load %arg7[%get3A_368, %get3A_369] {strides = array<i32>} : memref<1600x32xf32, #tpu.memory_space<vmem>>, vector<1x16xf32>,
        %get3A_371 = vector.shape_cast %get3A_370 : vector<1x16xf32> to vector<16xf32>
        %add3A_372 = arith.addf %add3A_316, %get3A_371 : vector<16xf32>
        %add3A_373 = arith.constant 19 : i32
        %add3A_374 = arith.addi %mul3A_85, %add3A_373 : i32
        %get3A_375 = arith.index_cast %add3A_374 : i32 to index
        %get3A_376 = arith.constant 16 : index
        %get3A_377 = tpu.vector_load %arg7[%get3A_375, %get3A_376] {strides = array<i32>} : memref<1600x32xf32, #tpu.memory_space<vmem>>, vector<1x16xf32>,
        %get3A_378 = vector.shape_cast %get3A_377 : vector<1x16xf32> to vector<16xf32>
        %add3A_379 = arith.addf %add3A_323, %get3A_378 : vector<16xf32>
        %add3A_380 = arith.constant 20 : i32
        %add3A_381 = arith.addi %mul3A_85, %add3A_380 : i32
        %get3A_382 = arith.index_cast %add3A_381 : i32 to index
        %get3A_383 = arith.constant 0 : index
        %get3A_384 = tpu.vector_load %arg7[%get3A_382, %get3A_383] {strides = array<i32>} : memref<1600x32xf32, #tpu.memory_space<vmem>>, vector<1x16xf32>,
        %get3A_385 = vector.shape_cast %get3A_384 : vector<1x16xf32> to vector<16xf32>
        %add3A_386 = arith.addf %add3A_330, %get3A_385 : vector<16xf32>
        %add3A_387 = arith.constant 20 : i32
        %add3A_388 = arith.addi %mul3A_85, %add3A_387 : i32
        %get3A_389 = arith.index_cast %add3A_388 : i32 to index
        %get3A_390 = arith.constant 16 : index
        %get3A_391 = tpu.vector_load %arg7[%get3A_389, %get3A_390] {strides = array<i32>} : memref<1600x32xf32, #tpu.memory_space<vmem>>, vector<1x16xf32>,
        %get3A_392 = vector.shape_cast %get3A_391 : vector<1x16xf32> to vector<16xf32>
        %add3A_393 = arith.addf %add3A_337, %get3A_392 : vector<16xf32>
        %add3A_394 = arith.constant 21 : i32
        %add3A_395 = arith.addi %mul3A_85, %add3A_394 : i32
        %get3A_396 = arith.index_cast %add3A_395 : i32 to index
        %get3A_397 = arith.constant 0 : index
        %get3A_398 = tpu.vector_load %arg7[%get3A_396, %get3A_397] {strides = array<i32>} : memref<1600x32xf32, #tpu.memory_space<vmem>>, vector<1x16xf32>,
        %get3A_399 = vector.shape_cast %get3A_398 : vector<1x16xf32> to vector<16xf32>
        %add3A_400 = arith.addf %add3A_344, %get3A_399 : vector<16xf32>
        %add3A_401 = arith.constant 21 : i32
        %add3A_402 = arith.addi %mul3A_85, %add3A_401 : i32
        %get3A_403 = arith.index_cast %add3A_402 : i32 to index
        %get3A_404 = arith.constant 16 : index
        %get3A_405 = tpu.vector_load %arg7[%get3A_403, %get3A_404] {strides = array<i32>} : memref<1600x32xf32, #tpu.memory_space<vmem>>, vector<1x16xf32>,
        %get3A_406 = vector.shape_cast %get3A_405 : vector<1x16xf32> to vector<16xf32>
        %add3A_407 = arith.addf %add3A_351, %get3A_406 : vector<16xf32>
        %add3A_408 = arith.constant 22 : i32
        %add3A_409 = arith.addi %mul3A_85, %add3A_408 : i32
        %get3A_410 = arith.index_cast %add3A_409 : i32 to index
        %get3A_411 = arith.constant 0 : index
        %get3A_412 = tpu.vector_load %arg7[%get3A_410, %get3A_411] {strides = array<i32>} : memref<1600x32xf32, #tpu.memory_space<vmem>>, vector<1x16xf32>,
        %get3A_413 = vector.shape_cast %get3A_412 : vector<1x16xf32> to vector<16xf32>
        %add3A_414 = arith.addf %add3A_358, %get3A_413 : vector<16xf32>
        %add3A_415 = arith.constant 22 : i32
        %add3A_416 = arith.addi %mul3A_85, %add3A_415 : i32
        %get3A_417 = arith.index_cast %add3A_416 : i32 to index
        %get3A_418 = arith.constant 16 : index
        %get3A_419 = tpu.vector_load %arg7[%get3A_417, %get3A_418] {strides = array<i32>} : memref<1600x32xf32, #tpu.memory_space<vmem>>, vector<1x16xf32>,
        %get3A_420 = vector.shape_cast %get3A_419 : vector<1x16xf32> to vector<16xf32>
        %add3A_421 = arith.addf %add3A_365, %get3A_420 : vector<16xf32>
        %add3A_422 = arith.constant 23 : i32
        %add3A_423 = arith.addi %mul3A_85, %add3A_422 : i32
        %get3A_424 = arith.index_cast %add3A_423 : i32 to index
        %get3A_425 = arith.constant 0 : index
        %get3A_426 = tpu.vector_load %arg7[%get3A_424, %get3A_425] {strides = array<i32>} : memref<1600x32xf32, #tpu.memory_space<vmem>>, vector<1x16xf32>,
        %get3A_427 = vector.shape_cast %get3A_426 : vector<1x16xf32> to vector<16xf32>
        %add3A_428 = arith.addf %add3A_372, %get3A_427 : vector<16xf32>
        %add3A_429 = arith.constant 23 : i32
        %add3A_430 = arith.addi %mul3A_85, %add3A_429 : i32
        %get3A_431 = arith.index_cast %add3A_430 : i32 to index
        %get3A_432 = arith.constant 16 : index
        %get3A_433 = tpu.vector_load %arg7[%get3A_431, %get3A_432] {strides = array<i32>} : memref<1600x32xf32, #tpu.memory_space<vmem>>, vector<1x16xf32>,
        %get3A_434 = vector.shape_cast %get3A_433 : vector<1x16xf32> to vector<16xf32>
        %add3A_435 = arith.addf %add3A_379, %get3A_434 : vector<16xf32>
        %add3A_436 = arith.constant 24 : i32
        %add3A_437 = arith.addi %mul3A_85, %add3A_436 : i32
        %get3A_438 = arith.index_cast %add3A_437 : i32 to index
        %get3A_439 = arith.constant 0 : index
        %get3A_440 = tpu.vector_load %arg7[%get3A_438, %get3A_439] {strides = array<i32>} : memref<1600x32xf32, #tpu.memory_space<vmem>>, vector<1x16xf32>,
        %get3A_441 = vector.shape_cast %get3A_440 : vector<1x16xf32> to vector<16xf32>
        %add3A_442 = arith.addf %add3A_386, %get3A_441 : vector<16xf32>
        %add3A_443 = arith.constant 24 : i32
        %add3A_444 = arith.addi %mul3A_85, %add3A_443 : i32
        %get3A_445 = arith.index_cast %add3A_444 : i32 to index
        %get3A_446 = arith.constant 16 : index
        %get3A_447 = tpu.vector_load %arg7[%get3A_445, %get3A_446] {strides = array<i32>} : memref<1600x32xf32, #tpu.memory_space<vmem>>, vector<1x16xf32>,
        %get3A_448 = vector.shape_cast %get3A_447 : vector<1x16xf32> to vector<16xf32>
        %add3A_449 = arith.addf %add3A_393, %get3A_448 : vector<16xf32>
        %add3A_450 = arith.constant 25 : i32
        %add3A_451 = arith.addi %mul3A_85, %add3A_450 : i32
        %get3A_452 = arith.index_cast %add3A_451 : i32 to index
        %get3A_453 = arith.constant 0 : index
        %get3A_454 = tpu.vector_load %arg7[%get3A_452, %get3A_453] {strides = array<i32>} : memref<1600x32xf32, #tpu.memory_space<vmem>>, vector<1x16xf32>,
        %get3A_455 = vector.shape_cast %get3A_454 : vector<1x16xf32> to vector<16xf32>
        %add3A_456 = arith.addf %add3A_400, %get3A_455 : vector<16xf32>
        %add3A_457 = arith.constant 25 : i32
        %add3A_458 = arith.addi %mul3A_85, %add3A_457 : i32
        %get3A_459 = arith.index_cast %add3A_458 : i32 to index
        %get3A_460 = arith.constant 16 : index
        %get3A_461 = tpu.vector_load %arg7[%get3A_459, %get3A_460] {strides = array<i32>} : memref<1600x32xf32, #tpu.memory_space<vmem>>, vector<1x16xf32>,
        %get3A_462 = vector.shape_cast %get3A_461 : vector<1x16xf32> to vector<16xf32>
        %add3A_463 = arith.addf %add3A_407, %get3A_462 : vector<16xf32>
        %add3A_464 = arith.constant 26 : i32
        %add3A_465 = arith.addi %mul3A_85, %add3A_464 : i32
        %get3A_466 = arith.index_cast %add3A_465 : i32 to index
        %get3A_467 = arith.constant 0 : index
        %get3A_468 = tpu.vector_load %arg7[%get3A_466, %get3A_467] {strides = array<i32>} : memref<1600x32xf32, #tpu.memory_space<vmem>>, vector<1x16xf32>,
        %get3A_469 = vector.shape_cast %get3A_468 : vector<1x16xf32> to vector<16xf32>
        %add3A_470 = arith.addf %add3A_414, %get3A_469 : vector<16xf32>
        %add3A_471 = arith.constant 26 : i32
        %add3A_472 = arith.addi %mul3A_85, %add3A_471 : i32
        %get3A_473 = arith.index_cast %add3A_472 : i32 to index
        %get3A_474 = arith.constant 16 : index
        %get3A_475 = tpu.vector_load %arg7[%get3A_473, %get3A_474] {strides = array<i32>} : memref<1600x32xf32, #tpu.memory_space<vmem>>, vector<1x16xf32>,
        %get3A_476 = vector.shape_cast %get3A_475 : vector<1x16xf32> to vector<16xf32>
        %add3A_477 = arith.addf %add3A_421, %get3A_476 : vector<16xf32>
        %add3A_478 = arith.constant 27 : i32
        %add3A_479 = arith.addi %mul3A_85, %add3A_478 : i32
        %get3A_480 = arith.index_cast %add3A_479 : i32 to index
        %get3A_481 = arith.constant 0 : index
        %get3A_482 = tpu.vector_load %arg7[%get3A_480, %get3A_481] {strides = array<i32>} : memref<1600x32xf32, #tpu.memory_space<vmem>>, vector<1x16xf32>,
        %get3A_483 = vector.shape_cast %get3A_482 : vector<1x16xf32> to vector<16xf32>
        %add3A_484 = arith.addf %add3A_428, %get3A_483 : vector<16xf32>
        %add3A_485 = arith.constant 27 : i32
        %add3A_486 = arith.addi %mul3A_85, %add3A_485 : i32
        %get3A_487 = arith.index_cast %add3A_486 : i32 to index
        %get3A_488 = arith.constant 16 : index
        %get3A_489 = tpu.vector_load %arg7[%get3A_487, %get3A_488] {strides = array<i32>} : memref<1600x32xf32, #tpu.memory_space<vmem>>, vector<1x16xf32>,
        %get3A_490 = vector.shape_cast %get3A_489 : vector<1x16xf32> to vector<16xf32>
        %add3A_491 = arith.addf %add3A_435, %get3A_490 : vector<16xf32>
        %add3A_492 = arith.constant 28 : i32
        %add3A_493 = arith.addi %mul3A_85, %add3A_492 : i32
        %get3A_494 = arith.index_cast %add3A_493 : i32 to index
        %get3A_495 = arith.constant 0 : index
        %get3A_496 = tpu.vector_load %arg7[%get3A_494, %get3A_495] {strides = array<i32>} : memref<1600x32xf32, #tpu.memory_space<vmem>>, vector<1x16xf32>,
        %get3A_497 = vector.shape_cast %get3A_496 : vector<1x16xf32> to vector<16xf32>
        %add3A_498 = arith.addf %add3A_442, %get3A_497 : vector<16xf32>
        %add3A_499 = arith.constant 28 : i32
        %add3A_500 = arith.addi %mul3A_85, %add3A_499 : i32
        %get3A_501 = arith.index_cast %add3A_500 : i32 to index
        %get3A_502 = arith.constant 16 : index
        %get3A_503 = tpu.vector_load %arg7[%get3A_501, %get3A_502] {strides = array<i32>} : memref<1600x32xf32, #tpu.memory_space<vmem>>, vector<1x16xf32>,
        %get3A_504 = vector.shape_cast %get3A_503 : vector<1x16xf32> to vector<16xf32>
        %add3A_505 = arith.addf %add3A_449, %get3A_504 : vector<16xf32>
        %add3A_506 = arith.constant 29 : i32
        %add3A_507 = arith.addi %mul3A_85, %add3A_506 : i32
        %get3A_508 = arith.index_cast %add3A_507 : i32 to index
        %get3A_509 = arith.constant 0 : index
        %get3A_510 = tpu.vector_load %arg7[%get3A_508, %get3A_509] {strides = array<i32>} : memref<1600x32xf32, #tpu.memory_space<vmem>>, vector<1x16xf32>,
        %get3A_511 = vector.shape_cast %get3A_510 : vector<1x16xf32> to vector<16xf32>
        %add3A_512 = arith.addf %add3A_456, %get3A_511 : vector<16xf32>
        %add3A_513 = arith.constant 29 : i32
        %add3A_514 = arith.addi %mul3A_85, %add3A_513 : i32
        %get3A_515 = arith.index_cast %add3A_514 : i32 to index
        %get3A_516 = arith.constant 16 : index
        %get3A_517 = tpu.vector_load %arg7[%get3A_515, %get3A_516] {strides = array<i32>} : memref<1600x32xf32, #tpu.memory_space<vmem>>, vector<1x16xf32>,
        %get3A_518 = vector.shape_cast %get3A_517 : vector<1x16xf32> to vector<16xf32>
        %add3A_519 = arith.addf %add3A_463, %get3A_518 : vector<16xf32>
        %add3A_520 = arith.constant 30 : i32
        %add3A_521 = arith.addi %mul3A_85, %add3A_520 : i32
        %get3A_522 = arith.index_cast %add3A_521 : i32 to index
        %get3A_523 = arith.constant 0 : index
        %get3A_524 = tpu.vector_load %arg7[%get3A_522, %get3A_523] {strides = array<i32>} : memref<1600x32xf32, #tpu.memory_space<vmem>>, vector<1x16xf32>,
        %get3A_525 = vector.shape_cast %get3A_524 : vector<1x16xf32> to vector<16xf32>
        %add3A_526 = arith.addf %add3A_470, %get3A_525 : vector<16xf32>
        %add3A_527 = arith.constant 30 : i32
        %add3A_528 = arith.addi %mul3A_85, %add3A_527 : i32
        %get3A_529 = arith.index_cast %add3A_528 : i32 to index
        %get3A_530 = arith.constant 16 : index
        %get3A_531 = tpu.vector_load %arg7[%get3A_529, %get3A_530] {strides = array<i32>} : memref<1600x32xf32, #tpu.memory_space<vmem>>, vector<1x16xf32>,
        %get3A_532 = vector.shape_cast %get3A_531 : vector<1x16xf32> to vector<16xf32>
        %add3A_533 = arith.addf %add3A_477, %get3A_532 : vector<16xf32>
        %add3A_534 = arith.constant 31 : i32
        %add3A_535 = arith.addi %mul3A_85, %add3A_534 : i32
        %get3A_536 = arith.index_cast %add3A_535 : i32 to index
        %get3A_537 = arith.constant 0 : index
        %get3A_538 = tpu.vector_load %arg7[%get3A_536, %get3A_537] {strides = array<i32>} : memref<1600x32xf32, #tpu.memory_space<vmem>>, vector<1x16xf32>,
        %get3A_539 = vector.shape_cast %get3A_538 : vector<1x16xf32> to vector<16xf32>
        %add3A_540 = arith.addf %add3A_484, %get3A_539 : vector<16xf32>
        %add3A_541 = arith.constant 31 : i32
        %add3A_542 = arith.addi %mul3A_85, %add3A_541 : i32
        %get3A_543 = arith.index_cast %add3A_542 : i32 to index
        %get3A_544 = arith.constant 16 : index
        %get3A_545 = tpu.vector_load %arg7[%get3A_543, %get3A_544] {strides = array<i32>} : memref<1600x32xf32, #tpu.memory_space<vmem>>, vector<1x16xf32>,
        %get3A_546 = vector.shape_cast %get3A_545 : vector<1x16xf32> to vector<16xf32>
        %add3A_547 = arith.addf %add3A_491, %get3A_546 : vector<16xf32>
        %add3A_548 = arith.constant 32 : i32
        %add3A_549 = arith.addi %mul3A_85, %add3A_548 : i32
        %get3A_550 = arith.index_cast %add3A_549 : i32 to index
        %get3A_551 = arith.constant 0 : index
        %get3A_552 = tpu.vector_load %arg7[%get3A_550, %get3A_551] {strides = array<i32>} : memref<1600x32xf32, #tpu.memory_space<vmem>>, vector<1x16xf32>,
        %get3A_553 = vector.shape_cast %get3A_552 : vector<1x16xf32> to vector<16xf32>
        %add3A_554 = arith.addf %add3A_498, %get3A_553 : vector<16xf32>
        %add3A_555 = arith.constant 32 : i32
        %add3A_556 = arith.addi %mul3A_85, %add3A_555 : i32
        %get3A_557 = arith.index_cast %add3A_556 : i32 to index
        %get3A_558 = arith.constant 16 : index
        %get3A_559 = tpu.vector_load %arg7[%get3A_557, %get3A_558] {strides = array<i32>} : memref<1600x32xf32, #tpu.memory_space<vmem>>, vector<1x16xf32>,
        %get3A_560 = vector.shape_cast %get3A_559 : vector<1x16xf32> to vector<16xf32>
        %add3A_561 = arith.addf %add3A_505, %get3A_560 : vector<16xf32>
        %add3A_562 = arith.constant 33 : i32
        %add3A_563 = arith.addi %mul3A_85, %add3A_562 : i32
        %get3A_564 = arith.index_cast %add3A_563 : i32 to index
        %get3A_565 = arith.constant 0 : index
        %get3A_566 = tpu.vector_load %arg7[%get3A_564, %get3A_565] {strides = array<i32>} : memref<1600x32xf32, #tpu.memory_space<vmem>>, vector<1x16xf32>,
        %get3A_567 = vector.shape_cast %get3A_566 : vector<1x16xf32> to vector<16xf32>
        %add3A_568 = arith.addf %add3A_512, %get3A_567 : vector<16xf32>
        %add3A_569 = arith.constant 33 : i32
        %add3A_570 = arith.addi %mul3A_85, %add3A_569 : i32
        %get3A_571 = arith.index_cast %add3A_570 : i32 to index
        %get3A_572 = arith.constant 16 : index
        %get3A_573 = tpu.vector_load %arg7[%get3A_571, %get3A_572] {strides = array<i32>} : memref<1600x32xf32, #tpu.memory_space<vmem>>, vector<1x16xf32>,
        %get3A_574 = vector.shape_cast %get3A_573 : vector<1x16xf32> to vector<16xf32>
        %add3A_575 = arith.addf %add3A_519, %get3A_574 : vector<16xf32>
        %add3A_576 = arith.constant 34 : i32
        %add3A_577 = arith.addi %mul3A_85, %add3A_576 : i32
        %get3A_578 = arith.index_cast %add3A_577 : i32 to index
        %get3A_579 = arith.constant 0 : index
        %get3A_580 = tpu.vector_load %arg7[%get3A_578, %get3A_579] {strides = array<i32>} : memref<1600x32xf32, #tpu.memory_space<vmem>>, vector<1x16xf32>,
        %get3A_581 = vector.shape_cast %get3A_580 : vector<1x16xf32> to vector<16xf32>
        %add3A_582 = arith.addf %add3A_526, %get3A_581 : vector<16xf32>
        %add3A_583 = arith.constant 34 : i32
        %add3A_584 = arith.addi %mul3A_85, %add3A_583 : i32
        %get3A_585 = arith.index_cast %add3A_584 : i32 to index
        %get3A_586 = arith.constant 16 : index
        %get3A_587 = tpu.vector_load %arg7[%get3A_585, %get3A_586] {strides = array<i32>} : memref<1600x32xf32, #tpu.memory_space<vmem>>, vector<1x16xf32>,
        %get3A_588 = vector.shape_cast %get3A_587 : vector<1x16xf32> to vector<16xf32>
        %add3A_589 = arith.addf %add3A_533, %get3A_588 : vector<16xf32>
        %add3A_590 = arith.constant 35 : i32
        %add3A_591 = arith.addi %mul3A_85, %add3A_590 : i32
        %get3A_592 = arith.index_cast %add3A_591 : i32 to index
        %get3A_593 = arith.constant 0 : index
        %get3A_594 = tpu.vector_load %arg7[%get3A_592, %get3A_593] {strides = array<i32>} : memref<1600x32xf32, #tpu.memory_space<vmem>>, vector<1x16xf32>,
        %get3A_595 = vector.shape_cast %get3A_594 : vector<1x16xf32> to vector<16xf32>
        %add3A_596 = arith.addf %add3A_540, %get3A_595 : vector<16xf32>
        %add3A_597 = arith.constant 35 : i32
        %add3A_598 = arith.addi %mul3A_85, %add3A_597 : i32
        %get3A_599 = arith.index_cast %add3A_598 : i32 to index
        %get3A_600 = arith.constant 16 : index
        %get3A_601 = tpu.vector_load %arg7[%get3A_599, %get3A_600] {strides = array<i32>} : memref<1600x32xf32, #tpu.memory_space<vmem>>, vector<1x16xf32>,
        %get3A_602 = vector.shape_cast %get3A_601 : vector<1x16xf32> to vector<16xf32>
        %add3A_603 = arith.addf %add3A_547, %get3A_602 : vector<16xf32>
        %add3A_604 = arith.constant 36 : i32
        %add3A_605 = arith.addi %mul3A_85, %add3A_604 : i32
        %get3A_606 = arith.index_cast %add3A_605 : i32 to index
        %get3A_607 = arith.constant 0 : index
        %get3A_608 = tpu.vector_load %arg7[%get3A_606, %get3A_607] {strides = array<i32>} : memref<1600x32xf32, #tpu.memory_space<vmem>>, vector<1x16xf32>,
        %get3A_609 = vector.shape_cast %get3A_608 : vector<1x16xf32> to vector<16xf32>
        %add3A_610 = arith.addf %add3A_554, %get3A_609 : vector<16xf32>
        %add3A_611 = arith.constant 36 : i32
        %add3A_612 = arith.addi %mul3A_85, %add3A_611 : i32
        %get3A_613 = arith.index_cast %add3A_612 : i32 to index
        %get3A_614 = arith.constant 16 : index
        %get3A_615 = tpu.vector_load %arg7[%get3A_613, %get3A_614] {strides = array<i32>} : memref<1600x32xf32, #tpu.memory_space<vmem>>, vector<1x16xf32>,
        %get3A_616 = vector.shape_cast %get3A_615 : vector<1x16xf32> to vector<16xf32>
        %add3A_617 = arith.addf %add3A_561, %get3A_616 : vector<16xf32>
        %add3A_618 = arith.constant 37 : i32
        %add3A_619 = arith.addi %mul3A_85, %add3A_618 : i32
        %get3A_620 = arith.index_cast %add3A_619 : i32 to index
        %get3A_621 = arith.constant 0 : index
        %get3A_622 = tpu.vector_load %arg7[%get3A_620, %get3A_621] {strides = array<i32>} : memref<1600x32xf32, #tpu.memory_space<vmem>>, vector<1x16xf32>,
        %get3A_623 = vector.shape_cast %get3A_622 : vector<1x16xf32> to vector<16xf32>
        %add3A_624 = arith.addf %add3A_568, %get3A_623 : vector<16xf32>
        %add3A_625 = arith.constant 37 : i32
        %add3A_626 = arith.addi %mul3A_85, %add3A_625 : i32
        %get3A_627 = arith.index_cast %add3A_626 : i32 to index
        %get3A_628 = arith.constant 16 : index
        %get3A_629 = tpu.vector_load %arg7[%get3A_627, %get3A_628] {strides = array<i32>} : memref<1600x32xf32, #tpu.memory_space<vmem>>, vector<1x16xf32>,
        %get3A_630 = vector.shape_cast %get3A_629 : vector<1x16xf32> to vector<16xf32>
        %add3A_631 = arith.addf %add3A_575, %get3A_630 : vector<16xf32>
        %add3A_632 = arith.constant 38 : i32
        %add3A_633 = arith.addi %mul3A_85, %add3A_632 : i32
        %get3A_634 = arith.index_cast %add3A_633 : i32 to index
        %get3A_635 = arith.constant 0 : index
        %get3A_636 = tpu.vector_load %arg7[%get3A_634, %get3A_635] {strides = array<i32>} : memref<1600x32xf32, #tpu.memory_space<vmem>>, vector<1x16xf32>,
        %get3A_637 = vector.shape_cast %get3A_636 : vector<1x16xf32> to vector<16xf32>
        %add3A_638 = arith.addf %add3A_582, %get3A_637 : vector<16xf32>
        %add3A_639 = arith.constant 38 : i32
        %add3A_640 = arith.addi %mul3A_85, %add3A_639 : i32
        %get3A_641 = arith.index_cast %add3A_640 : i32 to index
        %get3A_642 = arith.constant 16 : index
        %get3A_643 = tpu.vector_load %arg7[%get3A_641, %get3A_642] {strides = array<i32>} : memref<1600x32xf32, #tpu.memory_space<vmem>>, vector<1x16xf32>,
        %get3A_644 = vector.shape_cast %get3A_643 : vector<1x16xf32> to vector<16xf32>
        %add3A_645 = arith.addf %add3A_589, %get3A_644 : vector<16xf32>
        %add3A_646 = arith.constant 39 : i32
        %add3A_647 = arith.addi %mul3A_85, %add3A_646 : i32
        %get3A_648 = arith.index_cast %add3A_647 : i32 to index
        %get3A_649 = arith.constant 0 : index
        %get3A_650 = tpu.vector_load %arg7[%get3A_648, %get3A_649] {strides = array<i32>} : memref<1600x32xf32, #tpu.memory_space<vmem>>, vector<1x16xf32>,
        %get3A_651 = vector.shape_cast %get3A_650 : vector<1x16xf32> to vector<16xf32>
        %add3A_652 = arith.addf %add3A_596, %get3A_651 : vector<16xf32>
        %add3A_653 = arith.constant 39 : i32
        %add3A_654 = arith.addi %mul3A_85, %add3A_653 : i32
        %get3A_655 = arith.index_cast %add3A_654 : i32 to index
        %get3A_656 = arith.constant 16 : index
        %get3A_657 = tpu.vector_load %arg7[%get3A_655, %get3A_656] {strides = array<i32>} : memref<1600x32xf32, #tpu.memory_space<vmem>>, vector<1x16xf32>,
        %get3A_658 = vector.shape_cast %get3A_657 : vector<1x16xf32> to vector<16xf32>
        %add3A_659 = arith.addf %add3A_603, %get3A_658 : vector<16xf32>
        %add3A_660 = arith.constant 40 : i32
        %add3A_661 = arith.addi %mul3A_85, %add3A_660 : i32
        %get3A_662 = arith.index_cast %add3A_661 : i32 to index
        %get3A_663 = arith.constant 0 : index
        %get3A_664 = tpu.vector_load %arg7[%get3A_662, %get3A_663] {strides = array<i32>} : memref<1600x32xf32, #tpu.memory_space<vmem>>, vector<1x16xf32>,
        %get3A_665 = vector.shape_cast %get3A_664 : vector<1x16xf32> to vector<16xf32>
        %add3A_666 = arith.addf %add3A_610, %get3A_665 : vector<16xf32>
        %add3A_667 = arith.constant 40 : i32
        %add3A_668 = arith.addi %mul3A_85, %add3A_667 : i32
        %get3A_669 = arith.index_cast %add3A_668 : i32 to index
        %get3A_670 = arith.constant 16 : index
        %get3A_671 = tpu.vector_load %arg7[%get3A_669, %get3A_670] {strides = array<i32>} : memref<1600x32xf32, #tpu.memory_space<vmem>>, vector<1x16xf32>,
        %get3A_672 = vector.shape_cast %get3A_671 : vector<1x16xf32> to vector<16xf32>
        %add3A_673 = arith.addf %add3A_617, %get3A_672 : vector<16xf32>
        %add3A_674 = arith.constant 41 : i32
        %add3A_675 = arith.addi %mul3A_85, %add3A_674 : i32
        %get3A_676 = arith.index_cast %add3A_675 : i32 to index
        %get3A_677 = arith.constant 0 : index
        %get3A_678 = tpu.vector_load %arg7[%get3A_676, %get3A_677] {strides = array<i32>} : memref<1600x32xf32, #tpu.memory_space<vmem>>, vector<1x16xf32>,
        %get3A_679 = vector.shape_cast %get3A_678 : vector<1x16xf32> to vector<16xf32>
        %add3A_680 = arith.addf %add3A_624, %get3A_679 : vector<16xf32>
        %add3A_681 = arith.constant 41 : i32
        %add3A_682 = arith.addi %mul3A_85, %add3A_681 : i32
        %get3A_683 = arith.index_cast %add3A_682 : i32 to index
        %get3A_684 = arith.constant 16 : index
        %get3A_685 = tpu.vector_load %arg7[%get3A_683, %get3A_684] {strides = array<i32>} : memref<1600x32xf32, #tpu.memory_space<vmem>>, vector<1x16xf32>,
        %get3A_686 = vector.shape_cast %get3A_685 : vector<1x16xf32> to vector<16xf32>
        %add3A_687 = arith.addf %add3A_631, %get3A_686 : vector<16xf32>
        %add3A_688 = arith.constant 42 : i32
        %add3A_689 = arith.addi %mul3A_85, %add3A_688 : i32
        %get3A_690 = arith.index_cast %add3A_689 : i32 to index
        %get3A_691 = arith.constant 0 : index
        %get3A_692 = tpu.vector_load %arg7[%get3A_690, %get3A_691] {strides = array<i32>} : memref<1600x32xf32, #tpu.memory_space<vmem>>, vector<1x16xf32>,
        %get3A_693 = vector.shape_cast %get3A_692 : vector<1x16xf32> to vector<16xf32>
        %add3A_694 = arith.addf %add3A_638, %get3A_693 : vector<16xf32>
        %add3A_695 = arith.constant 42 : i32
        %add3A_696 = arith.addi %mul3A_85, %add3A_695 : i32
        %get3A_697 = arith.index_cast %add3A_696 : i32 to index
        %get3A_698 = arith.constant 16 : index
        %get3A_699 = tpu.vector_load %arg7[%get3A_697, %get3A_698] {strides = array<i32>} : memref<1600x32xf32, #tpu.memory_space<vmem>>, vector<1x16xf32>,
        %get3A_700 = vector.shape_cast %get3A_699 : vector<1x16xf32> to vector<16xf32>
        %add3A_701 = arith.addf %add3A_645, %get3A_700 : vector<16xf32>
        %add3A_702 = arith.constant 43 : i32
        %add3A_703 = arith.addi %mul3A_85, %add3A_702 : i32
        %get3A_704 = arith.index_cast %add3A_703 : i32 to index
        %get3A_705 = arith.constant 0 : index
        %get3A_706 = tpu.vector_load %arg7[%get3A_704, %get3A_705] {strides = array<i32>} : memref<1600x32xf32, #tpu.memory_space<vmem>>, vector<1x16xf32>,
        %get3A_707 = vector.shape_cast %get3A_706 : vector<1x16xf32> to vector<16xf32>
        %add3A_708 = arith.addf %add3A_652, %get3A_707 : vector<16xf32>
        %add3A_709 = arith.constant 43 : i32
        %add3A_710 = arith.addi %mul3A_85, %add3A_709 : i32
        %get3A_711 = arith.index_cast %add3A_710 : i32 to index
        %get3A_712 = arith.constant 16 : index
        %get3A_713 = tpu.vector_load %arg7[%get3A_711, %get3A_712] {strides = array<i32>} : memref<1600x32xf32, #tpu.memory_space<vmem>>, vector<1x16xf32>,
        %get3A_714 = vector.shape_cast %get3A_713 : vector<1x16xf32> to vector<16xf32>
        %add3A_715 = arith.addf %add3A_659, %get3A_714 : vector<16xf32>
        %add3A_716 = arith.constant 44 : i32
        %add3A_717 = arith.addi %mul3A_85, %add3A_716 : i32
        %get3A_718 = arith.index_cast %add3A_717 : i32 to index
        %get3A_719 = arith.constant 0 : index
        %get3A_720 = tpu.vector_load %arg7[%get3A_718, %get3A_719] {strides = array<i32>} : memref<1600x32xf32, #tpu.memory_space<vmem>>, vector<1x16xf32>,
        %get3A_721 = vector.shape_cast %get3A_720 : vector<1x16xf32> to vector<16xf32>
        %add3A_722 = arith.addf %add3A_666, %get3A_721 : vector<16xf32>
        %add3A_723 = arith.constant 44 : i32
        %add3A_724 = arith.addi %mul3A_85, %add3A_723 : i32
        %get3A_725 = arith.index_cast %add3A_724 : i32 to index
        %get3A_726 = arith.constant 16 : index
        %get3A_727 = tpu.vector_load %arg7[%get3A_725, %get3A_726] {strides = array<i32>} : memref<1600x32xf32, #tpu.memory_space<vmem>>, vector<1x16xf32>,
        %get3A_728 = vector.shape_cast %get3A_727 : vector<1x16xf32> to vector<16xf32>
        %add3A_729 = arith.addf %add3A_673, %get3A_728 : vector<16xf32>
        %add3A_730 = arith.constant 45 : i32
        %add3A_731 = arith.addi %mul3A_85, %add3A_730 : i32
        %get3A_732 = arith.index_cast %add3A_731 : i32 to index
        %get3A_733 = arith.constant 0 : index
        %get3A_734 = tpu.vector_load %arg7[%get3A_732, %get3A_733] {strides = array<i32>} : memref<1600x32xf32, #tpu.memory_space<vmem>>, vector<1x16xf32>,
        %get3A_735 = vector.shape_cast %get3A_734 : vector<1x16xf32> to vector<16xf32>
        %add3A_736 = arith.addf %add3A_680, %get3A_735 : vector<16xf32>
        %add3A_737 = arith.constant 45 : i32
        %add3A_738 = arith.addi %mul3A_85, %add3A_737 : i32
        %get3A_739 = arith.index_cast %add3A_738 : i32 to index
        %get3A_740 = arith.constant 16 : index
        %get3A_741 = tpu.vector_load %arg7[%get3A_739, %get3A_740] {strides = array<i32>} : memref<1600x32xf32, #tpu.memory_space<vmem>>, vector<1x16xf32>,
        %get3A_742 = vector.shape_cast %get3A_741 : vector<1x16xf32> to vector<16xf32>
        %add3A_743 = arith.addf %add3A_687, %get3A_742 : vector<16xf32>
        %add3A_744 = arith.constant 46 : i32
        %add3A_745 = arith.addi %mul3A_85, %add3A_744 : i32
        %get3A_746 = arith.index_cast %add3A_745 : i32 to index
        %get3A_747 = arith.constant 0 : index
        %get3A_748 = tpu.vector_load %arg7[%get3A_746, %get3A_747] {strides = array<i32>} : memref<1600x32xf32, #tpu.memory_space<vmem>>, vector<1x16xf32>,
        %get3A_749 = vector.shape_cast %get3A_748 : vector<1x16xf32> to vector<16xf32>
        %add3A_750 = arith.addf %add3A_694, %get3A_749 : vector<16xf32>
        %add3A_751 = arith.constant 46 : i32
        %add3A_752 = arith.addi %mul3A_85, %add3A_751 : i32
        %get3A_753 = arith.index_cast %add3A_752 : i32 to index
        %get3A_754 = arith.constant 16 : index
        %get3A_755 = tpu.vector_load %arg7[%get3A_753, %get3A_754] {strides = array<i32>} : memref<1600x32xf32, #tpu.memory_space<vmem>>, vector<1x16xf32>,
        %get3A_756 = vector.shape_cast %get3A_755 : vector<1x16xf32> to vector<16xf32>
        %add3A_757 = arith.addf %add3A_701, %get3A_756 : vector<16xf32>
        %add3A_758 = arith.constant 47 : i32
        %add3A_759 = arith.addi %mul3A_85, %add3A_758 : i32
        %get3A_760 = arith.index_cast %add3A_759 : i32 to index
        %get3A_761 = arith.constant 0 : index
        %get3A_762 = tpu.vector_load %arg7[%get3A_760, %get3A_761] {strides = array<i32>} : memref<1600x32xf32, #tpu.memory_space<vmem>>, vector<1x16xf32>,
        %get3A_763 = vector.shape_cast %get3A_762 : vector<1x16xf32> to vector<16xf32>
        %add3A_764 = arith.addf %add3A_708, %get3A_763 : vector<16xf32>
        %add3A_765 = arith.constant 47 : i32
        %add3A_766 = arith.addi %mul3A_85, %add3A_765 : i32
        %get3A_767 = arith.index_cast %add3A_766 : i32 to index
        %get3A_768 = arith.constant 16 : index
        %get3A_769 = tpu.vector_load %arg7[%get3A_767, %get3A_768] {strides = array<i32>} : memref<1600x32xf32, #tpu.memory_space<vmem>>, vector<1x16xf32>,
        %get3A_770 = vector.shape_cast %get3A_769 : vector<1x16xf32> to vector<16xf32>
        %add3A_771 = arith.addf %add3A_715, %get3A_770 : vector<16xf32>
        %add3A_772 = arith.constant 48 : i32
        %add3A_773 = arith.addi %mul3A_85, %add3A_772 : i32
        %get3A_774 = arith.index_cast %add3A_773 : i32 to index
        %get3A_775 = arith.constant 0 : index
        %get3A_776 = tpu.vector_load %arg7[%get3A_774, %get3A_775] {strides = array<i32>} : memref<1600x32xf32, #tpu.memory_space<vmem>>, vector<1x16xf32>,
        %get3A_777 = vector.shape_cast %get3A_776 : vector<1x16xf32> to vector<16xf32>
        %add3A_778 = arith.addf %add3A_722, %get3A_777 : vector<16xf32>
        %add3A_779 = arith.constant 48 : i32
        %add3A_780 = arith.addi %mul3A_85, %add3A_779 : i32
        %get3A_781 = arith.index_cast %add3A_780 : i32 to index
        %get3A_782 = arith.constant 16 : index
        %get3A_783 = tpu.vector_load %arg7[%get3A_781, %get3A_782] {strides = array<i32>} : memref<1600x32xf32, #tpu.memory_space<vmem>>, vector<1x16xf32>,
        %get3A_784 = vector.shape_cast %get3A_783 : vector<1x16xf32> to vector<16xf32>
        %add3A_785 = arith.addf %add3A_729, %get3A_784 : vector<16xf32>
        %add3A_786 = arith.constant 49 : i32
        %add3A_787 = arith.addi %mul3A_85, %add3A_786 : i32
        %get3A_788 = arith.index_cast %add3A_787 : i32 to index
        %get3A_789 = arith.constant 0 : index
        %get3A_790 = tpu.vector_load %arg7[%get3A_788, %get3A_789] {strides = array<i32>} : memref<1600x32xf32, #tpu.memory_space<vmem>>, vector<1x16xf32>,
        %get3A_791 = vector.shape_cast %get3A_790 : vector<1x16xf32> to vector<16xf32>
        %add3A_792 = arith.addf %add3A_736, %get3A_791 : vector<16xf32>
        %add3A_793 = arith.constant 49 : i32
        %add3A_794 = arith.addi %mul3A_85, %add3A_793 : i32
        %get3A_795 = arith.index_cast %add3A_794 : i32 to index
        %get3A_796 = arith.constant 16 : index
        %get3A_797 = tpu.vector_load %arg7[%get3A_795, %get3A_796] {strides = array<i32>} : memref<1600x32xf32, #tpu.memory_space<vmem>>, vector<1x16xf32>,
        %get3A_798 = vector.shape_cast %get3A_797 : vector<1x16xf32> to vector<16xf32>
        %add3A_799 = arith.addf %add3A_743, %get3A_798 : vector<16xf32>
        %add3A_800 = arith.addf %add3A_778, %add3A_792 : vector<16xf32>
        %add3A_801 = arith.addf %add3A_750, %add3A_764 : vector<16xf32>
        %add3A_802 = arith.addf %add3A_800, %add3A_801 : vector<16xf32>
        %add3A_803 = arith.addf %add3A_785, %add3A_799 : vector<16xf32>
        %add3A_804 = arith.addf %add3A_757, %add3A_771 : vector<16xf32>
        %add3A_805 = arith.addf %add3A_803, %add3A_804 : vector<16xf32>
        %mul3A_806 = vector.broadcast %scan3A_9 : f32 to vector<16xf32>
        %mul3A_807 = arith.mulf %add3A_802, %mul3A_806 : vector<16xf32>
        %swap3A = arith.index_cast %scan3A_83 : i32 to index
        %swap3A_808 = arith.constant 0 : index
        %swap3A_809 = tpu.vector_load %arg9[%swap3A, %swap3A_808] {strides = array<i32>} : memref<32x32xf32, #tpu.memory_space<vmem>>, vector<1x16xf32>,
        %swap3A_810 = vector.shape_cast %swap3A_809 : vector<1x16xf32> to vector<16xf32>
        %swap3A_811 = vector.shape_cast %mul3A_807 : vector<16xf32> to vector<1x16xf32>
        tpu.vector_store %arg9[%swap3A, %swap3A_808], %swap3A_811 {strides = array<i32>} : memref<32x32xf32, #tpu.memory_space<vmem>>, vector<1x16xf32>,
        %mul3A_812 = vector.broadcast %scan3A_9 : f32 to vector<16xf32>
        %mul3A_813 = arith.mulf %add3A_805, %mul3A_812 : vector<16xf32>
        %swap3A_814 = arith.index_cast %scan3A_83 : i32 to index
        %swap3A_815 = arith.constant 16 : index
        %swap3A_816 = tpu.vector_load %arg9[%swap3A_814, %swap3A_815] {strides = array<i32>} : memref<32x32xf32, #tpu.memory_space<vmem>>, vector<1x16xf32>,
        %swap3A_817 = vector.shape_cast %swap3A_816 : vector<1x16xf32> to vector<16xf32>
        %swap3A_818 = vector.shape_cast %mul3A_813 : vector<16xf32> to vector<1x16xf32>
        tpu.vector_store %arg9[%swap3A_814, %swap3A_815], %swap3A_818 {strides = array<i32>} : memref<32x32xf32, #tpu.memory_space<vmem>>, vector<1x16xf32>,
      }
      %scan3A_46 = arith.constant 32 : i32
      %dma_start3A_47 = arith.constant 0 : i32
      %dma_start3A_48 = tpu.memref_slice %arg4[%add3A_37, %dma_start3A_47] : memref<16384x32xf32, #tpu.memory_space<hbm>> -> memref<32x32xf32, #tpu.memory_space<hbm>>
      %dma_start3A_49 = arith.constant 0 : i32
      %dma_start3A_50 = tpu.memref_slice %arg4[%add3A_37, %dma_start3A_49] : memref<16384x32xf32, #tpu.memory_space<hbm>> -> memref<32x32xf32, #tpu.memory_space<hbm>>
      tpu.enqueue_dma source(%arg9 : memref<32x32xf32, #tpu.memory_space<vmem>>) target(%dma_start3A_50 : memref<32x32xf32, #tpu.memory_space<hbm>>) target_semaphore(%arg13 : memref<!tpu.dma_semaphore, #tpu.memory_space<semaphore_mem>>)
      %mul3A_51 = arith.constant 2 : i32
      %mul3A_52 = arith.muli %scan3A_22, %mul3A_51 : i32
      %add3A_53 = arith.constant 1 : i32
      %add3A_54 = arith.addi %mul3A_52, %add3A_53 : i32
      %add3A_55 = arith.constant 1 : i32
      %add3A_56 = arith.addi %add3A_54, %add3A_55 : i32
      %lt3A_57 = arith.constant 16 : i32
      %lt3A_58 = arith.cmpi slt, %add3A_56, %lt3A_57 : i32
      %convert_element_type3A_59 = arith.extui %lt3A_58 : i1 to i32
      %cond3A_60 = arith.constant 0 : i32
      %cond3A_61 = arith.cmpi ne, %convert_element_type3A_59, %cond3A_60 : i32
      scf.if %cond3A_61 {
        %add3A_83 = arith.constant 1 : i32
        %add3A_84 = arith.addi %add3A_54, %add3A_83 : i32
        %mul3A_85 = arith.constant 32 : i32
        %mul3A_86 = arith.muli %add3A_84, %mul3A_85 : i32
        %add3A_87 = arith.addi %mul3A_2, %mul3A_86 : i32
        %mul3A_88 = arith.constant 50 : i32
        %mul3A_89 = arith.muli %add3A_87, %mul3A_88 : i32
        "tpu.region"() ({
          %run_scoped3A = tpu.sem_alloc : memref<!tpu.dma_semaphore, #tpu.memory_space<semaphore_mem>>
          %dma_start3A_93 = tpu.memref_slice %arg2[%mul3A_89] : memref<819200xi32, #tpu.memory_space<hbm>> -> memref<1600xi32, #tpu.memory_space<hbm>>
          %dma_start3A_94 = tpu.memref_slice %arg2[%mul3A_89] : memref<819200xi32, #tpu.memory_space<hbm>> -> memref<1600xi32, #tpu.memory_space<hbm>>
          tpu.enqueue_dma source(%dma_start3A_94 : memref<1600xi32, #tpu.memory_space<hbm>>) target(%arg5 : memref<1600xi32, #tpu.memory_space<vmem>>) target_semaphore(%run_scoped3A : memref<!tpu.dma_semaphore, #tpu.memory_space<semaphore_mem>>)
          %dma_wait3A_95 = tpu.memref_slice %arg2[%mul3A_89] : memref<819200xi32, #tpu.memory_space<hbm>> -> memref<1600xi32, #tpu.memory_space<hbm>>
          %dma_wait3A_96 = tpu.memref_slice %arg2[%mul3A_89] : memref<819200xi32, #tpu.memory_space<hbm>> -> memref<1600xi32, #tpu.memory_space<hbm>>
          tpu.wait_dma2 semaphore(%run_scoped3A : memref<!tpu.dma_semaphore, #tpu.memory_space<semaphore_mem>>) src(%dma_wait3A_96 : memref<1600xi32, #tpu.memory_space<hbm>>) dst(%arg5 : memref<1600xi32, #tpu.memory_space<vmem>>)
          tpu.yield
        }) : () -> ()
        %dma_start3A_90 = arith.constant 0 : i32
        %dma_start3A_91 = arith.constant 0 : i32
        %dma_start3A_92 = tpu.memref_slice %arg3[%dma_start3A_90, %dma_start3A_91] : memref<1000000x32xf32, #tpu.memory_space<hbm>> -> memref<1000000x32xf32, #tpu.memory_space<hbm>>
        tpu.enqueue_indirect_dma source(%dma_start3A_92 : memref<1000000x32xf32, #tpu.memory_space<hbm>>) target(%arg7 : memref<1600x32xf32, #tpu.memory_space<vmem>>) offsets(%arg5 : memref<1600xi32, #tpu.memory_space<vmem>>) semaphore(%arg11 : memref<!tpu.dma_semaphore, #tpu.memory_space<semaphore_mem>>)
      } else {
      }
      %ge3A_62 = arith.constant 2 : i32
      %ge3A_63 = arith.cmpi sge, %add3A_54, %ge3A_62 : i32
      %convert_element_type3A_64 = arith.extui %ge3A_63 : i1 to i32
      %cond3A_65 = arith.constant 0 : i32
      %cond3A_66 = arith.cmpi ne, %convert_element_type3A_64, %cond3A_65 : i32
      scf.if %cond3A_66 {
        %mul3A_83 = arith.constant 32 : i32
        %mul3A_84 = arith.muli %add3A_54, %mul3A_83 : i32
        %add3A_85 = arith.addi %mul3A_2, %mul3A_84 : i32
        %dma_wait3A_86 = arith.constant 0 : i32
        %dma_wait3A_87 = tpu.memref_slice %arg4[%add3A_85, %dma_wait3A_86] : memref<16384x32xf32, #tpu.memory_space<hbm>> -> memref<32x32xf32, #tpu.memory_space<hbm>>
        %dma_wait3A_88 = arith.constant 0 : i32
        %dma_wait3A_89 = tpu.memref_slice %arg4[%add3A_85, %dma_wait3A_88] : memref<16384x32xf32, #tpu.memory_space<hbm>> -> memref<32x32xf32, #tpu.memory_space<hbm>>
        tpu.wait_dma2 semaphore(%arg14 : memref<!tpu.dma_semaphore, #tpu.memory_space<semaphore_mem>>) src(%arg10 : memref<32x32xf32, #tpu.memory_space<vmem>>) dst(%dma_wait3A_89 : memref<32x32xf32, #tpu.memory_space<hbm>>)
      } else {
      }
      %mul3A_67 = arith.constant 32 : i32
      %mul3A_68 = arith.muli %add3A_54, %mul3A_67 : i32
      %add3A_69 = arith.addi %mul3A_2, %mul3A_68 : i32
      %dma_wait3A_70 = arith.constant 0 : i32
      %dma_wait3A_71 = arith.constant 0 : i32
      %dma_wait3A_72 = tpu.memref_slice %arg3[%dma_wait3A_70, %dma_wait3A_71] : memref<1000000x32xf32, #tpu.memory_space<hbm>> -> memref<1000000x32xf32, #tpu.memory_space<hbm>>
      tpu.wait_indirect_dma semaphore(%arg12 : memref<!tpu.dma_semaphore, #tpu.memory_space<semaphore_mem>>) src(%dma_wait3A_72 : memref<1000000x32xf32, #tpu.memory_space<hbm>>) dst(%arg8 : memref<1600x32xf32, #tpu.memory_space<vmem>>)
      %scan3A_73 = arith.constant 0 : i32
      %scan3A_74 = arith.constant 0 : i32
      %scan3A_75 = arith.constant 32 : i32
      %scan3A_76 = arith.addi %scan3A_74, %scan3A_75 : i32
      %scan3A_77 = arith.constant 1 : i32
      scf.for %scan3A_83 = %scan3A_74 to %scan3A_76 step %scan3A_77  : i32 {
        %mul3A_84 = arith.constant 50 : i32
        %mul3A_85 = arith.muli %scan3A_83, %mul3A_84 : i32
        %broadcast_in_dim3A = arith.constant 0.000000e+00 : f32
        %broadcast_in_dim3A_86 = vector.broadcast %broadcast_in_dim3A : f32 to vector<16xf32>
        %broadcast_in_dim3A_87 = arith.constant 0.000000e+00 : f32
        %broadcast_in_dim3A_88 = vector.broadcast %broadcast_in_dim3A_87 : f32 to vector<16xf32>
        %broadcast_in_dim3A_89 = arith.constant 0.000000e+00 : f32
        %broadcast_in_dim3A_90 = vector.broadcast %broadcast_in_dim3A_89 : f32 to vector<16xf32>
        %broadcast_in_dim3A_91 = arith.constant 0.000000e+00 : f32
        %broadcast_in_dim3A_92 = vector.broadcast %broadcast_in_dim3A_91 : f32 to vector<16xf32>
        %broadcast_in_dim3A_93 = arith.constant 0.000000e+00 : f32
        %broadcast_in_dim3A_94 = vector.broadcast %broadcast_in_dim3A_93 : f32 to vector<16xf32>
        %broadcast_in_dim3A_95 = arith.constant 0.000000e+00 : f32
        %broadcast_in_dim3A_96 = vector.broadcast %broadcast_in_dim3A_95 : f32 to vector<16xf32>
        %broadcast_in_dim3A_97 = arith.constant 0.000000e+00 : f32
        %broadcast_in_dim3A_98 = vector.broadcast %broadcast_in_dim3A_97 : f32 to vector<16xf32>
        %broadcast_in_dim3A_99 = arith.constant 0.000000e+00 : f32
        %broadcast_in_dim3A_100 = vector.broadcast %broadcast_in_dim3A_99 : f32 to vector<16xf32>
        %add3A_101 = arith.constant 0 : i32
        %add3A_102 = arith.addi %mul3A_85, %add3A_101 : i32
        %get3A = arith.index_cast %add3A_102 : i32 to index
        %get3A_103 = arith.constant 0 : index
        %get3A_104 = tpu.vector_load %arg8[%get3A, %get3A_103] {strides = array<i32>} : memref<1600x32xf32, #tpu.memory_space<vmem>>, vector<1x16xf32>,
        %get3A_105 = vector.shape_cast %get3A_104 : vector<1x16xf32> to vector<16xf32>
        %add3A_106 = arith.addf %broadcast_in_dim3A_86, %get3A_105 : vector<16xf32>
        %add3A_107 = arith.constant 0 : i32
        %add3A_108 = arith.addi %mul3A_85, %add3A_107 : i32
        %get3A_109 = arith.index_cast %add3A_108 : i32 to index
        %get3A_110 = arith.constant 16 : index
        %get3A_111 = tpu.vector_load %arg8[%get3A_109, %get3A_110] {strides = array<i32>} : memref<1600x32xf32, #tpu.memory_space<vmem>>, vector<1x16xf32>,
        %get3A_112 = vector.shape_cast %get3A_111 : vector<1x16xf32> to vector<16xf32>
        %add3A_113 = arith.addf %broadcast_in_dim3A_94, %get3A_112 : vector<16xf32>
        %add3A_114 = arith.constant 1 : i32
        %add3A_115 = arith.addi %mul3A_85, %add3A_114 : i32
        %get3A_116 = arith.index_cast %add3A_115 : i32 to index
        %get3A_117 = arith.constant 0 : index
        %get3A_118 = tpu.vector_load %arg8[%get3A_116, %get3A_117] {strides = array<i32>} : memref<1600x32xf32, #tpu.memory_space<vmem>>, vector<1x16xf32>,
        %get3A_119 = vector.shape_cast %get3A_118 : vector<1x16xf32> to vector<16xf32>
        %add3A_120 = arith.addf %broadcast_in_dim3A_88, %get3A_119 : vector<16xf32>
        %add3A_121 = arith.constant 1 : i32
        %add3A_122 = arith.addi %mul3A_85, %add3A_121 : i32
        %get3A_123 = arith.index_cast %add3A_122 : i32 to index
        %get3A_124 = arith.constant 16 : index
        %get3A_125 = tpu.vector_load %arg8[%get3A_123, %get3A_124] {strides = array<i32>} : memref<1600x32xf32, #tpu.memory_space<vmem>>, vector<1x16xf32>,
        %get3A_126 = vector.shape_cast %get3A_125 : vector<1x16xf32> to vector<16xf32>
        %add3A_127 = arith.addf %broadcast_in_dim3A_96, %get3A_126 : vector<16xf32>
        %add3A_128 = arith.constant 2 : i32
        %add3A_129 = arith.addi %mul3A_85, %add3A_128 : i32
        %get3A_130 = arith.index_cast %add3A_129 : i32 to index
        %get3A_131 = arith.constant 0 : index
        %get3A_132 = tpu.vector_load %arg8[%get3A_130, %get3A_131] {strides = array<i32>} : memref<1600x32xf32, #tpu.memory_space<vmem>>, vector<1x16xf32>,
        %get3A_133 = vector.shape_cast %get3A_132 : vector<1x16xf32> to vector<16xf32>
        %add3A_134 = arith.addf %broadcast_in_dim3A_90, %get3A_133 : vector<16xf32>
        %add3A_135 = arith.constant 2 : i32
        %add3A_136 = arith.addi %mul3A_85, %add3A_135 : i32
        %get3A_137 = arith.index_cast %add3A_136 : i32 to index
        %get3A_138 = arith.constant 16 : index
        %get3A_139 = tpu.vector_load %arg8[%get3A_137, %get3A_138] {strides = array<i32>} : memref<1600x32xf32, #tpu.memory_space<vmem>>, vector<1x16xf32>,
        %get3A_140 = vector.shape_cast %get3A_139 : vector<1x16xf32> to vector<16xf32>
        %add3A_141 = arith.addf %broadcast_in_dim3A_98, %get3A_140 : vector<16xf32>
        %add3A_142 = arith.constant 3 : i32
        %add3A_143 = arith.addi %mul3A_85, %add3A_142 : i32
        %get3A_144 = arith.index_cast %add3A_143 : i32 to index
        %get3A_145 = arith.constant 0 : index
        %get3A_146 = tpu.vector_load %arg8[%get3A_144, %get3A_145] {strides = array<i32>} : memref<1600x32xf32, #tpu.memory_space<vmem>>, vector<1x16xf32>,
        %get3A_147 = vector.shape_cast %get3A_146 : vector<1x16xf32> to vector<16xf32>
        %add3A_148 = arith.addf %broadcast_in_dim3A_92, %get3A_147 : vector<16xf32>
        %add3A_149 = arith.constant 3 : i32
        %add3A_150 = arith.addi %mul3A_85, %add3A_149 : i32
        %get3A_151 = arith.index_cast %add3A_150 : i32 to index
        %get3A_152 = arith.constant 16 : index
        %get3A_153 = tpu.vector_load %arg8[%get3A_151, %get3A_152] {strides = array<i32>} : memref<1600x32xf32, #tpu.memory_space<vmem>>, vector<1x16xf32>,
        %get3A_154 = vector.shape_cast %get3A_153 : vector<1x16xf32> to vector<16xf32>
        %add3A_155 = arith.addf %broadcast_in_dim3A_100, %get3A_154 : vector<16xf32>
        %add3A_156 = arith.constant 4 : i32
        %add3A_157 = arith.addi %mul3A_85, %add3A_156 : i32
        %get3A_158 = arith.index_cast %add3A_157 : i32 to index
        %get3A_159 = arith.constant 0 : index
        %get3A_160 = tpu.vector_load %arg8[%get3A_158, %get3A_159] {strides = array<i32>} : memref<1600x32xf32, #tpu.memory_space<vmem>>, vector<1x16xf32>,
        %get3A_161 = vector.shape_cast %get3A_160 : vector<1x16xf32> to vector<16xf32>
        %add3A_162 = arith.addf %add3A_106, %get3A_161 : vector<16xf32>
        %add3A_163 = arith.constant 4 : i32
        %add3A_164 = arith.addi %mul3A_85, %add3A_163 : i32
        %get3A_165 = arith.index_cast %add3A_164 : i32 to index
        %get3A_166 = arith.constant 16 : index
        %get3A_167 = tpu.vector_load %arg8[%get3A_165, %get3A_166] {strides = array<i32>} : memref<1600x32xf32, #tpu.memory_space<vmem>>, vector<1x16xf32>,
        %get3A_168 = vector.shape_cast %get3A_167 : vector<1x16xf32> to vector<16xf32>
        %add3A_169 = arith.addf %add3A_113, %get3A_168 : vector<16xf32>
        %add3A_170 = arith.constant 5 : i32
        %add3A_171 = arith.addi %mul3A_85, %add3A_170 : i32
        %get3A_172 = arith.index_cast %add3A_171 : i32 to index
        %get3A_173 = arith.constant 0 : index
        %get3A_174 = tpu.vector_load %arg8[%get3A_172, %get3A_173] {strides = array<i32>} : memref<1600x32xf32, #tpu.memory_space<vmem>>, vector<1x16xf32>,
        %get3A_175 = vector.shape_cast %get3A_174 : vector<1x16xf32> to vector<16xf32>
        %add3A_176 = arith.addf %add3A_120, %get3A_175 : vector<16xf32>
        %add3A_177 = arith.constant 5 : i32
        %add3A_178 = arith.addi %mul3A_85, %add3A_177 : i32
        %get3A_179 = arith.index_cast %add3A_178 : i32 to index
        %get3A_180 = arith.constant 16 : index
        %get3A_181 = tpu.vector_load %arg8[%get3A_179, %get3A_180] {strides = array<i32>} : memref<1600x32xf32, #tpu.memory_space<vmem>>, vector<1x16xf32>,
        %get3A_182 = vector.shape_cast %get3A_181 : vector<1x16xf32> to vector<16xf32>
        %add3A_183 = arith.addf %add3A_127, %get3A_182 : vector<16xf32>
        %add3A_184 = arith.constant 6 : i32
        %add3A_185 = arith.addi %mul3A_85, %add3A_184 : i32
        %get3A_186 = arith.index_cast %add3A_185 : i32 to index
        %get3A_187 = arith.constant 0 : index
        %get3A_188 = tpu.vector_load %arg8[%get3A_186, %get3A_187] {strides = array<i32>} : memref<1600x32xf32, #tpu.memory_space<vmem>>, vector<1x16xf32>,
        %get3A_189 = vector.shape_cast %get3A_188 : vector<1x16xf32> to vector<16xf32>
        %add3A_190 = arith.addf %add3A_134, %get3A_189 : vector<16xf32>
        %add3A_191 = arith.constant 6 : i32
        %add3A_192 = arith.addi %mul3A_85, %add3A_191 : i32
        %get3A_193 = arith.index_cast %add3A_192 : i32 to index
        %get3A_194 = arith.constant 16 : index
        %get3A_195 = tpu.vector_load %arg8[%get3A_193, %get3A_194] {strides = array<i32>} : memref<1600x32xf32, #tpu.memory_space<vmem>>, vector<1x16xf32>,
        %get3A_196 = vector.shape_cast %get3A_195 : vector<1x16xf32> to vector<16xf32>
        %add3A_197 = arith.addf %add3A_141, %get3A_196 : vector<16xf32>
        %add3A_198 = arith.constant 7 : i32
        %add3A_199 = arith.addi %mul3A_85, %add3A_198 : i32
        %get3A_200 = arith.index_cast %add3A_199 : i32 to index
        %get3A_201 = arith.constant 0 : index
        %get3A_202 = tpu.vector_load %arg8[%get3A_200, %get3A_201] {strides = array<i32>} : memref<1600x32xf32, #tpu.memory_space<vmem>>, vector<1x16xf32>,
        %get3A_203 = vector.shape_cast %get3A_202 : vector<1x16xf32> to vector<16xf32>
        %add3A_204 = arith.addf %add3A_148, %get3A_203 : vector<16xf32>
        %add3A_205 = arith.constant 7 : i32
        %add3A_206 = arith.addi %mul3A_85, %add3A_205 : i32
        %get3A_207 = arith.index_cast %add3A_206 : i32 to index
        %get3A_208 = arith.constant 16 : index
        %get3A_209 = tpu.vector_load %arg8[%get3A_207, %get3A_208] {strides = array<i32>} : memref<1600x32xf32, #tpu.memory_space<vmem>>, vector<1x16xf32>,
        %get3A_210 = vector.shape_cast %get3A_209 : vector<1x16xf32> to vector<16xf32>
        %add3A_211 = arith.addf %add3A_155, %get3A_210 : vector<16xf32>
        %add3A_212 = arith.constant 8 : i32
        %add3A_213 = arith.addi %mul3A_85, %add3A_212 : i32
        %get3A_214 = arith.index_cast %add3A_213 : i32 to index
        %get3A_215 = arith.constant 0 : index
        %get3A_216 = tpu.vector_load %arg8[%get3A_214, %get3A_215] {strides = array<i32>} : memref<1600x32xf32, #tpu.memory_space<vmem>>, vector<1x16xf32>,
        %get3A_217 = vector.shape_cast %get3A_216 : vector<1x16xf32> to vector<16xf32>
        %add3A_218 = arith.addf %add3A_162, %get3A_217 : vector<16xf32>
        %add3A_219 = arith.constant 8 : i32
        %add3A_220 = arith.addi %mul3A_85, %add3A_219 : i32
        %get3A_221 = arith.index_cast %add3A_220 : i32 to index
        %get3A_222 = arith.constant 16 : index
        %get3A_223 = tpu.vector_load %arg8[%get3A_221, %get3A_222] {strides = array<i32>} : memref<1600x32xf32, #tpu.memory_space<vmem>>, vector<1x16xf32>,
        %get3A_224 = vector.shape_cast %get3A_223 : vector<1x16xf32> to vector<16xf32>
        %add3A_225 = arith.addf %add3A_169, %get3A_224 : vector<16xf32>
        %add3A_226 = arith.constant 9 : i32
        %add3A_227 = arith.addi %mul3A_85, %add3A_226 : i32
        %get3A_228 = arith.index_cast %add3A_227 : i32 to index
        %get3A_229 = arith.constant 0 : index
        %get3A_230 = tpu.vector_load %arg8[%get3A_228, %get3A_229] {strides = array<i32>} : memref<1600x32xf32, #tpu.memory_space<vmem>>, vector<1x16xf32>,
        %get3A_231 = vector.shape_cast %get3A_230 : vector<1x16xf32> to vector<16xf32>
        %add3A_232 = arith.addf %add3A_176, %get3A_231 : vector<16xf32>
        %add3A_233 = arith.constant 9 : i32
        %add3A_234 = arith.addi %mul3A_85, %add3A_233 : i32
        %get3A_235 = arith.index_cast %add3A_234 : i32 to index
        %get3A_236 = arith.constant 16 : index
        %get3A_237 = tpu.vector_load %arg8[%get3A_235, %get3A_236] {strides = array<i32>} : memref<1600x32xf32, #tpu.memory_space<vmem>>, vector<1x16xf32>,
        %get3A_238 = vector.shape_cast %get3A_237 : vector<1x16xf32> to vector<16xf32>
        %add3A_239 = arith.addf %add3A_183, %get3A_238 : vector<16xf32>
        %add3A_240 = arith.constant 10 : i32
        %add3A_241 = arith.addi %mul3A_85, %add3A_240 : i32
        %get3A_242 = arith.index_cast %add3A_241 : i32 to index
        %get3A_243 = arith.constant 0 : index
        %get3A_244 = tpu.vector_load %arg8[%get3A_242, %get3A_243] {strides = array<i32>} : memref<1600x32xf32, #tpu.memory_space<vmem>>, vector<1x16xf32>,
        %get3A_245 = vector.shape_cast %get3A_244 : vector<1x16xf32> to vector<16xf32>
        %add3A_246 = arith.addf %add3A_190, %get3A_245 : vector<16xf32>
        %add3A_247 = arith.constant 10 : i32
        %add3A_248 = arith.addi %mul3A_85, %add3A_247 : i32
        %get3A_249 = arith.index_cast %add3A_248 : i32 to index
        %get3A_250 = arith.constant 16 : index
        %get3A_251 = tpu.vector_load %arg8[%get3A_249, %get3A_250] {strides = array<i32>} : memref<1600x32xf32, #tpu.memory_space<vmem>>, vector<1x16xf32>,
        %get3A_252 = vector.shape_cast %get3A_251 : vector<1x16xf32> to vector<16xf32>
        %add3A_253 = arith.addf %add3A_197, %get3A_252 : vector<16xf32>
        %add3A_254 = arith.constant 11 : i32
        %add3A_255 = arith.addi %mul3A_85, %add3A_254 : i32
        %get3A_256 = arith.index_cast %add3A_255 : i32 to index
        %get3A_257 = arith.constant 0 : index
        %get3A_258 = tpu.vector_load %arg8[%get3A_256, %get3A_257] {strides = array<i32>} : memref<1600x32xf32, #tpu.memory_space<vmem>>, vector<1x16xf32>,
        %get3A_259 = vector.shape_cast %get3A_258 : vector<1x16xf32> to vector<16xf32>
        %add3A_260 = arith.addf %add3A_204, %get3A_259 : vector<16xf32>
        %add3A_261 = arith.constant 11 : i32
        %add3A_262 = arith.addi %mul3A_85, %add3A_261 : i32
        %get3A_263 = arith.index_cast %add3A_262 : i32 to index
        %get3A_264 = arith.constant 16 : index
        %get3A_265 = tpu.vector_load %arg8[%get3A_263, %get3A_264] {strides = array<i32>} : memref<1600x32xf32, #tpu.memory_space<vmem>>, vector<1x16xf32>,
        %get3A_266 = vector.shape_cast %get3A_265 : vector<1x16xf32> to vector<16xf32>
        %add3A_267 = arith.addf %add3A_211, %get3A_266 : vector<16xf32>
        %add3A_268 = arith.constant 12 : i32
        %add3A_269 = arith.addi %mul3A_85, %add3A_268 : i32
        %get3A_270 = arith.index_cast %add3A_269 : i32 to index
        %get3A_271 = arith.constant 0 : index
        %get3A_272 = tpu.vector_load %arg8[%get3A_270, %get3A_271] {strides = array<i32>} : memref<1600x32xf32, #tpu.memory_space<vmem>>, vector<1x16xf32>,
        %get3A_273 = vector.shape_cast %get3A_272 : vector<1x16xf32> to vector<16xf32>
        %add3A_274 = arith.addf %add3A_218, %get3A_273 : vector<16xf32>
        %add3A_275 = arith.constant 12 : i32
        %add3A_276 = arith.addi %mul3A_85, %add3A_275 : i32
        %get3A_277 = arith.index_cast %add3A_276 : i32 to index
        %get3A_278 = arith.constant 16 : index
        %get3A_279 = tpu.vector_load %arg8[%get3A_277, %get3A_278] {strides = array<i32>} : memref<1600x32xf32, #tpu.memory_space<vmem>>, vector<1x16xf32>,
        %get3A_280 = vector.shape_cast %get3A_279 : vector<1x16xf32> to vector<16xf32>
        %add3A_281 = arith.addf %add3A_225, %get3A_280 : vector<16xf32>
        %add3A_282 = arith.constant 13 : i32
        %add3A_283 = arith.addi %mul3A_85, %add3A_282 : i32
        %get3A_284 = arith.index_cast %add3A_283 : i32 to index
        %get3A_285 = arith.constant 0 : index
        %get3A_286 = tpu.vector_load %arg8[%get3A_284, %get3A_285] {strides = array<i32>} : memref<1600x32xf32, #tpu.memory_space<vmem>>, vector<1x16xf32>,
        %get3A_287 = vector.shape_cast %get3A_286 : vector<1x16xf32> to vector<16xf32>
        %add3A_288 = arith.addf %add3A_232, %get3A_287 : vector<16xf32>
        %add3A_289 = arith.constant 13 : i32
        %add3A_290 = arith.addi %mul3A_85, %add3A_289 : i32
        %get3A_291 = arith.index_cast %add3A_290 : i32 to index
        %get3A_292 = arith.constant 16 : index
        %get3A_293 = tpu.vector_load %arg8[%get3A_291, %get3A_292] {strides = array<i32>} : memref<1600x32xf32, #tpu.memory_space<vmem>>, vector<1x16xf32>,
        %get3A_294 = vector.shape_cast %get3A_293 : vector<1x16xf32> to vector<16xf32>
        %add3A_295 = arith.addf %add3A_239, %get3A_294 : vector<16xf32>
        %add3A_296 = arith.constant 14 : i32
        %add3A_297 = arith.addi %mul3A_85, %add3A_296 : i32
        %get3A_298 = arith.index_cast %add3A_297 : i32 to index
        %get3A_299 = arith.constant 0 : index
        %get3A_300 = tpu.vector_load %arg8[%get3A_298, %get3A_299] {strides = array<i32>} : memref<1600x32xf32, #tpu.memory_space<vmem>>, vector<1x16xf32>,
        %get3A_301 = vector.shape_cast %get3A_300 : vector<1x16xf32> to vector<16xf32>
        %add3A_302 = arith.addf %add3A_246, %get3A_301 : vector<16xf32>
        %add3A_303 = arith.constant 14 : i32
        %add3A_304 = arith.addi %mul3A_85, %add3A_303 : i32
        %get3A_305 = arith.index_cast %add3A_304 : i32 to index
        %get3A_306 = arith.constant 16 : index
        %get3A_307 = tpu.vector_load %arg8[%get3A_305, %get3A_306] {strides = array<i32>} : memref<1600x32xf32, #tpu.memory_space<vmem>>, vector<1x16xf32>,
        %get3A_308 = vector.shape_cast %get3A_307 : vector<1x16xf32> to vector<16xf32>
        %add3A_309 = arith.addf %add3A_253, %get3A_308 : vector<16xf32>
        %add3A_310 = arith.constant 15 : i32
        %add3A_311 = arith.addi %mul3A_85, %add3A_310 : i32
        %get3A_312 = arith.index_cast %add3A_311 : i32 to index
        %get3A_313 = arith.constant 0 : index
        %get3A_314 = tpu.vector_load %arg8[%get3A_312, %get3A_313] {strides = array<i32>} : memref<1600x32xf32, #tpu.memory_space<vmem>>, vector<1x16xf32>,
        %get3A_315 = vector.shape_cast %get3A_314 : vector<1x16xf32> to vector<16xf32>
        %add3A_316 = arith.addf %add3A_260, %get3A_315 : vector<16xf32>
        %add3A_317 = arith.constant 15 : i32
        %add3A_318 = arith.addi %mul3A_85, %add3A_317 : i32
        %get3A_319 = arith.index_cast %add3A_318 : i32 to index
        %get3A_320 = arith.constant 16 : index
        %get3A_321 = tpu.vector_load %arg8[%get3A_319, %get3A_320] {strides = array<i32>} : memref<1600x32xf32, #tpu.memory_space<vmem>>, vector<1x16xf32>,
        %get3A_322 = vector.shape_cast %get3A_321 : vector<1x16xf32> to vector<16xf32>
        %add3A_323 = arith.addf %add3A_267, %get3A_322 : vector<16xf32>
        %add3A_324 = arith.constant 16 : i32
        %add3A_325 = arith.addi %mul3A_85, %add3A_324 : i32
        %get3A_326 = arith.index_cast %add3A_325 : i32 to index
        %get3A_327 = arith.constant 0 : index
        %get3A_328 = tpu.vector_load %arg8[%get3A_326, %get3A_327] {strides = array<i32>} : memref<1600x32xf32, #tpu.memory_space<vmem>>, vector<1x16xf32>,
        %get3A_329 = vector.shape_cast %get3A_328 : vector<1x16xf32> to vector<16xf32>
        %add3A_330 = arith.addf %add3A_274, %get3A_329 : vector<16xf32>
        %add3A_331 = arith.constant 16 : i32
        %add3A_332 = arith.addi %mul3A_85, %add3A_331 : i32
        %get3A_333 = arith.index_cast %add3A_332 : i32 to index
        %get3A_334 = arith.constant 16 : index
        %get3A_335 = tpu.vector_load %arg8[%get3A_333, %get3A_334] {strides = array<i32>} : memref<1600x32xf32, #tpu.memory_space<vmem>>, vector<1x16xf32>,
        %get3A_336 = vector.shape_cast %get3A_335 : vector<1x16xf32> to vector<16xf32>
        %add3A_337 = arith.addf %add3A_281, %get3A_336 : vector<16xf32>
        %add3A_338 = arith.constant 17 : i32
        %add3A_339 = arith.addi %mul3A_85, %add3A_338 : i32
        %get3A_340 = arith.index_cast %add3A_339 : i32 to index
        %get3A_341 = arith.constant 0 : index
        %get3A_342 = tpu.vector_load %arg8[%get3A_340, %get3A_341] {strides = array<i32>} : memref<1600x32xf32, #tpu.memory_space<vmem>>, vector<1x16xf32>,
        %get3A_343 = vector.shape_cast %get3A_342 : vector<1x16xf32> to vector<16xf32>
        %add3A_344 = arith.addf %add3A_288, %get3A_343 : vector<16xf32>
        %add3A_345 = arith.constant 17 : i32
        %add3A_346 = arith.addi %mul3A_85, %add3A_345 : i32
        %get3A_347 = arith.index_cast %add3A_346 : i32 to index
        %get3A_348 = arith.constant 16 : index
        %get3A_349 = tpu.vector_load %arg8[%get3A_347, %get3A_348] {strides = array<i32>} : memref<1600x32xf32, #tpu.memory_space<vmem>>, vector<1x16xf32>,
        %get3A_350 = vector.shape_cast %get3A_349 : vector<1x16xf32> to vector<16xf32>
        %add3A_351 = arith.addf %add3A_295, %get3A_350 : vector<16xf32>
        %add3A_352 = arith.constant 18 : i32
        %add3A_353 = arith.addi %mul3A_85, %add3A_352 : i32
        %get3A_354 = arith.index_cast %add3A_353 : i32 to index
        %get3A_355 = arith.constant 0 : index
        %get3A_356 = tpu.vector_load %arg8[%get3A_354, %get3A_355] {strides = array<i32>} : memref<1600x32xf32, #tpu.memory_space<vmem>>, vector<1x16xf32>,
        %get3A_357 = vector.shape_cast %get3A_356 : vector<1x16xf32> to vector<16xf32>
        %add3A_358 = arith.addf %add3A_302, %get3A_357 : vector<16xf32>
        %add3A_359 = arith.constant 18 : i32
        %add3A_360 = arith.addi %mul3A_85, %add3A_359 : i32
        %get3A_361 = arith.index_cast %add3A_360 : i32 to index
        %get3A_362 = arith.constant 16 : index
        %get3A_363 = tpu.vector_load %arg8[%get3A_361, %get3A_362] {strides = array<i32>} : memref<1600x32xf32, #tpu.memory_space<vmem>>, vector<1x16xf32>,
        %get3A_364 = vector.shape_cast %get3A_363 : vector<1x16xf32> to vector<16xf32>
        %add3A_365 = arith.addf %add3A_309, %get3A_364 : vector<16xf32>
        %add3A_366 = arith.constant 19 : i32
        %add3A_367 = arith.addi %mul3A_85, %add3A_366 : i32
        %get3A_368 = arith.index_cast %add3A_367 : i32 to index
        %get3A_369 = arith.constant 0 : index
        %get3A_370 = tpu.vector_load %arg8[%get3A_368, %get3A_369] {strides = array<i32>} : memref<1600x32xf32, #tpu.memory_space<vmem>>, vector<1x16xf32>,
        %get3A_371 = vector.shape_cast %get3A_370 : vector<1x16xf32> to vector<16xf32>
        %add3A_372 = arith.addf %add3A_316, %get3A_371 : vector<16xf32>
        %add3A_373 = arith.constant 19 : i32
        %add3A_374 = arith.addi %mul3A_85, %add3A_373 : i32
        %get3A_375 = arith.index_cast %add3A_374 : i32 to index
        %get3A_376 = arith.constant 16 : index
        %get3A_377 = tpu.vector_load %arg8[%get3A_375, %get3A_376] {strides = array<i32>} : memref<1600x32xf32, #tpu.memory_space<vmem>>, vector<1x16xf32>,
        %get3A_378 = vector.shape_cast %get3A_377 : vector<1x16xf32> to vector<16xf32>
        %add3A_379 = arith.addf %add3A_323, %get3A_378 : vector<16xf32>
        %add3A_380 = arith.constant 20 : i32
        %add3A_381 = arith.addi %mul3A_85, %add3A_380 : i32
        %get3A_382 = arith.index_cast %add3A_381 : i32 to index
        %get3A_383 = arith.constant 0 : index
        %get3A_384 = tpu.vector_load %arg8[%get3A_382, %get3A_383] {strides = array<i32>} : memref<1600x32xf32, #tpu.memory_space<vmem>>, vector<1x16xf32>,
        %get3A_385 = vector.shape_cast %get3A_384 : vector<1x16xf32> to vector<16xf32>
        %add3A_386 = arith.addf %add3A_330, %get3A_385 : vector<16xf32>
        %add3A_387 = arith.constant 20 : i32
        %add3A_388 = arith.addi %mul3A_85, %add3A_387 : i32
        %get3A_389 = arith.index_cast %add3A_388 : i32 to index
        %get3A_390 = arith.constant 16 : index
        %get3A_391 = tpu.vector_load %arg8[%get3A_389, %get3A_390] {strides = array<i32>} : memref<1600x32xf32, #tpu.memory_space<vmem>>, vector<1x16xf32>,
        %get3A_392 = vector.shape_cast %get3A_391 : vector<1x16xf32> to vector<16xf32>
        %add3A_393 = arith.addf %add3A_337, %get3A_392 : vector<16xf32>
        %add3A_394 = arith.constant 21 : i32
        %add3A_395 = arith.addi %mul3A_85, %add3A_394 : i32
        %get3A_396 = arith.index_cast %add3A_395 : i32 to index
        %get3A_397 = arith.constant 0 : index
        %get3A_398 = tpu.vector_load %arg8[%get3A_396, %get3A_397] {strides = array<i32>} : memref<1600x32xf32, #tpu.memory_space<vmem>>, vector<1x16xf32>,
        %get3A_399 = vector.shape_cast %get3A_398 : vector<1x16xf32> to vector<16xf32>
        %add3A_400 = arith.addf %add3A_344, %get3A_399 : vector<16xf32>
        %add3A_401 = arith.constant 21 : i32
        %add3A_402 = arith.addi %mul3A_85, %add3A_401 : i32
        %get3A_403 = arith.index_cast %add3A_402 : i32 to index
        %get3A_404 = arith.constant 16 : index
        %get3A_405 = tpu.vector_load %arg8[%get3A_403, %get3A_404] {strides = array<i32>} : memref<1600x32xf32, #tpu.memory_space<vmem>>, vector<1x16xf32>,
        %get3A_406 = vector.shape_cast %get3A_405 : vector<1x16xf32> to vector<16xf32>
        %add3A_407 = arith.addf %add3A_351, %get3A_406 : vector<16xf32>
        %add3A_408 = arith.constant 22 : i32
        %add3A_409 = arith.addi %mul3A_85, %add3A_408 : i32
        %get3A_410 = arith.index_cast %add3A_409 : i32 to index
        %get3A_411 = arith.constant 0 : index
        %get3A_412 = tpu.vector_load %arg8[%get3A_410, %get3A_411] {strides = array<i32>} : memref<1600x32xf32, #tpu.memory_space<vmem>>, vector<1x16xf32>,
        %get3A_413 = vector.shape_cast %get3A_412 : vector<1x16xf32> to vector<16xf32>
        %add3A_414 = arith.addf %add3A_358, %get3A_413 : vector<16xf32>
        %add3A_415 = arith.constant 22 : i32
        %add3A_416 = arith.addi %mul3A_85, %add3A_415 : i32
        %get3A_417 = arith.index_cast %add3A_416 : i32 to index
        %get3A_418 = arith.constant 16 : index
        %get3A_419 = tpu.vector_load %arg8[%get3A_417, %get3A_418] {strides = array<i32>} : memref<1600x32xf32, #tpu.memory_space<vmem>>, vector<1x16xf32>,
        %get3A_420 = vector.shape_cast %get3A_419 : vector<1x16xf32> to vector<16xf32>
        %add3A_421 = arith.addf %add3A_365, %get3A_420 : vector<16xf32>
        %add3A_422 = arith.constant 23 : i32
        %add3A_423 = arith.addi %mul3A_85, %add3A_422 : i32
        %get3A_424 = arith.index_cast %add3A_423 : i32 to index
        %get3A_425 = arith.constant 0 : index
        %get3A_426 = tpu.vector_load %arg8[%get3A_424, %get3A_425] {strides = array<i32>} : memref<1600x32xf32, #tpu.memory_space<vmem>>, vector<1x16xf32>,
        %get3A_427 = vector.shape_cast %get3A_426 : vector<1x16xf32> to vector<16xf32>
        %add3A_428 = arith.addf %add3A_372, %get3A_427 : vector<16xf32>
        %add3A_429 = arith.constant 23 : i32
        %add3A_430 = arith.addi %mul3A_85, %add3A_429 : i32
        %get3A_431 = arith.index_cast %add3A_430 : i32 to index
        %get3A_432 = arith.constant 16 : index
        %get3A_433 = tpu.vector_load %arg8[%get3A_431, %get3A_432] {strides = array<i32>} : memref<1600x32xf32, #tpu.memory_space<vmem>>, vector<1x16xf32>,
        %get3A_434 = vector.shape_cast %get3A_433 : vector<1x16xf32> to vector<16xf32>
        %add3A_435 = arith.addf %add3A_379, %get3A_434 : vector<16xf32>
        %add3A_436 = arith.constant 24 : i32
        %add3A_437 = arith.addi %mul3A_85, %add3A_436 : i32
        %get3A_438 = arith.index_cast %add3A_437 : i32 to index
        %get3A_439 = arith.constant 0 : index
        %get3A_440 = tpu.vector_load %arg8[%get3A_438, %get3A_439] {strides = array<i32>} : memref<1600x32xf32, #tpu.memory_space<vmem>>, vector<1x16xf32>,
        %get3A_441 = vector.shape_cast %get3A_440 : vector<1x16xf32> to vector<16xf32>
        %add3A_442 = arith.addf %add3A_386, %get3A_441 : vector<16xf32>
        %add3A_443 = arith.constant 24 : i32
        %add3A_444 = arith.addi %mul3A_85, %add3A_443 : i32
        %get3A_445 = arith.index_cast %add3A_444 : i32 to index
        %get3A_446 = arith.constant 16 : index
        %get3A_447 = tpu.vector_load %arg8[%get3A_445, %get3A_446] {strides = array<i32>} : memref<1600x32xf32, #tpu.memory_space<vmem>>, vector<1x16xf32>,
        %get3A_448 = vector.shape_cast %get3A_447 : vector<1x16xf32> to vector<16xf32>
        %add3A_449 = arith.addf %add3A_393, %get3A_448 : vector<16xf32>
        %add3A_450 = arith.constant 25 : i32
        %add3A_451 = arith.addi %mul3A_85, %add3A_450 : i32
        %get3A_452 = arith.index_cast %add3A_451 : i32 to index
        %get3A_453 = arith.constant 0 : index
        %get3A_454 = tpu.vector_load %arg8[%get3A_452, %get3A_453] {strides = array<i32>} : memref<1600x32xf32, #tpu.memory_space<vmem>>, vector<1x16xf32>,
        %get3A_455 = vector.shape_cast %get3A_454 : vector<1x16xf32> to vector<16xf32>
        %add3A_456 = arith.addf %add3A_400, %get3A_455 : vector<16xf32>
        %add3A_457 = arith.constant 25 : i32
        %add3A_458 = arith.addi %mul3A_85, %add3A_457 : i32
        %get3A_459 = arith.index_cast %add3A_458 : i32 to index
        %get3A_460 = arith.constant 16 : index
        %get3A_461 = tpu.vector_load %arg8[%get3A_459, %get3A_460] {strides = array<i32>} : memref<1600x32xf32, #tpu.memory_space<vmem>>, vector<1x16xf32>,
        %get3A_462 = vector.shape_cast %get3A_461 : vector<1x16xf32> to vector<16xf32>
        %add3A_463 = arith.addf %add3A_407, %get3A_462 : vector<16xf32>
        %add3A_464 = arith.constant 26 : i32
        %add3A_465 = arith.addi %mul3A_85, %add3A_464 : i32
        %get3A_466 = arith.index_cast %add3A_465 : i32 to index
        %get3A_467 = arith.constant 0 : index
        %get3A_468 = tpu.vector_load %arg8[%get3A_466, %get3A_467] {strides = array<i32>} : memref<1600x32xf32, #tpu.memory_space<vmem>>, vector<1x16xf32>,
        %get3A_469 = vector.shape_cast %get3A_468 : vector<1x16xf32> to vector<16xf32>
        %add3A_470 = arith.addf %add3A_414, %get3A_469 : vector<16xf32>
        %add3A_471 = arith.constant 26 : i32
        %add3A_472 = arith.addi %mul3A_85, %add3A_471 : i32
        %get3A_473 = arith.index_cast %add3A_472 : i32 to index
        %get3A_474 = arith.constant 16 : index
        %get3A_475 = tpu.vector_load %arg8[%get3A_473, %get3A_474] {strides = array<i32>} : memref<1600x32xf32, #tpu.memory_space<vmem>>, vector<1x16xf32>,
        %get3A_476 = vector.shape_cast %get3A_475 : vector<1x16xf32> to vector<16xf32>
        %add3A_477 = arith.addf %add3A_421, %get3A_476 : vector<16xf32>
        %add3A_478 = arith.constant 27 : i32
        %add3A_479 = arith.addi %mul3A_85, %add3A_478 : i32
        %get3A_480 = arith.index_cast %add3A_479 : i32 to index
        %get3A_481 = arith.constant 0 : index
        %get3A_482 = tpu.vector_load %arg8[%get3A_480, %get3A_481] {strides = array<i32>} : memref<1600x32xf32, #tpu.memory_space<vmem>>, vector<1x16xf32>,
        %get3A_483 = vector.shape_cast %get3A_482 : vector<1x16xf32> to vector<16xf32>
        %add3A_484 = arith.addf %add3A_428, %get3A_483 : vector<16xf32>
        %add3A_485 = arith.constant 27 : i32
        %add3A_486 = arith.addi %mul3A_85, %add3A_485 : i32
        %get3A_487 = arith.index_cast %add3A_486 : i32 to index
        %get3A_488 = arith.constant 16 : index
        %get3A_489 = tpu.vector_load %arg8[%get3A_487, %get3A_488] {strides = array<i32>} : memref<1600x32xf32, #tpu.memory_space<vmem>>, vector<1x16xf32>,
        %get3A_490 = vector.shape_cast %get3A_489 : vector<1x16xf32> to vector<16xf32>
        %add3A_491 = arith.addf %add3A_435, %get3A_490 : vector<16xf32>
        %add3A_492 = arith.constant 28 : i32
        %add3A_493 = arith.addi %mul3A_85, %add3A_492 : i32
        %get3A_494 = arith.index_cast %add3A_493 : i32 to index
        %get3A_495 = arith.constant 0 : index
        %get3A_496 = tpu.vector_load %arg8[%get3A_494, %get3A_495] {strides = array<i32>} : memref<1600x32xf32, #tpu.memory_space<vmem>>, vector<1x16xf32>,
        %get3A_497 = vector.shape_cast %get3A_496 : vector<1x16xf32> to vector<16xf32>
        %add3A_498 = arith.addf %add3A_442, %get3A_497 : vector<16xf32>
        %add3A_499 = arith.constant 28 : i32
        %add3A_500 = arith.addi %mul3A_85, %add3A_499 : i32
        %get3A_501 = arith.index_cast %add3A_500 : i32 to index
        %get3A_502 = arith.constant 16 : index
        %get3A_503 = tpu.vector_load %arg8[%get3A_501, %get3A_502] {strides = array<i32>} : memref<1600x32xf32, #tpu.memory_space<vmem>>, vector<1x16xf32>,
        %get3A_504 = vector.shape_cast %get3A_503 : vector<1x16xf32> to vector<16xf32>
        %add3A_505 = arith.addf %add3A_449, %get3A_504 : vector<16xf32>
        %add3A_506 = arith.constant 29 : i32
        %add3A_507 = arith.addi %mul3A_85, %add3A_506 : i32
        %get3A_508 = arith.index_cast %add3A_507 : i32 to index
        %get3A_509 = arith.constant 0 : index
        %get3A_510 = tpu.vector_load %arg8[%get3A_508, %get3A_509] {strides = array<i32>} : memref<1600x32xf32, #tpu.memory_space<vmem>>, vector<1x16xf32>,
        %get3A_511 = vector.shape_cast %get3A_510 : vector<1x16xf32> to vector<16xf32>
        %add3A_512 = arith.addf %add3A_456, %get3A_511 : vector<16xf32>
        %add3A_513 = arith.constant 29 : i32
        %add3A_514 = arith.addi %mul3A_85, %add3A_513 : i32
        %get3A_515 = arith.index_cast %add3A_514 : i32 to index
        %get3A_516 = arith.constant 16 : index
        %get3A_517 = tpu.vector_load %arg8[%get3A_515, %get3A_516] {strides = array<i32>} : memref<1600x32xf32, #tpu.memory_space<vmem>>, vector<1x16xf32>,
        %get3A_518 = vector.shape_cast %get3A_517 : vector<1x16xf32> to vector<16xf32>
        %add3A_519 = arith.addf %add3A_463, %get3A_518 : vector<16xf32>
        %add3A_520 = arith.constant 30 : i32
        %add3A_521 = arith.addi %mul3A_85, %add3A_520 : i32
        %get3A_522 = arith.index_cast %add3A_521 : i32 to index
        %get3A_523 = arith.constant 0 : index
        %get3A_524 = tpu.vector_load %arg8[%get3A_522, %get3A_523] {strides = array<i32>} : memref<1600x32xf32, #tpu.memory_space<vmem>>, vector<1x16xf32>,
        %get3A_525 = vector.shape_cast %get3A_524 : vector<1x16xf32> to vector<16xf32>
        %add3A_526 = arith.addf %add3A_470, %get3A_525 : vector<16xf32>
        %add3A_527 = arith.constant 30 : i32
        %add3A_528 = arith.addi %mul3A_85, %add3A_527 : i32
        %get3A_529 = arith.index_cast %add3A_528 : i32 to index
        %get3A_530 = arith.constant 16 : index
        %get3A_531 = tpu.vector_load %arg8[%get3A_529, %get3A_530] {strides = array<i32>} : memref<1600x32xf32, #tpu.memory_space<vmem>>, vector<1x16xf32>,
        %get3A_532 = vector.shape_cast %get3A_531 : vector<1x16xf32> to vector<16xf32>
        %add3A_533 = arith.addf %add3A_477, %get3A_532 : vector<16xf32>
        %add3A_534 = arith.constant 31 : i32
        %add3A_535 = arith.addi %mul3A_85, %add3A_534 : i32
        %get3A_536 = arith.index_cast %add3A_535 : i32 to index
        %get3A_537 = arith.constant 0 : index
        %get3A_538 = tpu.vector_load %arg8[%get3A_536, %get3A_537] {strides = array<i32>} : memref<1600x32xf32, #tpu.memory_space<vmem>>, vector<1x16xf32>,
        %get3A_539 = vector.shape_cast %get3A_538 : vector<1x16xf32> to vector<16xf32>
        %add3A_540 = arith.addf %add3A_484, %get3A_539 : vector<16xf32>
        %add3A_541 = arith.constant 31 : i32
        %add3A_542 = arith.addi %mul3A_85, %add3A_541 : i32
        %get3A_543 = arith.index_cast %add3A_542 : i32 to index
        %get3A_544 = arith.constant 16 : index
        %get3A_545 = tpu.vector_load %arg8[%get3A_543, %get3A_544] {strides = array<i32>} : memref<1600x32xf32, #tpu.memory_space<vmem>>, vector<1x16xf32>,
        %get3A_546 = vector.shape_cast %get3A_545 : vector<1x16xf32> to vector<16xf32>
        %add3A_547 = arith.addf %add3A_491, %get3A_546 : vector<16xf32>
        %add3A_548 = arith.constant 32 : i32
        %add3A_549 = arith.addi %mul3A_85, %add3A_548 : i32
        %get3A_550 = arith.index_cast %add3A_549 : i32 to index
        %get3A_551 = arith.constant 0 : index
        %get3A_552 = tpu.vector_load %arg8[%get3A_550, %get3A_551] {strides = array<i32>} : memref<1600x32xf32, #tpu.memory_space<vmem>>, vector<1x16xf32>,
        %get3A_553 = vector.shape_cast %get3A_552 : vector<1x16xf32> to vector<16xf32>
        %add3A_554 = arith.addf %add3A_498, %get3A_553 : vector<16xf32>
        %add3A_555 = arith.constant 32 : i32
        %add3A_556 = arith.addi %mul3A_85, %add3A_555 : i32
        %get3A_557 = arith.index_cast %add3A_556 : i32 to index
        %get3A_558 = arith.constant 16 : index
        %get3A_559 = tpu.vector_load %arg8[%get3A_557, %get3A_558] {strides = array<i32>} : memref<1600x32xf32, #tpu.memory_space<vmem>>, vector<1x16xf32>,
        %get3A_560 = vector.shape_cast %get3A_559 : vector<1x16xf32> to vector<16xf32>
        %add3A_561 = arith.addf %add3A_505, %get3A_560 : vector<16xf32>
        %add3A_562 = arith.constant 33 : i32
        %add3A_563 = arith.addi %mul3A_85, %add3A_562 : i32
        %get3A_564 = arith.index_cast %add3A_563 : i32 to index
        %get3A_565 = arith.constant 0 : index
        %get3A_566 = tpu.vector_load %arg8[%get3A_564, %get3A_565] {strides = array<i32>} : memref<1600x32xf32, #tpu.memory_space<vmem>>, vector<1x16xf32>,
        %get3A_567 = vector.shape_cast %get3A_566 : vector<1x16xf32> to vector<16xf32>
        %add3A_568 = arith.addf %add3A_512, %get3A_567 : vector<16xf32>
        %add3A_569 = arith.constant 33 : i32
        %add3A_570 = arith.addi %mul3A_85, %add3A_569 : i32
        %get3A_571 = arith.index_cast %add3A_570 : i32 to index
        %get3A_572 = arith.constant 16 : index
        %get3A_573 = tpu.vector_load %arg8[%get3A_571, %get3A_572] {strides = array<i32>} : memref<1600x32xf32, #tpu.memory_space<vmem>>, vector<1x16xf32>,
        %get3A_574 = vector.shape_cast %get3A_573 : vector<1x16xf32> to vector<16xf32>
        %add3A_575 = arith.addf %add3A_519, %get3A_574 : vector<16xf32>
        %add3A_576 = arith.constant 34 : i32
        %add3A_577 = arith.addi %mul3A_85, %add3A_576 : i32
        %get3A_578 = arith.index_cast %add3A_577 : i32 to index
        %get3A_579 = arith.constant 0 : index
        %get3A_580 = tpu.vector_load %arg8[%get3A_578, %get3A_579] {strides = array<i32>} : memref<1600x32xf32, #tpu.memory_space<vmem>>, vector<1x16xf32>,
        %get3A_581 = vector.shape_cast %get3A_580 : vector<1x16xf32> to vector<16xf32>
        %add3A_582 = arith.addf %add3A_526, %get3A_581 : vector<16xf32>
        %add3A_583 = arith.constant 34 : i32
        %add3A_584 = arith.addi %mul3A_85, %add3A_583 : i32
        %get3A_585 = arith.index_cast %add3A_584 : i32 to index
        %get3A_586 = arith.constant 16 : index
        %get3A_587 = tpu.vector_load %arg8[%get3A_585, %get3A_586] {strides = array<i32>} : memref<1600x32xf32, #tpu.memory_space<vmem>>, vector<1x16xf32>,
        %get3A_588 = vector.shape_cast %get3A_587 : vector<1x16xf32> to vector<16xf32>
        %add3A_589 = arith.addf %add3A_533, %get3A_588 : vector<16xf32>
        %add3A_590 = arith.constant 35 : i32
        %add3A_591 = arith.addi %mul3A_85, %add3A_590 : i32
        %get3A_592 = arith.index_cast %add3A_591 : i32 to index
        %get3A_593 = arith.constant 0 : index
        %get3A_594 = tpu.vector_load %arg8[%get3A_592, %get3A_593] {strides = array<i32>} : memref<1600x32xf32, #tpu.memory_space<vmem>>, vector<1x16xf32>,
        %get3A_595 = vector.shape_cast %get3A_594 : vector<1x16xf32> to vector<16xf32>
        %add3A_596 = arith.addf %add3A_540, %get3A_595 : vector<16xf32>
        %add3A_597 = arith.constant 35 : i32
        %add3A_598 = arith.addi %mul3A_85, %add3A_597 : i32
        %get3A_599 = arith.index_cast %add3A_598 : i32 to index
        %get3A_600 = arith.constant 16 : index
        %get3A_601 = tpu.vector_load %arg8[%get3A_599, %get3A_600] {strides = array<i32>} : memref<1600x32xf32, #tpu.memory_space<vmem>>, vector<1x16xf32>,
        %get3A_602 = vector.shape_cast %get3A_601 : vector<1x16xf32> to vector<16xf32>
        %add3A_603 = arith.addf %add3A_547, %get3A_602 : vector<16xf32>
        %add3A_604 = arith.constant 36 : i32
        %add3A_605 = arith.addi %mul3A_85, %add3A_604 : i32
        %get3A_606 = arith.index_cast %add3A_605 : i32 to index
        %get3A_607 = arith.constant 0 : index
        %get3A_608 = tpu.vector_load %arg8[%get3A_606, %get3A_607] {strides = array<i32>} : memref<1600x32xf32, #tpu.memory_space<vmem>>, vector<1x16xf32>,
        %get3A_609 = vector.shape_cast %get3A_608 : vector<1x16xf32> to vector<16xf32>
        %add3A_610 = arith.addf %add3A_554, %get3A_609 : vector<16xf32>
        %add3A_611 = arith.constant 36 : i32
        %add3A_612 = arith.addi %mul3A_85, %add3A_611 : i32
        %get3A_613 = arith.index_cast %add3A_612 : i32 to index
        %get3A_614 = arith.constant 16 : index
        %get3A_615 = tpu.vector_load %arg8[%get3A_613, %get3A_614] {strides = array<i32>} : memref<1600x32xf32, #tpu.memory_space<vmem>>, vector<1x16xf32>,
        %get3A_616 = vector.shape_cast %get3A_615 : vector<1x16xf32> to vector<16xf32>
        %add3A_617 = arith.addf %add3A_561, %get3A_616 : vector<16xf32>
        %add3A_618 = arith.constant 37 : i32
        %add3A_619 = arith.addi %mul3A_85, %add3A_618 : i32
        %get3A_620 = arith.index_cast %add3A_619 : i32 to index
        %get3A_621 = arith.constant 0 : index
        %get3A_622 = tpu.vector_load %arg8[%get3A_620, %get3A_621] {strides = array<i32>} : memref<1600x32xf32, #tpu.memory_space<vmem>>, vector<1x16xf32>,
        %get3A_623 = vector.shape_cast %get3A_622 : vector<1x16xf32> to vector<16xf32>
        %add3A_624 = arith.addf %add3A_568, %get3A_623 : vector<16xf32>
        %add3A_625 = arith.constant 37 : i32
        %add3A_626 = arith.addi %mul3A_85, %add3A_625 : i32
        %get3A_627 = arith.index_cast %add3A_626 : i32 to index
        %get3A_628 = arith.constant 16 : index
        %get3A_629 = tpu.vector_load %arg8[%get3A_627, %get3A_628] {strides = array<i32>} : memref<1600x32xf32, #tpu.memory_space<vmem>>, vector<1x16xf32>,
        %get3A_630 = vector.shape_cast %get3A_629 : vector<1x16xf32> to vector<16xf32>
        %add3A_631 = arith.addf %add3A_575, %get3A_630 : vector<16xf32>
        %add3A_632 = arith.constant 38 : i32
        %add3A_633 = arith.addi %mul3A_85, %add3A_632 : i32
        %get3A_634 = arith.index_cast %add3A_633 : i32 to index
        %get3A_635 = arith.constant 0 : index
        %get3A_636 = tpu.vector_load %arg8[%get3A_634, %get3A_635] {strides = array<i32>} : memref<1600x32xf32, #tpu.memory_space<vmem>>, vector<1x16xf32>,
        %get3A_637 = vector.shape_cast %get3A_636 : vector<1x16xf32> to vector<16xf32>
        %add3A_638 = arith.addf %add3A_582, %get3A_637 : vector<16xf32>
        %add3A_639 = arith.constant 38 : i32
        %add3A_640 = arith.addi %mul3A_85, %add3A_639 : i32
        %get3A_641 = arith.index_cast %add3A_640 : i32 to index
        %get3A_642 = arith.constant 16 : index
        %get3A_643 = tpu.vector_load %arg8[%get3A_641, %get3A_642] {strides = array<i32>} : memref<1600x32xf32, #tpu.memory_space<vmem>>, vector<1x16xf32>,
        %get3A_644 = vector.shape_cast %get3A_643 : vector<1x16xf32> to vector<16xf32>
        %add3A_645 = arith.addf %add3A_589, %get3A_644 : vector<16xf32>
        %add3A_646 = arith.constant 39 : i32
        %add3A_647 = arith.addi %mul3A_85, %add3A_646 : i32
        %get3A_648 = arith.index_cast %add3A_647 : i32 to index
        %get3A_649 = arith.constant 0 : index
        %get3A_650 = tpu.vector_load %arg8[%get3A_648, %get3A_649] {strides = array<i32>} : memref<1600x32xf32, #tpu.memory_space<vmem>>, vector<1x16xf32>,
        %get3A_651 = vector.shape_cast %get3A_650 : vector<1x16xf32> to vector<16xf32>
        %add3A_652 = arith.addf %add3A_596, %get3A_651 : vector<16xf32>
        %add3A_653 = arith.constant 39 : i32
        %add3A_654 = arith.addi %mul3A_85, %add3A_653 : i32
        %get3A_655 = arith.index_cast %add3A_654 : i32 to index
        %get3A_656 = arith.constant 16 : index
        %get3A_657 = tpu.vector_load %arg8[%get3A_655, %get3A_656] {strides = array<i32>} : memref<1600x32xf32, #tpu.memory_space<vmem>>, vector<1x16xf32>,
        %get3A_658 = vector.shape_cast %get3A_657 : vector<1x16xf32> to vector<16xf32>
        %add3A_659 = arith.addf %add3A_603, %get3A_658 : vector<16xf32>
        %add3A_660 = arith.constant 40 : i32
        %add3A_661 = arith.addi %mul3A_85, %add3A_660 : i32
        %get3A_662 = arith.index_cast %add3A_661 : i32 to index
        %get3A_663 = arith.constant 0 : index
        %get3A_664 = tpu.vector_load %arg8[%get3A_662, %get3A_663] {strides = array<i32>} : memref<1600x32xf32, #tpu.memory_space<vmem>>, vector<1x16xf32>,
        %get3A_665 = vector.shape_cast %get3A_664 : vector<1x16xf32> to vector<16xf32>
        %add3A_666 = arith.addf %add3A_610, %get3A_665 : vector<16xf32>
        %add3A_667 = arith.constant 40 : i32
        %add3A_668 = arith.addi %mul3A_85, %add3A_667 : i32
        %get3A_669 = arith.index_cast %add3A_668 : i32 to index
        %get3A_670 = arith.constant 16 : index
        %get3A_671 = tpu.vector_load %arg8[%get3A_669, %get3A_670] {strides = array<i32>} : memref<1600x32xf32, #tpu.memory_space<vmem>>, vector<1x16xf32>,
        %get3A_672 = vector.shape_cast %get3A_671 : vector<1x16xf32> to vector<16xf32>
        %add3A_673 = arith.addf %add3A_617, %get3A_672 : vector<16xf32>
        %add3A_674 = arith.constant 41 : i32
        %add3A_675 = arith.addi %mul3A_85, %add3A_674 : i32
        %get3A_676 = arith.index_cast %add3A_675 : i32 to index
        %get3A_677 = arith.constant 0 : index
        %get3A_678 = tpu.vector_load %arg8[%get3A_676, %get3A_677] {strides = array<i32>} : memref<1600x32xf32, #tpu.memory_space<vmem>>, vector<1x16xf32>,
        %get3A_679 = vector.shape_cast %get3A_678 : vector<1x16xf32> to vector<16xf32>
        %add3A_680 = arith.addf %add3A_624, %get3A_679 : vector<16xf32>
        %add3A_681 = arith.constant 41 : i32
        %add3A_682 = arith.addi %mul3A_85, %add3A_681 : i32
        %get3A_683 = arith.index_cast %add3A_682 : i32 to index
        %get3A_684 = arith.constant 16 : index
        %get3A_685 = tpu.vector_load %arg8[%get3A_683, %get3A_684] {strides = array<i32>} : memref<1600x32xf32, #tpu.memory_space<vmem>>, vector<1x16xf32>,
        %get3A_686 = vector.shape_cast %get3A_685 : vector<1x16xf32> to vector<16xf32>
        %add3A_687 = arith.addf %add3A_631, %get3A_686 : vector<16xf32>
        %add3A_688 = arith.constant 42 : i32
        %add3A_689 = arith.addi %mul3A_85, %add3A_688 : i32
        %get3A_690 = arith.index_cast %add3A_689 : i32 to index
        %get3A_691 = arith.constant 0 : index
        %get3A_692 = tpu.vector_load %arg8[%get3A_690, %get3A_691] {strides = array<i32>} : memref<1600x32xf32, #tpu.memory_space<vmem>>, vector<1x16xf32>,
        %get3A_693 = vector.shape_cast %get3A_692 : vector<1x16xf32> to vector<16xf32>
        %add3A_694 = arith.addf %add3A_638, %get3A_693 : vector<16xf32>
        %add3A_695 = arith.constant 42 : i32
        %add3A_696 = arith.addi %mul3A_85, %add3A_695 : i32
        %get3A_697 = arith.index_cast %add3A_696 : i32 to index
        %get3A_698 = arith.constant 16 : index
        %get3A_699 = tpu.vector_load %arg8[%get3A_697, %get3A_698] {strides = array<i32>} : memref<1600x32xf32, #tpu.memory_space<vmem>>, vector<1x16xf32>,
        %get3A_700 = vector.shape_cast %get3A_699 : vector<1x16xf32> to vector<16xf32>
        %add3A_701 = arith.addf %add3A_645, %get3A_700 : vector<16xf32>
        %add3A_702 = arith.constant 43 : i32
        %add3A_703 = arith.addi %mul3A_85, %add3A_702 : i32
        %get3A_704 = arith.index_cast %add3A_703 : i32 to index
        %get3A_705 = arith.constant 0 : index
        %get3A_706 = tpu.vector_load %arg8[%get3A_704, %get3A_705] {strides = array<i32>} : memref<1600x32xf32, #tpu.memory_space<vmem>>, vector<1x16xf32>,
        %get3A_707 = vector.shape_cast %get3A_706 : vector<1x16xf32> to vector<16xf32>
        %add3A_708 = arith.addf %add3A_652, %get3A_707 : vector<16xf32>
        %add3A_709 = arith.constant 43 : i32
        %add3A_710 = arith.addi %mul3A_85, %add3A_709 : i32
        %get3A_711 = arith.index_cast %add3A_710 : i32 to index
        %get3A_712 = arith.constant 16 : index
        %get3A_713 = tpu.vector_load %arg8[%get3A_711, %get3A_712] {strides = array<i32>} : memref<1600x32xf32, #tpu.memory_space<vmem>>, vector<1x16xf32>,
        %get3A_714 = vector.shape_cast %get3A_713 : vector<1x16xf32> to vector<16xf32>
        %add3A_715 = arith.addf %add3A_659, %get3A_714 : vector<16xf32>
        %add3A_716 = arith.constant 44 : i32
        %add3A_717 = arith.addi %mul3A_85, %add3A_716 : i32
        %get3A_718 = arith.index_cast %add3A_717 : i32 to index
        %get3A_719 = arith.constant 0 : index
        %get3A_720 = tpu.vector_load %arg8[%get3A_718, %get3A_719] {strides = array<i32>} : memref<1600x32xf32, #tpu.memory_space<vmem>>, vector<1x16xf32>,
        %get3A_721 = vector.shape_cast %get3A_720 : vector<1x16xf32> to vector<16xf32>
        %add3A_722 = arith.addf %add3A_666, %get3A_721 : vector<16xf32>
        %add3A_723 = arith.constant 44 : i32
        %add3A_724 = arith.addi %mul3A_85, %add3A_723 : i32
        %get3A_725 = arith.index_cast %add3A_724 : i32 to index
        %get3A_726 = arith.constant 16 : index
        %get3A_727 = tpu.vector_load %arg8[%get3A_725, %get3A_726] {strides = array<i32>} : memref<1600x32xf32, #tpu.memory_space<vmem>>, vector<1x16xf32>,
        %get3A_728 = vector.shape_cast %get3A_727 : vector<1x16xf32> to vector<16xf32>
        %add3A_729 = arith.addf %add3A_673, %get3A_728 : vector<16xf32>
        %add3A_730 = arith.constant 45 : i32
        %add3A_731 = arith.addi %mul3A_85, %add3A_730 : i32
        %get3A_732 = arith.index_cast %add3A_731 : i32 to index
        %get3A_733 = arith.constant 0 : index
        %get3A_734 = tpu.vector_load %arg8[%get3A_732, %get3A_733] {strides = array<i32>} : memref<1600x32xf32, #tpu.memory_space<vmem>>, vector<1x16xf32>,
        %get3A_735 = vector.shape_cast %get3A_734 : vector<1x16xf32> to vector<16xf32>
        %add3A_736 = arith.addf %add3A_680, %get3A_735 : vector<16xf32>
        %add3A_737 = arith.constant 45 : i32
        %add3A_738 = arith.addi %mul3A_85, %add3A_737 : i32
        %get3A_739 = arith.index_cast %add3A_738 : i32 to index
        %get3A_740 = arith.constant 16 : index
        %get3A_741 = tpu.vector_load %arg8[%get3A_739, %get3A_740] {strides = array<i32>} : memref<1600x32xf32, #tpu.memory_space<vmem>>, vector<1x16xf32>,
        %get3A_742 = vector.shape_cast %get3A_741 : vector<1x16xf32> to vector<16xf32>
        %add3A_743 = arith.addf %add3A_687, %get3A_742 : vector<16xf32>
        %add3A_744 = arith.constant 46 : i32
        %add3A_745 = arith.addi %mul3A_85, %add3A_744 : i32
        %get3A_746 = arith.index_cast %add3A_745 : i32 to index
        %get3A_747 = arith.constant 0 : index
        %get3A_748 = tpu.vector_load %arg8[%get3A_746, %get3A_747] {strides = array<i32>} : memref<1600x32xf32, #tpu.memory_space<vmem>>, vector<1x16xf32>,
        %get3A_749 = vector.shape_cast %get3A_748 : vector<1x16xf32> to vector<16xf32>
        %add3A_750 = arith.addf %add3A_694, %get3A_749 : vector<16xf32>
        %add3A_751 = arith.constant 46 : i32
        %add3A_752 = arith.addi %mul3A_85, %add3A_751 : i32
        %get3A_753 = arith.index_cast %add3A_752 : i32 to index
        %get3A_754 = arith.constant 16 : index
        %get3A_755 = tpu.vector_load %arg8[%get3A_753, %get3A_754] {strides = array<i32>} : memref<1600x32xf32, #tpu.memory_space<vmem>>, vector<1x16xf32>,
        %get3A_756 = vector.shape_cast %get3A_755 : vector<1x16xf32> to vector<16xf32>
        %add3A_757 = arith.addf %add3A_701, %get3A_756 : vector<16xf32>
        %add3A_758 = arith.constant 47 : i32
        %add3A_759 = arith.addi %mul3A_85, %add3A_758 : i32
        %get3A_760 = arith.index_cast %add3A_759 : i32 to index
        %get3A_761 = arith.constant 0 : index
        %get3A_762 = tpu.vector_load %arg8[%get3A_760, %get3A_761] {strides = array<i32>} : memref<1600x32xf32, #tpu.memory_space<vmem>>, vector<1x16xf32>,
        %get3A_763 = vector.shape_cast %get3A_762 : vector<1x16xf32> to vector<16xf32>
        %add3A_764 = arith.addf %add3A_708, %get3A_763 : vector<16xf32>
        %add3A_765 = arith.constant 47 : i32
        %add3A_766 = arith.addi %mul3A_85, %add3A_765 : i32
        %get3A_767 = arith.index_cast %add3A_766 : i32 to index
        %get3A_768 = arith.constant 16 : index
        %get3A_769 = tpu.vector_load %arg8[%get3A_767, %get3A_768] {strides = array<i32>} : memref<1600x32xf32, #tpu.memory_space<vmem>>, vector<1x16xf32>,
        %get3A_770 = vector.shape_cast %get3A_769 : vector<1x16xf32> to vector<16xf32>
        %add3A_771 = arith.addf %add3A_715, %get3A_770 : vector<16xf32>
        %add3A_772 = arith.constant 48 : i32
        %add3A_773 = arith.addi %mul3A_85, %add3A_772 : i32
        %get3A_774 = arith.index_cast %add3A_773 : i32 to index
        %get3A_775 = arith.constant 0 : index
        %get3A_776 = tpu.vector_load %arg8[%get3A_774, %get3A_775] {strides = array<i32>} : memref<1600x32xf32, #tpu.memory_space<vmem>>, vector<1x16xf32>,
        %get3A_777 = vector.shape_cast %get3A_776 : vector<1x16xf32> to vector<16xf32>
        %add3A_778 = arith.addf %add3A_722, %get3A_777 : vector<16xf32>
        %add3A_779 = arith.constant 48 : i32
        %add3A_780 = arith.addi %mul3A_85, %add3A_779 : i32
        %get3A_781 = arith.index_cast %add3A_780 : i32 to index
        %get3A_782 = arith.constant 16 : index
        %get3A_783 = tpu.vector_load %arg8[%get3A_781, %get3A_782] {strides = array<i32>} : memref<1600x32xf32, #tpu.memory_space<vmem>>, vector<1x16xf32>,
        %get3A_784 = vector.shape_cast %get3A_783 : vector<1x16xf32> to vector<16xf32>
        %add3A_785 = arith.addf %add3A_729, %get3A_784 : vector<16xf32>
        %add3A_786 = arith.constant 49 : i32
        %add3A_787 = arith.addi %mul3A_85, %add3A_786 : i32
        %get3A_788 = arith.index_cast %add3A_787 : i32 to index
        %get3A_789 = arith.constant 0 : index
        %get3A_790 = tpu.vector_load %arg8[%get3A_788, %get3A_789] {strides = array<i32>} : memref<1600x32xf32, #tpu.memory_space<vmem>>, vector<1x16xf32>,
        %get3A_791 = vector.shape_cast %get3A_790 : vector<1x16xf32> to vector<16xf32>
        %add3A_792 = arith.addf %add3A_736, %get3A_791 : vector<16xf32>
        %add3A_793 = arith.constant 49 : i32
        %add3A_794 = arith.addi %mul3A_85, %add3A_793 : i32
        %get3A_795 = arith.index_cast %add3A_794 : i32 to index
        %get3A_796 = arith.constant 16 : index
        %get3A_797 = tpu.vector_load %arg8[%get3A_795, %get3A_796] {strides = array<i32>} : memref<1600x32xf32, #tpu.memory_space<vmem>>, vector<1x16xf32>,
        %get3A_798 = vector.shape_cast %get3A_797 : vector<1x16xf32> to vector<16xf32>
        %add3A_799 = arith.addf %add3A_743, %get3A_798 : vector<16xf32>
        %add3A_800 = arith.addf %add3A_778, %add3A_792 : vector<16xf32>
        %add3A_801 = arith.addf %add3A_750, %add3A_764 : vector<16xf32>
        %add3A_802 = arith.addf %add3A_800, %add3A_801 : vector<16xf32>
        %add3A_803 = arith.addf %add3A_785, %add3A_799 : vector<16xf32>
        %add3A_804 = arith.addf %add3A_757, %add3A_771 : vector<16xf32>
        %add3A_805 = arith.addf %add3A_803, %add3A_804 : vector<16xf32>
        %mul3A_806 = vector.broadcast %scan3A_9 : f32 to vector<16xf32>
        %mul3A_807 = arith.mulf %add3A_802, %mul3A_806 : vector<16xf32>
        %swap3A = arith.index_cast %scan3A_83 : i32 to index
        %swap3A_808 = arith.constant 0 : index
        %swap3A_809 = tpu.vector_load %arg10[%swap3A, %swap3A_808] {strides = array<i32>} : memref<32x32xf32, #tpu.memory_space<vmem>>, vector<1x16xf32>,
        %swap3A_810 = vector.shape_cast %swap3A_809 : vector<1x16xf32> to vector<16xf32>
        %swap3A_811 = vector.shape_cast %mul3A_807 : vector<16xf32> to vector<1x16xf32>
        tpu.vector_store %arg10[%swap3A, %swap3A_808], %swap3A_811 {strides = array<i32>} : memref<32x32xf32, #tpu.memory_space<vmem>>, vector<1x16xf32>,
        %mul3A_812 = vector.broadcast %scan3A_9 : f32 to vector<16xf32>
        %mul3A_813 = arith.mulf %add3A_805, %mul3A_812 : vector<16xf32>
        %swap3A_814 = arith.index_cast %scan3A_83 : i32 to index
        %swap3A_815 = arith.constant 16 : index
        %swap3A_816 = tpu.vector_load %arg10[%swap3A_814, %swap3A_815] {strides = array<i32>} : memref<32x32xf32, #tpu.memory_space<vmem>>, vector<1x16xf32>,
        %swap3A_817 = vector.shape_cast %swap3A_816 : vector<1x16xf32> to vector<16xf32>
        %swap3A_818 = vector.shape_cast %mul3A_813 : vector<16xf32> to vector<1x16xf32>
        tpu.vector_store %arg10[%swap3A_814, %swap3A_815], %swap3A_818 {strides = array<i32>} : memref<32x32xf32, #tpu.memory_space<vmem>>, vector<1x16xf32>,
      }
      %scan3A_78 = arith.constant 32 : i32
      %dma_start3A_79 = arith.constant 0 : i32
      %dma_start3A_80 = tpu.memref_slice %arg4[%add3A_69, %dma_start3A_79] : memref<16384x32xf32, #tpu.memory_space<hbm>> -> memref<32x32xf32, #tpu.memory_space<hbm>>
      %dma_start3A_81 = arith.constant 0 : i32
      %dma_start3A_82 = tpu.memref_slice %arg4[%add3A_69, %dma_start3A_81] : memref<16384x32xf32, #tpu.memory_space<hbm>> -> memref<32x32xf32, #tpu.memory_space<hbm>>
      tpu.enqueue_dma source(%arg10 : memref<32x32xf32, #tpu.memory_space<vmem>>) target(%dma_start3A_82 : memref<32x32xf32, #tpu.memory_space<hbm>>) target_semaphore(%arg14 : memref<!tpu.dma_semaphore, #tpu.memory_space<semaphore_mem>>)
    }
    %scan3A_14 = arith.constant 8 : i32
    %dma_wait3A = arith.constant 0 : i32
    %dma_wait3A_15 = tpu.memref_slice %arg4[%mul3A_2, %dma_wait3A] : memref<16384x32xf32, #tpu.memory_space<hbm>> -> memref<32x32xf32, #tpu.memory_space<hbm>>
    %dma_wait3A_16 = arith.constant 0 : i32
    %dma_wait3A_17 = tpu.memref_slice %arg4[%mul3A_2, %dma_wait3A_16] : memref<16384x32xf32, #tpu.memory_space<hbm>> -> memref<32x32xf32, #tpu.memory_space<hbm>>
    tpu.wait_dma2 semaphore(%arg13 : memref<!tpu.dma_semaphore, #tpu.memory_space<semaphore_mem>>) src(%arg9 : memref<32x32xf32, #tpu.memory_space<vmem>>) dst(%dma_wait3A_17 : memref<32x32xf32, #tpu.memory_space<hbm>>)
    %dma_wait3A_18 = arith.constant 0 : i32
    %dma_wait3A_19 = tpu.memref_slice %arg4[%mul3A_2, %dma_wait3A_18] : memref<16384x32xf32, #tpu.memory_space<hbm>> -> memref<32x32xf32, #tpu.memory_space<hbm>>
    %dma_wait3A_20 = arith.constant 0 : i32
    %dma_wait3A_21 = tpu.memref_slice %arg4[%mul3A_2, %dma_wait3A_20] : memref<16384x32xf32, #tpu.memory_space<hbm>> -> memref<32x32xf32, #tpu.memory_space<hbm>>
    tpu.wait_dma2 semaphore(%arg14 : memref<!tpu.dma_semaphore, #tpu.memory_space<semaphore_mem>>) src(%arg10 : memref<32x32xf32, #tpu.memory_space<vmem>>) dst(%dma_wait3A_21 : memref<32x32xf32, #tpu.memory_space<hbm>>)
    return
  }
}

</mosaic_0001>

<sc_bundles>
// kernel: kernel.4.cloned.1.call-start
scs
__scs_entry_jumppad:
0x0: {  	(pc) =	sbr.rel $0x88, $3  }
0x1: {  	(tag) =	ssettag $0x0;
	lr =	simm.s32 $0x1  }
0x2: {  	[smem:$0x3F9F] =	sst lr;
	_ =	strace $0xD0000000  }
0x3: {  	_ = 	snop  }
0x4: {  	_ = 	snop  }
0x5: {  	_ = 	snop  }
0x6: {  	_ = 	snop  }
0x7: {  	_ = 	snop  }
__scs_overlays_trampoline_lowered:
0x8: {  	[smem:$0x3FAE] =	sst s0  }
0x9: {  	[smem:$0x3FAF] =	sst s1  }
0xa: {  	[smem:$0x3FB0] =	sst s2  }
0xb: {  	[smem:$0x3FB1] =	sst s3  }
0xc: {  	[smem:$0x3FB2] =	sst s4  }
0xd: {  	[smem:$0x3FB3] =	sst s5  }
0xe: {  	[smem:$0x3FB4] =	sst s6  }
0xf: {  	[smem:$0x3FB5] =	sst s7  }
0x10: {  	[smem:$0x3FB6] =	sst s8  }
0x11: {  	[smem:$0x3FB7] =	sst s9;
	s0 =	simm.s32 @!p0 $0x0  }
0x12: {  	s1 =	sld [smem:$0x3F9D];
	s0 =	simm.s32 @p0 $0x1  }
0x13: {  	[smem:$0x3FB8] =	sst s0;
	s0 =	simm.s32 @!p1 $0x0  }
0x14: {  	s2 =	sld [smem:$0x3F9C];
	s0 =	simm.s32 @p1 $0x1  }
0x15: {  	[smem:$0x3FB9] =	sst s0;
	s0 =	simm.s32 @!p2 $0x0  }
0x16: {  	s3 =	sld [smem:$0x3FDB];
	s0 =	simm.s32 @p2 $0x1  }
0x17: {  	s4 =	simm.s32 $0x1BF5;
	[smem:$0x3FBB] =	sst s0  }
0x18: {  	s0 =	sld [smem:$0x3F9E];
	_ =	swait.ge [sflag:s4], $0x0  }
0x19: {  	s7 =	sld [smem:$0x3F9F]  }
0x1a: {  	s8 =	sadd.s32 $0xFFFFE003, lr  }
0x1b: {  	s9 =	sadd.s32 $0xFFFFFEF7, lr;
	s5 =	simm.s32 $0xFFFFFFFF;
	p2 =	slt.u32 s8, $0xFFFFF086  }
0x1c: {  	p1 =	slt.u32 s9, $0xF7A;
	s5 =	simm.s32 @!p2 $0x0  }
0x1d: {  	s5 =	simm.s32 @p1 $0x1;
	p0 =	seq.s32 s7, s2  }
0x1e: {  	s7 =	smul.u32 @!p0 $0xF7A, s2;
	p2 =	seq.s32 @!p0 s5, $0x0  }
0x1f: {  	s9 =	smul.u32 $0xF7A, s1;
	s8 =	simm.s32 @!p0 $0x1BF5;
	p2 =	por !p2, p0  }
0x20: {  	[sflag:s8] =	ssyncset.s32 @!p0 $0xFFFFF086;
	s6 =	sadd.s32 @!p0 s3, s7;
	s7 =	simm.s32 @!p0 $0x108  }
0x21: {  	s3 =	sadd.s32 s3, s9;
	s6 =	sadd.s32 @!p0 $0x88, s6;
	s7 =	simm.s32 @p2 $0x1082  }
0x22: {  	[simem:s7], [sflag:s8] =	dma.local @!p0 [hbm:s6], $0xF7A  }
0x23: {  	s9 =	sor.u32 $0xD0000000, s2;
	s6 =	simm.s32 $0x108;
	_ =	swait.ge @!p0 [sflag:s8], $0x0  }
0x24: {  	s3 =	sadd.s32 $0x88, s3;
	s6 =	simm.s32 @!p1 $0x1082;
	[sflag:s4] =	ssyncset.s32 $0xFFFFF086  }
0x25: {  	[simem:s6], [sflag:s4] =	dma.local [hbm:s3], $0xF7A  }
0x26: {  	[smem:$0x3F9F] =	sst s1;
	(tag) =	ssettag s2;
	_ =	strace s9  }
0x27: {  	s1 =	sld [smem:$0x3FAF]  }
0x28: {  	s2 =	sld [smem:$0x3FB0]  }
0x29: {  	s4 =	sld [smem:$0x3FB2]  }
0x2a: {  	p0 =	seq.s32 s5, $0x0;
	s5 =	sld [smem:$0x3FB3]  }
0x2b: {  	s6 =	sld [smem:$0x3FB4]  }
0x2c: {  	s7 =	sld [smem:$0x3FB5]  }
0x2d: {  	s3 =	simm.s32 $0x108;
	s8 =	sld [smem:$0x3FB6]  }
0x2e: {  	s3 =	simm.s32 @!p0 $0x1082;
	s9 =	sld [smem:$0x3FB7]  }
0x2f: {  	lr =	sadd.s32 s0, s3;
	s0 =	sld [smem:$0x3FAE]  }
0x30: {  	s3 =	sld [smem:$0x3FB1]  }
0x31: {  	[smem:$0x3FBA] =	sst s10  }
0x32: {  	s10 =	sld [smem:$0x3FB8];
	_ =	sdelay $0x3  }
0x33: {  	p0 =	seq.s32 s10, $0x1;
	s10 =	sld [smem:$0x3FBA];
	_ =	sdelay $0x3  }
0x34: {  	[smem:$0x3FBA] =	sst s10  }
0x35: {  	s10 =	sld [smem:$0x3FB9];
	_ =	sdelay $0x3  }
0x36: {  	p1 =	seq.s32 s10, $0x1;
	s10 =	sld [smem:$0x3FBA];
	_ =	sdelay $0x3  }
0x37: {  	[smem:$0x3FBA] =	sst s10  }
0x38: {  	s10 =	sld [smem:$0x3FBB]  }
0x39: {  	_ = 	snop;
	(pc) =	sbr.ind lr, $3  }
0x3a: {  	_ = 	snop  }
0x3b: {  	_ = 	snop  }
0x3c: {  	p2 =	seq.s32 s10, $0x1;
	s10 =	sld [smem:$0x3FBA]  }
0x3d: {  	_ =	shalt  }
0x3e: {  	_ =	shalt  }
0x3f: {  	_ =	shalt  }
0x40: {  	_ =	shalt  }
0x41: {  	_ =	shalt  }
0x42: {  	_ =	shalt  }
0x43: {  	_ =	shalt  }
0x44: {  	_ =	shalt  }
0x45: {  	_ =	shalt  }
0x46: {  	_ =	shalt  }
0x47: {  	_ =	shalt  }
0x48: {  	_ =	shalt  }
0x49: {  	_ =	shalt  }
0x4a: {  	_ =	shalt  }
0x4b: {  	_ =	shalt  }
0x4c: {  	_ =	shalt  }
0x4d: {  	_ =	shalt  }
0x4e: {  	_ =	shalt  }
0x4f: {  	_ =	shalt  }
0x50: {  	_ =	shalt  }
0x51: {  	_ =	shalt  }
0x52: {  	_ =	shalt  }
0x53: {  	_ =	shalt  }
0x54: {  	_ =	shalt  }
0x55: {  	_ =	shalt  }
0x56: {  	_ =	shalt  }
0x57: {  	_ =	shalt  }
0x58: {  	_ =	shalt  }
0x59: {  	_ =	shalt  }
0x5a: {  	_ =	shalt  }
0x5b: {  	_ =	shalt  }
0x5c: {  	_ =	shalt  }
0x5d: {  	_ =	shalt  }
0x5e: {  	_ =	shalt  }
0x5f: {  	_ =	shalt  }
0x60: {  	_ =	shalt  }
0x61: {  	_ =	shalt  }
0x62: {  	_ =	shalt  }
0x63: {  	_ =	shalt  }
0x64: {  	_ =	shalt  }
0x65: {  	_ =	shalt  }
0x66: {  	_ =	shalt  }
0x67: {  	_ =	shalt  }
0x68: {  	_ =	shalt  }
0x69: {  	_ =	shalt  }
0x6a: {  	_ =	shalt  }
0x6b: {  	_ =	shalt  }
0x6c: {  	_ =	shalt  }
0x6d: {  	_ =	shalt  }
0x6e: {  	_ =	shalt  }
0x6f: {  	_ =	shalt  }
0x70: {  	_ =	shalt  }
0x71: {  	_ =	shalt  }
0x72: {  	_ =	shalt  }
0x73: {  	_ =	shalt  }
0x74: {  	_ =	shalt  }
0x75: {  	_ =	shalt  }
0x76: {  	_ =	shalt  }
0x77: {  	_ =	shalt  }
0x78: {  	_ =	shalt  }
0x79: {  	_ =	shalt  }
0x7a: {  	_ =	shalt  }
0x7b: {  	_ =	shalt  }
0x7c: {  	_ =	shalt  }
0x7d: {  	_ =	shalt  }
0x7e: {  	_ =	shalt  }
0x7f: {  	_ =	shalt  }
0x80: {  	_ =	shalt  }
0x81: {  	_ =	shalt  }
0x82: {  	_ =	shalt  }
0x83: {  	_ =	shalt  }
0x84: {  	_ =	shalt  }
0x85: {  	_ =	shalt  }
0x86: {  	_ =	shalt  }
0x87: {  	_ =	shalt  }
.Lfunc_end0:
.L_simem_size_0:
called_computation_lowered:
.L_overlay_start_0:
0x88: {  	s2 =	sld [smem:$0x3FD9]  }
0x89: {  	s3 =	sld [smem:$0x3FFE];
	_ =	sdelay $0x1  }
0x8a: {  	s1 =	srdreg.scid  }
0x8b: {  	s0 =	sand.u32 $0x1, s1  }
0x8c: {  	s17 =	sshll.u32 s0, $0xA;
	s2 =	sadd.s32 s3, s2  }
0x8d: {  	s2 =	sadd.s32 s2, s17  }
0x8e: {  	[smem:$0x3FC6] =	sst s2  }
0x8f: {  	_ = 	snop  }
0x90: {  	s2 =	sld [smem:$0x3FC8];
	(tm) =	ssettm $0x1  }
0x91: {  	s18 =	sld [smem:$0x3FFB];
	_ =	sdelay $0x3  }
0x92: {  	_ =	strace s18  }
0x93: {  	s3 =	sld [smem:$0x3FFC];
	_ =	sdelay $0x3  }
0x94: {  	_ =	strace s3  }
0x95: {  	s3 =	sld [smem:$0x3FFD];
	_ =	sdelay $0x3  }
0x96: {  	_ =	strace s3  }
0x97: {  	_ =	strace $0x8FFFFFFF  }
0x98: {  	s19 =	sld [smem:$0x3FDB];
	_ =	sdelay $0x1  }
0x99: {  	s4 =	simm.s32 $_scs_section_size  }
0x9a: {  	s5 =	simm.s32 $_size__tile_overlayer_lowered;
	s6 =	simm.s32 $_tile_overlayer_lowered  }
0x9b: {  	s22 =	simm.s32 $0x1BFF;
	s21 =	sshll.u32 s6, $0x1;
	s3 =	sadd.s32 s4, s19  }
0x9c: {  	s7 =	simm.s32 $0x0;
	s20 =	sshll.u32 s5, $0x1;
	s5 =	sadd.s32 s21, s3  }
0x9d: {  	[timem:s7], [sflag:s22] =	dma.local [hbm:s5], s20  }
0x9e: {  	_ =	swait.ge [sflag:s22], s20  }
0x9f: {  	s4 =	ssub.s32 $0x0, s20;
	[sflag:s22] =	ssyncset.done $0x0  }
0xa0: {  	[sflag:s22] =	ssyncadd.s32 s4;
	_ =	sdelay $0x1  }
0xa1: {  	s23 =	simm.s32 $0x1B8B  }
0xa2: {  	_ =	swait.ge [sflag:s23], $0x1  }
0xa3: {  	[sflag:s23] =	ssyncset.done $0x0  }
0xa4: {  	s25 =	simm.s32 $0x1B8E;
	s24 =	sld [smem:$0x3FFE];
	[sflag:s23] =	ssyncadd.s32 $0xFFFFFFFF  }
0xa5: {  	s26 =	simm.s32 $execute0_lowered;
	[smem:$0x3FD2] =	sst s25  }
0xa6: {  	s5 =	sshll.u32 s26, $0x1;
	_ =	strace $0x80000046;
	[dreg:$0x1] =	wrdreg $0xFFFFFFFF  }
0xa7: {  	s28 =	simm.s32 $_size_execute0_lowered;
	s3 =	sadd.s32 s3, s5;
	[dreg:$0x0] =	wrdreg $0x0  }
0xa8: {  	s5 =	sshll.u32 s28, $0x1;
	[dreg:$0x2] =	wrdreg s3  }
0xa9: {  	[dreg:$0x3] =	wrdreg s5  }
0xaa: {  	[dreg:$0x4] =	wrdreg $0xC0  }
0xab: {  	_ =	task [dreg:s7], $0x5FFFF  }
0xac: {  	[dreg:$0x1] =	wrdreg $0xFFFFFFFF  }
0xad: {  	[dreg:$0x0] =	wrdreg $0x60  }
0xae: {  	[dreg:$0x2] =	wrdreg s2  }
0xaf: {  	[dreg:$0x3] =	wrdreg s24  }
0xb0: {  	[dreg:$0x4] =	wrdreg $0x9  }
0xb1: {  	_ =	task.clear_ibuf [dreg:s7], $0x5FFFF;
	_ =	strace $0x90000046  }
0xb2: {  	s29 =	simm.s32 $0x9;
	_ =	strace $0x80000048  }
0xb3: {  	_ =	swait.ge [sflag:s29], $0x1  }
0xb4: {  	[sflag:s29] =	ssyncadd.s32 $0xFFFFFFFF  }
0xb5: {  	_ =	strace $0x90000048  }
0xb6: {  	_ =	sfence  }
0xb7: {  	s30 =	sld [smem:$0x0];
	_ =	sdelay $0x2  }
0xb8: {  	s31 =	sshll.u32 s1, $0xD;
	s1 =	sshrl.u32 s1, $0x2  }
0xb9: {  	s3 =	sand.u32 $0x4000, s31;
	s1 =	sadd.s32 s1, s30  }
0xba: {  	s0 =	sor.u32 s3, s0;
	s1 =	sshll.u32 s1, $0x11  }
0xbb: {  	s0 =	sor.u32 s1, s0  }
0xbc: {  	s0 =	sadd.s32 $0x8F2B, s0  }
0xbd: {  	[sflag:s0] =	ssyncadd.remote.s32 $0x1  }
0xbe: {  	_ =	sfence.sel $0xFFFF  }
0xbf: {  	[dreg:$0x0] =	wrdreg $0xFFFFFFFF;
	(pc) =	sbr.abs _section_cstart, $3  }
0xc0: {  	[dreg:$0x1] =	wrdreg $0xFFFFFFFF  }
0xc1: {  	_ =	task.clear_ibuf [dreg:s7], $0x2FFFF;
	_ =	strace $0x9FFFFFFF  }
0xc2: {  	(tm) =	ssettm $0x7FFFFFFF  }
0xc3: {  	_ =	shalt  }
tec
execute0_lowered:
.L_overlay_start_1:
0x0: {  	(tag) =	ssettag $0x1  }
0x1: {  	v0 =	vimm.s32 $0x1380;
	vm0 =	vcmask $0x300  }
0x2: {  	vm1 =	vcmask $0x704;
	vm2 =	vcmask $0xB08;
	vm3 =	vcmask $0xF0C  }
0x3: {  	vm4 =	vcmask $0x1310;
	vm5 =	vcmask $0x1714;
	vm6 =	vcmask $0x1B18  }
0x4: {  	vm7 =	vcmask $0x1F1C;
	vm8 =	vcmask $0x2320;
	vm9 =	vcmask $0x2724  }
0x5: {  	vm10 =	vcmask $0x2B28;
	vm11 =	vcmask $0x2F2C;
	v1 =	vimm.s32 $0xFEDCBA9  }
0x6: {  	vm12 =	vcmask $0x3330;
	v2 =	vimm.s32 $0x87654321;
	vm13 =	vcmask $0x3734  }
0x7: {  	v5 =	vimm.s32 $0x3210FEDC;
	v6 =	vimm.s32 $0xBA987654;
	v7 =	vimm.s32 $0x43210FED  }
0x8: {  	v8 =	vimm.s32 $0xCBA98765;
	vm14 =	vcmask $0x3B38;
	v19 =	vimm.s32 $0x6543210F  }
0x9: {  	v20 =	vimm.s32 $0xEDCBA987;
	v25 =	vimm.s32 $0x76543210;
	v46 =	vimm.s32 $0x40200060  }
0xa: {  	v47 =	vimm.s32 $0x1C0;
	vm15 =	vcmask $0x1304;
	v48 =	vimm.s32 $0xC0A080E0  }
0xb: {  	v49 =	vimm.s32 $0x1A0;
	v50 =	vimm.s32 $0x20006040;
	v51 =	vimm.s32 $0x140  }
0xc: {  	v52 =	vimm.s32 $0xA080E0C0;
	v53 =	vimm.s32 $0xC0;
	v28 =	vimm.s32 $0x120  }
0xd: {  	v29 =	vimm.s32 $0xA0;
	v55 =	vimm.s32 $0xE0C0A0;
	v56 =	vimm.s32 $0xA0806040  }
0xe: {  	v30 =	vimm.s32 $0x80604020;
	v60 =	vimm.s32 $0x40200000;
	v61 =	vimm.s32 $0x604020  }
0xf: {  	v63 =	vimm.s32 $0x80E0C0A0;
	v33 =	vimm.s32 $0x782;
	v0 =	vsel vm0, $0x0, v0  }
0x10: {  	v1 =	vunpack.c.l.s4.s8 v1;
	v5 =	vunpack.c.l.s4.s8 v5;
	v6 =	vunpack.c.l.s4.s8 v6  }
0x11: {  	v7 =	vunpack.c.l.s4.s8 v7;
	v8 =	vunpack.c.l.s4.s8 v8;
	v19 =	vunpack.c.l.s4.s8 v19  }
0x12: {  	v25 =	vunpack.c.l.s4.s8 v25;
	v28 =	vsel vm0, $0x140, v28;
	v29 =	vsel vm0, $0xC0, v29  }
0x13: {  	v30 =	vunpack.c.0.s8.s32 v30;
	v0 =	vsel vm1, $0x80, v0;
	v28 =	vsel vm1, $0x160, v28  }
0x14: {  	v29 =	vsel vm1, $0xE0, v29;
	v0 =	vsel vm2, $0x100, v0;
	v9 =	vunpack.c.0.s8.s32 v1  }
0x15: {  	v1 =	vimm.s32 $0x10FEDCBA;
	v15 =	vunpack.c.0.s8.s32 v5;
	v0 =	vsel vm3, $0x180, v0  }
0x16: {  	v16 =	vunpack.c.0.s8.s32 v6;
	v17 =	vunpack.c.0.s8.s32 v7;
	v0 =	vsel vm4, $0x200, v0  }
0x17: {  	v18 =	vunpack.c.0.s8.s32 v8;
	v19 =	vunpack.c.0.s8.s32 v19;
	v0 =	vsel vm5, $0x280, v0  }
0x18: {  	v44 =	vunpack.c.0.s8.s32 v25;
	v25 =	vsel vm0, $0x160, v51;
	v0 =	vsel vm6, $0x300, v0  }
0x19: {  	v28 =	vsel vm2, $0x180, v28;
	v29 =	vsel vm2, $0x100, v29;
	v0 =	vsel vm7, $0x380, v0  }
0x1a: {  	v59 =	vand.u32 $0xFF, v30;
	v1 =	vunpack.c.l.s4.s8 v1;
	v0 =	vsel vm8, $0x1000, v0  }
0x1b: {  	v25 =	vsel vm1, $0x180, v25;
	v28 =	vsel vm3, $0x1A0, v28;
	v0 =	vsel vm9, $0x1080, v0  }
0x1c: {  	v29 =	vsel vm3, $0x120, v29;
	v7 =	vcombine.low v16, v15;
	v0 =	vsel vm10, $0x1100, v0  }
0x1d: {  	v8 =	vcombine.low v18, v17;
	v25 =	vsel vm2, $0x1A0, v25;
	v0 =	vsel vm11, $0x1180, v0  }
0x1e: {  	v3 =	vsel vm12, $0x1200, v0;
	v0 =	vunpack.c.l.s4.s8 v2;
	v2 =	vimm.s32 $0x98765432  }
0x1f: {  	v28 =	vsel vm4, $0x1C0, v28;
	v29 =	vsel vm4, $0x140, v29;
	v2 =	vunpack.c.l.s4.s8 v2  }
0x20: {  	v11 =	vunpack.c.0.s8.s32 v1;
	v1 =	vimm.s32 $0x210FEDCB;
	v25 =	vsel vm3, $0x1C0, v25  }
0x21: {  	v28 =	vsel vm5, $0x1E0, v28;
	v12 =	vunpack.c.0.s8.s32 v2;
	v2 =	vimm.s32 $0xA9876543  }
0x22: {  	v29 =	vsel vm5, $0x160, v29;
	v1 =	vunpack.c.l.s4.s8 v1;
	v2 =	vunpack.c.l.s4.s8 v2  }
0x23: {  	v25 =	vsel vm4, $0x1E0, v25;
	v10 =	vunpack.c.0.s8.s32 v0;
	v5 =	vcombine.low v12, v11  }
0x24: {  	v13 =	vunpack.c.0.s8.s32 v1;
	v3 =	vsel vm13, $0x1280, v3;
	v14 =	vunpack.c.0.s8.s32 v2  }
0x25: {  	v1 =	vsel vm14, $0x1300, v3;
	v4 =	vcombine.low v10, v9;
	v3 =	vand.u32 $0xF, v5  }
0x26: {  	v5 =	vand.u32 $0xF, v7;
	v7 =	vimm.s32 $0x543210FE;
	v6 =	vcombine.low v14, v13  }
0x27: {  	v29 =	vsel vm6, $0x180, v29;
	v2 =	vand.u32 $0xF, v4;
	v7 =	vunpack.c.l.s4.s8 v7  }
0x28: {  	v4 =	vand.u32 $0xF, v6;
	v6 =	vand.u32 $0xF, v8;
	v8 =	vimm.s32 $0xDCBA9876  }
0x29: {  	v54 =	vsel vm7, $0x1A0, v29;
	v29 =	vunpack.c.0.s8.s32 v56;
	v8 =	vunpack.c.l.s4.s8 v8  }
0x2a: {  	v21 =	vunpack.c.0.s8.s32 v7;
	v7 =	vunpack.c.l.s4.s8 v20;
	v20 =	vimm.s32 $0x3380  }
0x2b: {  	v58 =	vand.u32 $0xFF, v29;
	v22 =	vunpack.c.0.s8.s32 v8;
	v8 =	vsel vm0, $0x2000, v20  }
0x2c: {  	v20 =	vunpack.c.0.s8.s32 v7;
	v7 =	vimm.s32 $0xFEDCBA98;
	v8 =	vsel vm1, $0x2080, v8  }
0x2d: {  	v11 =	vcombine.low v11, v12;
	v7 =	vunpack.c.l.s4.s8 v7;
	v8 =	vsel vm2, $0x2100, v8  }
0x2e: {  	v23 =	vcombine.low v22, v21;
	v24 =	vcombine.low v20, v19;
	v8 =	vsel vm3, $0x2180, v8  }
0x2f: {  	v13 =	vcombine.low v13, v14;
	v26 =	vunpack.c.0.s8.s32 v7;
	v27 =	vsel vm4, $0x2200, v8  }
0x30: {  	v7 =	vand.u32 $0xF, v23;
	v8 =	vand.u32 $0xF, v24;
	v24 =	vunpack.c.0.s8.s32 v50  }
0x31: {  	v43 =	vsel vm5, $0x2280, v27;
	v45 =	vand.u32 $0xF, v26;
	v26 =	vunpack.c.0.s8.s32 v52  }
0x32: {  	v27 =	vsel vm0, $0xE0, v53;
	v23 =	vsel vm6, $0x2300, v43;
	v24 =	vand.u32 $0xFF, v24  }
0x33: {  	v27 =	vsel vm1, $0x100, v27;
	v12 =	vsel vm7, $0x2380, v23;
	v23 =	vsel vm0, $0x1C0, v49  }
0x34: {  	v26 =	vand.u32 $0xFF, v26;
	v27 =	vsel vm2, $0x120, v27;
	v12 =	vsel vm8, $0x3000, v12  }
0x35: {  	v23 =	vsel vm1, $0x1E0, v23;
	v27 =	vsel vm3, $0x140, v27;
	v14 =	vsel vm9, $0x3080, v12  }
0x36: {  	v12 =	vand.u32 $0xF, v13;
	v13 =	vcombine.low v15, v16;
	v15 =	vcombine.low v17, v18  }
0x37: {  	v16 =	vcombine.low v21, v22;
	v17 =	vcombine.low v19, v20;
	v19 =	vimm.s32 $0x60402000  }
0x38: {  	v21 =	vsel vm0, $0x1E0, v47;
	v22 =	vunpack.c.0.s8.s32 v48;
	v27 =	vsel vm4, $0x160, v27  }
0x39: {  	v14 =	vsel vm10, $0x3100, v14;
	v19 =	vunpack.c.0.s8.s32 v19;
	v27 =	vsel vm5, $0x180, v27  }
0x3a: {  	v14 =	vsel vm11, $0x3180, v14;
	v22 =	vand.u32 $0xFF, v22;
	v27 =	vsel vm6, $0x1A0, v27  }
0x3b: {  	v18 =	vsel vm12, $0x3200, v14;
	v14 =	vand.u32 $0xF, v15;
	[tilespmem:$0x1FD60] =	vst v19;
	v19 =	vunpack.c.0.s8.s32 v46  }
0x3c: {  	v15 =	vand.u32 $0xF, v16;
	v16 =	vand.u32 $0xF, v17;
	v18 =	vsel vm13, $0x3280, v18  }
0x3d: {  	v17 =	vsel vm14, $0x3300, v18;
	v18 =	vimm.s32 $0xE0C0A080;
	v19 =	vand.u32 $0xFF, v19  }
0x3e: {  	v20 =	vunpack.c.0.s8.s32 v18;
	v21 =	vsel vm15, v19, v21;
	vm15 =	vcmask $0x1708  }
0x3f: {  	v27 =	vsel vm7, $0x1C0, v27;
	v23 =	vsel vm15, v24, v23;
	vm15 =	vcmask $0x2314  }
0x40: {  	v27 =	vsel vm8, $0x1E0, v27;
	v20 =	vand.u32 $0xFF, v20;
	v21 =	vsel vm15, v22, v21  }
0x41: {  	v25 =	vsel vm15, v19, v25;
	vm15 =	vcmask $0x2718;
	[tilespmem:$0x1FD70] =	vst v20;
	v20 =	vimm.s32 $0xC0A08060  }
0x42: {  	v23 =	vsel vm15, v26, v23;
	v28 =	vsel vm15, v24, v28;
	vm15 =	vcmask $0x3324  }
0x43: {  	v21 =	vsel vm9, $0x100, v21;
	v20 =	vunpack.c.0.s8.s32 v20;
	v22 =	vsel vm15, v22, v25  }
0x44: {  	v19 =	vsel vm15, v19, v27;
	vm15 =	vcmask $0x3728;
	v25 =	vsel vm8, $0x1C0, v54  }
0x45: {  	v27 =	vunpack.c.0.s8.s32 v55;
	v21 =	vsel vm10, $0x120, v21;
	v23 =	vsel vm10, $0x100, v23  }
0x46: {  	v25 =	vsel vm9, $0x1E0, v25;
	v26 =	vsel vm15, v26, v28;
	v20 =	vand.u32 $0xFF, v20  }
0x47: {  	v28 =	vunpack.c.0.s8.s32 v60;
	v21 =	vsel vm11, $0x140, v21;
	v20 =	vsel vm4, $0xE0, v20  }
0x48: {  	v23 =	vsel vm11, $0x120, v23;
	v24 =	vsel vm15, v24, v25;
	v20 =	vsel vm5, $0x100, v20  }
0x49: {  	v57 =	vand.u32 $0xFF, v27;
	vm15 =	vcmask $0xF00;
	v20 =	vsel vm6, $0x120, v20  }
0x4a: {  	v21 =	vsel vm12, $0x160, v21;
	v25 =	vnsel vm15, $0x20, v58;
	v20 =	vsel vm7, $0x140, v20  }
0x4b: {  	v27 =	vnsel vm15, $0x0, v59;
	vm15 =	vcmask $0x1B10;
	[tilespmem:$0x1FDA0] =	vst v20;
	v20 =	vsel vm12, $0x140, v23  }
0x4c: {  	v21 =	vsel vm13, $0x180, v21;
	v62 =	vsel vm4, $0xC0, v25;
	v20 =	vsel vm13, $0x160, v20  }
0x4d: {  	v23 =	vsel vm5, $0xE0, v62;
	v50 =	vsel vm14, $0x180, v20;
	v20 =	vunpack.c.0.s8.s32 v63  }
0x4e: {  	v27 =	vsel vm15, v57, v27;
	v31 =	vsel vm14, $0x1A0, v21;
	v23 =	vsel vm6, $0x100, v23  }
0x4f: {  	[tilespmem:$0x1FD90] =	vst v28;
	v21 =	vunpack.c.0.s8.s32 v61;
	v25 =	vsel vm7, $0x120, v23;
	v20 =	vand.u32 $0xFF, v20  }
0x50: {  	v34 =	vimm.s32 $0x785;
	v28 =	vsel vm7, $0x100, v27;
	[tilespmem:$0x1FDC0] =	vst v20;
	v20 =	vsel vm8, $0x140, v25  }
0x51: {  	v21 =	vand.u32 $0xFF, v21;
	v29 =	vsel vm8, $0x120, v28;
	v20 =	vsel vm9, $0x160, v20  }
0x52: {  	v53 =	vimm.s32 $0x788;
	[tilespmem:$0x1FDB0] =	vst v21;
	v21 =	vsel vm9, $0x140, v29;
	v20 =	vsel vm10, $0x180, v20  }
0x53: {  	v54 =	vimm.s32 $0x78B;
	v21 =	vsel vm10, $0x160, v21;
	v20 =	vsel vm11, $0x1A0, v20  }
0x54: {  	v19 =	vsel vm13, $0x80, v19;
	v21 =	vsel vm11, $0x180, v21;
	v20 =	vsel vm12, $0x1C0, v20  }
0x55: {  	v36 =	vsel vm14, $0xA0, v19;
	v21 =	vsel vm12, $0x1A0, v21;
	v19 =	vsel vm13, $0x1E0, v20  }
0x56: {  	v20 =	vsel vm13, $0x1C0, v21;
	v21 =	vsel vm0, $0x3, v33;
	v27 =	vsel vm14, $0x0, v19  }
0x57: {  	v30 =	vsel vm14, $0x1E0, v20;
	v19 =	vimm.s32 $0x780;
	v20 =	vimm.s32 $0x781  }
0x58: {  	v21 =	vsel vm1, $0x84, v21;
	v19 =	vsel vm0, $0x1, v19;
	v20 =	vsel vm0, $0x2, v20  }
0x59: {  	v21 =	vsel vm2, $0x105, v21;
	v19 =	vsel vm1, $0x82, v19;
	v20 =	vsel vm1, $0x83, v20  }
0x5a: {  	v21 =	vsel vm3, $0x186, v21;
	v19 =	vsel vm2, $0x103, v19;
	v20 =	vsel vm2, $0x104, v20  }
0x5b: {  	v21 =	vsel vm4, $0x207, v21;
	v19 =	vsel vm3, $0x184, v19;
	v20 =	vsel vm3, $0x185, v20  }
0x5c: {  	v21 =	vsel vm5, $0x288, v21;
	v19 =	vsel vm4, $0x205, v19;
	v20 =	vsel vm4, $0x206, v20  }
0x5d: {  	v21 =	vsel vm6, $0x309, v21;
	v19 =	vsel vm5, $0x286, v19;
	v20 =	vsel vm5, $0x287, v20  }
0x5e: {  	v21 =	vsel vm7, $0x38A, v21;
	v19 =	vsel vm6, $0x307, v19;
	v20 =	vsel vm6, $0x308, v20  }
0x5f: {  	v21 =	vsel vm8, $0x40B, v21;
	v19 =	vsel vm7, $0x388, v19;
	v20 =	vsel vm7, $0x389, v20  }
0x60: {  	v21 =	vsel vm9, $0x48C, v21;
	v19 =	vsel vm8, $0x409, v19;
	v20 =	vsel vm8, $0x40A, v20  }
0x61: {  	v21 =	vsel vm10, $0x50D, v21;
	v19 =	vsel vm9, $0x48A, v19;
	v20 =	vsel vm9, $0x48B, v20  }
0x62: {  	v21 =	vsel vm11, $0x58E, v21;
	v19 =	vsel vm10, $0x50B, v19;
	v20 =	vsel vm10, $0x50C, v20  }
0x63: {  	v21 =	vsel vm12, $0x60F, v21;
	v19 =	vsel vm11, $0x58C, v19;
	v20 =	vsel vm11, $0x58D, v20  }
0x64: {  	v21 =	vsel vm13, $0x680, v21;
	v19 =	vsel vm12, $0x60D, v19;
	v20 =	vsel vm12, $0x60E, v20  }
0x65: {  	v47 =	vsel vm14, $0x701, v21;
	v21 =	vsel vm0, $0x6, v34;
	v19 =	vsel vm13, $0x68E, v19  }
0x66: {  	v20 =	vsel vm13, $0x68F, v20;
	v21 =	vsel vm1, $0x87, v21;
	v33 =	vsel vm14, $0x70F, v19  }
0x67: {  	v38 =	vsel vm14, $0x700, v20;
	v19 =	vimm.s32 $0x783;
	v20 =	vimm.s32 $0x784  }
0x68: {  	v21 =	vsel vm2, $0x108, v21;
	v19 =	vsel vm0, $0x4, v19;
	v20 =	vsel vm0, $0x5, v20  }
0x69: {  	v21 =	vsel vm3, $0x189, v21;
	v19 =	vsel vm1, $0x85, v19;
	v20 =	vsel vm1, $0x86, v20  }
0x6a: {  	v21 =	vsel vm4, $0x20A, v21;
	v19 =	vsel vm2, $0x106, v19;
	v20 =	vsel vm2, $0x107, v20  }
0x6b: {  	v21 =	vsel vm5, $0x28B, v21;
	v19 =	vsel vm3, $0x187, v19;
	v20 =	vsel vm3, $0x188, v20  }
0x6c: {  	v21 =	vsel vm6, $0x30C, v21;
	v19 =	vsel vm4, $0x208, v19;
	v20 =	vsel vm4, $0x209, v20  }
0x6d: {  	v21 =	vsel vm7, $0x38D, v21;
	v19 =	vsel vm5, $0x289, v19;
	v20 =	vsel vm5, $0x28A, v20  }
0x6e: {  	v21 =	vsel vm8, $0x40E, v21;
	v19 =	vsel vm6, $0x30A, v19;
	v20 =	vsel vm6, $0x30B, v20  }
0x6f: {  	v21 =	vsel vm9, $0x48F, v21;
	v19 =	vsel vm7, $0x38B, v19;
	v20 =	vsel vm7, $0x38C, v20  }
0x70: {  	v21 =	vsel vm10, $0x500, v21;
	v19 =	vsel vm8, $0x40C, v19;
	v20 =	vsel vm8, $0x40D, v20  }
0x71: {  	v21 =	vsel vm11, $0x581, v21;
	v19 =	vsel vm9, $0x48D, v19;
	v20 =	vsel vm9, $0x48E, v20  }
0x72: {  	v21 =	vsel vm12, $0x602, v21;
	v19 =	vsel vm10, $0x50E, v19;
	v20 =	vsel vm10, $0x50F, v20  }
0x73: {  	v21 =	vsel vm13, $0x683, v21;
	v19 =	vsel vm11, $0x58F, v19;
	v20 =	vsel vm11, $0x580, v20  }
0x74: {  	v46 =	vsel vm14, $0x704, v21;
	v21 =	vsel vm0, $0x9, v53;
	v19 =	vsel vm12, $0x600, v19  }
0x75: {  	v20 =	vsel vm12, $0x601, v20;
	v21 =	vsel vm1, $0x8A, v21;
	v19 =	vsel vm13, $0x681, v19  }
0x76: {  	v20 =	vsel vm13, $0x682, v20;
	v37 =	vsel vm14, $0x702, v19;
	v19 =	vimm.s32 $0x786  }
0x77: {  	v21 =	vsel vm2, $0x10B, v21;
	v41 =	vsel vm14, $0x703, v20;
	v19 =	vsel vm0, $0x7, v19  }
0x78: {  	v20 =	vimm.s32 $0x787;
	v21 =	vsel vm3, $0x18C, v21;
	v19 =	vsel vm1, $0x88, v19  }
0x79: {  	v20 =	vsel vm0, $0x8, v20;
	v21 =	vsel vm4, $0x20D, v21;
	v19 =	vsel vm2, $0x109, v19  }
0x7a: {  	v20 =	vsel vm1, $0x89, v20;
	v21 =	vsel vm5, $0x28E, v21;
	v19 =	vsel vm3, $0x18A, v19  }
0x7b: {  	v20 =	vsel vm2, $0x10A, v20;
	v21 =	vsel vm6, $0x30F, v21;
	v19 =	vsel vm4, $0x20B, v19  }
0x7c: {  	v20 =	vsel vm3, $0x18B, v20;
	v21 =	vsel vm7, $0x380, v21;
	v19 =	vsel vm5, $0x28C, v19  }
0x7d: {  	v20 =	vsel vm4, $0x20C, v20;
	v21 =	vsel vm8, $0x401, v21;
	v19 =	vsel vm6, $0x30D, v19  }
0x7e: {  	v20 =	vsel vm5, $0x28D, v20;
	v21 =	vsel vm9, $0x482, v21;
	v19 =	vsel vm7, $0x38E, v19  }
0x7f: {  	v20 =	vsel vm6, $0x30E, v20;
	v21 =	vsel vm10, $0x503, v21;
	v19 =	vsel vm8, $0x40F, v19  }
0x80: {  	v20 =	vsel vm7, $0x38F, v20;
	v21 =	vsel vm11, $0x584, v21;
	v19 =	vsel vm9, $0x480, v19  }
0x81: {  	v20 =	vsel vm8, $0x400, v20;
	v21 =	vsel vm12, $0x605, v21;
	v19 =	vsel vm10, $0x501, v19  }
0x82: {  	v20 =	vsel vm9, $0x481, v20;
	v21 =	vsel vm13, $0x686, v21;
	v19 =	vsel vm11, $0x582, v19  }
0x83: {  	v20 =	vsel vm10, $0x502, v20;
	v52 =	vsel vm14, $0x707, v21;
	v19 =	vsel vm12, $0x603, v19  }
0x84: {  	v21 =	vsel vm0, $0xC, v54;
	v20 =	vsel vm11, $0x583, v20;
	v19 =	vsel vm13, $0x684, v19  }
0x85: {  	v20 =	vsel vm12, $0x604, v20;
	v49 =	vsel vm14, $0x705, v19;
	v19 =	vimm.s32 $0x789  }
0x86: {  	v21 =	vsel vm1, $0x8D, v21;
	v20 =	vsel vm13, $0x685, v20;
	v19 =	vsel vm0, $0xA, v19  }
0x87: {  	v51 =	vsel vm14, $0x706, v20;
	v20 =	vimm.s32 $0x78A;
	v19 =	vsel vm1, $0x8B, v19  }
0x88: {  	v21 =	vsel vm2, $0x10E, v21;
	v20 =	vsel vm0, $0xB, v20;
	v19 =	vsel vm2, $0x10C, v19  }
0x89: {  	v21 =	vsel vm3, $0x18F, v21;
	v20 =	vsel vm1, $0x8C, v20;
	v19 =	vsel vm3, $0x18D, v19  }
0x8a: {  	v21 =	vsel vm4, $0x200, v21;
	v20 =	vsel vm2, $0x10D, v20;
	v19 =	vsel vm4, $0x20E, v19  }
0x8b: {  	v21 =	vsel vm5, $0x281, v21;
	v20 =	vsel vm3, $0x18E, v20;
	v19 =	vsel vm5, $0x28F, v19  }
0x8c: {  	v21 =	vsel vm6, $0x302, v21;
	v20 =	vsel vm4, $0x20F, v20;
	v19 =	vsel vm6, $0x300, v19  }
0x8d: {  	v21 =	vsel vm7, $0x383, v21;
	v20 =	vsel vm5, $0x280, v20;
	v19 =	vsel vm7, $0x381, v19  }
0x8e: {  	v21 =	vsel vm8, $0x404, v21;
	v20 =	vsel vm6, $0x301, v20;
	v19 =	vsel vm8, $0x402, v19  }
0x8f: {  	v21 =	vsel vm9, $0x485, v21;
	v20 =	vsel vm7, $0x382, v20;
	v19 =	vsel vm9, $0x483, v19  }
0x90: {  	v21 =	vsel vm10, $0x506, v21;
	v20 =	vsel vm8, $0x403, v20;
	v19 =	vsel vm10, $0x504, v19  }
0x91: {  	v21 =	vsel vm11, $0x587, v21;
	v20 =	vsel vm9, $0x484, v20;
	v19 =	vsel vm11, $0x585, v19  }
0x92: {  	v21 =	vsel vm12, $0x608, v21;
	v20 =	vsel vm10, $0x505, v20;
	v19 =	vsel vm12, $0x606, v19  }
0x93: {  	v21 =	vsel vm13, $0x689, v21;
	v20 =	vsel vm11, $0x586, v20;
	v19 =	vsel vm13, $0x687, v19  }
0x94: {  	v20 =	vsel vm12, $0x607, v20;
	v60 =	vsel vm14, $0x708, v19;
	v19 =	vsel vm14, $0x70A, v21  }
0x95: {  	v20 =	vsel vm13, $0x688, v20;
	[tilespmem:$0x1FDD0] =	vst v19;
	v19 =	vimm.s32 $0x78C  }
0x96: {  	v62 =	vsel vm14, $0x709, v20;
	v20 =	vimm.s32 $0x78D;
	v19 =	vsel vm0, $0xD, v19  }
0x97: {  	v55 =	vimm.s32 $0x78E;
	v20 =	vsel vm0, $0xE, v20;
	v19 =	vsel vm1, $0x8E, v19  }
0x98: {  	v21 =	vsel vm0, $0xF, v55;
	v20 =	vsel vm1, $0x8F, v20;
	v19 =	vsel vm2, $0x10F, v19  }
0x99: {  	v21 =	vsel vm1, $0x80, v21;
	v20 =	vsel vm2, $0x100, v20;
	v19 =	vsel vm3, $0x180, v19  }
0x9a: {  	v21 =	vsel vm2, $0x101, v21;
	v20 =	vsel vm3, $0x181, v20;
	v19 =	vsel vm4, $0x201, v19  }
0x9b: {  	v21 =	vsel vm3, $0x182, v21;
	v20 =	vsel vm4, $0x202, v20;
	v19 =	vsel vm5, $0x282, v19  }
0x9c: {  	v21 =	vsel vm4, $0x203, v21;
	v20 =	vsel vm5, $0x283, v20;
	v19 =	vsel vm6, $0x303, v19  }
0x9d: {  	v21 =	vsel vm5, $0x284, v21;
	v20 =	vsel vm6, $0x304, v20;
	v19 =	vsel vm7, $0x384, v19  }
0x9e: {  	v21 =	vsel vm6, $0x305, v21;
	v20 =	vsel vm7, $0x385, v20;
	v19 =	vsel vm8, $0x405, v19  }
0x9f: {  	v21 =	vsel vm7, $0x386, v21;
	v20 =	vsel vm8, $0x406, v20;
	v19 =	vsel vm9, $0x486, v19  }
0xa0: {  	v21 =	vsel vm8, $0x407, v21;
	v20 =	vsel vm9, $0x487, v20;
	v19 =	vsel vm10, $0x507, v19  }
0xa1: {  	v21 =	vsel vm9, $0x488, v21;
	v20 =	vsel vm10, $0x508, v20;
	v19 =	vsel vm11, $0x588, v19  }
0xa2: {  	v21 =	vsel vm10, $0x509, v21;
	v20 =	vsel vm11, $0x589, v20;
	v19 =	vsel vm12, $0x609, v19  }
0xa3: {  	v21 =	vsel vm11, $0x58A, v21;
	v20 =	vsel vm12, $0x60A, v20;
	v19 =	vsel vm13, $0x68A, v19  }
0xa4: {  	v21 =	vsel vm12, $0x60B, v21;
	v20 =	vsel vm13, $0x68B, v20;
	v19 =	vsel vm14, $0x70B, v19  }
0xa5: {  	v21 =	vsel vm13, $0x68C, v21;
	[tilespmem:$0x1FDE0] =	vst v19;
	v19 =	vsel vm14, $0x70C, v20  }
0xa6: {  	[tilespmem:$0x1FDF0] =	vst v19;
	v19 =	vsel vm14, $0x70D, v21  }
0xa7: {  	[tilespmem:$0x1FE00] =	vst v19;
	v19 =	vimm.s32 $0xF80  }
0xa8: {  	v20 =	vimm.s32 $0xF81;
	v19 =	vsel vm0, $0x801, v19  }
0xa9: {  	[tilespmem:$0x1FD80] =	vst v57;
	v57 =	vimm.s32 $0xF82;
	v20 =	vsel vm0, $0x802, v20;
	v19 =	vsel vm1, $0x882, v19  }
0xaa: {  	v21 =	vsel vm0, $0x803, v57;
	v20 =	vsel vm1, $0x883, v20;
	v19 =	vsel vm2, $0x903, v19  }
0xab: {  	v21 =	vsel vm1, $0x884, v21;
	v20 =	vsel vm2, $0x904, v20;
	v19 =	vsel vm3, $0x984, v19  }
0xac: {  	v21 =	vsel vm2, $0x905, v21;
	v20 =	vsel vm3, $0x985, v20;
	v19 =	vsel vm4, $0xA05, v19  }
0xad: {  	v21 =	vsel vm3, $0x986, v21;
	v20 =	vsel vm4, $0xA06, v20;
	v19 =	vsel vm5, $0xA86, v19  }
0xae: {  	v21 =	vsel vm4, $0xA07, v21;
	v20 =	vsel vm5, $0xA87, v20;
	v19 =	vsel vm6, $0xB07, v19  }
0xaf: {  	v21 =	vsel vm5, $0xA88, v21;
	v20 =	vsel vm6, $0xB08, v20;
	v19 =	vsel vm7, $0xB88, v19  }
0xb0: {  	v21 =	vsel vm6, $0xB09, v21;
	v20 =	vsel vm7, $0xB89, v20;
	v19 =	vsel vm8, $0xC09, v19  }
0xb1: {  	v21 =	vsel vm7, $0xB8A, v21;
	v20 =	vsel vm8, $0xC0A, v20;
	v19 =	vsel vm9, $0xC8A, v19  }
0xb2: {  	v21 =	vsel vm8, $0xC0B, v21;
	v20 =	vsel vm9, $0xC8B, v20;
	v19 =	vsel vm10, $0xD0B, v19  }
0xb3: {  	v21 =	vsel vm9, $0xC8C, v21;
	v20 =	vsel vm10, $0xD0C, v20;
	v19 =	vsel vm11, $0xD8C, v19  }
0xb4: {  	v21 =	vsel vm10, $0xD0D, v21;
	v20 =	vsel vm11, $0xD8D, v20;
	v19 =	vsel vm12, $0xE0D, v19  }
0xb5: {  	v21 =	vsel vm11, $0xD8E, v21;
	v20 =	vsel vm12, $0xE0E, v20;
	v19 =	vsel vm13, $0xE8E, v19  }
0xb6: {  	v21 =	vsel vm12, $0xE0F, v21;
	v20 =	vsel vm13, $0xE8F, v20;
	v19 =	vsel vm14, $0xF0F, v19  }
0xb7: {  	v21 =	vsel vm13, $0xE80, v21;
	[tilespmem:$0x1FE10] =	vst v19;
	v19 =	vsel vm14, $0xF00, v20  }
0xb8: {  	[tilespmem:$0x1FE20] =	vst v19;
	v19 =	vsel vm14, $0xF01, v21  }
0xb9: {  	[tilespmem:$0x1FE30] =	vst v19;
	v19 =	vimm.s32 $0xF83  }
0xba: {  	v20 =	vimm.s32 $0xF84;
	v19 =	vsel vm0, $0x804, v19  }
0xbb: {  	v58 =	vimm.s32 $0xF85;
	v20 =	vsel vm0, $0x805, v20;
	v19 =	vsel vm1, $0x885, v19  }
0xbc: {  	v21 =	vsel vm0, $0x806, v58;
	v20 =	vsel vm1, $0x886, v20;
	v19 =	vsel vm2, $0x906, v19  }
0xbd: {  	v21 =	vsel vm1, $0x887, v21;
	v20 =	vsel vm2, $0x907, v20;
	v19 =	vsel vm3, $0x987, v19  }
0xbe: {  	v21 =	vsel vm2, $0x908, v21;
	v20 =	vsel vm3, $0x988, v20;
	v19 =	vsel vm4, $0xA08, v19  }
0xbf: {  	v21 =	vsel vm3, $0x989, v21;
	v20 =	vsel vm4, $0xA09, v20;
	v19 =	vsel vm5, $0xA89, v19  }
0xc0: {  	v21 =	vsel vm4, $0xA0A, v21;
	v20 =	vsel vm5, $0xA8A, v20;
	v19 =	vsel vm6, $0xB0A, v19  }
0xc1: {  	v21 =	vsel vm5, $0xA8B, v21;
	v20 =	vsel vm6, $0xB0B, v20;
	v19 =	vsel vm7, $0xB8B, v19  }
0xc2: {  	v21 =	vsel vm6, $0xB0C, v21;
	v20 =	vsel vm7, $0xB8C, v20;
	v19 =	vsel vm8, $0xC0C, v19  }
0xc3: {  	v21 =	vsel vm7, $0xB8D, v21;
	v20 =	vsel vm8, $0xC0D, v20;
	v19 =	vsel vm9, $0xC8D, v19  }
0xc4: {  	v21 =	vsel vm8, $0xC0E, v21;
	v20 =	vsel vm9, $0xC8E, v20;
	v19 =	vsel vm10, $0xD0E, v19  }
0xc5: {  	v21 =	vsel vm9, $0xC8F, v21;
	v20 =	vsel vm10, $0xD0F, v20;
	v19 =	vsel vm11, $0xD8F, v19  }
0xc6: {  	v21 =	vsel vm10, $0xD00, v21;
	v20 =	vsel vm11, $0xD80, v20;
	v19 =	vsel vm12, $0xE00, v19  }
0xc7: {  	v21 =	vsel vm11, $0xD81, v21;
	v20 =	vsel vm12, $0xE01, v20;
	v19 =	vsel vm13, $0xE81, v19  }
0xc8: {  	v21 =	vsel vm12, $0xE02, v21;
	v20 =	vsel vm13, $0xE82, v20;
	v19 =	vsel vm14, $0xF02, v19  }
0xc9: {  	v21 =	vsel vm13, $0xE83, v21;
	[tilespmem:$0x1FE40] =	vst v19;
	v19 =	vsel vm14, $0xF03, v20  }
0xca: {  	[tilespmem:$0x1FE50] =	vst v19;
	v19 =	vsel vm14, $0xF04, v21  }
0xcb: {  	v59 =	vimm.s32 $0xF88;
	[tilespmem:$0x1FE60] =	vst v19;
	v19 =	vimm.s32 $0xF86  }
0xcc: {  	v20 =	vimm.s32 $0xF87;
	v21 =	vsel vm0, $0x809, v59;
	v19 =	vsel vm0, $0x807, v19  }
0xcd: {  	v20 =	vsel vm0, $0x808, v20;
	v21 =	vsel vm1, $0x88A, v21;
	v19 =	vsel vm1, $0x888, v19  }
0xce: {  	v20 =	vsel vm1, $0x889, v20;
	v21 =	vsel vm2, $0x90B, v21;
	v19 =	vsel vm2, $0x909, v19  }
0xcf: {  	v20 =	vsel vm2, $0x90A, v20;
	v21 =	vsel vm3, $0x98C, v21;
	v19 =	vsel vm3, $0x98A, v19  }
0xd0: {  	v20 =	vsel vm3, $0x98B, v20;
	v21 =	vsel vm4, $0xA0D, v21;
	v19 =	vsel vm4, $0xA0B, v19  }
0xd1: {  	v20 =	vsel vm4, $0xA0C, v20;
	v21 =	vsel vm5, $0xA8E, v21;
	v19 =	vsel vm5, $0xA8C, v19  }
0xd2: {  	v20 =	vsel vm5, $0xA8D, v20;
	v21 =	vsel vm6, $0xB0F, v21;
	v19 =	vsel vm6, $0xB0D, v19  }
0xd3: {  	v20 =	vsel vm6, $0xB0E, v20;
	v21 =	vsel vm7, $0xB80, v21;
	v19 =	vsel vm7, $0xB8E, v19  }
0xd4: {  	v20 =	vsel vm7, $0xB8F, v20;
	v21 =	vsel vm8, $0xC01, v21;
	v19 =	vsel vm8, $0xC0F, v19  }
0xd5: {  	v20 =	vsel vm8, $0xC00, v20;
	v21 =	vsel vm9, $0xC82, v21;
	v19 =	vsel vm9, $0xC80, v19  }
0xd6: {  	v20 =	vsel vm9, $0xC81, v20;
	v21 =	vsel vm10, $0xD03, v21;
	v19 =	vsel vm10, $0xD01, v19  }
0xd7: {  	v20 =	vsel vm10, $0xD02, v20;
	v21 =	vsel vm11, $0xD84, v21;
	v19 =	vsel vm11, $0xD82, v19  }
0xd8: {  	v20 =	vsel vm11, $0xD83, v20;
	v21 =	vsel vm12, $0xE05, v21;
	v19 =	vsel vm12, $0xE03, v19  }
0xd9: {  	v20 =	vsel vm12, $0xE04, v20;
	v21 =	vsel vm13, $0xE86, v21;
	v19 =	vsel vm13, $0xE84, v19  }
0xda: {  	v20 =	vsel vm13, $0xE85, v20;
	v59 =	vsel vm14, $0xF05, v19;
	v19 =	vsel vm14, $0xF07, v21  }
0xdb: {  	v55 =	vsel vm14, $0xF06, v20;
	v20 =	vimm.s32 $0xF8A;
	[tilespmem:$0x1FE70] =	vst v19;
	v19 =	vimm.s32 $0xF89  }
0xdc: {  	v61 =	vimm.s32 $0xF8B;
	v20 =	vsel vm0, $0x80B, v20;
	v19 =	vsel vm0, $0x80A, v19  }
0xdd: {  	v21 =	vsel vm0, $0x80C, v61;
	v20 =	vsel vm1, $0x88C, v20;
	v19 =	vsel vm1, $0x88B, v19  }
0xde: {  	v21 =	vsel vm1, $0x88D, v21;
	v20 =	vsel vm2, $0x90D, v20;
	v19 =	vsel vm2, $0x90C, v19  }
0xdf: {  	v21 =	vsel vm2, $0x90E, v21;
	v20 =	vsel vm3, $0x98E, v20;
	v19 =	vsel vm3, $0x98D, v19  }
0xe0: {  	v21 =	vsel vm3, $0x98F, v21;
	v20 =	vsel vm4, $0xA0F, v20;
	v19 =	vsel vm4, $0xA0E, v19  }
0xe1: {  	v21 =	vsel vm4, $0xA00, v21;
	v20 =	vsel vm5, $0xA80, v20;
	v19 =	vsel vm5, $0xA8F, v19  }
0xe2: {  	v21 =	vsel vm5, $0xA81, v21;
	v20 =	vsel vm6, $0xB01, v20;
	v19 =	vsel vm6, $0xB00, v19  }
0xe3: {  	v21 =	vsel vm6, $0xB02, v21;
	v20 =	vsel vm7, $0xB82, v20;
	v19 =	vsel vm7, $0xB81, v19  }
0xe4: {  	v21 =	vsel vm7, $0xB83, v21;
	v20 =	vsel vm8, $0xC03, v20;
	v19 =	vsel vm8, $0xC02, v19  }
0xe5: {  	v21 =	vsel vm8, $0xC04, v21;
	v20 =	vsel vm9, $0xC84, v20;
	v19 =	vsel vm9, $0xC83, v19  }
0xe6: {  	v21 =	vsel vm9, $0xC85, v21;
	v20 =	vsel vm10, $0xD05, v20;
	v19 =	vsel vm10, $0xD04, v19  }
0xe7: {  	v21 =	vsel vm10, $0xD06, v21;
	v20 =	vsel vm11, $0xD86, v20;
	v19 =	vsel vm11, $0xD85, v19  }
0xe8: {  	v21 =	vsel vm11, $0xD87, v21;
	v20 =	vsel vm12, $0xE07, v20;
	v19 =	vsel vm12, $0xE06, v19  }
0xe9: {  	v21 =	vsel vm12, $0xE08, v21;
	v20 =	vsel vm13, $0xE88, v20;
	v19 =	vsel vm13, $0xE87, v19  }
0xea: {  	v21 =	vsel vm13, $0xE89, v21;
	v58 =	vsel vm14, $0xF08, v19;
	v19 =	vsel vm14, $0xF09, v20  }
0xeb: {  	s0 =	rddreg [dreg:$0x0];
	s3 =	simm.s32 $0x0;
	[tilespmem:$0x1FE80] =	vst v19;
	v19 =	vsel vm14, $0xF0A, v21  }
0xec: {  	[smem:$0x7FF] =	sst s3;
	[tilespmem:$0x1FE90] =	vst v19  }
0xed: {  	s9 =	rddreg [dreg:$0x1];
	v22 =	vsel vm13, $0x100, v22;
	_ =	strace $0x80000047;
	[tilespmem:$0x1FED0] =	vst v31  }
0xee: {  	v56 =	vsel vm14, $0x120, v22;
	[tilespmem:$0x1FEE0] =	vst v50  }
0xef: {  	v48 =	vsel vm14, $0x100, v26;
	[tilespmem:$0x1FEF0] =	vst v56  }
0xf0: {  	v0 =	vlaneseq.u32;
	v10 =	vcombine.low v9, v10;
	v19 =	vimm.s32 $0xF8C;
	[tilespmem:$0x1FF00] =	vst v48  }
0xf1: {  	v35 =	vsel vm14, $0x80, v24;
	v20 =	vimm.s32 $0xF8D;
	v19 =	vsel vm0, $0x80D, v19;
	[tilespmem:$0x1FF10] =	vst v36  }
0xf2: {  	v63 =	vimm.s32 $0xF8E;
	v20 =	vsel vm0, $0x80E, v20;
	[tilespmem:$0x1FF20] =	vst v35;
	v19 =	vsel vm1, $0x88E, v19  }
0xf3: {  	v21 =	vsel vm0, $0x80F, v63;
	v20 =	vsel vm1, $0x88F, v20;
	[tilespmem:$0x1FF30] =	vst v27;
	v19 =	vsel vm2, $0x90F, v19  }
0xf4: {  	v21 =	vsel vm1, $0x880, v21;
	v20 =	vsel vm2, $0x900, v20;
	[tilespmem:$0x1FF40] =	vst v30;
	v19 =	vsel vm3, $0x980, v19  }
0xf5: {  	v21 =	vsel vm2, $0x901, v21;
	[tilespmem:$0x1FF50] =	vst v33;
	v20 =	vsel vm3, $0x981, v20;
	v19 =	vsel vm4, $0xA01, v19  }
0xf6: {  	[tilespmem:$0x1FF60] =	vst v38;
	v21 =	vsel vm3, $0x982, v21;
	v20 =	vsel vm4, $0xA02, v20;
	v19 =	vsel vm5, $0xA82, v19  }
0xf7: {  	[tilespmem:$0x1FF70] =	vst v47;
	v21 =	vsel vm4, $0xA03, v21;
	v20 =	vsel vm5, $0xA83, v20;
	v19 =	vsel vm6, $0xB03, v19  }
0xf8: {  	[tilespmem:$0x1FF80] =	vst v37;
	v21 =	vsel vm5, $0xA84, v21;
	v20 =	vsel vm6, $0xB04, v20;
	v19 =	vsel vm7, $0xB84, v19  }
0xf9: {  	s4 =	srdreg.scid;
	s1 =	stileid.u32;
	s12 =	simm.s32 $0x7A1400;
	[tilespmem:$0x1FF90] =	vst v41;
	v21 =	vsel vm6, $0xB05, v21;
	v20 =	vsel vm7, $0xB85, v20;
	v19 =	vsel vm8, $0xC05, v19  }
0xfa: {  	s11 =	simm.s32 $0x1000;
	s13 =	simm.s32 $0x1;
	s14 =	simm.s32 $0x8000;
	[tilespmem:$0x1FFA0] =	vst v46;
	v21 =	vsel vm7, $0xB86, v21;
	v20 =	vsel vm8, $0xC06, v20;
	v19 =	vsel vm9, $0xC86, v19  }
0xfb: {  	s15 =	simm.s32 $0x2;
	s16 =	simm.s32 $0x4000;
	s17 =	simm.s32 $0xC000;
	[tilespmem:$0x1FFB0] =	vst v49;
	v21 =	vsel vm8, $0xC07, v21;
	v20 =	vsel vm9, $0xC87, v20;
	v19 =	vsel vm10, $0xD07, v19  }
0xfc: {  	s18 =	simm.s32 $0x3;
	s21 =	simm.s32 $0x10000;
	s4 =	sand.u32 $0x1, s4;
	[tilespmem:$0x1FFC0] =	vst v51;
	v21 =	vsel vm9, $0xC88, v21;
	v20 =	vsel vm10, $0xD08, v20;
	v19 =	vsel vm11, $0xD88, v19  }
0xfd: {  	s23 =	simm.s32 $0x11000;
	s5 =	sshll.u32 s1, $0x1;
	s6 =	ssub.s32 $0x2, s4;
	[tilespmem:$0x1FFD0] =	vst v52;
	v21 =	vsel vm10, $0xD09, v21;
	v20 =	vsel vm11, $0xD89, v20;
	v19 =	vsel vm12, $0xE09, v19  }
.Ltmp0:
0xfe: {  	s4 =	sor.u32 s4, s5;
	s5 =	sadd.s32 $0xA00, s9;
	[tilespmem:$0x1FFE0] =	vst v60;
	v21 =	vsel vm11, $0xD8A, v21;
	v20 =	vsel vm12, $0xE0A, v20;
	v19 =	vsel vm13, $0xE8A, v19;
	(pc) =	sbr.rel .LBB2_1-.Ltmp0, $4  }
0xff: {  	s19 =	simm.s32 $0x4;
	s22 =	simm.s32 $0x5;
	s9 =	sadd.s32 $0x3D1200, s9;
	[tilespmem:$0x1FFF0] =	vst v62;
	v21 =	vsel vm12, $0xE0B, v21;
	v20 =	vsel vm13, $0xE8B, v20;
	v19 =	vsel vm14, $0xF0B, v19  }
0x100: {  	s24 =	simm.s32 $0x0;
	s7 =	sshrl.u32 s6, $0x1;
	s8 =	sshll.u32 s4, $0x9;
	v10 =	vand.u32 $0xF, v10;
	v21 =	vsel vm13, $0xE8C, v21;
	[tilespmem:$0x1FEA0] =	vst v19;
	v19 =	vsel vm14, $0xF0C, v20  }
0x101: {  	p0 =	sne.s32 s4, $0x1F;
	s10 =	ssub.s32 s6, s7;
	s6 =	sadd.s32 s0, s8;
	v11 =	vand.u32 $0xF, v11;
	v9 =	vcombine.low v45, v44;
	[tilespmem:$0x1FEB0] =	vst v19;
	v19 =	vsel vm14, $0xF0D, v21  }
0x102: {  	s7 =	sor.u32 $0x40, s4;
	s8 =	sadd.s32 $0xF4200, s0;
	s10 =	smax.u32 s10, $0x1;
	v13 =	vand.u32 $0xF, v13;
	v18 =	vor.u32 $0x10, v0;
	vm9 =	vcmask $0x3B2C;
	[tilespmem:$0x1FEC0] =	vst v19  }
.LBB2_13:
0x103: {  	s24 =	sadd.s32 $0x1, s24  }
0x104: {  	p1 =	sne.s32 s24, s10  }
.Ltmp1:
0x105: {  	_ = 	snop;
	(pc) =	sbr.rel @!p1 .LBB2_14-.Ltmp1, $1  }
0x106: {  	_ =	sdelay $0x3  }
.LBB2_1:
.Ltmp2:
0x107: {  	(pc) =	sbr.rel .LBB2_2-.Ltmp2, $3  }
0x108: {  	_ =	sdelay $0x1  }
0x109: {  	[tilespmem:s3], [sflag:$0x1] =	stream.strided.gather [hbm4b:s6+s11], $0x4000, s12, s11, $0x38;
	[tilespmem:$0x11800] =	vst v63  }
0x10a: {  	s25 =	simm.s32 $0x0  }
.LBB2_8:
0x10b: {  	s25 =	sadd.s32 $0x1, s25  }
0x10c: {  	p1 =	sne.s32 s25, $0x1F  }
.Ltmp3:
0x10d: {  	_ = 	snop;
	(pc) =	sbr.rel @!p1 .LBB2_9-.Ltmp3, $1  }
0x10e: {  	_ =	sdelay $0x3  }
.LBB2_2:
0x10f: {  	s28 =	sshll.u32 s25, $0x6  }
0x110: {  	s29 =	sor.u32 s28, s4  }
0x111: {  	s26 =	sor.u32 $0x20, s29  }
0x112: {  	s30 =	simm.s32 $0x0;
	p2 =	sgt.u32 s26, $0x7A0  }
0x113: {  	v19 =	vmov s30;
	s31 =	sshll.u32 @!p2 s26, $0x9;
	s1 =	simm.s32 @!p2 $0x1000  }
0x114: {  	v19 =	vshll.u32 v19, $0x3;
	s2 =	simm.s32 @!p2 $0x7A1400;
	s20 =	simm.s32 @!p2 $0x4000;
	s31 =	sadd.s32 @!p2 s0, s31  }
0x115: {  	v20 =	vor.u32 s30, v0;
	v21 =	vand.u32 $0xC00, v19;
	[tilespmem:s20], [sflag:$0x2] =	stream.strided.gather @!p2 [hbm4b:s31+s1], $0x4000, s2, s1, $0x38;
	[tilespmem:$0x11800] =	vst v63  }
0x116: {  	v22 =	vand.u32 $0x7F, v20;
	v19 =	vor.u32 v1, v21;
	_ =	swait.ge [sflag:s13], $0x4000  }
0x117: {  	p1 =	seq.s32 s25, $0x0;
	v23 =	vor.u32 v22, v19;
	[sflag:s13] =	ssyncset.done $0x0  }
0x118: {  	s1 =	simm.s32 @!p1 $0x3;
	[sflag:s13] =	ssyncadd.s32 $0xFFFFC000  }
0x119: {  	_ =	swait.ge @!p1 [sflag:s1], $0x4000  }
0x11a: {  	[sflag:s1] =	ssyncset.done @!p1 $0x0  }
0x11b: {  	v24 =	vor.u32 s30, v2;
	v20 =	vshll.u32 v20, $0x5;
	[sflag:s1] =	ssyncadd.s32 @!p1 $0xFFFFC000  }
0x11c: {  	v26 =	vand.u32 $0x7F, v24;
	v25 =	vor.u32 v0, v20;
	v23 =	vld.idx.msk [tilespmem:v23+s3+$0x0], $0xffff  }
0x11d: {  	v27 =	vor.u32 v26, v19;
	_ =	sdelay $0x3  }
0x11e: {  	v35 =	vor.u32 s30, v3;
	[tilespmem:v25+s14+$0x0] =	vst.idx.msk $0xffff, v23;
	v23 =	vshll.u32 v24, $0x5  }
0x11f: {  	v28 =	vand.u32 $0x7F, v35;
	v25 =	vld.idx.msk [tilespmem:v27+s3+$0x0], $0xffff;
	v36 =	vor.u32 v0, v23  }
0x120: {  	v29 =	vor.u32 v28, v19;
	_ =	sdelay $0x3  }
0x121: {  	v37 =	vor.u32 s30, v4;
	v24 =	vshll.u32 v35, $0x5;
	[tilespmem:v36+s14+$0x0] =	vst.idx.msk $0xffff, v25  }
0x122: {  	v30 =	vand.u32 $0x7F, v37;
	v38 =	vor.u32 v0, v24;
	v27 =	vld.idx.msk [tilespmem:v29+s3+$0x0], $0xffff  }
0x123: {  	v31 =	vor.u32 v30, v19;
	_ =	sdelay $0x3  }
0x124: {  	v39 =	vor.u32 s30, v5;
	v25 =	vshll.u32 v37, $0x5;
	[tilespmem:v38+s14+$0x0] =	vst.idx.msk $0xffff, v27  }
0x125: {  	v32 =	vand.u32 $0x7F, v39;
	v40 =	vor.u32 v0, v25;
	v29 =	vld.idx.msk [tilespmem:v31+s3+$0x0], $0xffff  }
0x126: {  	v33 =	vor.u32 v32, v19;
	_ =	sdelay $0x3  }
0x127: {  	v41 =	vor.u32 s30, v6;
	v27 =	vshll.u32 v39, $0x5;
	[tilespmem:v40+s14+$0x0] =	vst.idx.msk $0xffff, v29  }
0x128: {  	v34 =	vand.u32 $0x7F, v41;
	v42 =	vor.u32 v0, v27;
	v31 =	vld.idx.msk [tilespmem:v33+s3+$0x0], $0xffff  }
0x129: {  	v35 =	vor.u32 v34, v19;
	_ =	sdelay $0x3  }
0x12a: {  	v43 =	vor.u32 s30, v7;
	v29 =	vshll.u32 v41, $0x5;
	[tilespmem:v42+s14+$0x0] =	vst.idx.msk $0xffff, v31  }
0x12b: {  	v36 =	vand.u32 $0x7F, v43;
	v44 =	vor.u32 v0, v29;
	v33 =	vld.idx.msk [tilespmem:v35+s3+$0x0], $0xffff  }
0x12c: {  	v37 =	vor.u32 v36, v19;
	_ =	sdelay $0x3  }
0x12d: {  	v45 =	vor.u32 s30, v8;
	v31 =	vshll.u32 v43, $0x5;
	[tilespmem:v44+s14+$0x0] =	vst.idx.msk $0xffff, v33  }
0x12e: {  	v38 =	vand.u32 $0x7F, v45;
	v46 =	vor.u32 v0, v31;
	v35 =	vld.idx.msk [tilespmem:v37+s3+$0x0], $0xffff  }
0x12f: {  	v39 =	vor.u32 v38, v19;
	_ =	sdelay $0x3  }
0x130: {  	v47 =	vor.u32 s30, v9;
	v33 =	vshll.u32 v45, $0x5;
	[tilespmem:v46+s14+$0x0] =	vst.idx.msk $0xffff, v35  }
0x131: {  	v40 =	vand.u32 $0x7F, v47;
	v48 =	vor.u32 v0, v33;
	v37 =	vld.idx.msk [tilespmem:v39+s3+$0x0], $0xffff  }
0x132: {  	v41 =	vor.u32 v40, v19;
	_ =	sdelay $0x3  }
0x133: {  	v49 =	vor.u32 s30, v10;
	v35 =	vshll.u32 v47, $0x5;
	[tilespmem:v48+s14+$0x0] =	vst.idx.msk $0xffff, v37  }
0x134: {  	v42 =	vand.u32 $0x7F, v49;
	v50 =	vor.u32 v0, v35;
	v39 =	vld.idx.msk [tilespmem:v41+s3+$0x0], $0xffff  }
0x135: {  	v43 =	vor.u32 v42, v19;
	_ =	sdelay $0x3  }
0x136: {  	v51 =	vor.u32 s30, v11;
	v37 =	vshll.u32 v49, $0x5;
	[tilespmem:v50+s14+$0x0] =	vst.idx.msk $0xffff, v39  }
0x137: {  	v44 =	vand.u32 $0x7F, v51;
	v52 =	vor.u32 v0, v37;
	v41 =	vld.idx.msk [tilespmem:v43+s3+$0x0], $0xffff  }
0x138: {  	v45 =	vor.u32 v44, v19;
	_ =	sdelay $0x3  }
0x139: {  	v53 =	vor.u32 s30, v12;
	v39 =	vshll.u32 v51, $0x5;
	[tilespmem:v52+s14+$0x0] =	vst.idx.msk $0xffff, v41  }
0x13a: {  	v46 =	vand.u32 $0x7F, v53;
	v54 =	vor.u32 v0, v39;
	v43 =	vld.idx.msk [tilespmem:v45+s3+$0x0], $0xffff  }
0x13b: {  	v47 =	vor.u32 v46, v19;
	_ =	sdelay $0x3  }
0x13c: {  	v57 =	vmov v55;
	v55 =	vor.u32 s30, v13;
	v41 =	vshll.u32 v53, $0x5;
	[tilespmem:v54+s14+$0x0] =	vst.idx.msk $0xffff, v43  }
0x13d: {  	v56 =	vmov v59;
	v48 =	vand.u32 $0x7F, v55;
	v59 =	vor.u32 v0, v41;
	v45 =	vld.idx.msk [tilespmem:v47+s3+$0x0], $0xffff  }
0x13e: {  	v49 =	vor.u32 v48, v19;
	_ =	sdelay $0x3  }
0x13f: {  	v60 =	vor.u32 s30, v14;
	v43 =	vshll.u32 v55, $0x5;
	[tilespmem:v59+s14+$0x0] =	vst.idx.msk $0xffff, v45  }
0x140: {  	v50 =	vand.u32 $0x7F, v60;
	v61 =	vor.u32 v0, v43;
	v47 =	vld.idx.msk [tilespmem:v49+s3+$0x0], $0xffff  }
0x141: {  	v51 =	vor.u32 v50, v19;
	_ =	sdelay $0x3  }
0x142: {  	v62 =	vor.u32 s30, v15;
	v45 =	vshll.u32 v60, $0x5;
	[tilespmem:v61+s14+$0x0] =	vst.idx.msk $0xffff, v47  }
0x143: {  	v52 =	vand.u32 $0x7F, v62;
	v63 =	vor.u32 v0, v45;
	v49 =	vld.idx.msk [tilespmem:v51+s3+$0x0], $0xffff  }
0x144: {  	v53 =	vor.u32 v52, v19;
	_ =	sdelay $0x3  }
0x145: {  	v59 =	vor.u32 s30, v16;
	v47 =	vshll.u32 v62, $0x5;
	[tilespmem:v63+s14+$0x0] =	vst.idx.msk $0xffff, v49  }
0x146: {  	v54 =	vand.u32 $0x7F, v59;
	v60 =	vor.u32 v0, v47;
	v51 =	vld.idx.msk [tilespmem:v53+s3+$0x0], $0xffff  }
0x147: {  	v61 =	vor.u32 v54, v19;
	_ =	sdelay $0x3  }
0x148: {  	v19 =	vshll.u32 v59, $0x5;
	[tilespmem:v60+s14+$0x0] =	vst.idx.msk $0xffff, v51  }
0x149: {  	v21 =	vor.u32 v17, v21;
	v63 =	vor.u32 v0, v19;
	v62 =	vld.idx.msk [tilespmem:v61+s3+$0x0], $0xffff  }
0x14a: {  	v22 =	vor.u32 v22, v21;
	_ =	sdelay $0x3  }
0x14b: {  	[tilespmem:v63+s14+$0x0] =	vst.idx.msk $0xffff, v62  }
0x14c: {  	v20 =	vor.u32 v18, v20;
	v22 =	vld.idx.msk [tilespmem:v22+s3+$0x0], $0xffff  }
0x14d: {  	v26 =	vor.u32 v26, v21;
	_ =	sdelay $0x3  }
0x14e: {  	[tilespmem:v20+s14+$0x0] =	vst.idx.msk $0xffff, v22  }
0x14f: {  	v22 =	vor.u32 v18, v23;
	v20 =	vld.idx.msk [tilespmem:v26+s3+$0x0], $0xffff  }
0x150: {  	v23 =	vor.u32 v28, v21;
	_ =	sdelay $0x3  }
0x151: {  	[tilespmem:v22+s14+$0x0] =	vst.idx.msk $0xffff, v20  }
0x152: {  	v22 =	vor.u32 v18, v24;
	v20 =	vld.idx.msk [tilespmem:v23+s3+$0x0], $0xffff  }
0x153: {  	v23 =	vor.u32 v30, v21;
	_ =	sdelay $0x3  }
0x154: {  	[tilespmem:v22+s14+$0x0] =	vst.idx.msk $0xffff, v20  }
0x155: {  	v22 =	vor.u32 v18, v25;
	v20 =	vld.idx.msk [tilespmem:v23+s3+$0x0], $0xffff  }
0x156: {  	v23 =	vor.u32 v32, v21;
	_ =	sdelay $0x3  }
0x157: {  	[tilespmem:v22+s14+$0x0] =	vst.idx.msk $0xffff, v20  }
0x158: {  	v22 =	vor.u32 v18, v27;
	v20 =	vld.idx.msk [tilespmem:v23+s3+$0x0], $0xffff  }
0x159: {  	v23 =	vor.u32 v34, v21;
	_ =	sdelay $0x3  }
0x15a: {  	[tilespmem:v22+s14+$0x0] =	vst.idx.msk $0xffff, v20  }
0x15b: {  	v22 =	vor.u32 v18, v29;
	v20 =	vld.idx.msk [tilespmem:v23+s3+$0x0], $0xffff  }
0x15c: {  	v23 =	vor.u32 v36, v21;
	_ =	sdelay $0x3  }
0x15d: {  	[tilespmem:v22+s14+$0x0] =	vst.idx.msk $0xffff, v20  }
0x15e: {  	v22 =	vor.u32 v18, v31;
	v20 =	vld.idx.msk [tilespmem:v23+s3+$0x0], $0xffff  }
0x15f: {  	v23 =	vor.u32 v38, v21;
	_ =	sdelay $0x3  }
0x160: {  	[tilespmem:v22+s14+$0x0] =	vst.idx.msk $0xffff, v20  }
0x161: {  	v22 =	vor.u32 v18, v33;
	v20 =	vld.idx.msk [tilespmem:v23+s3+$0x0], $0xffff  }
0x162: {  	v23 =	vor.u32 v40, v21;
	_ =	sdelay $0x3  }
0x163: {  	[tilespmem:v22+s14+$0x0] =	vst.idx.msk $0xffff, v20  }
0x164: {  	v22 =	vor.u32 v18, v35;
	v20 =	vld.idx.msk [tilespmem:v23+s3+$0x0], $0xffff  }
0x165: {  	v23 =	vor.u32 v42, v21;
	_ =	sdelay $0x3  }
0x166: {  	[tilespmem:v22+s14+$0x0] =	vst.idx.msk $0xffff, v20  }
0x167: {  	v22 =	vor.u32 v18, v37;
	v20 =	vld.idx.msk [tilespmem:v23+s3+$0x0], $0xffff  }
0x168: {  	v23 =	vor.u32 v44, v21;
	_ =	sdelay $0x3  }
0x169: {  	[tilespmem:v22+s14+$0x0] =	vst.idx.msk $0xffff, v20  }
0x16a: {  	v22 =	vor.u32 v18, v39;
	v20 =	vld.idx.msk [tilespmem:v23+s3+$0x0], $0xffff  }
0x16b: {  	v23 =	vor.u32 v46, v21;
	_ =	sdelay $0x3  }
0x16c: {  	[tilespmem:v22+s14+$0x0] =	vst.idx.msk $0xffff, v20  }
0x16d: {  	v22 =	vor.u32 v18, v41;
	v20 =	vld.idx.msk [tilespmem:v23+s3+$0x0], $0xffff  }
0x16e: {  	v23 =	vor.u32 v48, v21;
	_ =	sdelay $0x3  }
0x16f: {  	[tilespmem:v22+s14+$0x0] =	vst.idx.msk $0xffff, v20  }
0x170: {  	v22 =	vor.u32 v18, v43;
	v20 =	vld.idx.msk [tilespmem:v23+s3+$0x0], $0xffff  }
0x171: {  	v23 =	vor.u32 v50, v21;
	_ =	sdelay $0x3  }
0x172: {  	[tilespmem:v22+s14+$0x0] =	vst.idx.msk $0xffff, v20  }
0x173: {  	v22 =	vor.u32 v18, v45;
	v20 =	vld.idx.msk [tilespmem:v23+s3+$0x0], $0xffff  }
0x174: {  	v23 =	vor.u32 v52, v21;
	_ =	sdelay $0x3  }
0x175: {  	[tilespmem:v22+s14+$0x0] =	vst.idx.msk $0xffff, v20  }
0x176: {  	v22 =	vld.idx.msk [tilespmem:v23+s3+$0x0], $0xffff;
	v23 =	vor.u32 v18, v47  }
0x177: {  	v21 =	vor.u32 v54, v21;
	_ =	sdelay $0x1  }
0x178: {  	s30 =	simm.s32 $0x10  }
0x179: {  	s31 =	simm.s32 $0x20;
	v20 =	vmov s30  }
.LBB2_3:
0x17a: {  	p3 =	sne.s32 s31, $0x1F0;
	v20 =	vshll.u32 v20, $0x3;
	[tilespmem:v23+s14+$0x0] =	vst.idx.msk $0xffff, v22  }
0x17b: {  	v22 =	vor.u32 s30, v0;
	v20 =	vand.u32 $0xC00, v20;
	v23 =	vld.idx.msk [tilespmem:v21+s3+$0x0], $0xffff  }
0x17c: {  	v19 =	vor.u32 v18, v19;
	v21 =	vand.u32 $0x7F, v22;
	v29 =	vor.u32 v1, v20  }
0x17d: {  	v24 =	vor.u32 v21, v29;
	_ =	sdelay $0x3  }
0x17e: {  	[tilespmem:v19+s14+$0x0] =	vst.idx.msk $0xffff, v23  }
0x17f: {  	v22 =	vshll.u32 v22, $0x5;
	v19 =	vld.idx.msk [tilespmem:v24+s3+$0x0], $0xffff;
	v24 =	vor.u32 s30, v2  }
0x180: {  	v25 =	vor.u32 v0, v22;
	v23 =	vand.u32 $0x7F, v24  }
0x181: {  	v26 =	vor.u32 v23, v29;
	_ =	sdelay $0x3  }
0x182: {  	[tilespmem:v25+s14+$0x0] =	vst.idx.msk $0xffff, v19  }
0x183: {  	v24 =	vshll.u32 v24, $0x5;
	v19 =	vld.idx.msk [tilespmem:v26+s3+$0x0], $0xffff;
	v26 =	vor.u32 s30, v3  }
0x184: {  	v27 =	vor.u32 v0, v24;
	v25 =	vand.u32 $0x7F, v26  }
0x185: {  	v28 =	vor.u32 v25, v29;
	_ =	sdelay $0x3  }
0x186: {  	[tilespmem:v27+s14+$0x0] =	vst.idx.msk $0xffff, v19  }
0x187: {  	v26 =	vshll.u32 v26, $0x5;
	v19 =	vld.idx.msk [tilespmem:v28+s3+$0x0], $0xffff;
	v28 =	vor.u32 s30, v4  }
0x188: {  	v30 =	vor.u32 v0, v26;
	v27 =	vand.u32 $0x7F, v28  }
0x189: {  	v31 =	vor.u32 v27, v29;
	_ =	sdelay $0x3  }
0x18a: {  	[tilespmem:v30+s14+$0x0] =	vst.idx.msk $0xffff, v19  }
0x18b: {  	v28 =	vshll.u32 v28, $0x5;
	v19 =	vld.idx.msk [tilespmem:v31+s3+$0x0], $0xffff;
	v31 =	vor.u32 s30, v5  }
0x18c: {  	v32 =	vor.u32 v0, v28;
	v30 =	vand.u32 $0x7F, v31  }
0x18d: {  	v33 =	vor.u32 v30, v29;
	_ =	sdelay $0x3  }
0x18e: {  	[tilespmem:v32+s14+$0x0] =	vst.idx.msk $0xffff, v19  }
0x18f: {  	v31 =	vshll.u32 v31, $0x5;
	v19 =	vld.idx.msk [tilespmem:v33+s3+$0x0], $0xffff;
	v33 =	vor.u32 s30, v6  }
0x190: {  	v34 =	vor.u32 v0, v31;
	v32 =	vand.u32 $0x7F, v33  }
0x191: {  	v35 =	vor.u32 v32, v29;
	_ =	sdelay $0x3  }
0x192: {  	[tilespmem:v34+s14+$0x0] =	vst.idx.msk $0xffff, v19  }
0x193: {  	v33 =	vshll.u32 v33, $0x5;
	v19 =	vld.idx.msk [tilespmem:v35+s3+$0x0], $0xffff;
	v35 =	vor.u32 s30, v7  }
0x194: {  	v36 =	vor.u32 v0, v33;
	v34 =	vand.u32 $0x7F, v35  }
0x195: {  	v37 =	vor.u32 v34, v29;
	_ =	sdelay $0x3  }
0x196: {  	[tilespmem:v36+s14+$0x0] =	vst.idx.msk $0xffff, v19  }
0x197: {  	v35 =	vshll.u32 v35, $0x5;
	v19 =	vld.idx.msk [tilespmem:v37+s3+$0x0], $0xffff;
	v37 =	vor.u32 s30, v8  }
0x198: {  	v38 =	vor.u32 v0, v35;
	v36 =	vand.u32 $0x7F, v37  }
0x199: {  	v39 =	vor.u32 v36, v29;
	_ =	sdelay $0x3  }
0x19a: {  	[tilespmem:v38+s14+$0x0] =	vst.idx.msk $0xffff, v19  }
0x19b: {  	v37 =	vshll.u32 v37, $0x5;
	v19 =	vld.idx.msk [tilespmem:v39+s3+$0x0], $0xffff;
	v39 =	vor.u32 s30, v9  }
0x19c: {  	v40 =	vor.u32 v0, v37;
	v38 =	vand.u32 $0x7F, v39  }
0x19d: {  	v41 =	vor.u32 v38, v29;
	_ =	sdelay $0x3  }
0x19e: {  	[tilespmem:v40+s14+$0x0] =	vst.idx.msk $0xffff, v19  }
0x19f: {  	v39 =	vshll.u32 v39, $0x5;
	v19 =	vld.idx.msk [tilespmem:v41+s3+$0x0], $0xffff;
	v41 =	vor.u32 s30, v10  }
0x1a0: {  	v42 =	vor.u32 v0, v39;
	v40 =	vand.u32 $0x7F, v41  }
0x1a1: {  	v43 =	vor.u32 v40, v29;
	_ =	sdelay $0x3  }
0x1a2: {  	[tilespmem:v42+s14+$0x0] =	vst.idx.msk $0xffff, v19  }
0x1a3: {  	v41 =	vshll.u32 v41, $0x5;
	v19 =	vld.idx.msk [tilespmem:v43+s3+$0x0], $0xffff;
	v43 =	vor.u32 s30, v11  }
0x1a4: {  	v44 =	vor.u32 v0, v41;
	v42 =	vand.u32 $0x7F, v43  }
0x1a5: {  	v45 =	vor.u32 v42, v29;
	_ =	sdelay $0x3  }
0x1a6: {  	[tilespmem:v44+s14+$0x0] =	vst.idx.msk $0xffff, v19  }
0x1a7: {  	v43 =	vshll.u32 v43, $0x5;
	v19 =	vld.idx.msk [tilespmem:v45+s3+$0x0], $0xffff;
	v45 =	vor.u32 s30, v12  }
0x1a8: {  	v46 =	vor.u32 v0, v43;
	v44 =	vand.u32 $0x7F, v45  }
0x1a9: {  	v47 =	vor.u32 v44, v29;
	_ =	sdelay $0x3  }
0x1aa: {  	[tilespmem:v46+s14+$0x0] =	vst.idx.msk $0xffff, v19  }
0x1ab: {  	v45 =	vshll.u32 v45, $0x5;
	v19 =	vld.idx.msk [tilespmem:v47+s3+$0x0], $0xffff;
	v47 =	vor.u32 s30, v13  }
0x1ac: {  	v48 =	vor.u32 v0, v45;
	v46 =	vand.u32 $0x7F, v47  }
0x1ad: {  	v49 =	vor.u32 v46, v29;
	_ =	sdelay $0x3  }
0x1ae: {  	[tilespmem:v48+s14+$0x0] =	vst.idx.msk $0xffff, v19  }
0x1af: {  	v47 =	vshll.u32 v47, $0x5;
	v19 =	vld.idx.msk [tilespmem:v49+s3+$0x0], $0xffff;
	v49 =	vor.u32 s30, v14  }
0x1b0: {  	v50 =	vor.u32 v0, v47;
	v48 =	vand.u32 $0x7F, v49  }
0x1b1: {  	v51 =	vor.u32 v48, v29;
	_ =	sdelay $0x3  }
0x1b2: {  	[tilespmem:v50+s14+$0x0] =	vst.idx.msk $0xffff, v19  }
0x1b3: {  	v49 =	vshll.u32 v49, $0x5;
	v19 =	vld.idx.msk [tilespmem:v51+s3+$0x0], $0xffff;
	v51 =	vor.u32 s30, v15  }
0x1b4: {  	v52 =	vor.u32 v0, v49;
	v50 =	vand.u32 $0x7F, v51  }
0x1b5: {  	v53 =	vor.u32 v50, v29;
	_ =	sdelay $0x3  }
0x1b6: {  	[tilespmem:v52+s14+$0x0] =	vst.idx.msk $0xffff, v19  }
0x1b7: {  	v51 =	vshll.u32 v51, $0x5;
	v19 =	vld.idx.msk [tilespmem:v53+s3+$0x0], $0xffff;
	v53 =	vor.u32 s30, v16;
	s30 =	smov.u32 s31  }
0x1b8: {  	v54 =	vor.u32 v0, v51;
	v52 =	vand.u32 $0x7F, v53  }
0x1b9: {  	v29 =	vor.u32 v52, v29;
	_ =	sdelay $0x3  }
0x1ba: {  	[tilespmem:v54+s14+$0x0] =	vst.idx.msk $0xffff, v19  }
0x1bb: {  	v19 =	vshll.u32 v53, $0x5;
	v29 =	vld.idx.msk [tilespmem:v29+s3+$0x0], $0xffff  }
0x1bc: {  	v20 =	vor.u32 v17, v20;
	v53 =	vor.u32 v0, v19  }
0x1bd: {  	v21 =	vor.u32 v21, v20;
	_ =	sdelay $0x3  }
0x1be: {  	[tilespmem:v53+s14+$0x0] =	vst.idx.msk $0xffff, v29  }
0x1bf: {  	v21 =	vld.idx.msk [tilespmem:v21+s3+$0x0], $0xffff  }
0x1c0: {  	v22 =	vor.u32 v18, v22  }
0x1c1: {  	v23 =	vor.u32 v23, v20;
	_ =	sdelay $0x3  }
0x1c2: {  	[tilespmem:v22+s14+$0x0] =	vst.idx.msk $0xffff, v21  }
0x1c3: {  	v21 =	vld.idx.msk [tilespmem:v23+s3+$0x0], $0xffff  }
0x1c4: {  	v22 =	vor.u32 v18, v24  }
0x1c5: {  	v23 =	vor.u32 v25, v20;
	_ =	sdelay $0x3  }
0x1c6: {  	[tilespmem:v22+s14+$0x0] =	vst.idx.msk $0xffff, v21  }
0x1c7: {  	v21 =	vld.idx.msk [tilespmem:v23+s3+$0x0], $0xffff  }
0x1c8: {  	v22 =	vor.u32 v18, v26  }
0x1c9: {  	v23 =	vor.u32 v27, v20;
	_ =	sdelay $0x3  }
0x1ca: {  	[tilespmem:v22+s14+$0x0] =	vst.idx.msk $0xffff, v21  }
0x1cb: {  	v21 =	vld.idx.msk [tilespmem:v23+s3+$0x0], $0xffff  }
0x1cc: {  	v22 =	vor.u32 v18, v28  }
0x1cd: {  	v23 =	vor.u32 v30, v20;
	_ =	sdelay $0x3  }
0x1ce: {  	[tilespmem:v22+s14+$0x0] =	vst.idx.msk $0xffff, v21  }
0x1cf: {  	v21 =	vld.idx.msk [tilespmem:v23+s3+$0x0], $0xffff  }
0x1d0: {  	v22 =	vor.u32 v18, v31  }
0x1d1: {  	v23 =	vor.u32 v32, v20;
	_ =	sdelay $0x3  }
0x1d2: {  	[tilespmem:v22+s14+$0x0] =	vst.idx.msk $0xffff, v21  }
0x1d3: {  	v21 =	vld.idx.msk [tilespmem:v23+s3+$0x0], $0xffff  }
0x1d4: {  	v22 =	vor.u32 v18, v33  }
0x1d5: {  	v23 =	vor.u32 v34, v20;
	_ =	sdelay $0x3  }
0x1d6: {  	[tilespmem:v22+s14+$0x0] =	vst.idx.msk $0xffff, v21  }
0x1d7: {  	v21 =	vld.idx.msk [tilespmem:v23+s3+$0x0], $0xffff  }
0x1d8: {  	v22 =	vor.u32 v18, v35  }
0x1d9: {  	v23 =	vor.u32 v36, v20;
	_ =	sdelay $0x3  }
0x1da: {  	[tilespmem:v22+s14+$0x0] =	vst.idx.msk $0xffff, v21  }
0x1db: {  	v21 =	vld.idx.msk [tilespmem:v23+s3+$0x0], $0xffff  }
0x1dc: {  	v22 =	vor.u32 v18, v37  }
0x1dd: {  	v23 =	vor.u32 v38, v20;
	_ =	sdelay $0x3  }
0x1de: {  	[tilespmem:v22+s14+$0x0] =	vst.idx.msk $0xffff, v21  }
0x1df: {  	v21 =	vld.idx.msk [tilespmem:v23+s3+$0x0], $0xffff  }
0x1e0: {  	v22 =	vor.u32 v18, v39  }
0x1e1: {  	v23 =	vor.u32 v40, v20;
	_ =	sdelay $0x3  }
0x1e2: {  	[tilespmem:v22+s14+$0x0] =	vst.idx.msk $0xffff, v21  }
0x1e3: {  	v21 =	vld.idx.msk [tilespmem:v23+s3+$0x0], $0xffff  }
0x1e4: {  	v22 =	vor.u32 v18, v41  }
0x1e5: {  	v23 =	vor.u32 v42, v20;
	_ =	sdelay $0x3  }
0x1e6: {  	[tilespmem:v22+s14+$0x0] =	vst.idx.msk $0xffff, v21  }
0x1e7: {  	v21 =	vld.idx.msk [tilespmem:v23+s3+$0x0], $0xffff  }
0x1e8: {  	v22 =	vor.u32 v18, v43  }
0x1e9: {  	v23 =	vor.u32 v44, v20;
	_ =	sdelay $0x3  }
0x1ea: {  	[tilespmem:v22+s14+$0x0] =	vst.idx.msk $0xffff, v21  }
0x1eb: {  	v21 =	vld.idx.msk [tilespmem:v23+s3+$0x0], $0xffff  }
0x1ec: {  	v22 =	vor.u32 v18, v45  }
0x1ed: {  	v23 =	vor.u32 v46, v20;
	_ =	sdelay $0x3  }
0x1ee: {  	[tilespmem:v22+s14+$0x0] =	vst.idx.msk $0xffff, v21  }
0x1ef: {  	v21 =	vld.idx.msk [tilespmem:v23+s3+$0x0], $0xffff  }
0x1f0: {  	v22 =	vor.u32 v18, v47  }
0x1f1: {  	v23 =	vor.u32 v48, v20;
	_ =	sdelay $0x3  }
0x1f2: {  	[tilespmem:v22+s14+$0x0] =	vst.idx.msk $0xffff, v21  }
0x1f3: {  	v21 =	vld.idx.msk [tilespmem:v23+s3+$0x0], $0xffff  }
0x1f4: {  	v22 =	vor.u32 v18, v49  }
0x1f5: {  	v23 =	vor.u32 v50, v20;
	_ =	sdelay $0x3  }
0x1f6: {  	[tilespmem:v22+s14+$0x0] =	vst.idx.msk $0xffff, v21  }
0x1f7: {  	v22 =	vld.idx.msk [tilespmem:v23+s3+$0x0], $0xffff  }
.Ltmp4:
0x1f8: {  	v23 =	vor.u32 v18, v51;
	(pc) =	sbr.rel @p3 .LBB2_3-.Ltmp4, $2  }
0x1f9: {  	v21 =	vor.u32 v52, v20;
	_ =	sdelay $0x2  }
0x1fa: {  	s31 =	sadd.s32 $0x10, s31;
	v20 =	vmov s30  }
0x1fb: {  	_ =	sdelay $0x2  }
0x1fc: {  	v20 =	vshll.u32 v20, $0x3  }
0x1fd: {  	[tilespmem:v23+s14+$0x0] =	vst.idx.msk $0xffff, v22;
	v30 =	vor.u32 s30, v0;
	v20 =	vand.u32 $0xC00, v20  }
0x1fe: {  	v19 =	vor.u32 v18, v19;
	v21 =	vld.idx.msk [tilespmem:v21+s3+$0x0], $0xffff;
	v23 =	vand.u32 $0x7F, v30;
	v24 =	vor.u32 v1, v20  }
0x1ff: {  	v25 =	vor.u32 v23, v24;
	_ =	sdelay $0x3  }
0x200: {  	v31 =	vor.u32 s30, v2;
	[tilespmem:v19+s14+$0x0] =	vst.idx.msk $0xffff, v21;
	v19 =	vshll.u32 v30, $0x5  }
0x201: {  	v26 =	vand.u32 $0x7F, v31;
	v33 =	vor.u32 v0, v19;
	v32 =	vld.idx.msk [tilespmem:v25+s3+$0x0], $0xffff  }
0x202: {  	v27 =	vor.u32 v26, v24;
	_ =	sdelay $0x3  }
0x203: {  	v34 =	vor.u32 s30, v3;
	v21 =	vshll.u32 v31, $0x5;
	[tilespmem:v33+s14+$0x0] =	vst.idx.msk $0xffff, v32  }
0x204: {  	v28 =	vand.u32 $0x7F, v34;
	v35 =	vor.u32 v0, v21;
	v25 =	vld.idx.msk [tilespmem:v27+s3+$0x0], $0xffff  }
0x205: {  	v29 =	vor.u32 v28, v24;
	_ =	sdelay $0x3  }
0x206: {  	v36 =	vor.u32 s30, v4;
	v22 =	vshll.u32 v34, $0x5;
	[tilespmem:v35+s14+$0x0] =	vst.idx.msk $0xffff, v25  }
0x207: {  	v37 =	vor.u32 v0, v22;
	v30 =	vand.u32 $0x7F, v36;
	v27 =	vld.idx.msk [tilespmem:v29+s3+$0x0], $0xffff  }
0x208: {  	v31 =	vor.u32 v30, v24;
	_ =	sdelay $0x3  }
0x209: {  	v38 =	vor.u32 s30, v5;
	v25 =	vshll.u32 v36, $0x5;
	[tilespmem:v37+s14+$0x0] =	vst.idx.msk $0xffff, v27  }
0x20a: {  	v32 =	vand.u32 $0x7F, v38;
	v39 =	vor.u32 v0, v25;
	v29 =	vld.idx.msk [tilespmem:v31+s3+$0x0], $0xffff  }
0x20b: {  	v33 =	vor.u32 v32, v24;
	_ =	sdelay $0x3  }
0x20c: {  	v40 =	vor.u32 s30, v6;
	v27 =	vshll.u32 v38, $0x5;
	[tilespmem:v39+s14+$0x0] =	vst.idx.msk $0xffff, v29  }
0x20d: {  	v34 =	vand.u32 $0x7F, v40;
	v41 =	vor.u32 v0, v27;
	v31 =	vld.idx.msk [tilespmem:v33+s3+$0x0], $0xffff  }
0x20e: {  	v35 =	vor.u32 v34, v24;
	_ =	sdelay $0x3  }
0x20f: {  	v42 =	vor.u32 s30, v7;
	v29 =	vshll.u32 v40, $0x5;
	[tilespmem:v41+s14+$0x0] =	vst.idx.msk $0xffff, v31  }
0x210: {  	v36 =	vand.u32 $0x7F, v42;
	v43 =	vor.u32 v0, v29;
	v33 =	vld.idx.msk [tilespmem:v35+s3+$0x0], $0xffff  }
0x211: {  	v37 =	vor.u32 v36, v24;
	_ =	sdelay $0x3  }
0x212: {  	v44 =	vor.u32 s30, v8;
	v31 =	vshll.u32 v42, $0x5;
	[tilespmem:v43+s14+$0x0] =	vst.idx.msk $0xffff, v33  }
0x213: {  	v38 =	vand.u32 $0x7F, v44;
	v45 =	vor.u32 v0, v31;
	v35 =	vld.idx.msk [tilespmem:v37+s3+$0x0], $0xffff  }
0x214: {  	v39 =	vor.u32 v38, v24;
	_ =	sdelay $0x3  }
0x215: {  	v46 =	vor.u32 s30, v9;
	v33 =	vshll.u32 v44, $0x5;
	[tilespmem:v45+s14+$0x0] =	vst.idx.msk $0xffff, v35  }
0x216: {  	v40 =	vand.u32 $0x7F, v46;
	v47 =	vor.u32 v0, v33;
	v37 =	vld.idx.msk [tilespmem:v39+s3+$0x0], $0xffff  }
0x217: {  	v41 =	vor.u32 v40, v24;
	_ =	sdelay $0x3  }
0x218: {  	v48 =	vor.u32 s30, v10;
	v35 =	vshll.u32 v46, $0x5;
	[tilespmem:v47+s14+$0x0] =	vst.idx.msk $0xffff, v37  }
0x219: {  	v42 =	vand.u32 $0x7F, v48;
	v49 =	vor.u32 v0, v35;
	v39 =	vld.idx.msk [tilespmem:v41+s3+$0x0], $0xffff  }
0x21a: {  	v43 =	vor.u32 v42, v24;
	_ =	sdelay $0x3  }
0x21b: {  	v50 =	vor.u32 s30, v11;
	v37 =	vshll.u32 v48, $0x5;
	[tilespmem:v49+s14+$0x0] =	vst.idx.msk $0xffff, v39  }
0x21c: {  	v44 =	vand.u32 $0x7F, v50;
	v51 =	vor.u32 v0, v37;
	v41 =	vld.idx.msk [tilespmem:v43+s3+$0x0], $0xffff  }
0x21d: {  	v45 =	vor.u32 v44, v24;
	_ =	sdelay $0x3  }
0x21e: {  	v52 =	vor.u32 s30, v12;
	v39 =	vshll.u32 v50, $0x5;
	[tilespmem:v51+s14+$0x0] =	vst.idx.msk $0xffff, v41  }
0x21f: {  	v46 =	vand.u32 $0x7F, v52;
	v53 =	vor.u32 v0, v39;
	v43 =	vld.idx.msk [tilespmem:v45+s3+$0x0], $0xffff  }
0x220: {  	v47 =	vor.u32 v46, v24;
	_ =	sdelay $0x3  }
0x221: {  	v54 =	vor.u32 s30, v13;
	v41 =	vshll.u32 v52, $0x5;
	[tilespmem:v53+s14+$0x0] =	vst.idx.msk $0xffff, v43  }
0x222: {  	v48 =	vand.u32 $0x7F, v54;
	v55 =	vor.u32 v0, v41;
	v45 =	vld.idx.msk [tilespmem:v47+s3+$0x0], $0xffff  }
0x223: {  	v49 =	vor.u32 v48, v24;
	_ =	sdelay $0x3  }
0x224: {  	v59 =	vor.u32 s30, v14;
	v43 =	vshll.u32 v54, $0x5;
	[tilespmem:v55+s14+$0x0] =	vst.idx.msk $0xffff, v45  }
0x225: {  	v50 =	vand.u32 $0x7F, v59;
	v60 =	vor.u32 v0, v43;
	v47 =	vld.idx.msk [tilespmem:v49+s3+$0x0], $0xffff  }
0x226: {  	v51 =	vor.u32 v50, v24;
	_ =	sdelay $0x3  }
0x227: {  	v61 =	vor.u32 s30, v15;
	v45 =	vshll.u32 v59, $0x5;
	[tilespmem:v60+s14+$0x0] =	vst.idx.msk $0xffff, v47  }
0x228: {  	v52 =	vand.u32 $0x7F, v61;
	v62 =	vor.u32 v0, v45;
	v49 =	vld.idx.msk [tilespmem:v51+s3+$0x0], $0xffff  }
0x229: {  	v53 =	vor.u32 v52, v24;
	_ =	sdelay $0x3  }
0x22a: {  	v63 =	vor.u32 s30, v16;
	v47 =	vshll.u32 v61, $0x5;
	[tilespmem:v62+s14+$0x0] =	vst.idx.msk $0xffff, v49  }
0x22b: {  	v54 =	vand.u32 $0x7F, v63;
	v59 =	vor.u32 v0, v47;
	v51 =	vld.idx.msk [tilespmem:v53+s3+$0x0], $0xffff  }
0x22c: {  	v24 =	vor.u32 v54, v24;
	_ =	sdelay $0x3  }
0x22d: {  	v49 =	vshll.u32 v63, $0x5;
	[tilespmem:v59+s14+$0x0] =	vst.idx.msk $0xffff, v51  }
0x22e: {  	v20 =	vor.u32 v17, v20;
	v60 =	vor.u32 v0, v49;
	v24 =	vld.idx.msk [tilespmem:v24+s3+$0x0], $0xffff  }
0x22f: {  	v23 =	vor.u32 v23, v20;
	_ =	sdelay $0x3  }
0x230: {  	[tilespmem:v60+s14+$0x0] =	vst.idx.msk $0xffff, v24  }
0x231: {  	v19 =	vor.u32 v18, v19;
	v23 =	vld.idx.msk [tilespmem:v23+s3+$0x0], $0xffff  }
0x232: {  	v61 =	vor.u32 v26, v20;
	_ =	sdelay $0x3  }
0x233: {  	[tilespmem:v19+s14+$0x0] =	vst.idx.msk $0xffff, v23  }
0x234: {  	v21 =	vor.u32 v18, v21;
	v19 =	vld.idx.msk [tilespmem:v61+s3+$0x0], $0xffff  }
0x235: {  	v62 =	vor.u32 v28, v20;
	_ =	sdelay $0x3  }
0x236: {  	[tilespmem:v21+s14+$0x0] =	vst.idx.msk $0xffff, v19  }
0x237: {  	v63 =	vor.u32 v18, v22;
	v19 =	vld.idx.msk [tilespmem:v62+s3+$0x0], $0xffff  }
0x238: {  	v24 =	vor.u32 v30, v20;
	_ =	sdelay $0x3  }
0x239: {  	[tilespmem:v63+s14+$0x0] =	vst.idx.msk $0xffff, v19  }
0x23a: {  	v25 =	vor.u32 v18, v25;
	v19 =	vld.idx.msk [tilespmem:v24+s3+$0x0], $0xffff  }
0x23b: {  	v26 =	vor.u32 v32, v20;
	_ =	sdelay $0x3  }
0x23c: {  	[tilespmem:v25+s14+$0x0] =	vst.idx.msk $0xffff, v19  }
0x23d: {  	v27 =	vor.u32 v18, v27;
	v19 =	vld.idx.msk [tilespmem:v26+s3+$0x0], $0xffff  }
0x23e: {  	v28 =	vor.u32 v34, v20;
	_ =	sdelay $0x3  }
0x23f: {  	[tilespmem:v27+s14+$0x0] =	vst.idx.msk $0xffff, v19  }
0x240: {  	v29 =	vor.u32 v18, v29;
	v19 =	vld.idx.msk [tilespmem:v28+s3+$0x0], $0xffff  }
0x241: {  	v30 =	vor.u32 v36, v20;
	_ =	sdelay $0x3  }
0x242: {  	[tilespmem:v29+s14+$0x0] =	vst.idx.msk $0xffff, v19  }
0x243: {  	v31 =	vor.u32 v18, v31;
	v19 =	vld.idx.msk [tilespmem:v30+s3+$0x0], $0xffff  }
0x244: {  	v32 =	vor.u32 v38, v20;
	_ =	sdelay $0x3  }
0x245: {  	[tilespmem:v31+s14+$0x0] =	vst.idx.msk $0xffff, v19  }
0x246: {  	v33 =	vor.u32 v18, v33;
	v19 =	vld.idx.msk [tilespmem:v32+s3+$0x0], $0xffff  }
0x247: {  	v34 =	vor.u32 v40, v20;
	_ =	sdelay $0x3  }
0x248: {  	[tilespmem:v33+s14+$0x0] =	vst.idx.msk $0xffff, v19  }
0x249: {  	v36 =	vor.u32 v18, v35;
	v19 =	vld.idx.msk [tilespmem:v34+s3+$0x0], $0xffff  }
0x24a: {  	v38 =	vor.u32 v42, v20;
	_ =	sdelay $0x3  }
0x24b: {  	[tilespmem:v36+s14+$0x0] =	vst.idx.msk $0xffff, v19  }
0x24c: {  	v40 =	vor.u32 v18, v37;
	v19 =	vld.idx.msk [tilespmem:v38+s3+$0x0], $0xffff  }
0x24d: {  	v42 =	vor.u32 v44, v20;
	_ =	sdelay $0x3  }
0x24e: {  	[tilespmem:v40+s14+$0x0] =	vst.idx.msk $0xffff, v19  }
0x24f: {  	v44 =	vor.u32 v18, v39;
	v19 =	vld.idx.msk [tilespmem:v42+s3+$0x0], $0xffff  }
0x250: {  	v51 =	vor.u32 v46, v20;
	_ =	sdelay $0x3  }
0x251: {  	[tilespmem:v44+s14+$0x0] =	vst.idx.msk $0xffff, v19  }
0x252: {  	v53 =	vor.u32 v18, v41;
	v19 =	vld.idx.msk [tilespmem:v51+s3+$0x0], $0xffff  }
0x253: {  	v55 =	vor.u32 v48, v20;
	_ =	sdelay $0x3  }
0x254: {  	[tilespmem:v53+s14+$0x0] =	vst.idx.msk $0xffff, v19  }
0x255: {  	v59 =	vor.u32 v18, v43;
	v19 =	vld.idx.msk [tilespmem:v55+s3+$0x0], $0xffff  }
0x256: {  	v60 =	vor.u32 v50, v20;
	_ =	sdelay $0x3  }
0x257: {  	[tilespmem:v59+s14+$0x0] =	vst.idx.msk $0xffff, v19  }
0x258: {  	v61 =	vor.u32 v18, v45;
	v19 =	vld.idx.msk [tilespmem:v60+s3+$0x0], $0xffff  }
0x259: {  	v62 =	vor.u32 v52, v20;
	_ =	sdelay $0x3  }
0x25a: {  	[tilespmem:v61+s14+$0x0] =	vst.idx.msk $0xffff, v19  }
0x25b: {  	v63 =	vor.u32 v18, v47;
	v19 =	vld.idx.msk [tilespmem:v62+s3+$0x0], $0xffff  }
0x25c: {  	v20 =	vor.u32 v54, v20;
	_ =	sdelay $0x3  }
0x25d: {  	[tilespmem:v63+s14+$0x0] =	vst.idx.msk $0xffff, v19  }
0x25e: {  	v19 =	vld.idx.msk [tilespmem:v20+s3+$0x0], $0xffff;
	v20 =	vor.u32 v18, v49;
	_ =	sdelay $0x3  }
0x25f: {  	s1 =	sshll.u32 s29, $0xB  }
0x260: {  	s1 =	sadd.s32 s5, s1;
	[tilespmem:v20+s14+$0x0] =	vst.idx.msk $0xffff, v19  }
0x261: {  	[hbm4b:s1+s3] =	stream.linear.scatter [tilespmem:s14], [sflag:$0x3], $0x4000, $0x38;
	[tilespmem:$0x11800] =	vst v63  }
.Ltmp5:
0x262: {  	s1 =	sadd.s32 s7, s28;
	(pc) =	sbr.rel @p2 .LBB2_8-.Ltmp5, $4  }
0x263: {  	p3 =	sgt.u32 s1, $0x7A0  }
0x264: {  	s1 =	sshll.u32 @!p3 s1, $0x9;
	s2 =	simm.s32 @!p3 $0x1000  }
0x265: {  	s20 =	simm.s32 @!p3 $0x7A1400;
	s28 =	simm.s32 @!p3 $0x0;
	s1 =	sadd.s32 @!p3 s0, s1  }
0x266: {  	v33 =	vld [tilespmem:$0x1FF50];
	v55 =	vmov v57;
	v59 =	vmov v56;
	[tilespmem:s28], [sflag:$0x1] =	stream.strided.gather @!p3 [hbm4b:s1+s2], $0x4000, s20, s2, $0x38  }
0x267: {  	s28 =	simm.s32 $0x0  }
0x268: {  	v19 =	vmov s28  }
0x269: {  	v19 =	vshll.u32 v19, $0x3  }
0x26a: {  	v20 =	vor.u32 s28, v0;
	v21 =	vand.u32 $0xC00, v19  }
0x26b: {  	_ =	swait.ge [sflag:s15], $0x4000;
	v22 =	vand.u32 $0x7F, v20;
	v19 =	vor.u32 v1, v21  }
0x26c: {  	[sflag:s15] =	ssyncset.done $0x0;
	v23 =	vor.u32 v22, v19  }
0x26d: {  	s1 =	simm.s32 @!p1 $0x4;
	[sflag:s15] =	ssyncadd.s32 $0xFFFFC000  }
0x26e: {  	_ =	swait.ge @!p1 [sflag:s1], $0x4000  }
0x26f: {  	[sflag:s1] =	ssyncset.done @!p1 $0x0  }
0x270: {  	v24 =	vor.u32 s28, v2;
	v20 =	vshll.u32 v20, $0x5;
	[sflag:s1] =	ssyncadd.s32 @!p1 $0xFFFFC000  }
0x271: {  	v26 =	vand.u32 $0x7F, v24;
	v25 =	vor.u32 v0, v20;
	v23 =	vld.idx.msk [tilespmem:v23+s16+$0x0], $0xffff  }
0x272: {  	v27 =	vor.u32 v26, v19;
	_ =	sdelay $0x3  }
0x273: {  	v36 =	vor.u32 s28, v3;
	[tilespmem:v25+s17+$0x0] =	vst.idx.msk $0xffff, v23;
	v23 =	vshll.u32 v24, $0x5  }
0x274: {  	v28 =	vand.u32 $0x7F, v36;
	v25 =	vld.idx.msk [tilespmem:v27+s16+$0x0], $0xffff;
	v37 =	vor.u32 v0, v23  }
0x275: {  	v29 =	vor.u32 v28, v19;
	_ =	sdelay $0x3  }
0x276: {  	v38 =	vor.u32 s28, v4;
	v24 =	vshll.u32 v36, $0x5;
	[tilespmem:v37+s17+$0x0] =	vst.idx.msk $0xffff, v25  }
0x277: {  	v30 =	vand.u32 $0x7F, v38;
	v39 =	vor.u32 v0, v24;
	v27 =	vld.idx.msk [tilespmem:v29+s16+$0x0], $0xffff  }
0x278: {  	v31 =	vor.u32 v30, v19;
	_ =	sdelay $0x3  }
0x279: {  	v40 =	vor.u32 s28, v5;
	v25 =	vshll.u32 v38, $0x5;
	[tilespmem:v39+s17+$0x0] =	vst.idx.msk $0xffff, v27  }
0x27a: {  	v32 =	vand.u32 $0x7F, v40;
	v41 =	vor.u32 v0, v25;
	v29 =	vld.idx.msk [tilespmem:v31+s16+$0x0], $0xffff  }
0x27b: {  	v33 =	vor.u32 v32, v19;
	_ =	sdelay $0x3  }
0x27c: {  	v42 =	vor.u32 s28, v6;
	v27 =	vshll.u32 v40, $0x5;
	[tilespmem:v41+s17+$0x0] =	vst.idx.msk $0xffff, v29  }
0x27d: {  	v34 =	vand.u32 $0x7F, v42;
	v43 =	vor.u32 v0, v27;
	v31 =	vld.idx.msk [tilespmem:v33+s16+$0x0], $0xffff  }
0x27e: {  	v35 =	vor.u32 v34, v19;
	_ =	sdelay $0x3  }
0x27f: {  	v44 =	vor.u32 s28, v7;
	v29 =	vshll.u32 v42, $0x5;
	[tilespmem:v43+s17+$0x0] =	vst.idx.msk $0xffff, v31  }
0x280: {  	v36 =	vand.u32 $0x7F, v44;
	v45 =	vor.u32 v0, v29;
	v33 =	vld.idx.msk [tilespmem:v35+s16+$0x0], $0xffff  }
0x281: {  	v37 =	vor.u32 v36, v19;
	_ =	sdelay $0x3  }
0x282: {  	v46 =	vor.u32 s28, v8;
	v31 =	vshll.u32 v44, $0x5;
	[tilespmem:v45+s17+$0x0] =	vst.idx.msk $0xffff, v33  }
0x283: {  	v38 =	vand.u32 $0x7F, v46;
	v47 =	vor.u32 v0, v31;
	v35 =	vld.idx.msk [tilespmem:v37+s16+$0x0], $0xffff  }
0x284: {  	v39 =	vor.u32 v38, v19;
	_ =	sdelay $0x3  }
0x285: {  	v48 =	vor.u32 s28, v9;
	v33 =	vshll.u32 v46, $0x5;
	[tilespmem:v47+s17+$0x0] =	vst.idx.msk $0xffff, v35  }
0x286: {  	v40 =	vand.u32 $0x7F, v48;
	v49 =	vor.u32 v0, v33;
	v37 =	vld.idx.msk [tilespmem:v39+s16+$0x0], $0xffff  }
0x287: {  	v41 =	vor.u32 v40, v19;
	_ =	sdelay $0x3  }
0x288: {  	v50 =	vor.u32 s28, v10;
	v35 =	vshll.u32 v48, $0x5;
	[tilespmem:v49+s17+$0x0] =	vst.idx.msk $0xffff, v37  }
0x289: {  	v42 =	vand.u32 $0x7F, v50;
	v51 =	vor.u32 v0, v35;
	v39 =	vld.idx.msk [tilespmem:v41+s16+$0x0], $0xffff  }
0x28a: {  	v43 =	vor.u32 v42, v19;
	_ =	sdelay $0x3  }
0x28b: {  	v52 =	vor.u32 s28, v11;
	v37 =	vshll.u32 v50, $0x5;
	[tilespmem:v51+s17+$0x0] =	vst.idx.msk $0xffff, v39  }
0x28c: {  	v44 =	vand.u32 $0x7F, v52;
	v53 =	vor.u32 v0, v37;
	v41 =	vld.idx.msk [tilespmem:v43+s16+$0x0], $0xffff  }
0x28d: {  	v45 =	vor.u32 v44, v19;
	_ =	sdelay $0x3  }
0x28e: {  	v54 =	vor.u32 s28, v12;
	v39 =	vshll.u32 v52, $0x5;
	[tilespmem:v53+s17+$0x0] =	vst.idx.msk $0xffff, v41  }
0x28f: {  	v46 =	vand.u32 $0x7F, v54;
	v55 =	vor.u32 v0, v39;
	v43 =	vld.idx.msk [tilespmem:v45+s16+$0x0], $0xffff  }
0x290: {  	v47 =	vor.u32 v46, v19;
	_ =	sdelay $0x3  }
0x291: {  	v59 =	vor.u32 s28, v13;
	v41 =	vshll.u32 v54, $0x5;
	[tilespmem:v55+s17+$0x0] =	vst.idx.msk $0xffff, v43  }
0x292: {  	v48 =	vand.u32 $0x7F, v59;
	v60 =	vor.u32 v0, v41;
	v45 =	vld.idx.msk [tilespmem:v47+s16+$0x0], $0xffff  }
0x293: {  	v49 =	vor.u32 v48, v19;
	_ =	sdelay $0x3  }
0x294: {  	v61 =	vor.u32 s28, v14;
	v43 =	vshll.u32 v59, $0x5;
	[tilespmem:v60+s17+$0x0] =	vst.idx.msk $0xffff, v45  }
0x295: {  	v50 =	vand.u32 $0x7F, v61;
	v62 =	vor.u32 v0, v43;
	v47 =	vld.idx.msk [tilespmem:v49+s16+$0x0], $0xffff  }
0x296: {  	v51 =	vor.u32 v50, v19;
	_ =	sdelay $0x3  }
0x297: {  	v63 =	vor.u32 s28, v15;
	v45 =	vshll.u32 v61, $0x5;
	[tilespmem:v62+s17+$0x0] =	vst.idx.msk $0xffff, v47  }
0x298: {  	v52 =	vand.u32 $0x7F, v63;
	v59 =	vor.u32 v0, v45;
	v49 =	vld.idx.msk [tilespmem:v51+s16+$0x0], $0xffff  }
0x299: {  	v53 =	vor.u32 v52, v19;
	_ =	sdelay $0x3  }
0x29a: {  	v60 =	vor.u32 s28, v16;
	v47 =	vshll.u32 v63, $0x5;
	[tilespmem:v59+s17+$0x0] =	vst.idx.msk $0xffff, v49  }
0x29b: {  	v54 =	vand.u32 $0x7F, v60;
	v61 =	vor.u32 v0, v47;
	v51 =	vld.idx.msk [tilespmem:v53+s16+$0x0], $0xffff  }
0x29c: {  	v55 =	vor.u32 v54, v19;
	_ =	sdelay $0x3  }
0x29d: {  	v19 =	vshll.u32 v60, $0x5;
	[tilespmem:v61+s17+$0x0] =	vst.idx.msk $0xffff, v51  }
0x29e: {  	v21 =	vor.u32 v17, v21;
	v63 =	vor.u32 v0, v19;
	v62 =	vld.idx.msk [tilespmem:v55+s16+$0x0], $0xffff  }
0x29f: {  	v22 =	vor.u32 v22, v21;
	_ =	sdelay $0x3  }
0x2a0: {  	[tilespmem:v63+s17+$0x0] =	vst.idx.msk $0xffff, v62  }
0x2a1: {  	v20 =	vor.u32 v18, v20;
	v22 =	vld.idx.msk [tilespmem:v22+s16+$0x0], $0xffff  }
0x2a2: {  	v26 =	vor.u32 v26, v21;
	_ =	sdelay $0x3  }
0x2a3: {  	[tilespmem:v20+s17+$0x0] =	vst.idx.msk $0xffff, v22  }
0x2a4: {  	v22 =	vor.u32 v18, v23;
	v20 =	vld.idx.msk [tilespmem:v26+s16+$0x0], $0xffff  }
0x2a5: {  	v23 =	vor.u32 v28, v21;
	_ =	sdelay $0x3  }
0x2a6: {  	[tilespmem:v22+s17+$0x0] =	vst.idx.msk $0xffff, v20  }
0x2a7: {  	v22 =	vor.u32 v18, v24;
	v20 =	vld.idx.msk [tilespmem:v23+s16+$0x0], $0xffff  }
0x2a8: {  	v23 =	vor.u32 v30, v21;
	_ =	sdelay $0x3  }
0x2a9: {  	[tilespmem:v22+s17+$0x0] =	vst.idx.msk $0xffff, v20  }
0x2aa: {  	v22 =	vor.u32 v18, v25;
	v20 =	vld.idx.msk [tilespmem:v23+s16+$0x0], $0xffff  }
0x2ab: {  	v23 =	vor.u32 v32, v21;
	_ =	sdelay $0x3  }
0x2ac: {  	[tilespmem:v22+s17+$0x0] =	vst.idx.msk $0xffff, v20  }
0x2ad: {  	v22 =	vor.u32 v18, v27;
	v20 =	vld.idx.msk [tilespmem:v23+s16+$0x0], $0xffff  }
0x2ae: {  	v23 =	vor.u32 v34, v21;
	_ =	sdelay $0x3  }
0x2af: {  	[tilespmem:v22+s17+$0x0] =	vst.idx.msk $0xffff, v20  }
0x2b0: {  	v22 =	vor.u32 v18, v29;
	v20 =	vld.idx.msk [tilespmem:v23+s16+$0x0], $0xffff  }
0x2b1: {  	v23 =	vor.u32 v36, v21;
	_ =	sdelay $0x3  }
0x2b2: {  	[tilespmem:v22+s17+$0x0] =	vst.idx.msk $0xffff, v20  }
0x2b3: {  	v22 =	vor.u32 v18, v31;
	v20 =	vld.idx.msk [tilespmem:v23+s16+$0x0], $0xffff  }
0x2b4: {  	v23 =	vor.u32 v38, v21;
	_ =	sdelay $0x3  }
0x2b5: {  	[tilespmem:v22+s17+$0x0] =	vst.idx.msk $0xffff, v20  }
0x2b6: {  	v22 =	vor.u32 v18, v33;
	v20 =	vld.idx.msk [tilespmem:v23+s16+$0x0], $0xffff  }
0x2b7: {  	v23 =	vor.u32 v40, v21;
	_ =	sdelay $0x3  }
0x2b8: {  	[tilespmem:v22+s17+$0x0] =	vst.idx.msk $0xffff, v20  }
0x2b9: {  	v22 =	vor.u32 v18, v35;
	v20 =	vld.idx.msk [tilespmem:v23+s16+$0x0], $0xffff  }
0x2ba: {  	v23 =	vor.u32 v42, v21;
	_ =	sdelay $0x3  }
0x2bb: {  	[tilespmem:v22+s17+$0x0] =	vst.idx.msk $0xffff, v20  }
0x2bc: {  	v22 =	vor.u32 v18, v37;
	v20 =	vld.idx.msk [tilespmem:v23+s16+$0x0], $0xffff  }
0x2bd: {  	v23 =	vor.u32 v44, v21;
	_ =	sdelay $0x3  }
0x2be: {  	[tilespmem:v22+s17+$0x0] =	vst.idx.msk $0xffff, v20  }
0x2bf: {  	v22 =	vor.u32 v18, v39;
	v20 =	vld.idx.msk [tilespmem:v23+s16+$0x0], $0xffff  }
0x2c0: {  	v23 =	vor.u32 v46, v21;
	_ =	sdelay $0x3  }
0x2c1: {  	[tilespmem:v22+s17+$0x0] =	vst.idx.msk $0xffff, v20  }
0x2c2: {  	v22 =	vor.u32 v18, v41;
	v20 =	vld.idx.msk [tilespmem:v23+s16+$0x0], $0xffff  }
0x2c3: {  	v23 =	vor.u32 v48, v21;
	_ =	sdelay $0x3  }
0x2c4: {  	[tilespmem:v22+s17+$0x0] =	vst.idx.msk $0xffff, v20  }
0x2c5: {  	v22 =	vor.u32 v18, v43;
	v20 =	vld.idx.msk [tilespmem:v23+s16+$0x0], $0xffff  }
0x2c6: {  	v23 =	vor.u32 v50, v21;
	_ =	sdelay $0x3  }
0x2c7: {  	[tilespmem:v22+s17+$0x0] =	vst.idx.msk $0xffff, v20  }
0x2c8: {  	v22 =	vor.u32 v18, v45;
	v20 =	vld.idx.msk [tilespmem:v23+s16+$0x0], $0xffff  }
0x2c9: {  	v23 =	vor.u32 v52, v21;
	_ =	sdelay $0x3  }
0x2ca: {  	[tilespmem:v22+s17+$0x0] =	vst.idx.msk $0xffff, v20  }
0x2cb: {  	v22 =	vld.idx.msk [tilespmem:v23+s16+$0x0], $0xffff;
	v23 =	vor.u32 v18, v47  }
0x2cc: {  	v21 =	vor.u32 v54, v21;
	_ =	sdelay $0x1  }
0x2cd: {  	s28 =	simm.s32 $0x10  }
0x2ce: {  	s29 =	simm.s32 $0x20;
	v20 =	vmov s28  }
.LBB2_6:
0x2cf: {  	p1 =	sne.s32 s29, $0x1F0;
	v20 =	vshll.u32 v20, $0x3;
	[tilespmem:v23+s17+$0x0] =	vst.idx.msk $0xffff, v22  }
0x2d0: {  	v22 =	vor.u32 s28, v0;
	v20 =	vand.u32 $0xC00, v20;
	v23 =	vld.idx.msk [tilespmem:v21+s16+$0x0], $0xffff  }
0x2d1: {  	v19 =	vor.u32 v18, v19;
	v21 =	vand.u32 $0x7F, v22;
	v29 =	vor.u32 v1, v20  }
0x2d2: {  	v24 =	vor.u32 v21, v29;
	_ =	sdelay $0x3  }
0x2d3: {  	[tilespmem:v19+s17+$0x0] =	vst.idx.msk $0xffff, v23  }
0x2d4: {  	v22 =	vshll.u32 v22, $0x5;
	v19 =	vld.idx.msk [tilespmem:v24+s16+$0x0], $0xffff;
	v24 =	vor.u32 s28, v2  }
0x2d5: {  	v25 =	vor.u32 v0, v22;
	v23 =	vand.u32 $0x7F, v24  }
0x2d6: {  	v26 =	vor.u32 v23, v29;
	_ =	sdelay $0x3  }
0x2d7: {  	[tilespmem:v25+s17+$0x0] =	vst.idx.msk $0xffff, v19  }
0x2d8: {  	v24 =	vshll.u32 v24, $0x5;
	v19 =	vld.idx.msk [tilespmem:v26+s16+$0x0], $0xffff;
	v26 =	vor.u32 s28, v3  }
0x2d9: {  	v27 =	vor.u32 v0, v24;
	v25 =	vand.u32 $0x7F, v26  }
0x2da: {  	v28 =	vor.u32 v25, v29;
	_ =	sdelay $0x3  }
0x2db: {  	[tilespmem:v27+s17+$0x0] =	vst.idx.msk $0xffff, v19  }
0x2dc: {  	v26 =	vshll.u32 v26, $0x5;
	v19 =	vld.idx.msk [tilespmem:v28+s16+$0x0], $0xffff;
	v28 =	vor.u32 s28, v4  }
0x2dd: {  	v30 =	vor.u32 v0, v26;
	v27 =	vand.u32 $0x7F, v28  }
0x2de: {  	v31 =	vor.u32 v27, v29;
	_ =	sdelay $0x3  }
0x2df: {  	[tilespmem:v30+s17+$0x0] =	vst.idx.msk $0xffff, v19  }
0x2e0: {  	v28 =	vshll.u32 v28, $0x5;
	v19 =	vld.idx.msk [tilespmem:v31+s16+$0x0], $0xffff;
	v31 =	vor.u32 s28, v5  }
0x2e1: {  	v32 =	vor.u32 v0, v28;
	v30 =	vand.u32 $0x7F, v31  }
0x2e2: {  	v33 =	vor.u32 v30, v29;
	_ =	sdelay $0x3  }
0x2e3: {  	[tilespmem:v32+s17+$0x0] =	vst.idx.msk $0xffff, v19  }
0x2e4: {  	v31 =	vshll.u32 v31, $0x5;
	v19 =	vld.idx.msk [tilespmem:v33+s16+$0x0], $0xffff;
	v33 =	vor.u32 s28, v6  }
0x2e5: {  	v34 =	vor.u32 v0, v31;
	v32 =	vand.u32 $0x7F, v33  }
0x2e6: {  	v35 =	vor.u32 v32, v29;
	_ =	sdelay $0x3  }
0x2e7: {  	[tilespmem:v34+s17+$0x0] =	vst.idx.msk $0xffff, v19  }
0x2e8: {  	v33 =	vshll.u32 v33, $0x5;
	v19 =	vld.idx.msk [tilespmem:v35+s16+$0x0], $0xffff;
	v35 =	vor.u32 s28, v7  }
0x2e9: {  	v36 =	vor.u32 v0, v33;
	v34 =	vand.u32 $0x7F, v35  }
0x2ea: {  	v37 =	vor.u32 v34, v29;
	_ =	sdelay $0x3  }
0x2eb: {  	[tilespmem:v36+s17+$0x0] =	vst.idx.msk $0xffff, v19  }
0x2ec: {  	v35 =	vshll.u32 v35, $0x5;
	v19 =	vld.idx.msk [tilespmem:v37+s16+$0x0], $0xffff;
	v37 =	vor.u32 s28, v8  }
0x2ed: {  	v38 =	vor.u32 v0, v35;
	v36 =	vand.u32 $0x7F, v37  }
0x2ee: {  	v39 =	vor.u32 v36, v29;
	_ =	sdelay $0x3  }
0x2ef: {  	[tilespmem:v38+s17+$0x0] =	vst.idx.msk $0xffff, v19  }
0x2f0: {  	v37 =	vshll.u32 v37, $0x5;
	v19 =	vld.idx.msk [tilespmem:v39+s16+$0x0], $0xffff;
	v39 =	vor.u32 s28, v9  }
0x2f1: {  	v40 =	vor.u32 v0, v37;
	v38 =	vand.u32 $0x7F, v39  }
0x2f2: {  	v41 =	vor.u32 v38, v29;
	_ =	sdelay $0x3  }
0x2f3: {  	[tilespmem:v40+s17+$0x0] =	vst.idx.msk $0xffff, v19  }
0x2f4: {  	v39 =	vshll.u32 v39, $0x5;
	v19 =	vld.idx.msk [tilespmem:v41+s16+$0x0], $0xffff;
	v41 =	vor.u32 s28, v10  }
0x2f5: {  	v42 =	vor.u32 v0, v39;
	v40 =	vand.u32 $0x7F, v41  }
0x2f6: {  	v43 =	vor.u32 v40, v29;
	_ =	sdelay $0x3  }
0x2f7: {  	[tilespmem:v42+s17+$0x0] =	vst.idx.msk $0xffff, v19  }
0x2f8: {  	v41 =	vshll.u32 v41, $0x5;
	v19 =	vld.idx.msk [tilespmem:v43+s16+$0x0], $0xffff;
	v43 =	vor.u32 s28, v11  }
0x2f9: {  	v44 =	vor.u32 v0, v41;
	v42 =	vand.u32 $0x7F, v43  }
0x2fa: {  	v45 =	vor.u32 v42, v29;
	_ =	sdelay $0x3  }
0x2fb: {  	[tilespmem:v44+s17+$0x0] =	vst.idx.msk $0xffff, v19  }
0x2fc: {  	v43 =	vshll.u32 v43, $0x5;
	v19 =	vld.idx.msk [tilespmem:v45+s16+$0x0], $0xffff;
	v45 =	vor.u32 s28, v12  }
0x2fd: {  	v46 =	vor.u32 v0, v43;
	v44 =	vand.u32 $0x7F, v45  }
0x2fe: {  	v47 =	vor.u32 v44, v29;
	_ =	sdelay $0x3  }
0x2ff: {  	[tilespmem:v46+s17+$0x0] =	vst.idx.msk $0xffff, v19  }
0x300: {  	v45 =	vshll.u32 v45, $0x5;
	v19 =	vld.idx.msk [tilespmem:v47+s16+$0x0], $0xffff;
	v47 =	vor.u32 s28, v13  }
0x301: {  	v48 =	vor.u32 v0, v45;
	v46 =	vand.u32 $0x7F, v47  }
0x302: {  	v49 =	vor.u32 v46, v29;
	_ =	sdelay $0x3  }
0x303: {  	[tilespmem:v48+s17+$0x0] =	vst.idx.msk $0xffff, v19  }
0x304: {  	v47 =	vshll.u32 v47, $0x5;
	v19 =	vld.idx.msk [tilespmem:v49+s16+$0x0], $0xffff;
	v49 =	vor.u32 s28, v14  }
0x305: {  	v50 =	vor.u32 v0, v47;
	v48 =	vand.u32 $0x7F, v49  }
0x306: {  	v51 =	vor.u32 v48, v29;
	_ =	sdelay $0x3  }
0x307: {  	[tilespmem:v50+s17+$0x0] =	vst.idx.msk $0xffff, v19  }
0x308: {  	v49 =	vshll.u32 v49, $0x5;
	v19 =	vld.idx.msk [tilespmem:v51+s16+$0x0], $0xffff;
	v51 =	vor.u32 s28, v15  }
0x309: {  	v52 =	vor.u32 v0, v49;
	v50 =	vand.u32 $0x7F, v51  }
0x30a: {  	v53 =	vor.u32 v50, v29;
	_ =	sdelay $0x3  }
0x30b: {  	[tilespmem:v52+s17+$0x0] =	vst.idx.msk $0xffff, v19  }
0x30c: {  	v51 =	vshll.u32 v51, $0x5;
	v19 =	vld.idx.msk [tilespmem:v53+s16+$0x0], $0xffff;
	v53 =	vor.u32 s28, v16;
	s28 =	smov.u32 s29  }
0x30d: {  	v54 =	vor.u32 v0, v51;
	v52 =	vand.u32 $0x7F, v53  }
0x30e: {  	v29 =	vor.u32 v52, v29;
	_ =	sdelay $0x3  }
0x30f: {  	[tilespmem:v54+s17+$0x0] =	vst.idx.msk $0xffff, v19  }
0x310: {  	v19 =	vshll.u32 v53, $0x5;
	v29 =	vld.idx.msk [tilespmem:v29+s16+$0x0], $0xffff  }
0x311: {  	v20 =	vor.u32 v17, v20;
	v53 =	vor.u32 v0, v19  }
0x312: {  	v21 =	vor.u32 v21, v20;
	_ =	sdelay $0x3  }
0x313: {  	[tilespmem:v53+s17+$0x0] =	vst.idx.msk $0xffff, v29  }
0x314: {  	v21 =	vld.idx.msk [tilespmem:v21+s16+$0x0], $0xffff  }
0x315: {  	v22 =	vor.u32 v18, v22  }
0x316: {  	v23 =	vor.u32 v23, v20;
	_ =	sdelay $0x3  }
0x317: {  	[tilespmem:v22+s17+$0x0] =	vst.idx.msk $0xffff, v21  }
0x318: {  	v21 =	vld.idx.msk [tilespmem:v23+s16+$0x0], $0xffff  }
0x319: {  	v22 =	vor.u32 v18, v24  }
0x31a: {  	v23 =	vor.u32 v25, v20;
	_ =	sdelay $0x3  }
0x31b: {  	[tilespmem:v22+s17+$0x0] =	vst.idx.msk $0xffff, v21  }
0x31c: {  	v21 =	vld.idx.msk [tilespmem:v23+s16+$0x0], $0xffff  }
0x31d: {  	v22 =	vor.u32 v18, v26  }
0x31e: {  	v23 =	vor.u32 v27, v20;
	_ =	sdelay $0x3  }
0x31f: {  	[tilespmem:v22+s17+$0x0] =	vst.idx.msk $0xffff, v21  }
0x320: {  	v21 =	vld.idx.msk [tilespmem:v23+s16+$0x0], $0xffff  }
0x321: {  	v22 =	vor.u32 v18, v28  }
0x322: {  	v23 =	vor.u32 v30, v20;
	_ =	sdelay $0x3  }
0x323: {  	[tilespmem:v22+s17+$0x0] =	vst.idx.msk $0xffff, v21  }
0x324: {  	v21 =	vld.idx.msk [tilespmem:v23+s16+$0x0], $0xffff  }
0x325: {  	v22 =	vor.u32 v18, v31  }
0x326: {  	v23 =	vor.u32 v32, v20;
	_ =	sdelay $0x3  }
0x327: {  	[tilespmem:v22+s17+$0x0] =	vst.idx.msk $0xffff, v21  }
0x328: {  	v21 =	vld.idx.msk [tilespmem:v23+s16+$0x0], $0xffff  }
0x329: {  	v22 =	vor.u32 v18, v33  }
0x32a: {  	v23 =	vor.u32 v34, v20;
	_ =	sdelay $0x3  }
0x32b: {  	[tilespmem:v22+s17+$0x0] =	vst.idx.msk $0xffff, v21  }
0x32c: {  	v21 =	vld.idx.msk [tilespmem:v23+s16+$0x0], $0xffff  }
0x32d: {  	v22 =	vor.u32 v18, v35  }
0x32e: {  	v23 =	vor.u32 v36, v20;
	_ =	sdelay $0x3  }
0x32f: {  	[tilespmem:v22+s17+$0x0] =	vst.idx.msk $0xffff, v21  }
0x330: {  	v21 =	vld.idx.msk [tilespmem:v23+s16+$0x0], $0xffff  }
0x331: {  	v22 =	vor.u32 v18, v37  }
0x332: {  	v23 =	vor.u32 v38, v20;
	_ =	sdelay $0x3  }
0x333: {  	[tilespmem:v22+s17+$0x0] =	vst.idx.msk $0xffff, v21  }
0x334: {  	v21 =	vld.idx.msk [tilespmem:v23+s16+$0x0], $0xffff  }
0x335: {  	v22 =	vor.u32 v18, v39  }
0x336: {  	v23 =	vor.u32 v40, v20;
	_ =	sdelay $0x3  }
0x337: {  	[tilespmem:v22+s17+$0x0] =	vst.idx.msk $0xffff, v21  }
0x338: {  	v21 =	vld.idx.msk [tilespmem:v23+s16+$0x0], $0xffff  }
0x339: {  	v22 =	vor.u32 v18, v41  }
0x33a: {  	v23 =	vor.u32 v42, v20;
	_ =	sdelay $0x3  }
0x33b: {  	[tilespmem:v22+s17+$0x0] =	vst.idx.msk $0xffff, v21  }
0x33c: {  	v21 =	vld.idx.msk [tilespmem:v23+s16+$0x0], $0xffff  }
0x33d: {  	v22 =	vor.u32 v18, v43  }
0x33e: {  	v23 =	vor.u32 v44, v20;
	_ =	sdelay $0x3  }
0x33f: {  	[tilespmem:v22+s17+$0x0] =	vst.idx.msk $0xffff, v21  }
0x340: {  	v21 =	vld.idx.msk [tilespmem:v23+s16+$0x0], $0xffff  }
0x341: {  	v22 =	vor.u32 v18, v45  }
0x342: {  	v23 =	vor.u32 v46, v20;
	_ =	sdelay $0x3  }
0x343: {  	[tilespmem:v22+s17+$0x0] =	vst.idx.msk $0xffff, v21  }
0x344: {  	v21 =	vld.idx.msk [tilespmem:v23+s16+$0x0], $0xffff  }
0x345: {  	v22 =	vor.u32 v18, v47  }
0x346: {  	v23 =	vor.u32 v48, v20;
	_ =	sdelay $0x3  }
0x347: {  	[tilespmem:v22+s17+$0x0] =	vst.idx.msk $0xffff, v21  }
0x348: {  	v21 =	vld.idx.msk [tilespmem:v23+s16+$0x0], $0xffff  }
0x349: {  	v22 =	vor.u32 v18, v49  }
0x34a: {  	v23 =	vor.u32 v50, v20;
	_ =	sdelay $0x3  }
0x34b: {  	[tilespmem:v22+s17+$0x0] =	vst.idx.msk $0xffff, v21  }
0x34c: {  	v22 =	vld.idx.msk [tilespmem:v23+s16+$0x0], $0xffff  }
.Ltmp6:
0x34d: {  	v23 =	vor.u32 v18, v51;
	(pc) =	sbr.rel @p1 .LBB2_6-.Ltmp6, $2  }
0x34e: {  	v21 =	vor.u32 v52, v20;
	_ =	sdelay $0x2  }
0x34f: {  	s29 =	sadd.s32 $0x10, s29;
	v20 =	vmov s28  }
0x350: {  	_ =	sdelay $0x2  }
0x351: {  	v20 =	vshll.u32 v20, $0x3  }
0x352: {  	[tilespmem:v23+s17+$0x0] =	vst.idx.msk $0xffff, v22;
	v30 =	vor.u32 s28, v0;
	v20 =	vand.u32 $0xC00, v20  }
0x353: {  	v19 =	vor.u32 v18, v19;
	v21 =	vld.idx.msk [tilespmem:v21+s16+$0x0], $0xffff;
	v23 =	vand.u32 $0x7F, v30;
	v24 =	vor.u32 v1, v20  }
0x354: {  	v25 =	vor.u32 v23, v24;
	_ =	sdelay $0x3  }
0x355: {  	v31 =	vor.u32 s28, v2;
	[tilespmem:v19+s17+$0x0] =	vst.idx.msk $0xffff, v21;
	v19 =	vshll.u32 v30, $0x5  }
0x356: {  	v26 =	vand.u32 $0x7F, v31;
	v33 =	vor.u32 v0, v19;
	v32 =	vld.idx.msk [tilespmem:v25+s16+$0x0], $0xffff  }
0x357: {  	v27 =	vor.u32 v26, v24;
	_ =	sdelay $0x3  }
0x358: {  	v34 =	vor.u32 s28, v3;
	v21 =	vshll.u32 v31, $0x5;
	[tilespmem:v33+s17+$0x0] =	vst.idx.msk $0xffff, v32  }
0x359: {  	v28 =	vand.u32 $0x7F, v34;
	v35 =	vor.u32 v0, v21;
	v25 =	vld.idx.msk [tilespmem:v27+s16+$0x0], $0xffff  }
0x35a: {  	v29 =	vor.u32 v28, v24;
	_ =	sdelay $0x3  }
0x35b: {  	v36 =	vor.u32 s28, v4;
	v22 =	vshll.u32 v34, $0x5;
	[tilespmem:v35+s17+$0x0] =	vst.idx.msk $0xffff, v25  }
0x35c: {  	v37 =	vor.u32 v0, v22;
	v30 =	vand.u32 $0x7F, v36;
	v27 =	vld.idx.msk [tilespmem:v29+s16+$0x0], $0xffff  }
0x35d: {  	v31 =	vor.u32 v30, v24;
	_ =	sdelay $0x3  }
0x35e: {  	v38 =	vor.u32 s28, v5;
	v25 =	vshll.u32 v36, $0x5;
	[tilespmem:v37+s17+$0x0] =	vst.idx.msk $0xffff, v27  }
0x35f: {  	v32 =	vand.u32 $0x7F, v38;
	v39 =	vor.u32 v0, v25;
	v29 =	vld.idx.msk [tilespmem:v31+s16+$0x0], $0xffff  }
0x360: {  	v33 =	vor.u32 v32, v24;
	_ =	sdelay $0x3  }
0x361: {  	v40 =	vor.u32 s28, v6;
	v27 =	vshll.u32 v38, $0x5;
	[tilespmem:v39+s17+$0x0] =	vst.idx.msk $0xffff, v29  }
0x362: {  	v34 =	vand.u32 $0x7F, v40;
	v41 =	vor.u32 v0, v27;
	v31 =	vld.idx.msk [tilespmem:v33+s16+$0x0], $0xffff  }
0x363: {  	v35 =	vor.u32 v34, v24;
	_ =	sdelay $0x3  }
0x364: {  	v42 =	vor.u32 s28, v7;
	v29 =	vshll.u32 v40, $0x5;
	[tilespmem:v41+s17+$0x0] =	vst.idx.msk $0xffff, v31  }
0x365: {  	v36 =	vand.u32 $0x7F, v42;
	v43 =	vor.u32 v0, v29;
	v33 =	vld.idx.msk [tilespmem:v35+s16+$0x0], $0xffff  }
0x366: {  	v37 =	vor.u32 v36, v24;
	_ =	sdelay $0x3  }
0x367: {  	v44 =	vor.u32 s28, v8;
	v31 =	vshll.u32 v42, $0x5;
	[tilespmem:v43+s17+$0x0] =	vst.idx.msk $0xffff, v33  }
0x368: {  	v38 =	vand.u32 $0x7F, v44;
	v45 =	vor.u32 v0, v31;
	v35 =	vld.idx.msk [tilespmem:v37+s16+$0x0], $0xffff  }
0x369: {  	v39 =	vor.u32 v38, v24;
	_ =	sdelay $0x3  }
0x36a: {  	v46 =	vor.u32 s28, v9;
	v33 =	vshll.u32 v44, $0x5;
	[tilespmem:v45+s17+$0x0] =	vst.idx.msk $0xffff, v35  }
0x36b: {  	v40 =	vand.u32 $0x7F, v46;
	v47 =	vor.u32 v0, v33;
	v37 =	vld.idx.msk [tilespmem:v39+s16+$0x0], $0xffff  }
0x36c: {  	v41 =	vor.u32 v40, v24;
	_ =	sdelay $0x3  }
0x36d: {  	v48 =	vor.u32 s28, v10;
	v35 =	vshll.u32 v46, $0x5;
	[tilespmem:v47+s17+$0x0] =	vst.idx.msk $0xffff, v37  }
0x36e: {  	v42 =	vand.u32 $0x7F, v48;
	v49 =	vor.u32 v0, v35;
	v39 =	vld.idx.msk [tilespmem:v41+s16+$0x0], $0xffff  }
0x36f: {  	v43 =	vor.u32 v42, v24;
	_ =	sdelay $0x3  }
0x370: {  	v50 =	vor.u32 s28, v11;
	v37 =	vshll.u32 v48, $0x5;
	[tilespmem:v49+s17+$0x0] =	vst.idx.msk $0xffff, v39  }
0x371: {  	v44 =	vand.u32 $0x7F, v50;
	v51 =	vor.u32 v0, v37;
	v41 =	vld.idx.msk [tilespmem:v43+s16+$0x0], $0xffff  }
0x372: {  	v45 =	vor.u32 v44, v24;
	_ =	sdelay $0x3  }
0x373: {  	v52 =	vor.u32 s28, v12;
	v39 =	vshll.u32 v50, $0x5;
	[tilespmem:v51+s17+$0x0] =	vst.idx.msk $0xffff, v41  }
0x374: {  	v46 =	vand.u32 $0x7F, v52;
	v53 =	vor.u32 v0, v39;
	v43 =	vld.idx.msk [tilespmem:v45+s16+$0x0], $0xffff  }
0x375: {  	v47 =	vor.u32 v46, v24;
	_ =	sdelay $0x3  }
0x376: {  	v54 =	vor.u32 s28, v13;
	v41 =	vshll.u32 v52, $0x5;
	[tilespmem:v53+s17+$0x0] =	vst.idx.msk $0xffff, v43  }
0x377: {  	v48 =	vand.u32 $0x7F, v54;
	v55 =	vor.u32 v0, v41;
	v45 =	vld.idx.msk [tilespmem:v47+s16+$0x0], $0xffff  }
0x378: {  	v49 =	vor.u32 v48, v24;
	_ =	sdelay $0x3  }
0x379: {  	v59 =	vor.u32 s28, v14;
	v43 =	vshll.u32 v54, $0x5;
	[tilespmem:v55+s17+$0x0] =	vst.idx.msk $0xffff, v45  }
0x37a: {  	v50 =	vand.u32 $0x7F, v59;
	v60 =	vor.u32 v0, v43;
	v47 =	vld.idx.msk [tilespmem:v49+s16+$0x0], $0xffff  }
0x37b: {  	v51 =	vor.u32 v50, v24;
	_ =	sdelay $0x3  }
0x37c: {  	v61 =	vor.u32 s28, v15;
	v45 =	vshll.u32 v59, $0x5;
	[tilespmem:v60+s17+$0x0] =	vst.idx.msk $0xffff, v47  }
0x37d: {  	v52 =	vand.u32 $0x7F, v61;
	v62 =	vor.u32 v0, v45;
	v49 =	vld.idx.msk [tilespmem:v51+s16+$0x0], $0xffff  }
0x37e: {  	v53 =	vor.u32 v52, v24;
	_ =	sdelay $0x3  }
0x37f: {  	v63 =	vor.u32 s28, v16;
	v47 =	vshll.u32 v61, $0x5;
	[tilespmem:v62+s17+$0x0] =	vst.idx.msk $0xffff, v49  }
0x380: {  	v54 =	vand.u32 $0x7F, v63;
	v59 =	vor.u32 v0, v47;
	v51 =	vld.idx.msk [tilespmem:v53+s16+$0x0], $0xffff  }
0x381: {  	v24 =	vor.u32 v54, v24;
	_ =	sdelay $0x3  }
0x382: {  	v49 =	vshll.u32 v63, $0x5;
	[tilespmem:v59+s17+$0x0] =	vst.idx.msk $0xffff, v51  }
0x383: {  	v20 =	vor.u32 v17, v20;
	v60 =	vor.u32 v0, v49;
	v24 =	vld.idx.msk [tilespmem:v24+s16+$0x0], $0xffff  }
0x384: {  	v23 =	vor.u32 v23, v20;
	_ =	sdelay $0x3  }
0x385: {  	[tilespmem:v60+s17+$0x0] =	vst.idx.msk $0xffff, v24  }
0x386: {  	v19 =	vor.u32 v18, v19;
	v23 =	vld.idx.msk [tilespmem:v23+s16+$0x0], $0xffff  }
0x387: {  	v61 =	vor.u32 v26, v20;
	_ =	sdelay $0x3  }
0x388: {  	[tilespmem:v19+s17+$0x0] =	vst.idx.msk $0xffff, v23  }
0x389: {  	v21 =	vor.u32 v18, v21;
	v19 =	vld.idx.msk [tilespmem:v61+s16+$0x0], $0xffff  }
0x38a: {  	v62 =	vor.u32 v28, v20;
	_ =	sdelay $0x3  }
0x38b: {  	[tilespmem:v21+s17+$0x0] =	vst.idx.msk $0xffff, v19  }
0x38c: {  	v63 =	vor.u32 v18, v22;
	v19 =	vld.idx.msk [tilespmem:v62+s16+$0x0], $0xffff  }
0x38d: {  	v24 =	vor.u32 v30, v20;
	_ =	sdelay $0x3  }
0x38e: {  	[tilespmem:v63+s17+$0x0] =	vst.idx.msk $0xffff, v19  }
0x38f: {  	v25 =	vor.u32 v18, v25;
	v19 =	vld.idx.msk [tilespmem:v24+s16+$0x0], $0xffff  }
0x390: {  	v26 =	vor.u32 v32, v20;
	_ =	sdelay $0x3  }
0x391: {  	[tilespmem:v25+s17+$0x0] =	vst.idx.msk $0xffff, v19  }
0x392: {  	v27 =	vor.u32 v18, v27;
	v19 =	vld.idx.msk [tilespmem:v26+s16+$0x0], $0xffff  }
0x393: {  	v28 =	vor.u32 v34, v20;
	_ =	sdelay $0x3  }
0x394: {  	[tilespmem:v27+s17+$0x0] =	vst.idx.msk $0xffff, v19  }
0x395: {  	v29 =	vor.u32 v18, v29;
	v19 =	vld.idx.msk [tilespmem:v28+s16+$0x0], $0xffff  }
0x396: {  	v30 =	vor.u32 v36, v20;
	_ =	sdelay $0x3  }
0x397: {  	[tilespmem:v29+s17+$0x0] =	vst.idx.msk $0xffff, v19  }
0x398: {  	v31 =	vor.u32 v18, v31;
	v19 =	vld.idx.msk [tilespmem:v30+s16+$0x0], $0xffff  }
0x399: {  	v32 =	vor.u32 v38, v20;
	_ =	sdelay $0x3  }
0x39a: {  	[tilespmem:v31+s17+$0x0] =	vst.idx.msk $0xffff, v19  }
0x39b: {  	v33 =	vor.u32 v18, v33;
	v19 =	vld.idx.msk [tilespmem:v32+s16+$0x0], $0xffff  }
0x39c: {  	v34 =	vor.u32 v40, v20;
	_ =	sdelay $0x3  }
0x39d: {  	[tilespmem:v33+s17+$0x0] =	vst.idx.msk $0xffff, v19  }
0x39e: {  	v36 =	vor.u32 v18, v35;
	v19 =	vld.idx.msk [tilespmem:v34+s16+$0x0], $0xffff  }
0x39f: {  	v38 =	vor.u32 v42, v20;
	_ =	sdelay $0x3  }
0x3a0: {  	[tilespmem:v36+s17+$0x0] =	vst.idx.msk $0xffff, v19  }
0x3a1: {  	v40 =	vor.u32 v18, v37;
	v19 =	vld.idx.msk [tilespmem:v38+s16+$0x0], $0xffff  }
0x3a2: {  	v42 =	vor.u32 v44, v20;
	_ =	sdelay $0x3  }
0x3a3: {  	[tilespmem:v40+s17+$0x0] =	vst.idx.msk $0xffff, v19  }
0x3a4: {  	v44 =	vor.u32 v18, v39;
	v19 =	vld.idx.msk [tilespmem:v42+s16+$0x0], $0xffff  }
0x3a5: {  	v51 =	vor.u32 v46, v20;
	_ =	sdelay $0x3  }
0x3a6: {  	[tilespmem:v44+s17+$0x0] =	vst.idx.msk $0xffff, v19  }
0x3a7: {  	v53 =	vor.u32 v18, v41;
	v19 =	vld.idx.msk [tilespmem:v51+s16+$0x0], $0xffff  }
0x3a8: {  	v55 =	vor.u32 v48, v20;
	_ =	sdelay $0x3  }
0x3a9: {  	[tilespmem:v53+s17+$0x0] =	vst.idx.msk $0xffff, v19  }
0x3aa: {  	v59 =	vor.u32 v18, v43;
	v19 =	vld.idx.msk [tilespmem:v55+s16+$0x0], $0xffff  }
0x3ab: {  	v60 =	vor.u32 v50, v20;
	_ =	sdelay $0x3  }
0x3ac: {  	[tilespmem:v59+s17+$0x0] =	vst.idx.msk $0xffff, v19  }
0x3ad: {  	v61 =	vor.u32 v18, v45;
	v19 =	vld.idx.msk [tilespmem:v60+s16+$0x0], $0xffff  }
0x3ae: {  	v62 =	vor.u32 v52, v20;
	_ =	sdelay $0x3  }
0x3af: {  	[tilespmem:v61+s17+$0x0] =	vst.idx.msk $0xffff, v19  }
0x3b0: {  	v63 =	vor.u32 v18, v47;
	v19 =	vld.idx.msk [tilespmem:v62+s16+$0x0], $0xffff  }
0x3b1: {  	v20 =	vor.u32 v54, v20;
	_ =	sdelay $0x3  }
0x3b2: {  	[tilespmem:v63+s17+$0x0] =	vst.idx.msk $0xffff, v19  }
0x3b3: {  	v19 =	vld.idx.msk [tilespmem:v20+s16+$0x0], $0xffff;
	v20 =	vor.u32 v18, v49;
	_ =	sdelay $0x1  }
.Ltmp7:
0x3b4: {  	_ = 	snop;
	(pc) =	sbr.rel .LBB2_8-.Ltmp7, $4  }
0x3b5: {  	_ = 	snop  }
0x3b6: {  	s1 =	sshll.u32 s26, $0xB  }
0x3b7: {  	s1 =	sadd.s32 s5, s1;
	[tilespmem:v20+s17+$0x0] =	vst.idx.msk $0xffff, v19  }
0x3b8: {  	v33 =	vld [tilespmem:$0x1FF50];
	v55 =	vmov v57;
	v59 =	vmov v56;
	[hbm4b:s1+s3] =	stream.linear.scatter [tilespmem:s17], [sflag:$0x4], $0x4000, $0x38  }
.LBB2_9:
0x3b9: {  	_ =	swait.ge [sflag:s18], $0x4000  }
0x3ba: {  	[sflag:s18] =	ssyncset.done $0x0  }
0x3bb: {  	[sflag:s18] =	ssyncadd.s32 $0xFFFFC000  }
0x3bc: {  	_ =	swait.ge [sflag:s19], $0x4000  }
0x3bd: {  	v31 =	vld [tilespmem:$0x1FED0]  }
0x3be: {  	v50 =	vld [tilespmem:$0x1FEE0]  }
0x3bf: {  	v56 =	vld [tilespmem:$0x1FEF0]  }
0x3c0: {  	v48 =	vld [tilespmem:$0x1FF00]  }
0x3c1: {  	v36 =	vld [tilespmem:$0x1FF10]  }
0x3c2: {  	v35 =	vld [tilespmem:$0x1FF20]  }
0x3c3: {  	v27 =	vld [tilespmem:$0x1FF30]  }
0x3c4: {  	v24 =	vld [tilespmem:$0x1FF40]  }
0x3c5: {  	v38 =	vld [tilespmem:$0x1FF60]  }
0x3c6: {  	v47 =	vld [tilespmem:$0x1FF70]  }
0x3c7: {  	v23 =	vld [tilespmem:$0x1FF80]  }
0x3c8: {  	v41 =	vld [tilespmem:$0x1FF90]  }
0x3c9: {  	v46 =	vld [tilespmem:$0x1FFA0]  }
.Ltmp8:
0x3ca: {  	v49 =	vld [tilespmem:$0x1FFB0];
	(pc) =	sbr.rel @p0 .LBB2_13-.Ltmp8, $4  }
0x3cb: {  	v51 =	vld [tilespmem:$0x1FFC0]  }
0x3cc: {  	v52 =	vld [tilespmem:$0x1FFD0]  }
0x3cd: {  	[sflag:s19] =	ssyncset.done $0x0;
	v60 =	vld [tilespmem:$0x1FFE0]  }
0x3ce: {  	v62 =	vld [tilespmem:$0x1FFF0];
	[sflag:s19] =	ssyncadd.s32 $0xFFFFC000  }
0x3cf: {  	v22 =	vmul.u32 $0x81, v0  }
0x3d0: {  	s25 =	simm.s32 $0x0  }
0x3d1: {  	s1 =	simm.s32 $0x400;
	v19 =	vor.u32 s25, v22  }
0x3d2: {  	[tilespmem:s21], [sflag:$0x5] =	stream.strided.gather [hbm4b:s8+s1], $0x1000, s12, s1, $0x38;
	[tilespmem:$0x11800] =	vst v63  }
0x3d3: {  	v21 =	vmul.u32 $0x20, v0;
	v20 =	vmov s25;
	_ =	swait.ge [sflag:s22], $0x1000  }
0x3d4: {  	v28 =	vshll.u32 v20, $0x5;
	[sflag:s22] =	ssyncset.done $0x0  }
0x3d5: {  	v29 =	vor.u32 v21, v28;
	[sflag:s22] =	ssyncadd.s32 $0xFFFFF000  }
0x3d6: {  	v20 =	vor.u32 v0, v29;
	v19 =	vld.idx.msk [tilespmem:v19+s21+$0x0], $0xffff  }
0x3d7: {  	[tilespmem:$0x1FCF0] =	vst v21;
	v21 =	vor.u32 s25, v33;
	_ =	sdelay $0x3  }
0x3d8: {  	v30 =	vor.u32 v24, v28;
	[tilespmem:v20+s23+$0x0] =	vst.idx.msk $0xffff, v19  }
0x3d9: {  	v20 =	vor.u32 v0, v30;
	v19 =	vld.idx.msk [tilespmem:v21+s21+$0x0], $0xffff  }
0x3da: {  	v21 =	vor.u32 s25, v38;
	_ =	sdelay $0x3  }
0x3db: {  	[tilespmem:v20+s23+$0x0] =	vst.idx.msk $0xffff, v19  }
0x3dc: {  	v20 =	vld.idx.msk [tilespmem:v21+s21+$0x0], $0xffff  }
0x3dd: {  	v43 =	vimm.s32 $0x160;
	v21 =	vld [tilespmem:$0x1FD90]  }
0x3de: {  	v24 =	vsel vm1, $0x180, v43  }
0x3df: {  	v24 =	vsel vm2, $0x1A0, v24  }
0x3e0: {  	v19 =	vsel vm3, $0x1C0, v24  }
0x3e1: {  	vm15 =	vcmask $0x1F14;
	v19 =	vsel vm4, $0x1E0, v19  }
0x3e2: {  	v53 =	vmov v31;
	v31 =	vor.u32 v27, v28;
	v19 =	vsel vm15, v21, v19;
	v21 =	vld [tilespmem:$0x1FDA0]  }
0x3e3: {  	v27 =	vld [tilespmem:$0x1FD80];
	v24 =	vor.u32 v0, v31  }
0x3e4: {  	v44 =	vld [tilespmem:$0x1FD70]  }
0x3e5: {  	v25 =	vor.u32 s25, v47;
	_ =	sdelay $0x1  }
0x3e6: {  	vm8 =	vcmask $0xB00;
	v37 =	vld [tilespmem:$0x1FD60];
	v19 =	vcombine.low v21, v19  }
0x3e7: {  	v54 =	vmovc v50;
	v50 =	vimm.s32 $0x180;
	v26 =	vor.u32 s25, v23;
	v27 =	vnsel vm8, $0x80, v27;
	[tilespmem:v24+s23+$0x0] =	vst.idx.msk $0xffff, v20  }
0x3e8: {  	v20 =	vsel vm4, $0x100, v44;
	[tilespmem:$0x1FD00] =	vst v19;
	v32 =	vor.u32 v19, v28;
	v19 =	vsel vm1, $0x1A0, v50  }
0x3e9: {  	v25 =	vld.idx.msk [tilespmem:v25+s21+$0x0], $0xffff;
	v20 =	vsel vm5, $0x120, v20;
	v24 =	vor.u32 v0, v32;
	v19 =	vsel vm2, $0x1C0, v19  }
0x3ea: {  	vm15 =	vcmask $0x1F10;
	v20 =	vsel vm6, $0x140, v20;
	v19 =	vsel vm3, $0x1E0, v19  }
0x3eb: {  	v27 =	vsel vm3, $0x100, v27;
	v20 =	vsel vm7, $0x160, v20;
	v19 =	vsel vm15, v37, v19  }
0x3ec: {  	v19 =	vcombine.low v20, v19;
	v20 =	vsel vm4, $0x120, v27  }
0x3ed: {  	v20 =	vsel vm5, $0x140, v20  }
0x3ee: {  	v45 =	vld [tilespmem:$0x1FDB0];
	[tilespmem:v24+s23+$0x0] =	vst.idx.msk $0xffff, v25;
	v33 =	vor.u32 v19, v28;
	v20 =	vsel vm6, $0x160, v20  }
0x3ef: {  	vm8 =	vcmask $0x2320;
	v24 =	vld.idx.msk [tilespmem:v26+s21+$0x0], $0xffff;
	v25 =	vor.u32 v0, v33;
	v20 =	vsel vm7, $0x180, v20  }
0x3f0: {  	v26 =	vor.u32 s25, v41;
	v20 =	vsel vm8, $0x1A0, v20;
	vm8 =	vcmask $0x2724  }
0x3f1: {  	v20 =	vsel vm8, $0x1C0, v20  }
0x3f2: {  	v20 =	vsel vm10, $0x1E0, v20  }
0x3f3: {  	[tilespmem:$0x1FD10] =	vst v19;
	v19 =	vsel vm9, v45, v20  }
0x3f4: {  	[tilespmem:v25+s23+$0x0] =	vst.idx.msk $0xffff, v24;
	v34 =	vor.u32 v19, v28  }
0x3f5: {  	v20 =	vld.idx.msk [tilespmem:v26+s21+$0x0], $0xffff;
	v24 =	vor.u32 v0, v34  }
0x3f6: {  	v25 =	vor.u32 s25, v46;
	_ =	sdelay $0x3  }
0x3f7: {  	v35 =	vor.u32 v35, v28;
	[tilespmem:v24+s23+$0x0] =	vst.idx.msk $0xffff, v20  }
0x3f8: {  	v24 =	vor.u32 v0, v35;
	v20 =	vld.idx.msk [tilespmem:v25+s21+$0x0], $0xffff  }
0x3f9: {  	v42 =	vimm.s32 $0x100;
	v25 =	vor.u32 s25, v49  }
0x3fa: {  	v26 =	vsel vm1, $0x120, v42  }
0x3fb: {  	v26 =	vsel vm2, $0x140, v26  }
0x3fc: {  	v26 =	vsel vm3, $0x160, v26  }
0x3fd: {  	v36 =	vor.u32 v36, v28;
	[tilespmem:v24+s23+$0x0] =	vst.idx.msk $0xffff, v20;
	v20 =	vsel vm4, $0x180, v26  }
0x3fe: {  	v24 =	vld.idx.msk [tilespmem:v25+s21+$0x0], $0xffff;
	v25 =	vor.u32 v0, v36;
	v20 =	vsel vm5, $0x1A0, v20  }
0x3ff: {  	v37 =	vand.u32 $0xFF, v37;
	v26 =	vor.u32 s25, v51;
	v20 =	vsel vm6, $0x1C0, v20  }
0x400: {  	v39 =	vsel vm0, $0x120, v42;
	v63 =	vsel vm15, v44, v37;
	v20 =	vsel vm7, $0x1E0, v20  }
0x401: {  	v21 =	vmov v46;
	v46 =	vsel vm1, $0x140, v39;
	v20 =	vcombine.low v20, v63  }
0x402: {  	[tilespmem:$0x1FD20] =	vst v19;
	v19 =	vmov v38;
	v38 =	vsel vm2, $0x160, v46  }
0x403: {  	v46 =	vld [tilespmem:$0x1FDC0];
	[tilespmem:v25+s23+$0x0] =	vst.idx.msk $0xffff, v24;
	v39 =	vor.u32 v20, v28;
	v24 =	vsel vm3, $0x180, v38  }
0x404: {  	v25 =	vld.idx.msk [tilespmem:v26+s21+$0x0], $0xffff;
	v49 =	vor.u32 v0, v39;
	v24 =	vsel vm4, $0x1A0, v24  }
0x405: {  	v40 =	vor.u32 s25, v52;
	v24 =	vsel vm5, $0x1C0, v24  }
0x406: {  	vm8 =	vcmask $0x2B1C;
	v24 =	vsel vm6, $0x1E0, v24  }
0x407: {  	v24 =	vsel vm8, v45, v24  }
0x408: {  	[tilespmem:$0x1FD30] =	vst v20;
	v20 =	vsel vm9, v46, v24  }
0x409: {  	[tilespmem:v49+s23+$0x0] =	vst.idx.msk $0xffff, v25;
	v38 =	vor.u32 v20, v28  }
0x40a: {  	v24 =	vld.idx.msk [tilespmem:v40+s21+$0x0], $0xffff;
	v25 =	vor.u32 v0, v38  }
0x40b: {  	v51 =	vor.u32 s25, v60;
	_ =	sdelay $0x3  }
0x40c: {  	v61 =	vmov v41;
	v41 =	vor.u32 v48, v28;
	[tilespmem:v25+s23+$0x0] =	vst.idx.msk $0xffff, v24  }
0x40d: {  	v25 =	vor.u32 v0, v41;
	v24 =	vld.idx.msk [tilespmem:v51+s21+$0x0], $0xffff  }
0x40e: {  	v52 =	vor.u32 s25, v62  }
0x40f: {  	v49 =	vld [tilespmem:$0x1FDD0];
	_ =	sdelay $0x2  }
0x410: {  	v57 =	vsel vm0, $0x180, v43;
	v43 =	vor.u32 v56, v28;
	[tilespmem:v25+s23+$0x0] =	vst.idx.msk $0xffff, v24  }
0x411: {  	v26 =	vmov v62;
	v62 =	vor.u32 v0, v43;
	v25 =	vld.idx.msk [tilespmem:v52+s21+$0x0], $0xffff  }
0x412: {  	v63 =	vor.u32 s25, v49  }
0x413: {  	v42 =	vsel vm1, $0x1A0, v57  }
0x414: {  	v42 =	vsel vm2, $0x1C0, v42  }
0x415: {  	v24 =	vsel vm3, $0x1E0, v42  }
0x416: {  	v24 =	vsel vm15, v37, v24;
	vm15 =	vcmask $0x2F20;
	[tilespmem:v62+s23+$0x0] =	vst.idx.msk $0xffff, v25  }
0x417: {  	v24 =	vsel vm15, v44, v24;
	v37 =	vld.idx.msk [tilespmem:v63+s21+$0x0], $0xffff  }
0x418: {  	v51 =	vsel vm0, $0x1A0, v50;
	v24 =	vsel vm12, $0x100, v24;
	v63 =	vld [tilespmem:$0x1FDE0]  }
0x419: {  	v42 =	vsel vm1, $0x1C0, v51;
	v24 =	vsel vm13, $0x120, v24  }
0x41a: {  	v42 =	vsel vm2, $0x1E0, v42;
	vm15 =	vcmask $0x1B0C;
	v24 =	vsel vm14, $0x140, v24  }
0x41b: {  	v40 =	vor.u32 v24, v28;
	v25 =	vsel vm15, v45, v42  }
0x41c: {  	v52 =	vor.u32 v0, v40;
	v25 =	vsel vm8, v46, v25  }
0x41d: {  	v25 =	vsel vm11, $0x100, v25;
	v57 =	vor.u32 s25, v63  }
0x41e: {  	v51 =	vld [tilespmem:$0x1FDF0];
	v25 =	vsel vm12, $0x120, v25  }
0x41f: {  	v25 =	vsel vm13, $0x140, v25  }
0x420: {  	v25 =	vsel vm14, $0x160, v25  }
0x421: {  	[tilespmem:v52+s23+$0x0] =	vst.idx.msk $0xffff, v37;
	v37 =	vor.u32 v25, v28  }
0x422: {  	v62 =	vor.u32 v0, v37;
	v42 =	vld.idx.msk [tilespmem:v57+s21+$0x0], $0xffff  }
0x423: {  	v57 =	vor.u32 s25, v51  }
0x424: {  	v52 =	vld [tilespmem:$0x1FE00];
	_ =	sdelay $0x2  }
0x425: {  	[tilespmem:v62+s23+$0x0] =	vst.idx.msk $0xffff, v42;
	v42 =	vor.u32 v54, v28  }
0x426: {  	v44 =	vld.idx.msk [tilespmem:v57+s21+$0x0], $0xffff;
	v62 =	vor.u32 v0, v42  }
0x427: {  	v57 =	vor.u32 s25, v52;
	_ =	sdelay $0x3  }
0x428: {  	v28 =	vor.u32 v53, v28;
	[tilespmem:v62+s23+$0x0] =	vst.idx.msk $0xffff, v44  }
0x429: {  	[tilespmem:$0x1FD40] =	vst v20;
	v20 =	vor.u32 $0x800, v22;
	v50 =	vmov v54;
	v54 =	vor.u32 v0, v28;
	v44 =	vld.idx.msk [tilespmem:v57+s21+$0x0], $0xffff  }
0x42a: {  	v57 =	vor.u32 s25, v20  }
0x42b: {  	v62 =	vmov v53;
	v53 =	vld [tilespmem:$0x1FE10];
	_ =	sdelay $0x2  }
0x42c: {  	[tilespmem:v54+s23+$0x0] =	vst.idx.msk $0xffff, v44  }
0x42d: {  	v29 =	vor.u32 v18, v29;
	v44 =	vld.idx.msk [tilespmem:v57+s21+$0x0], $0xffff  }
0x42e: {  	v45 =	vor.u32 s25, v53;
	_ =	sdelay $0x3  }
0x42f: {  	v54 =	vld [tilespmem:$0x1FE20];
	[tilespmem:v29+s23+$0x0] =	vst.idx.msk $0xffff, v44  }
0x430: {  	v30 =	vor.u32 v18, v30;
	v29 =	vld.idx.msk [tilespmem:v45+s21+$0x0], $0xffff;
	_ =	sdelay $0x3  }
0x431: {  	v44 =	vor.u32 s25, v54  }
0x432: {  	[tilespmem:v30+s23+$0x0] =	vst.idx.msk $0xffff, v29;
	v30 =	vor.u32 v18, v31;
	v31 =	vld [tilespmem:$0x1FE30];
	_ =	sdelay $0x3  }
0x433: {  	v29 =	vld.idx.msk [tilespmem:v44+s21+$0x0], $0xffff  }
0x434: {  	v31 =	vor.u32 s25, v31  }
0x435: {  	v53 =	vld [tilespmem:$0x1FE40];
	_ =	sdelay $0x2  }
0x436: {  	[tilespmem:v30+s23+$0x0] =	vst.idx.msk $0xffff, v29  }
0x437: {  	v30 =	vor.u32 v18, v32;
	v29 =	vld.idx.msk [tilespmem:v31+s21+$0x0], $0xffff  }
0x438: {  	v31 =	vor.u32 s25, v53  }
0x439: {  	v54 =	vld [tilespmem:$0x1FE50];
	_ =	sdelay $0x2  }
0x43a: {  	[tilespmem:v30+s23+$0x0] =	vst.idx.msk $0xffff, v29  }
0x43b: {  	v30 =	vor.u32 v18, v33;
	v29 =	vld.idx.msk [tilespmem:v31+s21+$0x0], $0xffff  }
0x43c: {  	v31 =	vor.u32 s25, v54  }
0x43d: {  	v57 =	vmov v55;
	v55 =	vld [tilespmem:$0x1FE60];
	_ =	sdelay $0x2  }
0x43e: {  	[tilespmem:v30+s23+$0x0] =	vst.idx.msk $0xffff, v29  }
0x43f: {  	v30 =	vor.u32 v18, v34;
	v29 =	vld.idx.msk [tilespmem:v31+s21+$0x0], $0xffff  }
0x440: {  	v31 =	vor.u32 s25, v55;
	_ =	sdelay $0x3  }
0x441: {  	[tilespmem:v30+s23+$0x0] =	vst.idx.msk $0xffff, v29  }
0x442: {  	v30 =	vor.u32 v18, v35;
	v29 =	vld.idx.msk [tilespmem:v31+s21+$0x0], $0xffff  }
0x443: {  	v31 =	vor.u32 s25, v59;
	_ =	sdelay $0x3  }
0x444: {  	[tilespmem:v30+s23+$0x0] =	vst.idx.msk $0xffff, v29  }
0x445: {  	v30 =	vor.u32 v18, v36;
	v29 =	vld.idx.msk [tilespmem:v31+s21+$0x0], $0xffff  }
0x446: {  	v31 =	vor.u32 s25, v57  }
0x447: {  	[tilespmem:$0x1FD50] =	vst v20;
	v20 =	vmov v57;
	v57 =	vld [tilespmem:$0x1FE70];
	_ =	sdelay $0x2  }
0x448: {  	[tilespmem:v30+s23+$0x0] =	vst.idx.msk $0xffff, v29  }
0x449: {  	v30 =	vor.u32 v18, v39;
	v29 =	vld.idx.msk [tilespmem:v31+s21+$0x0], $0xffff  }
0x44a: {  	v31 =	vor.u32 s25, v57;
	_ =	sdelay $0x3  }
0x44b: {  	[tilespmem:v30+s23+$0x0] =	vst.idx.msk $0xffff, v29  }
0x44c: {  	v30 =	vor.u32 v18, v38;
	v29 =	vld.idx.msk [tilespmem:v31+s21+$0x0], $0xffff  }
0x44d: {  	v31 =	vor.u32 s25, v58;
	_ =	sdelay $0x3  }
0x44e: {  	[tilespmem:v30+s23+$0x0] =	vst.idx.msk $0xffff, v29  }
0x44f: {  	v29 =	vld.idx.msk [tilespmem:v31+s21+$0x0], $0xffff  }
0x450: {  	v31 =	vld [tilespmem:$0x1FE80];
	_ =	sdelay $0x3  }
0x451: {  	v30 =	vor.u32 v18, v41  }
0x452: {  	v31 =	vor.u32 s25, v31  }
0x453: {  	v27 =	vmov v59;
	v59 =	vmov v58;
	v58 =	vld [tilespmem:$0x1FE90];
	_ =	sdelay $0x2  }
0x454: {  	[tilespmem:v30+s23+$0x0] =	vst.idx.msk $0xffff, v29  }
0x455: {  	v30 =	vor.u32 v18, v43;
	v29 =	vld.idx.msk [tilespmem:v31+s21+$0x0], $0xffff  }
0x456: {  	v31 =	vor.u32 s25, v58;
	_ =	sdelay $0x3  }
0x457: {  	[tilespmem:v30+s23+$0x0] =	vst.idx.msk $0xffff, v29  }
0x458: {  	v29 =	vld.idx.msk [tilespmem:v31+s21+$0x0], $0xffff  }
0x459: {  	v31 =	vld [tilespmem:$0x1FEA0];
	_ =	sdelay $0x3  }
0x45a: {  	v30 =	vor.u32 v18, v40  }
0x45b: {  	v31 =	vor.u32 s25, v31;
	_ =	sdelay $0x3  }
0x45c: {  	[tilespmem:v30+s23+$0x0] =	vst.idx.msk $0xffff, v29  }
0x45d: {  	v29 =	vld.idx.msk [tilespmem:v31+s21+$0x0], $0xffff  }
0x45e: {  	v31 =	vld [tilespmem:$0x1FEB0];
	_ =	sdelay $0x3  }
0x45f: {  	v30 =	vor.u32 v18, v37  }
0x460: {  	v31 =	vor.u32 s25, v31;
	_ =	sdelay $0x3  }
0x461: {  	[tilespmem:v30+s23+$0x0] =	vst.idx.msk $0xffff, v29  }
0x462: {  	v29 =	vld.idx.msk [tilespmem:v31+s21+$0x0], $0xffff  }
0x463: {  	v31 =	vld [tilespmem:$0x1FEC0];
	_ =	sdelay $0x3  }
0x464: {  	v30 =	vor.u32 v18, v42  }
0x465: {  	v31 =	vor.u32 s25, v31;
	_ =	sdelay $0x3  }
0x466: {  	[tilespmem:v30+s23+$0x0] =	vst.idx.msk $0xffff, v29  }
0x467: {  	s26 =	simm.s32 $0x20;
	s25 =	simm.s32 $0x10;
	v29 =	vld.idx.msk [tilespmem:v31+s21+$0x0], $0xffff  }
.LBB2_11:
0x468: {  	v30 =	vor.u32 v18, v28;
	_ =	sdelay $0x4  }
0x469: {  	[tilespmem:v30+s23+$0x0] =	vst.idx.msk $0xffff, v29;
	v29 =	vld [tilespmem:$0x1FCF0]  }
0x46a: {  	v31 =	vor.u32 s25, v22;
	_ =	sdelay $0x1  }
0x46b: {  	v28 =	vmov s25  }
0x46c: {  	v28 =	vshll.u32 v28, $0x5  }
0x46d: {  	v29 =	vor.u32 v29, v28  }
0x46e: {  	v30 =	vld.idx.msk [tilespmem:v31+s21+$0x0], $0xffff;
	v31 =	vor.u32 v0, v29  }
0x46f: {  	v32 =	vld [tilespmem:$0x1FF50];
	_ =	sdelay $0x3  }
0x470: {  	[tilespmem:v31+s23+$0x0] =	vst.idx.msk $0xffff, v30;
	v30 =	vld [tilespmem:$0x1FF40]  }
0x471: {  	v32 =	vor.u32 s25, v32;
	_ =	sdelay $0x3  }
0x472: {  	v30 =	vor.u32 v30, v28  }
0x473: {  	v31 =	vld.idx.msk [tilespmem:v32+s21+$0x0], $0xffff;
	v41 =	vor.u32 v0, v30;
	_ =	sdelay $0x4  }
0x474: {  	[tilespmem:v41+s23+$0x0] =	vst.idx.msk $0xffff, v31;
	v31 =	vld [tilespmem:$0x1FF30]  }
0x475: {  	v33 =	vor.u32 s25, v19;
	_ =	sdelay $0x3  }
0x476: {  	v43 =	vld [tilespmem:$0x1FD00];
	v31 =	vor.u32 v31, v28  }
0x477: {  	v32 =	vld.idx.msk [tilespmem:v33+s21+$0x0], $0xffff;
	v42 =	vor.u32 v0, v31  }
0x478: {  	v34 =	vor.u32 s25, v47;
	_ =	sdelay $0x3  }
0x479: {  	v45 =	vld [tilespmem:$0x1FD10];
	[tilespmem:v42+s23+$0x0] =	vst.idx.msk $0xffff, v32;
	v32 =	vor.u32 v43, v28  }
0x47a: {  	v33 =	vld.idx.msk [tilespmem:v34+s21+$0x0], $0xffff;
	v44 =	vor.u32 v0, v32  }
0x47b: {  	v35 =	vor.u32 s25, v23;
	_ =	sdelay $0x3  }
0x47c: {  	v39 =	vld [tilespmem:$0x1FD20];
	[tilespmem:v44+s23+$0x0] =	vst.idx.msk $0xffff, v33;
	v33 =	vor.u32 v45, v28  }
0x47d: {  	v34 =	vld.idx.msk [tilespmem:v35+s21+$0x0], $0xffff;
	v46 =	vor.u32 v0, v33  }
0x47e: {  	v36 =	vor.u32 s25, v61;
	_ =	sdelay $0x3  }
0x47f: {  	v41 =	vld [tilespmem:$0x1FF20];
	[tilespmem:v46+s23+$0x0] =	vst.idx.msk $0xffff, v34;
	v34 =	vor.u32 v39, v28  }
0x480: {  	v35 =	vld.idx.msk [tilespmem:v36+s21+$0x0], $0xffff;
	v40 =	vor.u32 v0, v34  }
0x481: {  	v37 =	vor.u32 s25, v21  }
0x482: {  	v38 =	vld [tilespmem:$0x1FFB0];
	_ =	sdelay $0x2  }
0x483: {  	v43 =	vld [tilespmem:$0x1FF10];
	[tilespmem:v40+s23+$0x0] =	vst.idx.msk $0xffff, v35;
	v35 =	vor.u32 v41, v28  }
0x484: {  	v36 =	vld.idx.msk [tilespmem:v37+s21+$0x0], $0xffff;
	v42 =	vor.u32 v0, v35  }
0x485: {  	v38 =	vor.u32 s25, v38  }
0x486: {  	v39 =	vld [tilespmem:$0x1FFC0];
	_ =	sdelay $0x2  }
0x487: {  	v45 =	vld [tilespmem:$0x1FD30];
	[tilespmem:v42+s23+$0x0] =	vst.idx.msk $0xffff, v36;
	v36 =	vor.u32 v43, v28  }
0x488: {  	v37 =	vld.idx.msk [tilespmem:v38+s21+$0x0], $0xffff;
	v44 =	vor.u32 v0, v36  }
0x489: {  	v39 =	vor.u32 s25, v39  }
0x48a: {  	v40 =	vld [tilespmem:$0x1FFD0];
	_ =	sdelay $0x2  }
0x48b: {  	v43 =	vld [tilespmem:$0x1FD40];
	[tilespmem:v44+s23+$0x0] =	vst.idx.msk $0xffff, v37;
	v37 =	vor.u32 v45, v28  }
0x48c: {  	v38 =	vld.idx.msk [tilespmem:v39+s21+$0x0], $0xffff;
	v46 =	vor.u32 v0, v37  }
0x48d: {  	v40 =	vor.u32 s25, v40;
	_ =	sdelay $0x3  }
0x48e: {  	[tilespmem:v46+s23+$0x0] =	vst.idx.msk $0xffff, v38;
	v38 =	vor.u32 v43, v28  }
0x48f: {  	v39 =	vld.idx.msk [tilespmem:v40+s21+$0x0], $0xffff;
	v44 =	vor.u32 v0, v38  }
0x490: {  	v41 =	vor.u32 s25, v60;
	_ =	sdelay $0x3  }
0x491: {  	[tilespmem:v44+s23+$0x0] =	vst.idx.msk $0xffff, v39;
	v39 =	vor.u32 v48, v28  }
0x492: {  	v40 =	vld.idx.msk [tilespmem:v41+s21+$0x0], $0xffff;
	v45 =	vor.u32 v0, v39  }
0x493: {  	v42 =	vor.u32 s25, v26;
	_ =	sdelay $0x3  }
0x494: {  	[tilespmem:v45+s23+$0x0] =	vst.idx.msk $0xffff, v40;
	v40 =	vor.u32 v56, v28  }
0x495: {  	v41 =	vld.idx.msk [tilespmem:v42+s21+$0x0], $0xffff;
	v46 =	vor.u32 v0, v40  }
0x496: {  	v43 =	vor.u32 s25, v49;
	_ =	sdelay $0x3  }
0x497: {  	[tilespmem:v46+s23+$0x0] =	vst.idx.msk $0xffff, v41;
	v41 =	vor.u32 v24, v28  }
0x498: {  	v42 =	vld.idx.msk [tilespmem:v43+s21+$0x0], $0xffff;
	v43 =	vor.u32 v0, v41  }
0x499: {  	v44 =	vor.u32 s25, v63;
	_ =	sdelay $0x3  }
0x49a: {  	[tilespmem:v43+s23+$0x0] =	vst.idx.msk $0xffff, v42;
	v42 =	vor.u32 v25, v28  }
0x49b: {  	v43 =	vld.idx.msk [tilespmem:v44+s21+$0x0], $0xffff;
	v44 =	vor.u32 v0, v42  }
0x49c: {  	v45 =	vor.u32 s25, v51;
	_ =	sdelay $0x3  }
0x49d: {  	[tilespmem:v44+s23+$0x0] =	vst.idx.msk $0xffff, v43;
	v43 =	vor.u32 v50, v28  }
0x49e: {  	v44 =	vld.idx.msk [tilespmem:v45+s21+$0x0], $0xffff;
	v45 =	vor.u32 v0, v43  }
0x49f: {  	v46 =	vor.u32 s25, v52;
	_ =	sdelay $0x3  }
0x4a0: {  	v28 =	vor.u32 v62, v28;
	[tilespmem:v45+s23+$0x0] =	vst.idx.msk $0xffff, v44  }
0x4a1: {  	v45 =	vor.u32 v0, v28;
	v44 =	vld.idx.msk [tilespmem:v46+s21+$0x0], $0xffff;
	v46 =	vor.u32 $0x800, v22  }
0x4a2: {  	v46 =	vor.u32 s25, v46;
	_ =	sdelay $0x3  }
0x4a3: {  	[tilespmem:v45+s23+$0x0] =	vst.idx.msk $0xffff, v44  }
0x4a4: {  	v44 =	vld.idx.msk [tilespmem:v46+s21+$0x0], $0xffff  }
0x4a5: {  	v46 =	vld [tilespmem:$0x1FE10];
	_ =	sdelay $0x3  }
0x4a6: {  	v29 =	vor.u32 v18, v29  }
0x4a7: {  	v45 =	vor.u32 s25, v46;
	_ =	sdelay $0x3  }
0x4a8: {  	[tilespmem:v29+s23+$0x0] =	vst.idx.msk $0xffff, v44  }
0x4a9: {  	v29 =	vld.idx.msk [tilespmem:v45+s21+$0x0], $0xffff  }
0x4aa: {  	v45 =	vld [tilespmem:$0x1FE20];
	_ =	sdelay $0x3  }
0x4ab: {  	v30 =	vor.u32 v18, v30  }
0x4ac: {  	v44 =	vor.u32 s25, v45;
	_ =	sdelay $0x3  }
0x4ad: {  	[tilespmem:v30+s23+$0x0] =	vst.idx.msk $0xffff, v29  }
0x4ae: {  	v29 =	vld.idx.msk [tilespmem:v44+s21+$0x0], $0xffff  }
0x4af: {  	v44 =	vld [tilespmem:$0x1FE30];
	_ =	sdelay $0x3  }
0x4b0: {  	v30 =	vor.u32 v18, v31  }
0x4b1: {  	v31 =	vor.u32 s25, v44;
	_ =	sdelay $0x3  }
0x4b2: {  	[tilespmem:v30+s23+$0x0] =	vst.idx.msk $0xffff, v29  }
0x4b3: {  	v30 =	vor.u32 v18, v32;
	v29 =	vld.idx.msk [tilespmem:v31+s21+$0x0], $0xffff  }
0x4b4: {  	v31 =	vor.u32 s25, v53;
	_ =	sdelay $0x3  }
0x4b5: {  	[tilespmem:v30+s23+$0x0] =	vst.idx.msk $0xffff, v29  }
0x4b6: {  	v30 =	vor.u32 v18, v33;
	v29 =	vld.idx.msk [tilespmem:v31+s21+$0x0], $0xffff  }
0x4b7: {  	v31 =	vor.u32 s25, v54;
	_ =	sdelay $0x3  }
0x4b8: {  	[tilespmem:v30+s23+$0x0] =	vst.idx.msk $0xffff, v29  }
0x4b9: {  	v30 =	vor.u32 v18, v34;
	v29 =	vld.idx.msk [tilespmem:v31+s21+$0x0], $0xffff  }
0x4ba: {  	v31 =	vor.u32 s25, v55;
	_ =	sdelay $0x3  }
0x4bb: {  	[tilespmem:v30+s23+$0x0] =	vst.idx.msk $0xffff, v29  }
0x4bc: {  	v30 =	vor.u32 v18, v35;
	v29 =	vld.idx.msk [tilespmem:v31+s21+$0x0], $0xffff  }
0x4bd: {  	v31 =	vor.u32 s25, v27;
	_ =	sdelay $0x3  }
0x4be: {  	[tilespmem:v30+s23+$0x0] =	vst.idx.msk $0xffff, v29  }
0x4bf: {  	v30 =	vor.u32 v18, v36;
	v29 =	vld.idx.msk [tilespmem:v31+s21+$0x0], $0xffff  }
0x4c0: {  	v31 =	vor.u32 s25, v20;
	_ =	sdelay $0x3  }
0x4c1: {  	[tilespmem:v30+s23+$0x0] =	vst.idx.msk $0xffff, v29  }
0x4c2: {  	v30 =	vor.u32 v18, v37;
	v29 =	vld.idx.msk [tilespmem:v31+s21+$0x0], $0xffff  }
0x4c3: {  	v31 =	vor.u32 s25, v57;
	_ =	sdelay $0x3  }
0x4c4: {  	[tilespmem:v30+s23+$0x0] =	vst.idx.msk $0xffff, v29  }
0x4c5: {  	v30 =	vor.u32 v18, v38;
	v29 =	vld.idx.msk [tilespmem:v31+s21+$0x0], $0xffff;
	_ =	sdelay $0x3  }
0x4c6: {  	v31 =	vor.u32 s25, v59  }
0x4c7: {  	[tilespmem:v30+s23+$0x0] =	vst.idx.msk $0xffff, v29;
	v30 =	vor.u32 v18, v39;
	v39 =	vld [tilespmem:$0x1FE80];
	_ =	sdelay $0x3  }
0x4c8: {  	v29 =	vld.idx.msk [tilespmem:v31+s21+$0x0], $0xffff  }
0x4c9: {  	v31 =	vor.u32 s25, v39;
	_ =	sdelay $0x3  }
0x4ca: {  	[tilespmem:v30+s23+$0x0] =	vst.idx.msk $0xffff, v29  }
0x4cb: {  	v30 =	vor.u32 v18, v40;
	v29 =	vld.idx.msk [tilespmem:v31+s21+$0x0], $0xffff  }
0x4cc: {  	v31 =	vor.u32 s25, v58  }
0x4cd: {  	v40 =	vld [tilespmem:$0x1FEA0];
	_ =	sdelay $0x2  }
0x4ce: {  	[tilespmem:v30+s23+$0x0] =	vst.idx.msk $0xffff, v29  }
0x4cf: {  	v30 =	vor.u32 v18, v41;
	v29 =	vld.idx.msk [tilespmem:v31+s21+$0x0], $0xffff  }
0x4d0: {  	v31 =	vor.u32 s25, v40  }
0x4d1: {  	v41 =	vld [tilespmem:$0x1FEB0];
	_ =	sdelay $0x2  }
0x4d2: {  	[tilespmem:v30+s23+$0x0] =	vst.idx.msk $0xffff, v29  }
0x4d3: {  	v30 =	vor.u32 v18, v42;
	v29 =	vld.idx.msk [tilespmem:v31+s21+$0x0], $0xffff  }
0x4d4: {  	v31 =	vor.u32 s25, v41  }
0x4d5: {  	v42 =	vld [tilespmem:$0x1FEC0];
	_ =	sdelay $0x2  }
0x4d6: {  	[tilespmem:v30+s23+$0x0] =	vst.idx.msk $0xffff, v29  }
0x4d7: {  	v30 =	vor.u32 v18, v43;
	v29 =	vld.idx.msk [tilespmem:v31+s21+$0x0], $0xffff  }
0x4d8: {  	p1 =	sne.s32 s26, $0x30;
	v31 =	vor.u32 s25, v42  }
.Ltmp9:
0x4d9: {  	_ = 	snop;
	(pc) =	sbr.rel @p1 .LBB2_11-.Ltmp9, $3  }
0x4da: {  	_ =	sdelay $0x1  }
0x4db: {  	[tilespmem:v30+s23+$0x0] =	vst.idx.msk $0xffff, v29  }
0x4dc: {  	s25 =	smov.u32 s26;
	s26 =	sadd.s32 $0x10, s26;
	v29 =	vld.idx.msk [tilespmem:v31+s21+$0x0], $0xffff  }
0x4dd: {  	v28 =	vor.u32 v18, v28;
	v32 =	vld [tilespmem:$0x1FCF0]  }
0x4de: {  	v22 =	vor.u32 s25, v22  }
0x4df: {  	v33 =	vld [tilespmem:$0x1FF50]  }
0x4e0: {  	v30 =	vmov s25  }
0x4e1: {  	v30 =	vshll.u32 v30, $0x5  }
0x4e2: {  	v34 =	vld [tilespmem:$0x1FF40];
	[tilespmem:v28+s23+$0x0] =	vst.idx.msk $0xffff, v29;
	v28 =	vor.u32 v32, v30  }
0x4e3: {  	[tilespmem:$0x1FCE0] =	vst v28;
	v22 =	vld.idx.msk [tilespmem:v22+s21+$0x0], $0xffff;
	v28 =	vor.u32 v0, v28  }
0x4e4: {  	v29 =	vor.u32 s25, v33;
	_ =	sdelay $0x3  }
0x4e5: {  	v31 =	vor.u32 s25, v19;
	v19 =	vld [tilespmem:$0x1FF30];
	[tilespmem:v28+s23+$0x0] =	vst.idx.msk $0xffff, v22;
	v22 =	vor.u32 v34, v30  }
0x4e6: {  	v28 =	vld.idx.msk [tilespmem:v29+s21+$0x0], $0xffff;
	v35 =	vor.u32 v0, v22;
	_ =	sdelay $0x4  }
0x4e7: {  	[tilespmem:v35+s23+$0x0] =	vst.idx.msk $0xffff, v28;
	v28 =	vor.u32 v19, v30;
	v19 =	vld [tilespmem:$0x1FD00]  }
0x4e8: {  	v29 =	vld.idx.msk [tilespmem:v31+s21+$0x0], $0xffff;
	v36 =	vor.u32 v0, v28  }
0x4e9: {  	v32 =	vor.u32 s25, v47;
	_ =	sdelay $0x3  }
0x4ea: {  	v47 =	vor.u32 v19, v30;
	[tilespmem:v36+s23+$0x0] =	vst.idx.msk $0xffff, v29  }
0x4eb: {  	v37 =	vor.u32 v0, v47;
	v29 =	vld.idx.msk [tilespmem:v32+s21+$0x0], $0xffff  }
0x4ec: {  	v38 =	vor.u32 s25, v23;
	v19 =	vld [tilespmem:$0x1FD10];
	_ =	sdelay $0x3  }
0x4ed: {  	[tilespmem:v37+s23+$0x0] =	vst.idx.msk $0xffff, v29  }
0x4ee: {  	v19 =	vor.u32 v19, v30;
	v29 =	vld.idx.msk [tilespmem:v38+s21+$0x0], $0xffff  }
0x4ef: {  	v43 =	vor.u32 v0, v19;
	v38 =	vld [tilespmem:$0x1FD20]  }
0x4f0: {  	v61 =	vor.u32 s25, v61;
	_ =	sdelay $0x3  }
0x4f1: {  	v35 =	vld [tilespmem:$0x1FF20];
	[tilespmem:v43+s23+$0x0] =	vst.idx.msk $0xffff, v29;
	v38 =	vor.u32 v38, v30  }
0x4f2: {  	v29 =	vld.idx.msk [tilespmem:v61+s21+$0x0], $0xffff;
	v43 =	vor.u32 v0, v38  }
0x4f3: {  	v61 =	vor.u32 s25, v21  }
0x4f4: {  	v37 =	vld [tilespmem:$0x1FFB0];
	_ =	sdelay $0x2  }
0x4f5: {  	[tilespmem:v43+s23+$0x0] =	vst.idx.msk $0xffff, v29;
	v29 =	vor.u32 v35, v30;
	v43 =	vld [tilespmem:$0x1FF10]  }
0x4f6: {  	v31 =	vld.idx.msk [tilespmem:v61+s21+$0x0], $0xffff;
	v36 =	vor.u32 v0, v29  }
0x4f7: {  	v33 =	vor.u32 s25, v37  }
0x4f8: {  	v35 =	vld [tilespmem:$0x1FFC0];
	_ =	sdelay $0x2  }
0x4f9: {  	[tilespmem:v36+s23+$0x0] =	vst.idx.msk $0xffff, v31;
	v31 =	vor.u32 v43, v30;
	v36 =	vld [tilespmem:$0x1FD30]  }
0x4fa: {  	v32 =	vld.idx.msk [tilespmem:v33+s21+$0x0], $0xffff;
	v61 =	vor.u32 v0, v31  }
0x4fb: {  	v34 =	vor.u32 s25, v35  }
0x4fc: {  	v43 =	vld [tilespmem:$0x1FFD0];
	_ =	sdelay $0x2  }
0x4fd: {  	v35 =	vld [tilespmem:$0x1FD40];
	v23 =	vor.u32 v36, v30;
	[tilespmem:v61+s23+$0x0] =	vst.idx.msk $0xffff, v32  }
0x4fe: {  	v37 =	vor.u32 v0, v23;
	v32 =	vld.idx.msk [tilespmem:v34+s21+$0x0], $0xffff  }
0x4ff: {  	v61 =	vor.u32 s25, v43;
	_ =	sdelay $0x3  }
0x500: {  	v43 =	vor.u32 v35, v30;
	[tilespmem:v37+s23+$0x0] =	vst.idx.msk $0xffff, v32  }
0x501: {  	v36 =	vor.u32 v0, v43;
	v32 =	vld.idx.msk [tilespmem:v61+s21+$0x0], $0xffff  }
0x502: {  	v37 =	vor.u32 s25, v60;
	_ =	sdelay $0x3  }
0x503: {  	[tilespmem:v36+s23+$0x0] =	vst.idx.msk $0xffff, v32;
	v32 =	vor.u32 v48, v30  }
0x504: {  	v33 =	vld.idx.msk [tilespmem:v37+s21+$0x0], $0xffff;
	v48 =	vor.u32 v0, v32  }
0x505: {  	v35 =	vor.u32 s25, v26;
	_ =	sdelay $0x3  }
0x506: {  	[tilespmem:v48+s23+$0x0] =	vst.idx.msk $0xffff, v33;
	v33 =	vor.u32 v56, v30  }
0x507: {  	v34 =	vld.idx.msk [tilespmem:v35+s21+$0x0], $0xffff;
	v60 =	vor.u32 v0, v33  }
0x508: {  	v36 =	vor.u32 s25, v49;
	_ =	sdelay $0x3  }
0x509: {  	v24 =	vor.u32 v24, v30;
	[tilespmem:v60+s23+$0x0] =	vst.idx.msk $0xffff, v34  }
0x50a: {  	v61 =	vor.u32 v0, v24;
	v34 =	vld.idx.msk [tilespmem:v36+s21+$0x0], $0xffff  }
0x50b: {  	v21 =	vor.u32 s25, v63;
	_ =	sdelay $0x3  }
0x50c: {  	v25 =	vor.u32 v25, v30;
	[tilespmem:v61+s23+$0x0] =	vst.idx.msk $0xffff, v34  }
0x50d: {  	v48 =	vor.u32 v0, v25;
	v34 =	vld.idx.msk [tilespmem:v21+s21+$0x0], $0xffff  }
0x50e: {  	v49 =	vor.u32 s25, v51;
	_ =	sdelay $0x3  }
0x50f: {  	[tilespmem:v48+s23+$0x0] =	vst.idx.msk $0xffff, v34;
	v34 =	vor.u32 v50, v30  }
0x510: {  	v35 =	vld.idx.msk [tilespmem:v49+s21+$0x0], $0xffff;
	v51 =	vor.u32 v0, v34  }
0x511: {  	v37 =	vor.u32 s25, v52  }
0x512: {  	v60 =	vld [tilespmem:$0x1FD50];
	_ =	sdelay $0x2  }
0x513: {  	v30 =	vor.u32 v62, v30;
	[tilespmem:v51+s23+$0x0] =	vst.idx.msk $0xffff, v35  }
0x514: {  	v56 =	vor.u32 v0, v30;
	v35 =	vld.idx.msk [tilespmem:v37+s21+$0x0], $0xffff  }
0x515: {  	v61 =	vor.u32 s25, v60;
	v62 =	vld [tilespmem:$0x1FCE0];
	_ =	sdelay $0x3  }
0x516: {  	[tilespmem:v56+s23+$0x0] =	vst.idx.msk $0xffff, v35  }
0x517: {  	v63 =	vor.u32 v18, v62;
	v35 =	vld.idx.msk [tilespmem:v61+s21+$0x0], $0xffff  }
0x518: {  	v21 =	vor.u32 s25, v46;
	_ =	sdelay $0x3  }
0x519: {  	[tilespmem:v63+s23+$0x0] =	vst.idx.msk $0xffff, v35  }
0x51a: {  	v22 =	vor.u32 v18, v22;
	v36 =	vld.idx.msk [tilespmem:v21+s21+$0x0], $0xffff  }
0x51b: {  	v26 =	vor.u32 s25, v45;
	_ =	sdelay $0x3  }
0x51c: {  	[tilespmem:v22+s23+$0x0] =	vst.idx.msk $0xffff, v36  }
0x51d: {  	v36 =	vor.u32 v18, v28;
	v22 =	vld.idx.msk [tilespmem:v26+s21+$0x0], $0xffff  }
0x51e: {  	v37 =	vor.u32 s25, v44;
	_ =	sdelay $0x3  }
0x51f: {  	[tilespmem:v36+s23+$0x0] =	vst.idx.msk $0xffff, v22  }
0x520: {  	v44 =	vor.u32 v18, v47;
	v22 =	vld.idx.msk [tilespmem:v37+s21+$0x0], $0xffff  }
0x521: {  	v45 =	vor.u32 s25, v53;
	_ =	sdelay $0x3  }
0x522: {  	[tilespmem:v44+s23+$0x0] =	vst.idx.msk $0xffff, v22  }
0x523: {  	v19 =	vor.u32 v18, v19;
	v21 =	vld.idx.msk [tilespmem:v45+s21+$0x0], $0xffff  }
0x524: {  	v46 =	vor.u32 s25, v54;
	_ =	sdelay $0x3  }
0x525: {  	[tilespmem:v19+s23+$0x0] =	vst.idx.msk $0xffff, v21  }
0x526: {  	v47 =	vor.u32 v18, v38;
	v19 =	vld.idx.msk [tilespmem:v46+s21+$0x0], $0xffff  }
0x527: {  	v48 =	vor.u32 s25, v55;
	_ =	sdelay $0x3  }
0x528: {  	[tilespmem:v47+s23+$0x0] =	vst.idx.msk $0xffff, v19  }
0x529: {  	v49 =	vor.u32 v18, v29;
	v19 =	vld.idx.msk [tilespmem:v48+s21+$0x0], $0xffff  }
0x52a: {  	v50 =	vor.u32 s25, v27;
	_ =	sdelay $0x3  }
0x52b: {  	[tilespmem:v49+s23+$0x0] =	vst.idx.msk $0xffff, v19  }
0x52c: {  	v51 =	vor.u32 v18, v31;
	v19 =	vld.idx.msk [tilespmem:v50+s21+$0x0], $0xffff  }
0x52d: {  	v52 =	vor.u32 s25, v20;
	_ =	sdelay $0x3  }
0x52e: {  	[tilespmem:v51+s23+$0x0] =	vst.idx.msk $0xffff, v19  }
0x52f: {  	v55 =	vmov v20;
	v20 =	vor.u32 v18, v23;
	v19 =	vld.idx.msk [tilespmem:v52+s21+$0x0], $0xffff  }
0x530: {  	v53 =	vor.u32 s25, v57;
	_ =	sdelay $0x3  }
0x531: {  	[tilespmem:v20+s23+$0x0] =	vst.idx.msk $0xffff, v19  }
0x532: {  	v20 =	vor.u32 v18, v43;
	v19 =	vld.idx.msk [tilespmem:v53+s21+$0x0], $0xffff  }
0x533: {  	v57 =	vor.u32 s25, v59;
	_ =	sdelay $0x3  }
0x534: {  	[tilespmem:v20+s23+$0x0] =	vst.idx.msk $0xffff, v19  }
0x535: {  	v20 =	vor.u32 v18, v32;
	v19 =	vld.idx.msk [tilespmem:v57+s21+$0x0], $0xffff  }
0x536: {  	v54 =	vmov v59;
	v59 =	vor.u32 s25, v39;
	_ =	sdelay $0x3  }
0x537: {  	[tilespmem:v20+s23+$0x0] =	vst.idx.msk $0xffff, v19  }
0x538: {  	v20 =	vor.u32 v18, v33;
	v19 =	vld.idx.msk [tilespmem:v59+s21+$0x0], $0xffff  }
0x539: {  	v60 =	vor.u32 s25, v58;
	_ =	sdelay $0x3  }
0x53a: {  	[tilespmem:v20+s23+$0x0] =	vst.idx.msk $0xffff, v19  }
0x53b: {  	v20 =	vor.u32 v18, v24;
	v19 =	vld.idx.msk [tilespmem:v60+s21+$0x0], $0xffff  }
0x53c: {  	v61 =	vor.u32 s25, v40;
	_ =	sdelay $0x3  }
0x53d: {  	[tilespmem:v20+s23+$0x0] =	vst.idx.msk $0xffff, v19  }
0x53e: {  	v20 =	vor.u32 v18, v25;
	v19 =	vld.idx.msk [tilespmem:v61+s21+$0x0], $0xffff  }
0x53f: {  	v62 =	vor.u32 s25, v41;
	_ =	sdelay $0x3  }
0x540: {  	[tilespmem:v20+s23+$0x0] =	vst.idx.msk $0xffff, v19  }
0x541: {  	v20 =	vor.u32 v18, v34;
	v19 =	vld.idx.msk [tilespmem:v62+s21+$0x0], $0xffff  }
0x542: {  	v63 =	vor.u32 s25, v42;
	_ =	sdelay $0x3  }
0x543: {  	[tilespmem:v20+s23+$0x0] =	vst.idx.msk $0xffff, v19  }
0x544: {  	v20 =	vor.u32 v18, v30;
	v19 =	vld.idx.msk [tilespmem:v63+s21+$0x0], $0xffff;
	_ =	sdelay $0x4  }
.Ltmp10:
0x545: {  	[tilespmem:v20+s23+$0x0] =	vst.idx.msk $0xffff, v19;
	(pc) =	sbr.rel .LBB2_13-.Ltmp10, $4  }
0x546: {  	[hbm4b:s9+s3] =	stream.linear.scatter [tilespmem:s23], [sflag:$0x5], $0x800, $0x38;
	[tilespmem:$0x11800] =	vst v63  }
0x547: {  	_ =	swait.ge [sflag:s22], $0x800  }
0x548: {  	[sflag:s22] =	ssyncset.done $0x0  }
0x549: {  	v58 =	vmov v54;
	v59 =	vmov v27;
	[sflag:s22] =	ssyncadd.s32 $0xFFFFF800  }
.LBB2_14:
0x54a: {  	_ =	sfence.sel $0x180000  }
0x54b: {  	[bflag:$0x0] =	sbarrier.arrive $0xFFFF  }
0x54c: {  	_ =	strace $0x90000047  }
0x54d: {  	s0 =	stileid.u32;
	[bflag:$0x2] =	sbarrier.arrive $0xFFFF  }
0x54e: {  	p0 =	sne.s32 s0, $0x0;
	s0 =	rddreg [dreg:$0x2]  }
0x54f: {  	s0 =	sadd.s32 @!p0 $0x100000, s0  }
0x550: {  	[sflag:s0] =	ssyncadd.tile.s32 @!p0 $0x1;
	_ =	shalt  }
.Lfunc_end2:
_tile_overlayer_lowered:
.L_overlay_start_2:
0x551: {  	(tag) =	ssettag $0x2  }
0x552: {  	s0 =	rddreg [dreg:$0x0];
	s2 =	stileid.u32  }
0x553: {  	s1 =	rddreg [dreg:$0x1];
	p0 =	sne.s32 s2, $0x0  }
0x554: {  	s3 =	rddreg [dreg:$0x2];
	[bflag:$0x3] =	sbarrier.arrive $0xFFFF;
	s2 =	simm.s32 @!p0 $0x1C05  }
0x555: {  	[timem:s3], [sflag:s2] =	dma.local @!p0 [hbm:s0], s1  }
0x556: {  	s0 =	simm.s32 @!p0 $0x5  }
0x557: {  	_ =	swait.ge @!p0 [sflag:s0], s1  }
0x558: {  	s1 =	ssub.s32 @!p0 $0x0, s1;
	[sflag:s0] =	ssyncset.done @!p0 $0x0  }
0x559: {  	[sflag:s0] =	ssyncadd.s32 @!p0 s1  }
0x55a: {  	[bflag:$0x3] =	sbarrier.arrive $0xFFFF  }
0x55b: {  	_ =	shalt  }

// kernel: kernel.7.cloned.1.call-start
scs
__scs_entry_jumppad:
0x0: {  	(pc) =	sbr.rel $0x88, $3  }
0x1: {  	(tag) =	ssettag $0x0;
	lr =	simm.s32 $0x1  }
0x2: {  	[smem:$0x3F9F] =	sst lr;
	_ =	strace $0xD0000000  }
0x3: {  	_ = 	snop  }
0x4: {  	_ = 	snop  }
0x5: {  	_ = 	snop  }
0x6: {  	_ = 	snop  }
0x7: {  	_ = 	snop  }
__scs_overlays_trampoline_lowered:
0x8: {  	[smem:$0x3FAE] =	sst s0  }
0x9: {  	[smem:$0x3FAF] =	sst s1  }
0xa: {  	[smem:$0x3FB0] =	sst s2  }
0xb: {  	[smem:$0x3FB1] =	sst s3  }
0xc: {  	[smem:$0x3FB2] =	sst s4  }
0xd: {  	[smem:$0x3FB3] =	sst s5  }
0xe: {  	[smem:$0x3FB4] =	sst s6  }
0xf: {  	[smem:$0x3FB5] =	sst s7  }
0x10: {  	[smem:$0x3FB6] =	sst s8  }
0x11: {  	[smem:$0x3FB7] =	sst s9;
	s0 =	simm.s32 @!p0 $0x0  }
0x12: {  	s1 =	sld [smem:$0x3F9D];
	s0 =	simm.s32 @p0 $0x1  }
0x13: {  	[smem:$0x3FB8] =	sst s0;
	s0 =	simm.s32 @!p1 $0x0  }
0x14: {  	s2 =	sld [smem:$0x3F9C];
	s0 =	simm.s32 @p1 $0x1  }
0x15: {  	[smem:$0x3FB9] =	sst s0;
	s0 =	simm.s32 @!p2 $0x0  }
0x16: {  	s3 =	sld [smem:$0x3FDB];
	s0 =	simm.s32 @p2 $0x1  }
0x17: {  	s4 =	simm.s32 $0x1BF5;
	[smem:$0x3FBB] =	sst s0  }
0x18: {  	s0 =	sld [smem:$0x3F9E];
	_ =	swait.ge [sflag:s4], $0x0  }
0x19: {  	s7 =	sld [smem:$0x3F9F]  }
0x1a: {  	s8 =	sadd.s32 $0xFFFFE003, lr  }
0x1b: {  	s9 =	sadd.s32 $0xFFFFFEF7, lr;
	s5 =	simm.s32 $0xFFFFFFFF;
	p2 =	slt.u32 s8, $0xFFFFF086  }
0x1c: {  	p1 =	slt.u32 s9, $0xF7A;
	s5 =	simm.s32 @!p2 $0x0  }
0x1d: {  	s5 =	simm.s32 @p1 $0x1;
	p0 =	seq.s32 s7, s2  }
0x1e: {  	s7 =	smul.u32 @!p0 $0xF7A, s2;
	p2 =	seq.s32 @!p0 s5, $0x0  }
0x1f: {  	s9 =	smul.u32 $0xF7A, s1;
	s8 =	simm.s32 @!p0 $0x1BF5;
	p2 =	por !p2, p0  }
0x20: {  	[sflag:s8] =	ssyncset.s32 @!p0 $0xFFFFF086;
	s6 =	sadd.s32 @!p0 s3, s7;
	s7 =	simm.s32 @!p0 $0x108  }
0x21: {  	s3 =	sadd.s32 s3, s9;
	s6 =	sadd.s32 @!p0 $0x88, s6;
	s7 =	simm.s32 @p2 $0x1082  }
0x22: {  	[simem:s7], [sflag:s8] =	dma.local @!p0 [hbm:s6], $0xF7A  }
0x23: {  	s9 =	sor.u32 $0xD0000000, s2;
	s6 =	simm.s32 $0x108;
	_ =	swait.ge @!p0 [sflag:s8], $0x0  }
0x24: {  	s3 =	sadd.s32 $0x88, s3;
	s6 =	simm.s32 @!p1 $0x1082;
	[sflag:s4] =	ssyncset.s32 $0xFFFFF086  }
0x25: {  	[simem:s6], [sflag:s4] =	dma.local [hbm:s3], $0xF7A  }
0x26: {  	[smem:$0x3F9F] =	sst s1;
	(tag) =	ssettag s2;
	_ =	strace s9  }
0x27: {  	s1 =	sld [smem:$0x3FAF]  }
0x28: {  	s2 =	sld [smem:$0x3FB0]  }
0x29: {  	s4 =	sld [smem:$0x3FB2]  }
0x2a: {  	p0 =	seq.s32 s5, $0x0;
	s5 =	sld [smem:$0x3FB3]  }
0x2b: {  	s6 =	sld [smem:$0x3FB4]  }
0x2c: {  	s7 =	sld [smem:$0x3FB5]  }
0x2d: {  	s3 =	simm.s32 $0x108;
	s8 =	sld [smem:$0x3FB6]  }
0x2e: {  	s3 =	simm.s32 @!p0 $0x1082;
	s9 =	sld [smem:$0x3FB7]  }
0x2f: {  	lr =	sadd.s32 s0, s3;
	s0 =	sld [smem:$0x3FAE]  }
0x30: {  	s3 =	sld [smem:$0x3FB1]  }
0x31: {  	[smem:$0x3FBA] =	sst s10  }
0x32: {  	s10 =	sld [smem:$0x3FB8];
	_ =	sdelay $0x3  }
0x33: {  	p0 =	seq.s32 s10, $0x1;
	s10 =	sld [smem:$0x3FBA];
	_ =	sdelay $0x3  }
0x34: {  	[smem:$0x3FBA] =	sst s10  }
0x35: {  	s10 =	sld [smem:$0x3FB9];
	_ =	sdelay $0x3  }
0x36: {  	p1 =	seq.s32 s10, $0x1;
	s10 =	sld [smem:$0x3FBA];
	_ =	sdelay $0x3  }
0x37: {  	[smem:$0x3FBA] =	sst s10  }
0x38: {  	s10 =	sld [smem:$0x3FBB]  }
0x39: {  	_ = 	snop;
	(pc) =	sbr.ind lr, $3  }
0x3a: {  	_ = 	snop  }
0x3b: {  	_ = 	snop  }
0x3c: {  	p2 =	seq.s32 s10, $0x1;
	s10 =	sld [smem:$0x3FBA]  }
0x3d: {  	_ =	shalt  }
0x3e: {  	_ =	shalt  }
0x3f: {  	_ =	shalt  }
0x40: {  	_ =	shalt  }
0x41: {  	_ =	shalt  }
0x42: {  	_ =	shalt  }
0x43: {  	_ =	shalt  }
0x44: {  	_ =	shalt  }
0x45: {  	_ =	shalt  }
0x46: {  	_ =	shalt  }
0x47: {  	_ =	shalt  }
0x48: {  	_ =	shalt  }
0x49: {  	_ =	shalt  }
0x4a: {  	_ =	shalt  }
0x4b: {  	_ =	shalt  }
0x4c: {  	_ =	shalt  }
0x4d: {  	_ =	shalt  }
0x4e: {  	_ =	shalt  }
0x4f: {  	_ =	shalt  }
0x50: {  	_ =	shalt  }
0x51: {  	_ =	shalt  }
0x52: {  	_ =	shalt  }
0x53: {  	_ =	shalt  }
0x54: {  	_ =	shalt  }
0x55: {  	_ =	shalt  }
0x56: {  	_ =	shalt  }
0x57: {  	_ =	shalt  }
0x58: {  	_ =	shalt  }
0x59: {  	_ =	shalt  }
0x5a: {  	_ =	shalt  }
0x5b: {  	_ =	shalt  }
0x5c: {  	_ =	shalt  }
0x5d: {  	_ =	shalt  }
0x5e: {  	_ =	shalt  }
0x5f: {  	_ =	shalt  }
0x60: {  	_ =	shalt  }
0x61: {  	_ =	shalt  }
0x62: {  	_ =	shalt  }
0x63: {  	_ =	shalt  }
0x64: {  	_ =	shalt  }
0x65: {  	_ =	shalt  }
0x66: {  	_ =	shalt  }
0x67: {  	_ =	shalt  }
0x68: {  	_ =	shalt  }
0x69: {  	_ =	shalt  }
0x6a: {  	_ =	shalt  }
0x6b: {  	_ =	shalt  }
0x6c: {  	_ =	shalt  }
0x6d: {  	_ =	shalt  }
0x6e: {  	_ =	shalt  }
0x6f: {  	_ =	shalt  }
0x70: {  	_ =	shalt  }
0x71: {  	_ =	shalt  }
0x72: {  	_ =	shalt  }
0x73: {  	_ =	shalt  }
0x74: {  	_ =	shalt  }
0x75: {  	_ =	shalt  }
0x76: {  	_ =	shalt  }
0x77: {  	_ =	shalt  }
0x78: {  	_ =	shalt  }
0x79: {  	_ =	shalt  }
0x7a: {  	_ =	shalt  }
0x7b: {  	_ =	shalt  }
0x7c: {  	_ =	shalt  }
0x7d: {  	_ =	shalt  }
0x7e: {  	_ =	shalt  }
0x7f: {  	_ =	shalt  }
0x80: {  	_ =	shalt  }
0x81: {  	_ =	shalt  }
0x82: {  	_ =	shalt  }
0x83: {  	_ =	shalt  }
0x84: {  	_ =	shalt  }
0x85: {  	_ =	shalt  }
0x86: {  	_ =	shalt  }
0x87: {  	_ =	shalt  }
.Lfunc_end0:
.L_simem_size_0:
called_computation.1_lowered:
.L_overlay_start_0:
0x88: {  	s2 =	sld [smem:$0x3FD9]  }
0x89: {  	s3 =	sld [smem:$0x3FFE];
	_ =	sdelay $0x1  }
0x8a: {  	s1 =	srdreg.scid  }
0x8b: {  	s0 =	sand.u32 $0x1, s1  }
0x8c: {  	s17 =	sshll.u32 s0, $0xA;
	s2 =	sadd.s32 s3, s2  }
0x8d: {  	s2 =	sadd.s32 s2, s17  }
0x8e: {  	[smem:$0x3FC6] =	sst s2  }
0x8f: {  	_ = 	snop  }
0x90: {  	s2 =	sld [smem:$0x3FD0];
	(tm) =	ssettm $0x1  }
0x91: {  	s18 =	sld [smem:$0x3FFB];
	_ =	sdelay $0x3  }
0x92: {  	_ =	strace s18  }
0x93: {  	s3 =	sld [smem:$0x3FFC];
	_ =	sdelay $0x3  }
0x94: {  	_ =	strace s3  }
0x95: {  	s3 =	sld [smem:$0x3FFD];
	_ =	sdelay $0x3  }
0x96: {  	_ =	strace s3  }
0x97: {  	_ =	strace $0x8FFFFFFF  }
0x98: {  	s19 =	sld [smem:$0x3FDB];
	_ =	sdelay $0x1  }
0x99: {  	s4 =	simm.s32 $_scs_section_size  }
0x9a: {  	s5 =	simm.s32 $_size__tile_overlayer_lowered;
	s6 =	simm.s32 $_tile_overlayer_lowered  }
0x9b: {  	s22 =	simm.s32 $0x1BFF;
	s21 =	sshll.u32 s6, $0x1;
	s3 =	sadd.s32 s4, s19  }
0x9c: {  	s7 =	simm.s32 $0x0;
	s20 =	sshll.u32 s5, $0x1;
	s5 =	sadd.s32 s21, s3  }
0x9d: {  	[timem:s7], [sflag:s22] =	dma.local [hbm:s5], s20  }
0x9e: {  	_ =	swait.ge [sflag:s22], s20  }
0x9f: {  	s4 =	ssub.s32 $0x0, s20;
	[sflag:s22] =	ssyncset.done $0x0  }
0xa0: {  	[sflag:s22] =	ssyncadd.s32 s4;
	_ =	sdelay $0x1  }
0xa1: {  	s23 =	simm.s32 $0x1B8B  }
0xa2: {  	_ =	swait.ge [sflag:s23], $0x1  }
0xa3: {  	[sflag:s23] =	ssyncset.done $0x0  }
0xa4: {  	s25 =	simm.s32 $0x1B8E;
	s24 =	sld [smem:$0x3FFE];
	[sflag:s23] =	ssyncadd.s32 $0xFFFFFFFF  }
0xa5: {  	s26 =	simm.s32 $execute0_lowered;
	[smem:$0x3FD2] =	sst s25  }
0xa6: {  	s5 =	sshll.u32 s26, $0x1;
	_ =	strace $0x80000049;
	[dreg:$0x1] =	wrdreg $0xFFFFFFFF  }
0xa7: {  	s28 =	simm.s32 $_size_execute0_lowered;
	s3 =	sadd.s32 s3, s5;
	[dreg:$0x0] =	wrdreg $0x0  }
0xa8: {  	s5 =	sshll.u32 s28, $0x1;
	[dreg:$0x2] =	wrdreg s3  }
0xa9: {  	[dreg:$0x3] =	wrdreg s5  }
0xaa: {  	[dreg:$0x4] =	wrdreg $0xC0  }
0xab: {  	_ =	task [dreg:s7], $0x5FFFF  }
0xac: {  	[dreg:$0x1] =	wrdreg $0xFFFFFFFF  }
0xad: {  	[dreg:$0x0] =	wrdreg $0x60  }
0xae: {  	[dreg:$0x2] =	wrdreg s24  }
0xaf: {  	[dreg:$0x3] =	wrdreg s2  }
0xb0: {  	[dreg:$0x4] =	wrdreg $0x9  }
0xb1: {  	_ =	task.clear_ibuf [dreg:s7], $0x5FFFF;
	_ =	strace $0x90000049  }
0xb2: {  	s29 =	simm.s32 $0x9;
	_ =	strace $0x8000004B  }
0xb3: {  	_ =	swait.ge [sflag:s29], $0x1  }
0xb4: {  	[sflag:s29] =	ssyncadd.s32 $0xFFFFFFFF  }
0xb5: {  	_ =	strace $0x9000004B  }
0xb6: {  	_ =	sfence  }
0xb7: {  	s30 =	sld [smem:$0x0];
	_ =	sdelay $0x2  }
0xb8: {  	s31 =	sshll.u32 s1, $0xD;
	s1 =	sshrl.u32 s1, $0x2  }
0xb9: {  	s3 =	sand.u32 $0x4000, s31;
	s1 =	sadd.s32 s1, s30  }
0xba: {  	s0 =	sor.u32 s3, s0;
	s1 =	sshll.u32 s1, $0x11  }
0xbb: {  	s0 =	sor.u32 s1, s0  }
0xbc: {  	s0 =	sadd.s32 $0x8F2B, s0  }
0xbd: {  	[sflag:s0] =	ssyncadd.remote.s32 $0x1  }
0xbe: {  	_ =	sfence.sel $0xFFFF  }
0xbf: {  	[dreg:$0x0] =	wrdreg $0xFFFFFFFF;
	(pc) =	sbr.abs _section_cstart, $3  }
0xc0: {  	[dreg:$0x1] =	wrdreg $0xFFFFFFFF  }
0xc1: {  	_ =	task.clear_ibuf [dreg:s7], $0x2FFFF;
	_ =	strace $0x9FFFFFFF  }
0xc2: {  	(tm) =	ssettm $0x7FFFFFFF  }
0xc3: {  	_ =	shalt  }
tec
execute0_lowered:
.L_overlay_start_1:
0x0: {  	(tag) =	ssettag $0x1  }
0x1: {  	s4 =	rddreg [dreg:$0x0]  }
0x2: {  	s7 =	rddreg [dreg:$0x1]  }
0x3: {  	s0 =	rddreg [dreg:$0x2];
	s2 =	simm.s32 $0x0  }
0x4: {  	s3 =	srdreg.scid;
	s1 =	stileid.u32;
	s11 =	simm.s32 $0x640  }
0x5: {  	s12 =	simm.s32 $0xC80;
	s13 =	simm.s32 $0xD480;
	s14 =	simm.s32 $0x1  }
0x6: {  	s15 =	simm.s32 $0x19C80;
	s16 =	simm.s32 $0x2;
	s17 =	simm.s32 $0x1A080  }
0x7: {  	s18 =	simm.s32 $0x3;
	s19 =	simm.s32 $0x4;
	s20 =	simm.s32 $0x0  }
0x8: {  	[smem:$0x7FF] =	sst s2;
	s5 =	sand.u32 $0x1, s3;
	s6 =	sshll.u32 s1, $0x1  }
0x9: {  	s3 =	sadd.s32 $0x3D1400, s4;
	s4 =	sadd.s32 $0xA00, s4;
	s8 =	ssub.s32 $0x2, s5  }
0xa: {  	_ =	strace $0x8000004A;
	s6 =	sor.u32 s5, s6;
	s30 =	sshrl.u32 s8, $0x1  }
0xb: {  	s9 =	smul.u32 $0xC80, s6;
	s5 =	sshll.u32 s6, $0x9;
	s31 =	sshll.u32 s6, $0xB  }
0xc: {  	s10 =	ssub.s32 s8, s30;
	s7 =	sadd.s32 s7, s31;
	s8 =	sor.u32 $0x40, s5  }
0xd: {  	s6 =	sadd.s32 s3, s9;
	s9 =	smax.u32 s10, $0x1;
	s10 =	simm.s32 $0x5  }
.LBB2_1:
0xe: {  	[tilespmem:s2], [sflag:$0x5] =	stream.linear.gather [hbm4b:s6+s2], $0x640, $0x38;
	[tilespmem:$0x1A480] =	vst v63  }
0xf: {  	_ =	swait.ge [sflag:s10], $0x640  }
0x10: {  	[sflag:s10] =	ssyncset.done $0x0  }
0x11: {  	s21 =	simm.s32 $0x0;
	[sflag:s10] =	ssyncadd.s32 $0xFFFFF9C0  }
0x12: {  	[tilespmem:s12], [sflag:$0x1] =	stream.indirect.gather [hbm4b:s4+s11], $0x20, s2, s11, $0xb8;
	[tilespmem:$0x1A480] =	vst v63  }
.LBB2_2:
0x13: {  	s22 =	sshllo.u32 s21, $0x1  }
0x14: {  	s23 =	sshll.u32 s22, $0x5  }
0x15: {  	s23 =	sadd.s32 s5, s23  }
0x16: {  	s23 =	smul.u32 $0x32, s23;
	_ =	sdelay $0x1  }
0x17: {  	s23 =	sshrl.u32 s23, $0x3  }
0x18: {  	s23 =	sadd.s32 s3, s23  }
0x19: {  	[tilespmem:s11], [sflag:$0x5] =	stream.linear.gather [hbm4b:s23+s2], $0x640, $0x38;
	[tilespmem:$0x1A480] =	vst v63  }
0x1a: {  	_ =	swait.ge [sflag:s10], $0x640  }
0x1b: {  	p0 =	seq.s32 s21, $0x0;
	[sflag:s10] =	ssyncset.done $0x0  }
0x1c: {  	s23 =	simm.s32 @!p0 $0x3;
	[sflag:s10] =	ssyncadd.s32 $0xFFFFF9C0  }
0x1d: {  	[tilespmem:s13], [sflag:$0x2] =	stream.indirect.gather [hbm4b:s4+s11], $0x20, s11, s11, $0xb8;
	[tilespmem:$0x1A480] =	vst v63  }
0x1e: {  	_ =	swait.ge @!p0 [sflag:s23], $0x400  }
0x1f: {  	[sflag:s23] =	ssyncset.done @!p0 $0x0  }
0x20: {  	[sflag:s23] =	ssyncadd.s32 @!p0 $0xFFFFFC00  }
0x21: {  	_ =	swait.ge [sflag:s14], $0xC800  }
0x22: {  	[sflag:s14] =	ssyncset.done $0x0  }
0x23: {  	s24 =	simm.s32 $0xFA0;
	s23 =	simm.s32 $0x0;
	[sflag:s14] =	ssyncadd.s32 $0xFFFF3800  }
.LBB2_3:
0x24: {  	v0 =	vld [tilespmem:s24+$0xFFFFFCE0]  }
0x25: {  	v1 =	vld [tilespmem:s24+$0xFFFFFCF0]  }
0x26: {  	v2 =	vld [tilespmem:s24+$0xFFFFFD00]  }
0x27: {  	v3 =	vld [tilespmem:s24+$0xFFFFFD10]  }
0x28: {  	v4 =	vld [tilespmem:s24+$0xFFFFFD20]  }
0x29: {  	v5 =	vld [tilespmem:s24+$0xFFFFFD30]  }
0x2a: {  	v6 =	vld [tilespmem:s24+$0xFFFFFD40]  }
0x2b: {  	v7 =	vld [tilespmem:s24+$0xFFFFFD50]  }
0x2c: {  	v8 =	vld [tilespmem:s24+$0xFFFFFD60]  }
0x2d: {  	v9 =	vld [tilespmem:s24+$0xFFFFFD70]  }
0x2e: {  	v10 =	vld [tilespmem:s24+$0xFFFFFD80]  }
0x2f: {  	v11 =	vld [tilespmem:s24+$0xFFFFFD90]  }
0x30: {  	v12 =	vld [tilespmem:s24+$0xFFFFFDA0]  }
0x31: {  	v13 =	vld [tilespmem:s24+$0xFFFFFDB0]  }
0x32: {  	v14 =	vld [tilespmem:s24+$0xFFFFFDC0]  }
0x33: {  	v15 =	vld [tilespmem:s24+$0xFFFFFDD0]  }
0x34: {  	v16 =	vld [tilespmem:s24+$0xFFFFFDE0]  }
0x35: {  	v17 =	vld [tilespmem:s24+$0xFFFFFDF0]  }
0x36: {  	v18 =	vld [tilespmem:s24+$0xFFFFFE00]  }
0x37: {  	v19 =	vld [tilespmem:s24+$0xFFFFFE10]  }
0x38: {  	v20 =	vld [tilespmem:s24+$0xFFFFFE20]  }
0x39: {  	v21 =	vld [tilespmem:s24+$0xFFFFFE30]  }
0x3a: {  	v22 =	vld [tilespmem:s24+$0xFFFFFE40]  }
0x3b: {  	v23 =	vld [tilespmem:s24+$0xFFFFFE50]  }
0x3c: {  	v24 =	vld [tilespmem:s24+$0xFFFFFE60]  }
0x3d: {  	v25 =	vld [tilespmem:s24+$0xFFFFFE70]  }
0x3e: {  	v26 =	vld [tilespmem:s24+$0xFFFFFE80]  }
0x3f: {  	v27 =	vld [tilespmem:s24+$0xFFFFFE90]  }
0x40: {  	v28 =	vld [tilespmem:s24+$0xFFFFFEA0]  }
0x41: {  	v29 =	vld [tilespmem:s24+$0xFFFFFEB0]  }
0x42: {  	v30 =	vld [tilespmem:s24+$0xFFFFFEC0]  }
0x43: {  	v31 =	vld [tilespmem:s24+$0xFFFFFED0]  }
0x44: {  	v32 =	vld [tilespmem:s24+$0xFFFFFEE0]  }
0x45: {  	v33 =	vld [tilespmem:s24+$0xFFFFFEF0]  }
0x46: {  	v34 =	vld [tilespmem:s24+$0xFFFFFF00]  }
0x47: {  	v35 =	vld [tilespmem:s24+$0xFFFFFF10]  }
0x48: {  	v36 =	vld [tilespmem:s24+$0xFFFFFF20]  }
0x49: {  	v37 =	vld [tilespmem:s24+$0xFFFFFF30]  }
0x4a: {  	v38 =	vld [tilespmem:s24+$0xFFFFFF40]  }
0x4b: {  	v39 =	vld [tilespmem:s24+$0xFFFFFF50]  }
0x4c: {  	v40 =	vld [tilespmem:s24+$0xFFFFFF60]  }
0x4d: {  	v41 =	vld [tilespmem:s24+$0xFFFFFF70]  }
0x4e: {  	v42 =	vld [tilespmem:s24+$0xFFFFFF80]  }
0x4f: {  	v43 =	vld [tilespmem:s24+$0xFFFFFF90]  }
0x50: {  	v44 =	vld [tilespmem:s24+$0xFFFFFFA0]  }
0x51: {  	v45 =	vld [tilespmem:s24+$0xFFFFFFB0]  }
0x52: {  	v46 =	vld [tilespmem:s24+$0xFFFFFFC0]  }
0x53: {  	v47 =	vld [tilespmem:s24+$0xFFFFFFD0]  }
0x54: {  	v48 =	vld [tilespmem:s24+$0xFFFFFFE0]  }
0x55: {  	v49 =	vld [tilespmem:s24+$0xFFFFFFF0]  }
0x56: {  	v50 =	vld [tilespmem:s24+$0x0]  }
0x57: {  	v51 =	vld [tilespmem:s24+$0x10]  }
0x58: {  	v52 =	vld [tilespmem:s24+$0x20]  }
0x59: {  	v53 =	vld [tilespmem:s24+$0x30]  }
0x5a: {  	v54 =	vld [tilespmem:s24+$0x40]  }
0x5b: {  	v55 =	vld [tilespmem:s24+$0x50];
	v0 =	vadd.f32 $0.0e+00, v0;
	v1 =	vadd.f32 $0.0e+00, v1  }
0x5c: {  	v56 =	vld [tilespmem:s24+$0x60];
	v2 =	vadd.f32 $0.0e+00, v2;
	v3 =	vadd.f32 $0.0e+00, v3  }
0x5d: {  	v57 =	vld [tilespmem:s24+$0x110];
	v4 =	vadd.f32 $0.0e+00, v4;
	v5 =	vadd.f32 $0.0e+00, v5  }
0x5e: {  	v58 =	vld [tilespmem:s24+$0x120];
	v6 =	vadd.f32 $0.0e+00, v6;
	v7 =	vadd.f32 $0.0e+00, v7  }
0x5f: {  	v59 =	vld [tilespmem:s24+$0x130];
	v0 =	vadd.f32 v8, v0;
	v1 =	vadd.f32 v9, v1  }
0x60: {  	v60 =	vld [tilespmem:s24+$0x140];
	v2 =	vadd.f32 v10, v2;
	v3 =	vadd.f32 v11, v3  }
0x61: {  	v61 =	vld [tilespmem:s24+$0x150];
	v4 =	vadd.f32 v12, v4;
	v5 =	vadd.f32 v13, v5  }
0x62: {  	v62 =	vld [tilespmem:s24+$0x160];
	v6 =	vadd.f32 v14, v6;
	v7 =	vadd.f32 v15, v7  }
0x63: {  	v63 =	vld [tilespmem:s24+$0x170];
	v0 =	vadd.f32 v16, v0;
	v1 =	vadd.f32 v17, v1  }
0x64: {  	v8 =	vld [tilespmem:s24+$0x70];
	v2 =	vadd.f32 v18, v2;
	v3 =	vadd.f32 v19, v3  }
0x65: {  	v9 =	vld [tilespmem:s24+$0x80];
	v4 =	vadd.f32 v20, v4;
	v5 =	vadd.f32 v21, v5  }
0x66: {  	v10 =	vld [tilespmem:s24+$0x90];
	v6 =	vadd.f32 v22, v6;
	v7 =	vadd.f32 v23, v7  }
0x67: {  	v11 =	vld [tilespmem:s24+$0xA0];
	v0 =	vadd.f32 v24, v0;
	v1 =	vadd.f32 v25, v1  }
0x68: {  	v12 =	vld [tilespmem:s24+$0xB0];
	v2 =	vadd.f32 v26, v2;
	v3 =	vadd.f32 v27, v3  }
0x69: {  	v13 =	vld [tilespmem:s24+$0xC0];
	v4 =	vadd.f32 v28, v4;
	v5 =	vadd.f32 v29, v5  }
0x6a: {  	v14 =	vld [tilespmem:s24+$0xD0];
	v6 =	vadd.f32 v30, v6;
	v7 =	vadd.f32 v31, v7  }
0x6b: {  	v15 =	vld [tilespmem:s24+$0xE0];
	v0 =	vadd.f32 v32, v0;
	v1 =	vadd.f32 v33, v1  }
0x6c: {  	v16 =	vld [tilespmem:s24+$0xF0];
	v2 =	vadd.f32 v34, v2;
	v3 =	vadd.f32 v35, v3  }
0x6d: {  	v17 =	vld [tilespmem:s24+$0x100];
	v4 =	vadd.f32 v36, v4;
	v5 =	vadd.f32 v37, v5  }
0x6e: {  	v6 =	vadd.f32 v38, v6;
	v7 =	vadd.f32 v39, v7;
	v36 =	vld [tilespmem:s24+$0x180]  }
0x6f: {  	v37 =	vld [tilespmem:s24+$0x190];
	v0 =	vadd.f32 v40, v0;
	v1 =	vadd.f32 v41, v1  }
0x70: {  	v38 =	vld [tilespmem:s24+$0x1A0];
	v2 =	vadd.f32 v42, v2;
	v3 =	vadd.f32 v43, v3  }
0x71: {  	v39 =	vld [tilespmem:s24+$0x1B0];
	v4 =	vadd.f32 v44, v4;
	v5 =	vadd.f32 v45, v5  }
0x72: {  	v6 =	vadd.f32 v46, v6;
	v7 =	vadd.f32 v47, v7;
	v40 =	vld [tilespmem:s24+$0x1C0]  }
0x73: {  	v41 =	vld [tilespmem:s24+$0x1D0];
	v0 =	vadd.f32 v48, v0;
	v1 =	vadd.f32 v49, v1  }
0x74: {  	v42 =	vld [tilespmem:s24+$0x1E0];
	v2 =	vadd.f32 v50, v2;
	v3 =	vadd.f32 v51, v3  }
0x75: {  	v43 =	vld [tilespmem:s24+$0x1F0];
	v4 =	vadd.f32 v52, v4;
	v5 =	vadd.f32 v53, v5  }
0x76: {  	v44 =	vld [tilespmem:s24+$0x200];
	v6 =	vadd.f32 v54, v6;
	v7 =	vadd.f32 v55, v7  }
0x77: {  	v45 =	vld [tilespmem:s24+$0x210];
	v0 =	vadd.f32 v56, v0;
	v1 =	vadd.f32 v8, v1  }
0x78: {  	v46 =	vld [tilespmem:s24+$0x220];
	v2 =	vadd.f32 v9, v2;
	v3 =	vadd.f32 v10, v3  }
0x79: {  	v47 =	vld [tilespmem:s24+$0x230];
	v4 =	vadd.f32 v11, v4;
	v5 =	vadd.f32 v12, v5  }
0x7a: {  	v48 =	vld [tilespmem:s24+$0x240];
	v6 =	vadd.f32 v13, v6;
	v7 =	vadd.f32 v14, v7  }
0x7b: {  	v49 =	vld [tilespmem:s24+$0x250];
	v0 =	vadd.f32 v15, v0;
	v1 =	vadd.f32 v16, v1  }
0x7c: {  	v50 =	vld [tilespmem:s24+$0x260];
	v2 =	vadd.f32 v17, v2;
	v3 =	vadd.f32 v57, v3  }
0x7d: {  	v51 =	vld [tilespmem:s24+$0x270];
	v4 =	vadd.f32 v58, v4;
	v5 =	vadd.f32 v59, v5  }
0x7e: {  	v52 =	vld [tilespmem:s24+$0x280];
	v6 =	vadd.f32 v60, v6;
	v7 =	vadd.f32 v61, v7  }
0x7f: {  	v53 =	vld [tilespmem:s24+$0x290];
	v0 =	vadd.f32 v62, v0;
	v1 =	vadd.f32 v63, v1  }
0x80: {  	v54 =	vld [tilespmem:s24+$0x2A0];
	v2 =	vadd.f32 v36, v2;
	v3 =	vadd.f32 v37, v3  }
0x81: {  	v55 =	vld [tilespmem:s24+$0x2B0];
	v4 =	vadd.f32 v38, v4;
	v5 =	vadd.f32 v39, v5  }
0x82: {  	v56 =	vld [tilespmem:s24+$0x2C0];
	v6 =	vadd.f32 v40, v6;
	v7 =	vadd.f32 v41, v7  }
0x83: {  	v57 =	vld [tilespmem:s24+$0x2D0];
	v0 =	vadd.f32 v42, v0;
	v1 =	vadd.f32 v43, v1  }
0x84: {  	v58 =	vld [tilespmem:s24+$0x2E0];
	v2 =	vadd.f32 v44, v2;
	v3 =	vadd.f32 v45, v3  }
0x85: {  	v59 =	vld [tilespmem:s24+$0x2F0];
	v4 =	vadd.f32 v46, v4;
	v5 =	vadd.f32 v47, v5  }
0x86: {  	v60 =	vld [tilespmem:s24+$0x300];
	v6 =	vadd.f32 v48, v6;
	v7 =	vadd.f32 v49, v7  }
0x87: {  	v61 =	vld [tilespmem:s24+$0x310];
	v0 =	vadd.f32 v50, v0;
	v1 =	vadd.f32 v51, v1  }
0x88: {  	v2 =	vadd.f32 v52, v2;
	v3 =	vadd.f32 v53, v3  }
0x89: {  	v4 =	vadd.f32 v54, v4;
	v5 =	vadd.f32 v55, v5  }
0x8a: {  	v6 =	vadd.f32 v56, v6;
	v7 =	vadd.f32 v57, v7  }
0x8b: {  	v0 =	vadd.f32 v58, v0;
	v2 =	vadd.f32 v60, v2  }
0x8c: {  	v1 =	vadd.f32 v59, v1;
	v3 =	vadd.f32 v61, v3  }
0x8d: {  	v62 =	vadd.f32 v6, v4;
	v0 =	vadd.f32 v2, v0  }
0x8e: {  	v63 =	vadd.f32 v7, v5;
	v1 =	vadd.f32 v3, v1  }
0x8f: {  	p0 =	sne.s32 s23, $0xF80;
	v0 =	vadd.f32 v0, v62  }
.Ltmp0:
0x90: {  	v1 =	vadd.f32 v1, v63;
	(pc) =	sbr.rel @p0 .LBB2_3-.Ltmp0, $4  }
0x91: {  	v0 =	vmul.f32 $1.999999960e-02, v0  }
0x92: {  	s25 =	sshra.s32 s23, $0x2;
	v1 =	vmul.f32 $1.999999960e-02, v1  }
0x93: {  	[tilespmem:s25+$0x19C80] =	vst v0  }
0x94: {  	s23 =	sadd.s32 $0x80, s23;
	s24 =	sadd.s32 $0x640, s24;
	[tilespmem:s25+$0x19C90] =	vst v1  }
0x95: {  	p0 =	seq.s32 s21, $0x7  }
0x96: {  	s23 =	sshll.u32 @!p0 s21, $0x6  }
0x97: {  	s24 =	sshll.u32 s21, $0x8;
	s23 =	sadd.s32 @!p0 s23, s8  }
0x98: {  	s24 =	sadd.s32 s24, s7;
	s23 =	smul.u32 @!p0 $0x32, s23  }
0x99: {  	[hbm4b:s24+s2] =	stream.linear.scatter [tilespmem:s15], [sflag:$0x3], $0x400, $0x38;
	[tilespmem:$0x1A480] =	vst v63  }
0x9a: {  	s23 =	sshrl.u32 @!p0 s23, $0x3  }
0x9b: {  	s24 =	simm.s32 @!p0 $0x0;
	s23 =	sadd.s32 @!p0 s3, s23  }
0x9c: {  	[tilespmem:s24], [sflag:$0x5] =	stream.linear.gather @!p0 [hbm4b:s23+s24], $0x640, $0x38;
	[tilespmem:$0x1A480] =	vst v63  }
0x9d: {  	s23 =	simm.s32 @!p0 $0x5  }
0x9e: {  	_ =	swait.ge @!p0 [sflag:s23], $0x640  }
0x9f: {  	p1 =	seq.s32 @!p0 s21, $0x0;
	[sflag:s23] =	ssyncset.done @!p0 $0x0  }
0xa0: {  	s25 =	simm.s32 @!p0 $0xC80;
	[sflag:s23] =	ssyncadd.s32 @!p0 $0xFFFFF9C0;
	s23 =	simm.s32 @!p0 $0x640  }
0xa1: {  	[tilespmem:s25], [sflag:$0x1] =	stream.indirect.gather @!p0 [hbm4b:s4+s23], $0x20, s24, s23, $0xb8;
	[tilespmem:$0x1A480] =	vst v63  }
0xa2: {  	p0 =	por p0, !p1  }
0xa3: {  	_ =	swait.ge @p0 [sflag:s19], $0x400  }
0xa4: {  	[sflag:s19] =	ssyncset.done @p0 $0x0  }
0xa5: {  	[sflag:s19] =	ssyncadd.s32 @p0 $0xFFFFFC00  }
0xa6: {  	_ =	swait.ge [sflag:s16], $0xC800  }
0xa7: {  	[sflag:s16] =	ssyncset.done $0x0  }
0xa8: {  	s23 =	simm.s32 $0x0;
	s24 =	simm.s32 $0xD7A0;
	[sflag:s16] =	ssyncadd.s32 $0xFFFF3800  }
.LBB2_5:
0xa9: {  	v0 =	vld [tilespmem:s24+$0xFFFFFCE0]  }
0xaa: {  	v1 =	vld [tilespmem:s24+$0xFFFFFCF0]  }
0xab: {  	v2 =	vld [tilespmem:s24+$0xFFFFFD00]  }
0xac: {  	v3 =	vld [tilespmem:s24+$0xFFFFFD10]  }
0xad: {  	v4 =	vld [tilespmem:s24+$0xFFFFFD20]  }
0xae: {  	v5 =	vld [tilespmem:s24+$0xFFFFFD30]  }
0xaf: {  	v6 =	vld [tilespmem:s24+$0xFFFFFD40]  }
0xb0: {  	v7 =	vld [tilespmem:s24+$0xFFFFFD50]  }
0xb1: {  	v8 =	vld [tilespmem:s24+$0xFFFFFD60]  }
0xb2: {  	v9 =	vld [tilespmem:s24+$0xFFFFFD70]  }
0xb3: {  	v10 =	vld [tilespmem:s24+$0xFFFFFD80]  }
0xb4: {  	v11 =	vld [tilespmem:s24+$0xFFFFFD90]  }
0xb5: {  	v12 =	vld [tilespmem:s24+$0xFFFFFDA0]  }
0xb6: {  	v13 =	vld [tilespmem:s24+$0xFFFFFDB0]  }
0xb7: {  	v14 =	vld [tilespmem:s24+$0xFFFFFDC0]  }
0xb8: {  	v15 =	vld [tilespmem:s24+$0xFFFFFDD0]  }
0xb9: {  	v16 =	vld [tilespmem:s24+$0xFFFFFDE0]  }
0xba: {  	v17 =	vld [tilespmem:s24+$0xFFFFFDF0]  }
0xbb: {  	v18 =	vld [tilespmem:s24+$0xFFFFFE00]  }
0xbc: {  	v19 =	vld [tilespmem:s24+$0xFFFFFE10]  }
0xbd: {  	v20 =	vld [tilespmem:s24+$0xFFFFFE20]  }
0xbe: {  	v21 =	vld [tilespmem:s24+$0xFFFFFE30]  }
0xbf: {  	v22 =	vld [tilespmem:s24+$0xFFFFFE40]  }
0xc0: {  	v23 =	vld [tilespmem:s24+$0xFFFFFE50]  }
0xc1: {  	v24 =	vld [tilespmem:s24+$0xFFFFFE60]  }
0xc2: {  	v25 =	vld [tilespmem:s24+$0xFFFFFE70]  }
0xc3: {  	v26 =	vld [tilespmem:s24+$0xFFFFFE80]  }
0xc4: {  	v27 =	vld [tilespmem:s24+$0xFFFFFE90]  }
0xc5: {  	v28 =	vld [tilespmem:s24+$0xFFFFFEA0]  }
0xc6: {  	v29 =	vld [tilespmem:s24+$0xFFFFFEB0]  }
0xc7: {  	v30 =	vld [tilespmem:s24+$0xFFFFFEC0]  }
0xc8: {  	v31 =	vld [tilespmem:s24+$0xFFFFFED0]  }
0xc9: {  	v32 =	vld [tilespmem:s24+$0xFFFFFEE0]  }
0xca: {  	v33 =	vld [tilespmem:s24+$0xFFFFFEF0]  }
0xcb: {  	v34 =	vld [tilespmem:s24+$0xFFFFFF00]  }
0xcc: {  	v35 =	vld [tilespmem:s24+$0xFFFFFF10]  }
0xcd: {  	v36 =	vld [tilespmem:s24+$0xFFFFFF20]  }
0xce: {  	v37 =	vld [tilespmem:s24+$0xFFFFFF30]  }
0xcf: {  	v38 =	vld [tilespmem:s24+$0xFFFFFF40]  }
0xd0: {  	v39 =	vld [tilespmem:s24+$0xFFFFFF50]  }
0xd1: {  	v40 =	vld [tilespmem:s24+$0xFFFFFF60]  }
0xd2: {  	v41 =	vld [tilespmem:s24+$0xFFFFFF70]  }
0xd3: {  	v42 =	vld [tilespmem:s24+$0xFFFFFF80]  }
0xd4: {  	v43 =	vld [tilespmem:s24+$0xFFFFFF90]  }
0xd5: {  	v44 =	vld [tilespmem:s24+$0xFFFFFFA0]  }
0xd6: {  	v45 =	vld [tilespmem:s24+$0xFFFFFFB0]  }
0xd7: {  	v46 =	vld [tilespmem:s24+$0xFFFFFFC0]  }
0xd8: {  	v47 =	vld [tilespmem:s24+$0xFFFFFFD0]  }
0xd9: {  	v48 =	vld [tilespmem:s24+$0xFFFFFFE0]  }
0xda: {  	v49 =	vld [tilespmem:s24+$0xFFFFFFF0]  }
0xdb: {  	v50 =	vld [tilespmem:s24+$0x0]  }
0xdc: {  	v51 =	vld [tilespmem:s24+$0x10]  }
0xdd: {  	v52 =	vld [tilespmem:s24+$0x20]  }
0xde: {  	v53 =	vld [tilespmem:s24+$0x30]  }
0xdf: {  	v54 =	vld [tilespmem:s24+$0x40]  }
0xe0: {  	v55 =	vld [tilespmem:s24+$0x50];
	v0 =	vadd.f32 $0.0e+00, v0;
	v1 =	vadd.f32 $0.0e+00, v1  }
0xe1: {  	v56 =	vld [tilespmem:s24+$0x60];
	v2 =	vadd.f32 $0.0e+00, v2;
	v3 =	vadd.f32 $0.0e+00, v3  }
0xe2: {  	v57 =	vld [tilespmem:s24+$0x110];
	v4 =	vadd.f32 $0.0e+00, v4;
	v5 =	vadd.f32 $0.0e+00, v5  }
0xe3: {  	v58 =	vld [tilespmem:s24+$0x120];
	v6 =	vadd.f32 $0.0e+00, v6;
	v7 =	vadd.f32 $0.0e+00, v7  }
0xe4: {  	v59 =	vld [tilespmem:s24+$0x130];
	v0 =	vadd.f32 v8, v0;
	v1 =	vadd.f32 v9, v1  }
0xe5: {  	v60 =	vld [tilespmem:s24+$0x140];
	v2 =	vadd.f32 v10, v2;
	v3 =	vadd.f32 v11, v3  }
0xe6: {  	v61 =	vld [tilespmem:s24+$0x150];
	v4 =	vadd.f32 v12, v4;
	v5 =	vadd.f32 v13, v5  }
0xe7: {  	v62 =	vld [tilespmem:s24+$0x160];
	v6 =	vadd.f32 v14, v6;
	v7 =	vadd.f32 v15, v7  }
0xe8: {  	v63 =	vld [tilespmem:s24+$0x170];
	v0 =	vadd.f32 v16, v0;
	v1 =	vadd.f32 v17, v1  }
0xe9: {  	v8 =	vld [tilespmem:s24+$0x70];
	v2 =	vadd.f32 v18, v2;
	v3 =	vadd.f32 v19, v3  }
0xea: {  	v9 =	vld [tilespmem:s24+$0x80];
	v4 =	vadd.f32 v20, v4;
	v5 =	vadd.f32 v21, v5  }
0xeb: {  	v10 =	vld [tilespmem:s24+$0x90];
	v6 =	vadd.f32 v22, v6;
	v7 =	vadd.f32 v23, v7  }
0xec: {  	v11 =	vld [tilespmem:s24+$0xA0];
	v0 =	vadd.f32 v24, v0;
	v1 =	vadd.f32 v25, v1  }
0xed: {  	v12 =	vld [tilespmem:s24+$0xB0];
	v2 =	vadd.f32 v26, v2;
	v3 =	vadd.f32 v27, v3  }
0xee: {  	v13 =	vld [tilespmem:s24+$0xC0];
	v4 =	vadd.f32 v28, v4;
	v5 =	vadd.f32 v29, v5  }
0xef: {  	v14 =	vld [tilespmem:s24+$0xD0];
	v6 =	vadd.f32 v30, v6;
	v7 =	vadd.f32 v31, v7  }
0xf0: {  	v15 =	vld [tilespmem:s24+$0xE0];
	v0 =	vadd.f32 v32, v0;
	v1 =	vadd.f32 v33, v1  }
0xf1: {  	v16 =	vld [tilespmem:s24+$0xF0];
	v2 =	vadd.f32 v34, v2;
	v3 =	vadd.f32 v35, v3  }
0xf2: {  	v17 =	vld [tilespmem:s24+$0x100];
	v4 =	vadd.f32 v36, v4;
	v5 =	vadd.f32 v37, v5  }
0xf3: {  	v6 =	vadd.f32 v38, v6;
	v7 =	vadd.f32 v39, v7;
	v36 =	vld [tilespmem:s24+$0x180]  }
0xf4: {  	v37 =	vld [tilespmem:s24+$0x190];
	v0 =	vadd.f32 v40, v0;
	v1 =	vadd.f32 v41, v1  }
0xf5: {  	v38 =	vld [tilespmem:s24+$0x1A0];
	v2 =	vadd.f32 v42, v2;
	v3 =	vadd.f32 v43, v3  }
0xf6: {  	v39 =	vld [tilespmem:s24+$0x1B0];
	v4 =	vadd.f32 v44, v4;
	v5 =	vadd.f32 v45, v5  }
0xf7: {  	v6 =	vadd.f32 v46, v6;
	v7 =	vadd.f32 v47, v7;
	v40 =	vld [tilespmem:s24+$0x1C0]  }
0xf8: {  	v41 =	vld [tilespmem:s24+$0x1D0];
	v0 =	vadd.f32 v48, v0;
	v1 =	vadd.f32 v49, v1  }
0xf9: {  	v42 =	vld [tilespmem:s24+$0x1E0];
	v2 =	vadd.f32 v50, v2;
	v3 =	vadd.f32 v51, v3  }
0xfa: {  	v43 =	vld [tilespmem:s24+$0x1F0];
	v4 =	vadd.f32 v52, v4;
	v5 =	vadd.f32 v53, v5  }
0xfb: {  	v44 =	vld [tilespmem:s24+$0x200];
	v6 =	vadd.f32 v54, v6;
	v7 =	vadd.f32 v55, v7  }
0xfc: {  	v45 =	vld [tilespmem:s24+$0x210];
	v0 =	vadd.f32 v56, v0;
	v1 =	vadd.f32 v8, v1  }
0xfd: {  	v46 =	vld [tilespmem:s24+$0x220];
	v2 =	vadd.f32 v9, v2;
	v3 =	vadd.f32 v10, v3  }
0xfe: {  	v47 =	vld [tilespmem:s24+$0x230];
	v4 =	vadd.f32 v11, v4;
	v5 =	vadd.f32 v12, v5  }
0xff: {  	v48 =	vld [tilespmem:s24+$0x240];
	v6 =	vadd.f32 v13, v6;
	v7 =	vadd.f32 v14, v7  }
0x100: {  	v49 =	vld [tilespmem:s24+$0x250];
	v0 =	vadd.f32 v15, v0;
	v1 =	vadd.f32 v16, v1  }
0x101: {  	v50 =	vld [tilespmem:s24+$0x260];
	v2 =	vadd.f32 v17, v2;
	v3 =	vadd.f32 v57, v3  }
0x102: {  	v51 =	vld [tilespmem:s24+$0x270];
	v4 =	vadd.f32 v58, v4;
	v5 =	vadd.f32 v59, v5  }
0x103: {  	v52 =	vld [tilespmem:s24+$0x280];
	v6 =	vadd.f32 v60, v6;
	v7 =	vadd.f32 v61, v7  }
0x104: {  	v53 =	vld [tilespmem:s24+$0x290];
	v0 =	vadd.f32 v62, v0;
	v1 =	vadd.f32 v63, v1  }
0x105: {  	v54 =	vld [tilespmem:s24+$0x2A0];
	v2 =	vadd.f32 v36, v2;
	v3 =	vadd.f32 v37, v3  }
0x106: {  	v55 =	vld [tilespmem:s24+$0x2B0];
	v4 =	vadd.f32 v38, v4;
	v5 =	vadd.f32 v39, v5  }
0x107: {  	v56 =	vld [tilespmem:s24+$0x2C0];
	v6 =	vadd.f32 v40, v6;
	v7 =	vadd.f32 v41, v7  }
0x108: {  	v57 =	vld [tilespmem:s24+$0x2D0];
	v0 =	vadd.f32 v42, v0;
	v1 =	vadd.f32 v43, v1  }
0x109: {  	v58 =	vld [tilespmem:s24+$0x2E0];
	v2 =	vadd.f32 v44, v2;
	v3 =	vadd.f32 v45, v3  }
0x10a: {  	v59 =	vld [tilespmem:s24+$0x2F0];
	v4 =	vadd.f32 v46, v4;
	v5 =	vadd.f32 v47, v5  }
0x10b: {  	v60 =	vld [tilespmem:s24+$0x300];
	v6 =	vadd.f32 v48, v6;
	v7 =	vadd.f32 v49, v7  }
0x10c: {  	v61 =	vld [tilespmem:s24+$0x310];
	v0 =	vadd.f32 v50, v0;
	v1 =	vadd.f32 v51, v1  }
0x10d: {  	v2 =	vadd.f32 v52, v2;
	v3 =	vadd.f32 v53, v3  }
0x10e: {  	v4 =	vadd.f32 v54, v4;
	v5 =	vadd.f32 v55, v5  }
0x10f: {  	v6 =	vadd.f32 v56, v6;
	v7 =	vadd.f32 v57, v7  }
0x110: {  	v0 =	vadd.f32 v58, v0;
	v2 =	vadd.f32 v60, v2  }
0x111: {  	v1 =	vadd.f32 v59, v1;
	v3 =	vadd.f32 v61, v3  }
0x112: {  	v62 =	vadd.f32 v6, v4;
	v0 =	vadd.f32 v2, v0  }
0x113: {  	v63 =	vadd.f32 v7, v5;
	v1 =	vadd.f32 v3, v1  }
0x114: {  	p0 =	sne.s32 s23, $0xF80;
	v0 =	vadd.f32 v0, v62  }
.Ltmp1:
0x115: {  	v1 =	vadd.f32 v1, v63;
	(pc) =	sbr.rel @p0 .LBB2_5-.Ltmp1, $4  }
0x116: {  	v0 =	vmul.f32 $1.999999960e-02, v0  }
0x117: {  	s25 =	sshra.s32 s23, $0x2;
	v1 =	vmul.f32 $1.999999960e-02, v1  }
0x118: {  	[tilespmem:s25+$0x1A080] =	vst v0  }
0x119: {  	s23 =	sadd.s32 $0x80, s23;
	s24 =	sadd.s32 $0x640, s24;
	[tilespmem:s25+$0x1A090] =	vst v1  }
0x11a: {  	s21 =	sadd.s32 $0x1, s21  }
0x11b: {  	p0 =	sne.s32 s21, $0x8  }
.Ltmp2:
0x11c: {  	_ = 	snop;
	(pc) =	sbr.rel @p0 .LBB2_2-.Ltmp2, $4  }
0x11d: {  	_ = 	snop  }
0x11e: {  	s22 =	sshll.u32 s22, $0x7  }
0x11f: {  	s22 =	sadd.s32 s22, s7  }
0x120: {  	[hbm4b:s22+s2] =	stream.linear.scatter [tilespmem:s17], [sflag:$0x4], $0x400, $0x38;
	[tilespmem:$0x1A480] =	vst v63  }
0x121: {  	s20 =	sadd.s32 $0x1, s20  }
0x122: {  	_ =	swait.ge [sflag:s18], $0x400;
	p0 =	sne.s32 s20, s9  }
.Ltmp3:
0x123: {  	[sflag:s18] =	ssyncset.done $0x0;
	(pc) =	sbr.rel @p0 .LBB2_1-.Ltmp3, $4  }
0x124: {  	[sflag:s18] =	ssyncadd.s32 $0xFFFFFC00  }
0x125: {  	_ =	swait.ge [sflag:s19], $0x400  }
0x126: {  	[sflag:s19] =	ssyncset.done $0x0  }
0x127: {  	[sflag:s19] =	ssyncadd.s32 $0xFFFFFC00  }
0x128: {  	_ =	sfence.sel $0x180000  }
0x129: {  	[bflag:$0x0] =	sbarrier.arrive $0xFFFF  }
0x12a: {  	p0 =	sne.s32 s1, $0x0;
	_ =	strace $0x9000004A  }
0x12b: {  	s0 =	sadd.s32 @!p0 $0x100000, s0;
	[bflag:$0x2] =	sbarrier.arrive $0xFFFF  }
0x12c: {  	[sflag:s0] =	ssyncadd.tile.s32 @!p0 $0x1;
	_ =	shalt  }
.Lfunc_end2:
_tile_overlayer_lowered:
.L_overlay_start_2:
0x12d: {  	(tag) =	ssettag $0x2  }
0x12e: {  	s0 =	rddreg [dreg:$0x0];
	s2 =	stileid.u32  }
0x12f: {  	s1 =	rddreg [dreg:$0x1];
	p0 =	sne.s32 s2, $0x0  }
0x130: {  	s3 =	rddreg [dreg:$0x2];
	[bflag:$0x3] =	sbarrier.arrive $0xFFFF;
	s2 =	simm.s32 @!p0 $0x1C05  }
0x131: {  	[timem:s3], [sflag:s2] =	dma.local @!p0 [hbm:s0], s1  }
0x132: {  	s0 =	simm.s32 @!p0 $0x5  }
0x133: {  	_ =	swait.ge @!p0 [sflag:s0], s1  }
0x134: {  	s1 =	ssub.s32 @!p0 $0x0, s1;
	[sflag:s0] =	ssyncset.done @!p0 $0x0  }
0x135: {  	[sflag:s0] =	ssyncadd.s32 @!p0 s1  }
0x136: {  	[bflag:$0x3] =	sbarrier.arrive $0xFFFF  }
0x137: {  	_ =	shalt  }

</sc_bundles>
